<compile_context>
chip_gen: v7x
topology: tpu7x:2x2x1
jax: 0.10.2.dev20260603
libtpu: 0.0.44.dev20260713+nightly
codegen_flags: <defaults>
</compile_context>

<pallas_src>
import functools

import jax
import jax.numpy as jnp
from jax import lax
from jax.experimental import pallas as pl
from jax.experimental.pallas import tpu as pltpu
from jax.experimental.pallas import tpu_sc as plsc

NBUF = 8
RING = 8
LEAD = 4
LANES = 16
TILE_L = 128


@functools.cache
def _build_chunks(B, D, VU):
    info = plsc.get_sparse_core_info()
    NC, NS = info.num_cores, info.num_subcores
    NW = NC * NS
    bpw = B // NW

    mesh = plsc.VectorSubcoreMesh(core_axis_name="c", subcore_axis_name="s")

    @functools.partial(
        pl.kernel,
        mesh=mesh,
        compiler_params=pltpu.CompilerParams(use_tc_tiling_on_sc=True),
        out_type=jax.ShapeDtypeStruct((B, D, TILE_L), jnp.float32),
        scratch_types=(
            [
                pltpu.VMEM((bpw + LANES,), jnp.int32),
                pltpu.VMEM((RING, D, TILE_L), jnp.float32),
            ]
            + [pltpu.SemaphoreType.DMA for _ in range(2 * RING)]
        ),
    )
    def chunks_k(uid_h, utT_h, c_h, uid_v, chunk, *sems):
        gsem = sems[:RING]
        wsem = sems[RING:]
        wid = lax.axis_index("s") * NC + lax.axis_index("c")
        base_i = wid * bpw
        pltpu.sync_copy(uid_h.at[pl.ds(base_i, bpw)],
                        uid_v.at[pl.ds(0, bpw)])

        def col(i):
            return (uid_v[pl.ds(i, LANES)][0] // TILE_L) * TILE_L

        for j in range(LEAD):
            pltpu.async_copy(utT_h.at[:, pl.ds(col(j), TILE_L)],
                             chunk.at[j], gsem[j])

        def step(i, carry):
            j_dyn = lax.rem(i, RING)
            for j in range(RING):

                @pl.when(j_dyn == j)
                def _():
                    pltpu.make_async_copy(
                        utT_h.at[:, pl.ds(0, TILE_L)], chunk.at[j],
                        gsem[j]).wait()
                    pltpu.async_copy(chunk.at[j], c_h.at[base_i + i],
                                     wsem[j])
                    jn = (j + LEAD) % RING

                    @pl.when(i >= LEAD)
                    def _():
                        pltpu.make_async_copy(
                            chunk.at[jn], c_h.at[base_i], wsem[jn]).wait()

                    @pl.when(i + LEAD < bpw)
                    def _():
                        pltpu.async_copy(
                            utT_h.at[:, pl.ds(col(i + LEAD), TILE_L)],
                            chunk.at[jn], gsem[jn])
            return carry

        lax.fori_loop(0, bpw, step, 0)
        for jj in range(LEAD):
            j = (bpw - LEAD + jj) % RING
            pltpu.make_async_copy(chunk.at[j], c_h.at[base_i],
                                  wsem[j]).wait()

    return chunks_k



@functools.cache
def _build_repack(VC, D):
    W = 1024
    G = -(-((VC + 1) // 2) // W)
    H = G * W

    last_blk = -(-VC // W) - 1

    def body(a_ref, b_ref, o_ref):
        o_ref[:, 0:D] = jnp.swapaxes(a_ref[...], 0, 1)
        o_ref[:, D:2 * D] = jnp.swapaxes(b_ref[...], 0, 1)

    rp = pl.pallas_call(
        body,
        grid=(G,),
        in_specs=[
            pl.BlockSpec((D, W), lambda k: (0, k)),
            pl.BlockSpec((D, W), lambda k: (0, jnp.minimum(k + G, last_blk))),
        ],
        out_specs=pl.BlockSpec((W, 2 * D), lambda k: (k, 0)),
        out_shape=jax.ShapeDtypeStruct((H, 2 * D), jnp.float32),
    )
    return rp, H


@functools.cache
def _build_main(B, T, D, VC, VG, H):
    info = plsc.get_sparse_core_info()
    NC, NS = info.num_cores, info.num_subcores
    NW = NC * NS
    assert B % NW == 0, (B, NW)
    bpw = B // NW
    assert bpw % NBUF == 0
    ngroups = bpw // NBUF
    nk = D // LANES
    nrow = bpw * D // TILE_L
    per_row = TILE_L // D
    nflat = bpw * T

    mesh = plsc.VectorSubcoreMesh(core_axis_name="c", subcore_axis_name="s")

    @functools.partial(
        pl.kernel,
        mesh=mesh,
        compiler_params=pltpu.CompilerParams(use_tc_tiling_on_sc=False),
        out_type=jax.ShapeDtypeStruct((B, T, D), jnp.float32),
        scratch_types=(
            [
                pltpu.VMEM((bpw + LANES,), jnp.int32),
                pltpu.VMEM((bpw,), jnp.int32),
                pltpu.VMEM((bpw, T), jnp.int32),
                pltpu.VMEM((nrow, TILE_L), jnp.int32),
                pltpu.VMEM((bpw * D,), jnp.float32),
                pltpu.VMEM((bpw, D), jnp.float32),
                pltpu.VMEM((NBUF, T, D), jnp.float32),
                pltpu.VMEM((NBUF, T, D), jnp.float32),
                pltpu.SemaphoreType.DMA,
                pltpu.SemaphoreType.DMA,
            ]
            + [pltpu.SemaphoreType.DMA for _ in range(2 * NBUF)]
        ),
    )
    def emb(uid_h, gid_h, cid2_h, cf_h, ct_h, gt_h, out_h,
            uid_v, gid_v, cid2_v, eidx, s_v, g_v, in_b, out_b,
            sem_g, sem_s, *sems):
        gsem = sems[:NBUF]
        ssem = sems[NBUF:]
        wid = lax.axis_index("s") * NC + lax.axis_index("c")
        base = wid * bpw
        pltpu.sync_copy(uid_h.at[pl.ds(base, bpw)],
                        uid_v.at[pl.ds(0, bpw)])
        pltpu.sync_copy(gid_h.at[pl.ds(base, bpw)], gid_v)
        pltpu.sync_copy(cid2_h.at[pl.ds(base, bpw)], cid2_v)
        for j in range(NBUF):
            pltpu.async_copy(ct_h.at[cid2_v.at[j]], in_b.at[j], gsem[j])
        pltpu.async_copy(gt_h.at[gid_v], g_v, sem_g)

        iot = lax.iota(jnp.int32, LANES)

        def idxrow(r, carry):
            i0 = per_row * r
            for q in range(TILE_L // LANES):
                i_loc = i0 + q // (D // LANES)
                lane = lax.rem(uid_v[pl.ds(i_loc, LANES)][0], TILE_L)
                d_vec = (q % (D // LANES)) * LANES + iot
                eidx[r, pl.ds(q * LANES, LANES)] = (
                    (base + i_loc) * (D * TILE_L) + d_vec * TILE_L + lane
                )
            return carry

        lax.fori_loop(0, nrow, idxrow, 0)

        def efire(r, carry):
            pltpu.async_copy(cf_h.at[eidx.at[r]],
                             s_v.at[pl.ds(r * TILE_L, TILE_L)], sem_s)
            return carry

        def edrain(r, carry):
            pltpu.make_async_copy(cf_h.at[eidx.at[0]],
                                  s_v.at[pl.ds(0, TILE_L)], sem_s).wait()
            return carry

        lax.fori_loop(0, nrow, efire, 0)
        lax.fori_loop(0, nrow, edrain, 0)

        pltpu.make_async_copy(gt_h.at[gid_v], g_v, sem_g).wait()

        def srow(i, carry):
            for k in range(nk):
                s_v[pl.ds(i * D + k * LANES, LANES)] = (
                    s_v[pl.ds(i * D + k * LANES, LANES)]
                    + g_v[i, pl.ds(k * LANES, LANES)]
                )
            return carry

        lax.fori_loop(0, bpw, srow, 0)

        def group(gi, carry):
            for j in range(NBUF):
                b = gi * NBUF + j
                pltpu.make_async_copy(
                    ct_h.at[cid2_v.at[b]], in_b.at[j], gsem[j]).wait()

                @pl.when(gi > 0)
                def _():
                    pltpu.make_async_copy(
                        out_b.at[j], out_h.at[base + b], ssem[j]).wait()

                s_regs = [s_v[pl.ds(b * D + k * LANES, LANES)]
                          for k in range(nk)]

                def trow(t, c2):
                    for k in range(nk):
                        out_b[j, t, pl.ds(k * LANES, LANES)] = (
                            in_b[j, t, pl.ds(k * LANES, LANES)] + s_regs[k]
                        )
                    return c2

                lax.fori_loop(0, T, trow, 0)

                pltpu.async_copy(out_b.at[j], out_h.at[base + b], ssem[j])

                @pl.when(b + NBUF < bpw)
                def _():
                    pltpu.async_copy(
                        ct_h.at[cid2_v.at[b + NBUF]], in_b.at[j], gsem[j])
            return carry

        lax.fori_loop(0, ngroups, group, 0)

        for j in range(NBUF):
            b = (ngroups - 1) * NBUF + j
            pltpu.make_async_copy(
                out_b.at[j], out_h.at[base + b], ssem[j]).wait()

    return emb


def kernel(user_id, creative_id, geo_id, T, user_table, creative_table,
           geo_table):
    del T
    B, t_static = creative_id.shape
    D = user_table.shape[1]
    chunks_k = _build_chunks(B, D, user_table.shape[0])
    uid = user_id.astype(jnp.int32)
    chunks = chunks_k(uid, user_table.T)
    repack, H = _build_repack(creative_table.shape[0], D)
    ct2 = repack(creative_table.T, creative_table.T)
    repack_g, Hg = _build_repack(geo_table.shape[0], D)
    gt2 = repack_g(geo_table.T, geo_table.T)
    emb = _build_main(B, t_static, D, creative_table.shape[0],
                      geo_table.shape[0], H)
    cid = creative_id.astype(jnp.int32)
    big = (cid >= H).astype(jnp.int32)
    cid2 = 2 * (cid - big * H) + big
    gid = geo_id.astype(jnp.int32)
    gbig = (gid >= Hg).astype(jnp.int32)
    gid2 = 2 * (gid - gbig * Hg) + gbig
    return emb(
        uid,
        gid2,
        cid2,
        chunks.reshape(-1),
        ct2.reshape(2 * H, D),
        gt2.reshape(2 * Hg, D),
    )

# --- scband reference (transcript-rebuilt; emitter-appended) ---
"""Pipeline reference for scband-context-embeddings-64544768524646 (READ-ONLY COPY).

The authoritative reference and input builder live on the scoring server;
editing this copy changes nothing except your own understanding.
"""

import jax, jax.numpy as jnp
import numpy as np

B = 4096
T_LEN = 50
D_MODEL = 64
V_USER = 1000000
V_CREATIVE = 1000000
V_GEO = 100000


def setup_inputs(seed: int = 0) -> dict:
    key = jax.random.key(seed)
    k1, k2, k3, k4, k5, k6 = jax.random.split(key, 6)
    user_id = jax.random.randint(k1, (B,), 0, V_USER, dtype=jnp.int64 if jax.config.jax_enable_x64 else jnp.int32)
    creative_id = jax.random.randint(k2, (B, T_LEN), 0, V_CREATIVE, dtype=jnp.int64 if jax.config.jax_enable_x64 else jnp.int32)
    geo_id = jax.random.randint(k3, (B,), 0, V_GEO, dtype=jnp.int64 if jax.config.jax_enable_x64 else jnp.int32)
    user_table = jax.random.normal(k4, (V_USER, D_MODEL), dtype=jnp.float32)
    creative_table = jax.random.normal(k5, (V_CREATIVE, D_MODEL), dtype=jnp.float32)
    geo_table = jax.random.normal(k6, (V_GEO, D_MODEL), dtype=jnp.float32)
    return {
        "user_id": user_id,
        "creative_id": creative_id,
        "geo_id": geo_id,
        "T": T_LEN,
        "user_table": user_table,
        "creative_table": creative_table,
        "geo_table": geo_table,
    }


def reference(user_id, creative_id, geo_id, T, user_table, creative_table, geo_table):
    t_static = creative_id.shape[1]
    # user_id: [B] -> gather then broadcast over T
    u = jnp.take(user_table, user_id, axis=0)  # [B, d]
    u = jnp.broadcast_to(u[:, None, :], (u.shape[0], t_static, u.shape[1]))
    # creative_id: [B, T] -> gather directly
    c = jnp.take(creative_table, creative_id, axis=0)  # [B, T, d]
    # geo_id: [B] -> gather then broadcast over T
    g = jnp.take(geo_table, geo_id, axis=0)  # [B, d]
    g = jnp.broadcast_to(g[:, None, :], (g.shape[0], t_static, g.shape[1]))
    # sum of embeddings (accumulation order: user, creative, geo)
    acc = u + c
    acc = acc + g
    acc = acc + jnp.asarray(T * 0, dtype=acc.dtype)
    return acc

if __name__ == "__main__":
    import jax
    _d = setup_inputs()
    print(jax.jit(kernel)(*tuple(_d.values())))

</pallas_src>

<mosaic_0001>
#map = affine_map<(d0, d1) -> (0)>
#map1 = affine_map<(d0, d1) -> (0, 0)>
#map2 = affine_map<(d0, d1) -> (0, 0, 0)>
module attributes {stable_mosaic.version = 14 : i64} {
  func.func @chunks_k(%arg0: i32, %arg1: i32, %arg2: memref<4096xi32, #tpu.memory_space<hbm>>, %arg3: memref<64x1000000xf32, #tpu.memory_space<hbm>>, %arg4: memref<4096x64x128xf32, #tpu.memory_space<hbm>>, %arg5: memref<144xi32, #tpu.memory_space<vmem>>, %arg6: memref<8x64x128xf32, #tpu.memory_space<vmem>>, %arg7: memref<!tpu.dma_semaphore, #tpu.memory_space<semaphore_mem>>, %arg8: memref<!tpu.dma_semaphore, #tpu.memory_space<semaphore_mem>>, %arg9: memref<!tpu.dma_semaphore, #tpu.memory_space<semaphore_mem>>, %arg10: memref<!tpu.dma_semaphore, #tpu.memory_space<semaphore_mem>>, %arg11: memref<!tpu.dma_semaphore, #tpu.memory_space<semaphore_mem>>, %arg12: memref<!tpu.dma_semaphore, #tpu.memory_space<semaphore_mem>>, %arg13: memref<!tpu.dma_semaphore, #tpu.memory_space<semaphore_mem>>, %arg14: memref<!tpu.dma_semaphore, #tpu.memory_space<semaphore_mem>>, %arg15: memref<!tpu.dma_semaphore, #tpu.memory_space<semaphore_mem>>, %arg16: memref<!tpu.dma_semaphore, #tpu.memory_space<semaphore_mem>>, %arg17: memref<!tpu.dma_semaphore, #tpu.memory_space<semaphore_mem>>, %arg18: memref<!tpu.dma_semaphore, #tpu.memory_space<semaphore_mem>>, %arg19: memref<!tpu.dma_semaphore, #tpu.memory_space<semaphore_mem>>, %arg20: memref<!tpu.dma_semaphore, #tpu.memory_space<semaphore_mem>>, %arg21: memref<!tpu.dma_semaphore, #tpu.memory_space<semaphore_mem>>, %arg22: memref<!tpu.dma_semaphore, #tpu.memory_space<semaphore_mem>>) attributes {dimension_semantics = [#tpu.dimension_semantics<core_parallel>, #tpu.dimension_semantics<subcore_parallel>], iteration_bounds = array<i64: 2, 16>, scalar_prefetch = 0 : i64, scratch_operands = 18 : i64, tpu.core_type = #tpu.core_type<sc_vector_subcore>, window_params = [{transform_indices = #map}, {transform_indices = #map1}, {transform_indices = #map2}]} {
    %mul3A = arith.constant 2 : i32
    %mul3A_0 = arith.muli %arg1, %mul3A : i32
    %add3A = arith.addi %mul3A_0, %arg0 : i32
    %mul3A_1 = arith.constant 128 : i32
    %mul3A_2 = arith.muli %add3A, %mul3A_1 : i32
    "tpu.region"() ({
      %run_scoped3A = tpu.sem_alloc : memref<!tpu.dma_semaphore, #tpu.memory_space<semaphore_mem>>
      %dma_start3A_239 = arith.constant 0 : i32
      %dma_start3A_240 = tpu.memref_slice %arg5[%dma_start3A_239] : memref<144xi32, #tpu.memory_space<vmem>> -> memref<128xi32, #tpu.memory_space<vmem>>
      %dma_start3A_241 = tpu.memref_slice %arg2[%mul3A_2] : memref<4096xi32, #tpu.memory_space<hbm>> -> memref<128xi32, #tpu.memory_space<hbm>>
      %dma_start3A_242 = arith.constant 0 : i32
      %dma_start3A_243 = tpu.memref_slice %arg5[%dma_start3A_242] : memref<144xi32, #tpu.memory_space<vmem>> -> memref<128xi32, #tpu.memory_space<vmem>>
      %dma_start3A_244 = tpu.memref_slice %arg2[%mul3A_2] : memref<4096xi32, #tpu.memory_space<hbm>> -> memref<128xi32, #tpu.memory_space<hbm>>
      tpu.enqueue_dma source(%dma_start3A_244 : memref<128xi32, #tpu.memory_space<hbm>>) target(%dma_start3A_243 : memref<128xi32, #tpu.memory_space<vmem>>) target_semaphore(%run_scoped3A : memref<!tpu.dma_semaphore, #tpu.memory_space<semaphore_mem>>)
      %dma_wait3A_245 = arith.constant 0 : i32
      %dma_wait3A_246 = tpu.memref_slice %arg5[%dma_wait3A_245] : memref<144xi32, #tpu.memory_space<vmem>> -> memref<128xi32, #tpu.memory_space<vmem>>
      %dma_wait3A_247 = tpu.memref_slice %arg2[%mul3A_2] : memref<4096xi32, #tpu.memory_space<hbm>> -> memref<128xi32, #tpu.memory_space<hbm>>
      %dma_wait3A_248 = arith.constant 0 : i32
      %dma_wait3A_249 = tpu.memref_slice %arg5[%dma_wait3A_248] : memref<144xi32, #tpu.memory_space<vmem>> -> memref<128xi32, #tpu.memory_space<vmem>>
      %dma_wait3A_250 = tpu.memref_slice %arg2[%mul3A_2] : memref<4096xi32, #tpu.memory_space<hbm>> -> memref<128xi32, #tpu.memory_space<hbm>>
      tpu.wait_dma2 semaphore(%run_scoped3A : memref<!tpu.dma_semaphore, #tpu.memory_space<semaphore_mem>>) src(%dma_wait3A_250 : memref<128xi32, #tpu.memory_space<hbm>>) dst(%dma_wait3A_249 : memref<128xi32, #tpu.memory_space<vmem>>)
      tpu.yield
    }) : () -> ()
    %get3A = arith.constant 0 : index
    %get3A_3 = tpu.vector_load %arg5[%get3A] {strides = array<i32>} : memref<144xi32, #tpu.memory_space<vmem>>, vector<16xi32>,
    %get3A_4 = vector.shape_cast %get3A_3 : vector<16xi32> to vector<16xi32>
    %slice3A = vector.extract_strided_slice %get3A_4 {offsets = [0], sizes = [1], strides = [1]} : vector<16xi32> to vector<1xi32>
    %squeeze3A = vector.extract %slice3A[0] : i32 from vector<1xi32>
    %jit3A = arith.constant 128 : i32
    %div3A = arith.divsi %squeeze3A, %jit3A : i32
    %sign3A = arith.constant 0 : i32
    %sign3A_5 = arith.cmpi sgt, %squeeze3A, %sign3A : i32
    %sign3A_6 = arith.extui %sign3A_5 : i1 to i32
    %sign3A_7 = arith.constant 0 : i32
    %sign3A_8 = arith.cmpi slt, %squeeze3A, %sign3A_7 : i32
    %sign3A_9 = arith.extui %sign3A_8 : i1 to i32
    %sign3A_10 = arith.subi %sign3A_6, %sign3A_9 : i32
    %sign3A_11 = arith.constant 0 : i32
    %sign3A_12 = arith.cmpi sgt, %jit3A, %sign3A_11 : i32
    %sign3A_13 = arith.extui %sign3A_12 : i1 to i32
    %sign3A_14 = arith.constant 0 : i32
    %sign3A_15 = arith.cmpi slt, %jit3A, %sign3A_14 : i32
    %sign3A_16 = arith.extui %sign3A_15 : i1 to i32
    %sign3A_17 = arith.subi %sign3A_13, %sign3A_16 : i32
    %ne3A = arith.cmpi ne, %sign3A_10, %sign3A_17 : i32
    %rem3A = arith.remsi %squeeze3A, %jit3A : i32
    %ne3A_18 = arith.constant 0 : i32
    %ne3A_19 = arith.cmpi ne, %rem3A, %ne3A_18 : i32
    %and3A = arith.andi %ne3A, %ne3A_19 : i1
    %sub3A = arith.constant 1 : i32
    %sub3A_20 = arith.subi %div3A, %sub3A : i32
    %select_n3A = arith.select %and3A, %sub3A_20, %div3A : i32
    %mul3A_21 = arith.constant 128 : i32
    %mul3A_22 = arith.muli %select_n3A, %mul3A_21 : i32
    %dma_start3A = arith.constant 0 : i32
    %dma_start3A_23 = arith.constant 0 : i32
    %dma_start3A_24 = arith.constant 0 : i32
    %dma_start3A_25 = tpu.memref_slice %arg6[%dma_start3A, %dma_start3A_23, %dma_start3A_24] : memref<8x64x128xf32, #tpu.memory_space<vmem>> -> memref<1x64x128xf32, #tpu.memory_space<vmem>>
    %dma_start3A_26 = tpu.memref_squeeze %dma_start3A_25 : memref<1x64x128xf32, #tpu.memory_space<vmem>> -> memref<64x128xf32, #tpu.memory_space<vmem>>
    %dma_start3A_27 = arith.constant 0 : i32
    %dma_start3A_28 = tpu.memref_slice %arg3[%dma_start3A_27, %mul3A_22] : memref<64x1000000xf32, #tpu.memory_space<hbm>> -> memref<64x128xf32, #tpu.memory_space<hbm>>
    %dma_start3A_29 = arith.constant 0 : i32
    %dma_start3A_30 = arith.constant 0 : i32
    %dma_start3A_31 = tpu.memref_slice %arg6[%dma_start3A, %dma_start3A_29, %dma_start3A_30] : memref<8x64x128xf32, #tpu.memory_space<vmem>> -> memref<1x64x128xf32, #tpu.memory_space<vmem>>
    %dma_start3A_32 = tpu.memref_squeeze %dma_start3A_31 : memref<1x64x128xf32, #tpu.memory_space<vmem>> -> memref<64x128xf32, #tpu.memory_space<vmem>>
    %dma_start3A_33 = arith.constant 0 : i32
    %dma_start3A_34 = tpu.memref_slice %arg3[%dma_start3A_33, %mul3A_22] : memref<64x1000000xf32, #tpu.memory_space<hbm>> -> memref<64x128xf32, #tpu.memory_space<hbm>>
    tpu.enqueue_dma source(%dma_start3A_34 : memref<64x128xf32, #tpu.memory_space<hbm>>) target(%dma_start3A_32 : memref<64x128xf32, #tpu.memory_space<vmem>>) target_semaphore(%arg7 : memref<!tpu.dma_semaphore, #tpu.memory_space<semaphore_mem>>)
    %get3A_35 = arith.constant 1 : index
    %get3A_36 = tpu.vector_load %arg5[%get3A_35] {strides = array<i32>} : memref<144xi32, #tpu.memory_space<vmem>>, vector<16xi32>,
    %get3A_37 = vector.shape_cast %get3A_36 : vector<16xi32> to vector<16xi32>
    %slice3A_38 = vector.extract_strided_slice %get3A_37 {offsets = [0], sizes = [1], strides = [1]} : vector<16xi32> to vector<1xi32>
    %squeeze3A_39 = vector.extract %slice3A_38[0] : i32 from vector<1xi32>
    %jit3A_40 = arith.constant 128 : i32
    %div3A_41 = arith.divsi %squeeze3A_39, %jit3A_40 : i32
    %sign3A_42 = arith.constant 0 : i32
    %sign3A_43 = arith.cmpi sgt, %squeeze3A_39, %sign3A_42 : i32
    %sign3A_44 = arith.extui %sign3A_43 : i1 to i32
    %sign3A_45 = arith.constant 0 : i32
    %sign3A_46 = arith.cmpi slt, %squeeze3A_39, %sign3A_45 : i32
    %sign3A_47 = arith.extui %sign3A_46 : i1 to i32
    %sign3A_48 = arith.subi %sign3A_44, %sign3A_47 : i32
    %sign3A_49 = arith.constant 0 : i32
    %sign3A_50 = arith.cmpi sgt, %jit3A_40, %sign3A_49 : i32
    %sign3A_51 = arith.extui %sign3A_50 : i1 to i32
    %sign3A_52 = arith.constant 0 : i32
    %sign3A_53 = arith.cmpi slt, %jit3A_40, %sign3A_52 : i32
    %sign3A_54 = arith.extui %sign3A_53 : i1 to i32
    %sign3A_55 = arith.subi %sign3A_51, %sign3A_54 : i32
    %ne3A_56 = arith.cmpi ne, %sign3A_48, %sign3A_55 : i32
    %rem3A_57 = arith.remsi %squeeze3A_39, %jit3A_40 : i32
    %ne3A_58 = arith.constant 0 : i32
    %ne3A_59 = arith.cmpi ne, %rem3A_57, %ne3A_58 : i32
    %and3A_60 = arith.andi %ne3A_56, %ne3A_59 : i1
    %sub3A_61 = arith.constant 1 : i32
    %sub3A_62 = arith.subi %div3A_41, %sub3A_61 : i32
    %select_n3A_63 = arith.select %and3A_60, %sub3A_62, %div3A_41 : i32
    %mul3A_64 = arith.constant 128 : i32
    %mul3A_65 = arith.muli %select_n3A_63, %mul3A_64 : i32
    %dma_start3A_66 = arith.constant 1 : i32
    %dma_start3A_67 = arith.constant 0 : i32
    %dma_start3A_68 = arith.constant 0 : i32
    %dma_start3A_69 = tpu.memref_slice %arg6[%dma_start3A_66, %dma_start3A_67, %dma_start3A_68] : memref<8x64x128xf32, #tpu.memory_space<vmem>> -> memref<1x64x128xf32, #tpu.memory_space<vmem>>
    %dma_start3A_70 = tpu.memref_squeeze %dma_start3A_69 : memref<1x64x128xf32, #tpu.memory_space<vmem>> -> memref<64x128xf32, #tpu.memory_space<vmem>>
    %dma_start3A_71 = arith.constant 0 : i32
    %dma_start3A_72 = tpu.memref_slice %arg3[%dma_start3A_71, %mul3A_65] : memref<64x1000000xf32, #tpu.memory_space<hbm>> -> memref<64x128xf32, #tpu.memory_space<hbm>>
    %dma_start3A_73 = arith.constant 0 : i32
    %dma_start3A_74 = arith.constant 0 : i32
    %dma_start3A_75 = tpu.memref_slice %arg6[%dma_start3A_66, %dma_start3A_73, %dma_start3A_74] : memref<8x64x128xf32, #tpu.memory_space<vmem>> -> memref<1x64x128xf32, #tpu.memory_space<vmem>>
    %dma_start3A_76 = tpu.memref_squeeze %dma_start3A_75 : memref<1x64x128xf32, #tpu.memory_space<vmem>> -> memref<64x128xf32, #tpu.memory_space<vmem>>
    %dma_start3A_77 = arith.constant 0 : i32
    %dma_start3A_78 = tpu.memref_slice %arg3[%dma_start3A_77, %mul3A_65] : memref<64x1000000xf32, #tpu.memory_space<hbm>> -> memref<64x128xf32, #tpu.memory_space<hbm>>
    tpu.enqueue_dma source(%dma_start3A_78 : memref<64x128xf32, #tpu.memory_space<hbm>>) target(%dma_start3A_76 : memref<64x128xf32, #tpu.memory_space<vmem>>) target_semaphore(%arg8 : memref<!tpu.dma_semaphore, #tpu.memory_space<semaphore_mem>>)
    %get3A_79 = arith.constant 2 : index
    %get3A_80 = tpu.vector_load %arg5[%get3A_79] {strides = array<i32>} : memref<144xi32, #tpu.memory_space<vmem>>, vector<16xi32>,
    %get3A_81 = vector.shape_cast %get3A_80 : vector<16xi32> to vector<16xi32>
    %slice3A_82 = vector.extract_strided_slice %get3A_81 {offsets = [0], sizes = [1], strides = [1]} : vector<16xi32> to vector<1xi32>
    %squeeze3A_83 = vector.extract %slice3A_82[0] : i32 from vector<1xi32>
    %jit3A_84 = arith.constant 128 : i32
    %div3A_85 = arith.divsi %squeeze3A_83, %jit3A_84 : i32
    %sign3A_86 = arith.constant 0 : i32
    %sign3A_87 = arith.cmpi sgt, %squeeze3A_83, %sign3A_86 : i32
    %sign3A_88 = arith.extui %sign3A_87 : i1 to i32
    %sign3A_89 = arith.constant 0 : i32
    %sign3A_90 = arith.cmpi slt, %squeeze3A_83, %sign3A_89 : i32
    %sign3A_91 = arith.extui %sign3A_90 : i1 to i32
    %sign3A_92 = arith.subi %sign3A_88, %sign3A_91 : i32
    %sign3A_93 = arith.constant 0 : i32
    %sign3A_94 = arith.cmpi sgt, %jit3A_84, %sign3A_93 : i32
    %sign3A_95 = arith.extui %sign3A_94 : i1 to i32
    %sign3A_96 = arith.constant 0 : i32
    %sign3A_97 = arith.cmpi slt, %jit3A_84, %sign3A_96 : i32
    %sign3A_98 = arith.extui %sign3A_97 : i1 to i32
    %sign3A_99 = arith.subi %sign3A_95, %sign3A_98 : i32
    %ne3A_100 = arith.cmpi ne, %sign3A_92, %sign3A_99 : i32
    %rem3A_101 = arith.remsi %squeeze3A_83, %jit3A_84 : i32
    %ne3A_102 = arith.constant 0 : i32
    %ne3A_103 = arith.cmpi ne, %rem3A_101, %ne3A_102 : i32
    %and3A_104 = arith.andi %ne3A_100, %ne3A_103 : i1
    %sub3A_105 = arith.constant 1 : i32
    %sub3A_106 = arith.subi %div3A_85, %sub3A_105 : i32
    %select_n3A_107 = arith.select %and3A_104, %sub3A_106, %div3A_85 : i32
    %mul3A_108 = arith.constant 128 : i32
    %mul3A_109 = arith.muli %select_n3A_107, %mul3A_108 : i32
    %dma_start3A_110 = arith.constant 2 : i32
    %dma_start3A_111 = arith.constant 0 : i32
    %dma_start3A_112 = arith.constant 0 : i32
    %dma_start3A_113 = tpu.memref_slice %arg6[%dma_start3A_110, %dma_start3A_111, %dma_start3A_112] : memref<8x64x128xf32, #tpu.memory_space<vmem>> -> memref<1x64x128xf32, #tpu.memory_space<vmem>>
    %dma_start3A_114 = tpu.memref_squeeze %dma_start3A_113 : memref<1x64x128xf32, #tpu.memory_space<vmem>> -> memref<64x128xf32, #tpu.memory_space<vmem>>
    %dma_start3A_115 = arith.constant 0 : i32
    %dma_start3A_116 = tpu.memref_slice %arg3[%dma_start3A_115, %mul3A_109] : memref<64x1000000xf32, #tpu.memory_space<hbm>> -> memref<64x128xf32, #tpu.memory_space<hbm>>
    %dma_start3A_117 = arith.constant 0 : i32
    %dma_start3A_118 = arith.constant 0 : i32
    %dma_start3A_119 = tpu.memref_slice %arg6[%dma_start3A_110, %dma_start3A_117, %dma_start3A_118] : memref<8x64x128xf32, #tpu.memory_space<vmem>> -> memref<1x64x128xf32, #tpu.memory_space<vmem>>
    %dma_start3A_120 = tpu.memref_squeeze %dma_start3A_119 : memref<1x64x128xf32, #tpu.memory_space<vmem>> -> memref<64x128xf32, #tpu.memory_space<vmem>>
    %dma_start3A_121 = arith.constant 0 : i32
    %dma_start3A_122 = tpu.memref_slice %arg3[%dma_start3A_121, %mul3A_109] : memref<64x1000000xf32, #tpu.memory_space<hbm>> -> memref<64x128xf32, #tpu.memory_space<hbm>>
    tpu.enqueue_dma source(%dma_start3A_122 : memref<64x128xf32, #tpu.memory_space<hbm>>) target(%dma_start3A_120 : memref<64x128xf32, #tpu.memory_space<vmem>>) target_semaphore(%arg9 : memref<!tpu.dma_semaphore, #tpu.memory_space<semaphore_mem>>)
    %get3A_123 = arith.constant 3 : index
    %get3A_124 = tpu.vector_load %arg5[%get3A_123] {strides = array<i32>} : memref<144xi32, #tpu.memory_space<vmem>>, vector<16xi32>,
    %get3A_125 = vector.shape_cast %get3A_124 : vector<16xi32> to vector<16xi32>
    %slice3A_126 = vector.extract_strided_slice %get3A_125 {offsets = [0], sizes = [1], strides = [1]} : vector<16xi32> to vector<1xi32>
    %squeeze3A_127 = vector.extract %slice3A_126[0] : i32 from vector<1xi32>
    %jit3A_128 = arith.constant 128 : i32
    %div3A_129 = arith.divsi %squeeze3A_127, %jit3A_128 : i32
    %sign3A_130 = arith.constant 0 : i32
    %sign3A_131 = arith.cmpi sgt, %squeeze3A_127, %sign3A_130 : i32
    %sign3A_132 = arith.extui %sign3A_131 : i1 to i32
    %sign3A_133 = arith.constant 0 : i32
    %sign3A_134 = arith.cmpi slt, %squeeze3A_127, %sign3A_133 : i32
    %sign3A_135 = arith.extui %sign3A_134 : i1 to i32
    %sign3A_136 = arith.subi %sign3A_132, %sign3A_135 : i32
    %sign3A_137 = arith.constant 0 : i32
    %sign3A_138 = arith.cmpi sgt, %jit3A_128, %sign3A_137 : i32
    %sign3A_139 = arith.extui %sign3A_138 : i1 to i32
    %sign3A_140 = arith.constant 0 : i32
    %sign3A_141 = arith.cmpi slt, %jit3A_128, %sign3A_140 : i32
    %sign3A_142 = arith.extui %sign3A_141 : i1 to i32
    %sign3A_143 = arith.subi %sign3A_139, %sign3A_142 : i32
    %ne3A_144 = arith.cmpi ne, %sign3A_136, %sign3A_143 : i32
    %rem3A_145 = arith.remsi %squeeze3A_127, %jit3A_128 : i32
    %ne3A_146 = arith.constant 0 : i32
    %ne3A_147 = arith.cmpi ne, %rem3A_145, %ne3A_146 : i32
    %and3A_148 = arith.andi %ne3A_144, %ne3A_147 : i1
    %sub3A_149 = arith.constant 1 : i32
    %sub3A_150 = arith.subi %div3A_129, %sub3A_149 : i32
    %select_n3A_151 = arith.select %and3A_148, %sub3A_150, %div3A_129 : i32
    %mul3A_152 = arith.constant 128 : i32
    %mul3A_153 = arith.muli %select_n3A_151, %mul3A_152 : i32
    %dma_start3A_154 = arith.constant 3 : i32
    %dma_start3A_155 = arith.constant 0 : i32
    %dma_start3A_156 = arith.constant 0 : i32
    %dma_start3A_157 = tpu.memref_slice %arg6[%dma_start3A_154, %dma_start3A_155, %dma_start3A_156] : memref<8x64x128xf32, #tpu.memory_space<vmem>> -> memref<1x64x128xf32, #tpu.memory_space<vmem>>
    %dma_start3A_158 = tpu.memref_squeeze %dma_start3A_157 : memref<1x64x128xf32, #tpu.memory_space<vmem>> -> memref<64x128xf32, #tpu.memory_space<vmem>>
    %dma_start3A_159 = arith.constant 0 : i32
    %dma_start3A_160 = tpu.memref_slice %arg3[%dma_start3A_159, %mul3A_153] : memref<64x1000000xf32, #tpu.memory_space<hbm>> -> memref<64x128xf32, #tpu.memory_space<hbm>>
    %dma_start3A_161 = arith.constant 0 : i32
    %dma_start3A_162 = arith.constant 0 : i32
    %dma_start3A_163 = tpu.memref_slice %arg6[%dma_start3A_154, %dma_start3A_161, %dma_start3A_162] : memref<8x64x128xf32, #tpu.memory_space<vmem>> -> memref<1x64x128xf32, #tpu.memory_space<vmem>>
    %dma_start3A_164 = tpu.memref_squeeze %dma_start3A_163 : memref<1x64x128xf32, #tpu.memory_space<vmem>> -> memref<64x128xf32, #tpu.memory_space<vmem>>
    %dma_start3A_165 = arith.constant 0 : i32
    %dma_start3A_166 = tpu.memref_slice %arg3[%dma_start3A_165, %mul3A_153] : memref<64x1000000xf32, #tpu.memory_space<hbm>> -> memref<64x128xf32, #tpu.memory_space<hbm>>
    tpu.enqueue_dma source(%dma_start3A_166 : memref<64x128xf32, #tpu.memory_space<hbm>>) target(%dma_start3A_164 : memref<64x128xf32, #tpu.memory_space<vmem>>) target_semaphore(%arg10 : memref<!tpu.dma_semaphore, #tpu.memory_space<semaphore_mem>>)
    %scan3A = arith.constant 0 : i32
    %scan3A_167 = arith.constant 0 : i32
    %scan3A_168 = arith.constant 128 : i32
    %scan3A_169 = arith.addi %scan3A_167, %scan3A_168 : i32
    %scan3A_170 = arith.constant 1 : i32
    scf.for %scan3A_239 = %scan3A_167 to %scan3A_169 step %scan3A_170  : i32 {
      %rem3A_240 = arith.constant 8 : i32
      %rem3A_241 = arith.remsi %scan3A_239, %rem3A_240 : i32
      %eq3A = arith.constant 0 : i32
      %eq3A_242 = arith.cmpi eq, %rem3A_241, %eq3A : i32
      %convert_element_type3A = arith.extui %eq3A_242 : i1 to i32
      %cond3A = arith.constant 0 : i32
      %cond3A_243 = arith.cmpi ne, %convert_element_type3A, %cond3A : i32
      scf.if %cond3A_243 {
        %dma_wait3A_279 = arith.constant 0 : i32
        %dma_wait3A_280 = arith.constant 0 : i32
        %dma_wait3A_281 = arith.constant 0 : i32
        %dma_wait3A_282 = tpu.memref_slice %arg6[%dma_wait3A_279, %dma_wait3A_280, %dma_wait3A_281] : memref<8x64x128xf32, #tpu.memory_space<vmem>> -> memref<1x64x128xf32, #tpu.memory_space<vmem>>
        %dma_wait3A_283 = tpu.memref_squeeze %dma_wait3A_282 : memref<1x64x128xf32, #tpu.memory_space<vmem>> -> memref<64x128xf32, #tpu.memory_space<vmem>>
        %dma_wait3A_284 = arith.constant 0 : i32
        %dma_wait3A_285 = arith.constant 0 : i32
        %dma_wait3A_286 = tpu.memref_slice %arg3[%dma_wait3A_284, %dma_wait3A_285] : memref<64x1000000xf32, #tpu.memory_space<hbm>> -> memref<64x128xf32, #tpu.memory_space<hbm>>
        %dma_wait3A_287 = arith.constant 0 : i32
        %dma_wait3A_288 = arith.constant 0 : i32
        %dma_wait3A_289 = tpu.memref_slice %arg6[%dma_wait3A_279, %dma_wait3A_287, %dma_wait3A_288] : memref<8x64x128xf32, #tpu.memory_space<vmem>> -> memref<1x64x128xf32, #tpu.memory_space<vmem>>
        %dma_wait3A_290 = tpu.memref_squeeze %dma_wait3A_289 : memref<1x64x128xf32, #tpu.memory_space<vmem>> -> memref<64x128xf32, #tpu.memory_space<vmem>>
        %dma_wait3A_291 = arith.constant 0 : i32
        %dma_wait3A_292 = arith.constant 0 : i32
        %dma_wait3A_293 = tpu.memref_slice %arg3[%dma_wait3A_291, %dma_wait3A_292] : memref<64x1000000xf32, #tpu.memory_space<hbm>> -> memref<64x128xf32, #tpu.memory_space<hbm>>
        tpu.wait_dma2 semaphore(%arg7 : memref<!tpu.dma_semaphore, #tpu.memory_space<semaphore_mem>>) src(%dma_wait3A_293 : memref<64x128xf32, #tpu.memory_space<hbm>>) dst(%dma_wait3A_290 : memref<64x128xf32, #tpu.memory_space<vmem>>)
        %add3A_294 = arith.addi %mul3A_2, %scan3A_239 : i32
        %dma_start3A_295 = arith.constant 0 : i32
        %dma_start3A_296 = arith.constant 0 : i32
        %dma_start3A_297 = arith.constant 0 : i32
        %dma_start3A_298 = tpu.memref_slice %arg6[%dma_start3A_295, %dma_start3A_296, %dma_start3A_297] : memref<8x64x128xf32, #tpu.memory_space<vmem>> -> memref<1x64x128xf32, #tpu.memory_space<vmem>>
        %dma_start3A_299 = tpu.memref_squeeze %dma_start3A_298 : memref<1x64x128xf32, #tpu.memory_space<vmem>> -> memref<64x128xf32, #tpu.memory_space<vmem>>
        %dma_start3A_300 = arith.constant 0 : i32
        %dma_start3A_301 = arith.constant 0 : i32
        %dma_start3A_302 = tpu.memref_slice %arg4[%add3A_294, %dma_start3A_300, %dma_start3A_301] : memref<4096x64x128xf32, #tpu.memory_space<hbm>> -> memref<1x64x128xf32, #tpu.memory_space<hbm>>
        %dma_start3A_303 = tpu.memref_squeeze %dma_start3A_302 : memref<1x64x128xf32, #tpu.memory_space<hbm>> -> memref<64x128xf32, #tpu.memory_space<hbm>>
        %dma_start3A_304 = arith.constant 0 : i32
        %dma_start3A_305 = arith.constant 0 : i32
        %dma_start3A_306 = tpu.memref_slice %arg4[%add3A_294, %dma_start3A_304, %dma_start3A_305] : memref<4096x64x128xf32, #tpu.memory_space<hbm>> -> memref<1x64x128xf32, #tpu.memory_space<hbm>>
        %dma_start3A_307 = tpu.memref_squeeze %dma_start3A_306 : memref<1x64x128xf32, #tpu.memory_space<hbm>> -> memref<64x128xf32, #tpu.memory_space<hbm>>
        %dma_start3A_308 = arith.constant 0 : i32
        %dma_start3A_309 = arith.constant 0 : i32
        %dma_start3A_310 = tpu.memref_slice %arg6[%dma_start3A_295, %dma_start3A_308, %dma_start3A_309] : memref<8x64x128xf32, #tpu.memory_space<vmem>> -> memref<1x64x128xf32, #tpu.memory_space<vmem>>
        %dma_start3A_311 = tpu.memref_squeeze %dma_start3A_310 : memref<1x64x128xf32, #tpu.memory_space<vmem>> -> memref<64x128xf32, #tpu.memory_space<vmem>>
        tpu.enqueue_dma source(%dma_start3A_311 : memref<64x128xf32, #tpu.memory_space<vmem>>) target(%dma_start3A_307 : memref<64x128xf32, #tpu.memory_space<hbm>>) target_semaphore(%arg15 : memref<!tpu.dma_semaphore, #tpu.memory_space<semaphore_mem>>)
        %ge3A = arith.constant 4 : i32
        %ge3A_312 = arith.cmpi sge, %scan3A_239, %ge3A : i32
        %convert_element_type3A_313 = arith.extui %ge3A_312 : i1 to i32
        %cond3A_314 = arith.constant 0 : i32
        %cond3A_315 = arith.cmpi ne, %convert_element_type3A_313, %cond3A_314 : i32
        scf.if %cond3A_315 {
          %dma_wait3A_322 = arith.constant 4 : i32
          %dma_wait3A_323 = arith.constant 0 : i32
          %dma_wait3A_324 = arith.constant 0 : i32
          %dma_wait3A_325 = tpu.memref_slice %arg6[%dma_wait3A_322, %dma_wait3A_323, %dma_wait3A_324] : memref<8x64x128xf32, #tpu.memory_space<vmem>> -> memref<1x64x128xf32, #tpu.memory_space<vmem>>
          %dma_wait3A_326 = tpu.memref_squeeze %dma_wait3A_325 : memref<1x64x128xf32, #tpu.memory_space<vmem>> -> memref<64x128xf32, #tpu.memory_space<vmem>>
          %dma_wait3A_327 = arith.constant 0 : i32
          %dma_wait3A_328 = arith.constant 0 : i32
          %dma_wait3A_329 = tpu.memref_slice %arg4[%mul3A_2, %dma_wait3A_327, %dma_wait3A_328] : memref<4096x64x128xf32, #tpu.memory_space<hbm>> -> memref<1x64x128xf32, #tpu.memory_space<hbm>>
          %dma_wait3A_330 = tpu.memref_squeeze %dma_wait3A_329 : memref<1x64x128xf32, #tpu.memory_space<hbm>> -> memref<64x128xf32, #tpu.memory_space<hbm>>
          %dma_wait3A_331 = arith.constant 0 : i32
          %dma_wait3A_332 = arith.constant 0 : i32
          %dma_wait3A_333 = tpu.memref_slice %arg4[%mul3A_2, %dma_wait3A_331, %dma_wait3A_332] : memref<4096x64x128xf32, #tpu.memory_space<hbm>> -> memref<1x64x128xf32, #tpu.memory_space<hbm>>
          %dma_wait3A_334 = tpu.memref_squeeze %dma_wait3A_333 : memref<1x64x128xf32, #tpu.memory_space<hbm>> -> memref<64x128xf32, #tpu.memory_space<hbm>>
          %dma_wait3A_335 = arith.constant 0 : i32
          %dma_wait3A_336 = arith.constant 0 : i32
          %dma_wait3A_337 = tpu.memref_slice %arg6[%dma_wait3A_322, %dma_wait3A_335, %dma_wait3A_336] : memref<8x64x128xf32, #tpu.memory_space<vmem>> -> memref<1x64x128xf32, #tpu.memory_space<vmem>>
          %dma_wait3A_338 = tpu.memref_squeeze %dma_wait3A_337 : memref<1x64x128xf32, #tpu.memory_space<vmem>> -> memref<64x128xf32, #tpu.memory_space<vmem>>
          tpu.wait_dma2 semaphore(%arg19 : memref<!tpu.dma_semaphore, #tpu.memory_space<semaphore_mem>>) src(%dma_wait3A_338 : memref<64x128xf32, #tpu.memory_space<vmem>>) dst(%dma_wait3A_334 : memref<64x128xf32, #tpu.memory_space<hbm>>)
        } else {
        }
        %add3A_316 = arith.constant 4 : i32
        %add3A_317 = arith.addi %scan3A_239, %add3A_316 : i32
        %lt3A = arith.constant 128 : i32
        %lt3A_318 = arith.cmpi slt, %add3A_317, %lt3A : i32
        %convert_element_type3A_319 = arith.extui %lt3A_318 : i1 to i32
        %cond3A_320 = arith.constant 0 : i32
        %cond3A_321 = arith.cmpi ne, %convert_element_type3A_319, %cond3A_320 : i32
        scf.if %cond3A_321 {
          %add3A_322 = arith.constant 4 : i32
          %add3A_323 = arith.addi %scan3A_239, %add3A_322 : i32
          %get3A_324 = arith.index_cast %add3A_323 : i32 to index
          %get3A_325 = tpu.vector_load %arg5[%get3A_324] {strides = array<i32>} : memref<144xi32, #tpu.memory_space<vmem>>, vector<16xi32>,
          %get3A_326 = vector.shape_cast %get3A_325 : vector<16xi32> to vector<16xi32>
          %slice3A_327 = vector.extract_strided_slice %get3A_326 {offsets = [0], sizes = [1], strides = [1]} : vector<16xi32> to vector<1xi32>
          %squeeze3A_328 = vector.extract %slice3A_327[0] : i32 from vector<1xi32>
          %jit3A_329 = arith.constant 128 : i32
          %div3A_330 = arith.divsi %squeeze3A_328, %jit3A_329 : i32
          %sign3A_331 = arith.constant 0 : i32
          %sign3A_332 = arith.cmpi sgt, %squeeze3A_328, %sign3A_331 : i32
          %sign3A_333 = arith.extui %sign3A_332 : i1 to i32
          %sign3A_334 = arith.constant 0 : i32
          %sign3A_335 = arith.cmpi slt, %squeeze3A_328, %sign3A_334 : i32
          %sign3A_336 = arith.extui %sign3A_335 : i1 to i32
          %sign3A_337 = arith.subi %sign3A_333, %sign3A_336 : i32
          %sign3A_338 = arith.constant 0 : i32
          %sign3A_339 = arith.cmpi sgt, %jit3A_329, %sign3A_338 : i32
          %sign3A_340 = arith.extui %sign3A_339 : i1 to i32
          %sign3A_341 = arith.constant 0 : i32
          %sign3A_342 = arith.cmpi slt, %jit3A_329, %sign3A_341 : i32
          %sign3A_343 = arith.extui %sign3A_342 : i1 to i32
          %sign3A_344 = arith.subi %sign3A_340, %sign3A_343 : i32
          %ne3A_345 = arith.cmpi ne, %sign3A_337, %sign3A_344 : i32
          %rem3A_346 = arith.remsi %squeeze3A_328, %jit3A_329 : i32
          %ne3A_347 = arith.constant 0 : i32
          %ne3A_348 = arith.cmpi ne, %rem3A_346, %ne3A_347 : i32
          %and3A_349 = arith.andi %ne3A_345, %ne3A_348 : i1
          %sub3A_350 = arith.constant 1 : i32
          %sub3A_351 = arith.subi %div3A_330, %sub3A_350 : i32
          %select_n3A_352 = arith.select %and3A_349, %sub3A_351, %div3A_330 : i32
          %mul3A_353 = arith.constant 128 : i32
          %mul3A_354 = arith.muli %select_n3A_352, %mul3A_353 : i32
          %dma_start3A_355 = arith.constant 4 : i32
          %dma_start3A_356 = arith.constant 0 : i32
          %dma_start3A_357 = arith.constant 0 : i32
          %dma_start3A_358 = tpu.memref_slice %arg6[%dma_start3A_355, %dma_start3A_356, %dma_start3A_357] : memref<8x64x128xf32, #tpu.memory_space<vmem>> -> memref<1x64x128xf32, #tpu.memory_space<vmem>>
          %dma_start3A_359 = tpu.memref_squeeze %dma_start3A_358 : memref<1x64x128xf32, #tpu.memory_space<vmem>> -> memref<64x128xf32, #tpu.memory_space<vmem>>
          %dma_start3A_360 = arith.constant 0 : i32
          %dma_start3A_361 = tpu.memref_slice %arg3[%dma_start3A_360, %mul3A_354] : memref<64x1000000xf32, #tpu.memory_space<hbm>> -> memref<64x128xf32, #tpu.memory_space<hbm>>
          %dma_start3A_362 = arith.constant 0 : i32
          %dma_start3A_363 = arith.constant 0 : i32
          %dma_start3A_364 = tpu.memref_slice %arg6[%dma_start3A_355, %dma_start3A_362, %dma_start3A_363] : memref<8x64x128xf32, #tpu.memory_space<vmem>> -> memref<1x64x128xf32, #tpu.memory_space<vmem>>
          %dma_start3A_365 = tpu.memref_squeeze %dma_start3A_364 : memref<1x64x128xf32, #tpu.memory_space<vmem>> -> memref<64x128xf32, #tpu.memory_space<vmem>>
          %dma_start3A_366 = arith.constant 0 : i32
          %dma_start3A_367 = tpu.memref_slice %arg3[%dma_start3A_366, %mul3A_354] : memref<64x1000000xf32, #tpu.memory_space<hbm>> -> memref<64x128xf32, #tpu.memory_space<hbm>>
          tpu.enqueue_dma source(%dma_start3A_367 : memref<64x128xf32, #tpu.memory_space<hbm>>) target(%dma_start3A_365 : memref<64x128xf32, #tpu.memory_space<vmem>>) target_semaphore(%arg11 : memref<!tpu.dma_semaphore, #tpu.memory_space<semaphore_mem>>)
        } else {
        }
      } else {
      }
      %eq3A_244 = arith.constant 1 : i32
      %eq3A_245 = arith.cmpi eq, %rem3A_241, %eq3A_244 : i32
      %convert_element_type3A_246 = arith.extui %eq3A_245 : i1 to i32
      %cond3A_247 = arith.constant 0 : i32
      %cond3A_248 = arith.cmpi ne, %convert_element_type3A_246, %cond3A_247 : i32
      scf.if %cond3A_248 {
        %dma_wait3A_279 = arith.constant 1 : i32
        %dma_wait3A_280 = arith.constant 0 : i32
        %dma_wait3A_281 = arith.constant 0 : i32
        %dma_wait3A_282 = tpu.memref_slice %arg6[%dma_wait3A_279, %dma_wait3A_280, %dma_wait3A_281] : memref<8x64x128xf32, #tpu.memory_space<vmem>> -> memref<1x64x128xf32, #tpu.memory_space<vmem>>
        %dma_wait3A_283 = tpu.memref_squeeze %dma_wait3A_282 : memref<1x64x128xf32, #tpu.memory_space<vmem>> -> memref<64x128xf32, #tpu.memory_space<vmem>>
        %dma_wait3A_284 = arith.constant 0 : i32
        %dma_wait3A_285 = arith.constant 0 : i32
        %dma_wait3A_286 = tpu.memref_slice %arg3[%dma_wait3A_284, %dma_wait3A_285] : memref<64x1000000xf32, #tpu.memory_space<hbm>> -> memref<64x128xf32, #tpu.memory_space<hbm>>
        %dma_wait3A_287 = arith.constant 0 : i32
        %dma_wait3A_288 = arith.constant 0 : i32
        %dma_wait3A_289 = tpu.memref_slice %arg6[%dma_wait3A_279, %dma_wait3A_287, %dma_wait3A_288] : memref<8x64x128xf32, #tpu.memory_space<vmem>> -> memref<1x64x128xf32, #tpu.memory_space<vmem>>
        %dma_wait3A_290 = tpu.memref_squeeze %dma_wait3A_289 : memref<1x64x128xf32, #tpu.memory_space<vmem>> -> memref<64x128xf32, #tpu.memory_space<vmem>>
        %dma_wait3A_291 = arith.constant 0 : i32
        %dma_wait3A_292 = arith.constant 0 : i32
        %dma_wait3A_293 = tpu.memref_slice %arg3[%dma_wait3A_291, %dma_wait3A_292] : memref<64x1000000xf32, #tpu.memory_space<hbm>> -> memref<64x128xf32, #tpu.memory_space<hbm>>
        tpu.wait_dma2 semaphore(%arg8 : memref<!tpu.dma_semaphore, #tpu.memory_space<semaphore_mem>>) src(%dma_wait3A_293 : memref<64x128xf32, #tpu.memory_space<hbm>>) dst(%dma_wait3A_290 : memref<64x128xf32, #tpu.memory_space<vmem>>)
        %add3A_294 = arith.addi %mul3A_2, %scan3A_239 : i32
        %dma_start3A_295 = arith.constant 1 : i32
        %dma_start3A_296 = arith.constant 0 : i32
        %dma_start3A_297 = arith.constant 0 : i32
        %dma_start3A_298 = tpu.memref_slice %arg6[%dma_start3A_295, %dma_start3A_296, %dma_start3A_297] : memref<8x64x128xf32, #tpu.memory_space<vmem>> -> memref<1x64x128xf32, #tpu.memory_space<vmem>>
        %dma_start3A_299 = tpu.memref_squeeze %dma_start3A_298 : memref<1x64x128xf32, #tpu.memory_space<vmem>> -> memref<64x128xf32, #tpu.memory_space<vmem>>
        %dma_start3A_300 = arith.constant 0 : i32
        %dma_start3A_301 = arith.constant 0 : i32
        %dma_start3A_302 = tpu.memref_slice %arg4[%add3A_294, %dma_start3A_300, %dma_start3A_301] : memref<4096x64x128xf32, #tpu.memory_space<hbm>> -> memref<1x64x128xf32, #tpu.memory_space<hbm>>
        %dma_start3A_303 = tpu.memref_squeeze %dma_start3A_302 : memref<1x64x128xf32, #tpu.memory_space<hbm>> -> memref<64x128xf32, #tpu.memory_space<hbm>>
        %dma_start3A_304 = arith.constant 0 : i32
        %dma_start3A_305 = arith.constant 0 : i32
        %dma_start3A_306 = tpu.memref_slice %arg4[%add3A_294, %dma_start3A_304, %dma_start3A_305] : memref<4096x64x128xf32, #tpu.memory_space<hbm>> -> memref<1x64x128xf32, #tpu.memory_space<hbm>>
        %dma_start3A_307 = tpu.memref_squeeze %dma_start3A_306 : memref<1x64x128xf32, #tpu.memory_space<hbm>> -> memref<64x128xf32, #tpu.memory_space<hbm>>
        %dma_start3A_308 = arith.constant 0 : i32
        %dma_start3A_309 = arith.constant 0 : i32
        %dma_start3A_310 = tpu.memref_slice %arg6[%dma_start3A_295, %dma_start3A_308, %dma_start3A_309] : memref<8x64x128xf32, #tpu.memory_space<vmem>> -> memref<1x64x128xf32, #tpu.memory_space<vmem>>
        %dma_start3A_311 = tpu.memref_squeeze %dma_start3A_310 : memref<1x64x128xf32, #tpu.memory_space<vmem>> -> memref<64x128xf32, #tpu.memory_space<vmem>>
        tpu.enqueue_dma source(%dma_start3A_311 : memref<64x128xf32, #tpu.memory_space<vmem>>) target(%dma_start3A_307 : memref<64x128xf32, #tpu.memory_space<hbm>>) target_semaphore(%arg16 : memref<!tpu.dma_semaphore, #tpu.memory_space<semaphore_mem>>)
        %ge3A = arith.constant 4 : i32
        %ge3A_312 = arith.cmpi sge, %scan3A_239, %ge3A : i32
        %convert_element_type3A_313 = arith.extui %ge3A_312 : i1 to i32
        %cond3A_314 = arith.constant 0 : i32
        %cond3A_315 = arith.cmpi ne, %convert_element_type3A_313, %cond3A_314 : i32
        scf.if %cond3A_315 {
          %dma_wait3A_322 = arith.constant 5 : i32
          %dma_wait3A_323 = arith.constant 0 : i32
          %dma_wait3A_324 = arith.constant 0 : i32
          %dma_wait3A_325 = tpu.memref_slice %arg6[%dma_wait3A_322, %dma_wait3A_323, %dma_wait3A_324] : memref<8x64x128xf32, #tpu.memory_space<vmem>> -> memref<1x64x128xf32, #tpu.memory_space<vmem>>
          %dma_wait3A_326 = tpu.memref_squeeze %dma_wait3A_325 : memref<1x64x128xf32, #tpu.memory_space<vmem>> -> memref<64x128xf32, #tpu.memory_space<vmem>>
          %dma_wait3A_327 = arith.constant 0 : i32
          %dma_wait3A_328 = arith.constant 0 : i32
          %dma_wait3A_329 = tpu.memref_slice %arg4[%mul3A_2, %dma_wait3A_327, %dma_wait3A_328] : memref<4096x64x128xf32, #tpu.memory_space<hbm>> -> memref<1x64x128xf32, #tpu.memory_space<hbm>>
          %dma_wait3A_330 = tpu.memref_squeeze %dma_wait3A_329 : memref<1x64x128xf32, #tpu.memory_space<hbm>> -> memref<64x128xf32, #tpu.memory_space<hbm>>
          %dma_wait3A_331 = arith.constant 0 : i32
          %dma_wait3A_332 = arith.constant 0 : i32
          %dma_wait3A_333 = tpu.memref_slice %arg4[%mul3A_2, %dma_wait3A_331, %dma_wait3A_332] : memref<4096x64x128xf32, #tpu.memory_space<hbm>> -> memref<1x64x128xf32, #tpu.memory_space<hbm>>
          %dma_wait3A_334 = tpu.memref_squeeze %dma_wait3A_333 : memref<1x64x128xf32, #tpu.memory_space<hbm>> -> memref<64x128xf32, #tpu.memory_space<hbm>>
          %dma_wait3A_335 = arith.constant 0 : i32
          %dma_wait3A_336 = arith.constant 0 : i32
          %dma_wait3A_337 = tpu.memref_slice %arg6[%dma_wait3A_322, %dma_wait3A_335, %dma_wait3A_336] : memref<8x64x128xf32, #tpu.memory_space<vmem>> -> memref<1x64x128xf32, #tpu.memory_space<vmem>>
          %dma_wait3A_338 = tpu.memref_squeeze %dma_wait3A_337 : memref<1x64x128xf32, #tpu.memory_space<vmem>> -> memref<64x128xf32, #tpu.memory_space<vmem>>
          tpu.wait_dma2 semaphore(%arg20 : memref<!tpu.dma_semaphore, #tpu.memory_space<semaphore_mem>>) src(%dma_wait3A_338 : memref<64x128xf32, #tpu.memory_space<vmem>>) dst(%dma_wait3A_334 : memref<64x128xf32, #tpu.memory_space<hbm>>)
        } else {
        }
        %add3A_316 = arith.constant 4 : i32
        %add3A_317 = arith.addi %scan3A_239, %add3A_316 : i32
        %lt3A = arith.constant 128 : i32
        %lt3A_318 = arith.cmpi slt, %add3A_317, %lt3A : i32
        %convert_element_type3A_319 = arith.extui %lt3A_318 : i1 to i32
        %cond3A_320 = arith.constant 0 : i32
        %cond3A_321 = arith.cmpi ne, %convert_element_type3A_319, %cond3A_320 : i32
        scf.if %cond3A_321 {
          %add3A_322 = arith.constant 4 : i32
          %add3A_323 = arith.addi %scan3A_239, %add3A_322 : i32
          %get3A_324 = arith.index_cast %add3A_323 : i32 to index
          %get3A_325 = tpu.vector_load %arg5[%get3A_324] {strides = array<i32>} : memref<144xi32, #tpu.memory_space<vmem>>, vector<16xi32>,
          %get3A_326 = vector.shape_cast %get3A_325 : vector<16xi32> to vector<16xi32>
          %slice3A_327 = vector.extract_strided_slice %get3A_326 {offsets = [0], sizes = [1], strides = [1]} : vector<16xi32> to vector<1xi32>
          %squeeze3A_328 = vector.extract %slice3A_327[0] : i32 from vector<1xi32>
          %jit3A_329 = arith.constant 128 : i32
          %div3A_330 = arith.divsi %squeeze3A_328, %jit3A_329 : i32
          %sign3A_331 = arith.constant 0 : i32
          %sign3A_332 = arith.cmpi sgt, %squeeze3A_328, %sign3A_331 : i32
          %sign3A_333 = arith.extui %sign3A_332 : i1 to i32
          %sign3A_334 = arith.constant 0 : i32
          %sign3A_335 = arith.cmpi slt, %squeeze3A_328, %sign3A_334 : i32
          %sign3A_336 = arith.extui %sign3A_335 : i1 to i32
          %sign3A_337 = arith.subi %sign3A_333, %sign3A_336 : i32
          %sign3A_338 = arith.constant 0 : i32
          %sign3A_339 = arith.cmpi sgt, %jit3A_329, %sign3A_338 : i32
          %sign3A_340 = arith.extui %sign3A_339 : i1 to i32
          %sign3A_341 = arith.constant 0 : i32
          %sign3A_342 = arith.cmpi slt, %jit3A_329, %sign3A_341 : i32
          %sign3A_343 = arith.extui %sign3A_342 : i1 to i32
          %sign3A_344 = arith.subi %sign3A_340, %sign3A_343 : i32
          %ne3A_345 = arith.cmpi ne, %sign3A_337, %sign3A_344 : i32
          %rem3A_346 = arith.remsi %squeeze3A_328, %jit3A_329 : i32
          %ne3A_347 = arith.constant 0 : i32
          %ne3A_348 = arith.cmpi ne, %rem3A_346, %ne3A_347 : i32
          %and3A_349 = arith.andi %ne3A_345, %ne3A_348 : i1
          %sub3A_350 = arith.constant 1 : i32
          %sub3A_351 = arith.subi %div3A_330, %sub3A_350 : i32
          %select_n3A_352 = arith.select %and3A_349, %sub3A_351, %div3A_330 : i32
          %mul3A_353 = arith.constant 128 : i32
          %mul3A_354 = arith.muli %select_n3A_352, %mul3A_353 : i32
          %dma_start3A_355 = arith.constant 5 : i32
          %dma_start3A_356 = arith.constant 0 : i32
          %dma_start3A_357 = arith.constant 0 : i32
          %dma_start3A_358 = tpu.memref_slice %arg6[%dma_start3A_355, %dma_start3A_356, %dma_start3A_357] : memref<8x64x128xf32, #tpu.memory_space<vmem>> -> memref<1x64x128xf32, #tpu.memory_space<vmem>>
          %dma_start3A_359 = tpu.memref_squeeze %dma_start3A_358 : memref<1x64x128xf32, #tpu.memory_space<vmem>> -> memref<64x128xf32, #tpu.memory_space<vmem>>
          %dma_start3A_360 = arith.constant 0 : i32
          %dma_start3A_361 = tpu.memref_slice %arg3[%dma_start3A_360, %mul3A_354] : memref<64x1000000xf32, #tpu.memory_space<hbm>> -> memref<64x128xf32, #tpu.memory_space<hbm>>
          %dma_start3A_362 = arith.constant 0 : i32
          %dma_start3A_363 = arith.constant 0 : i32
          %dma_start3A_364 = tpu.memref_slice %arg6[%dma_start3A_355, %dma_start3A_362, %dma_start3A_363] : memref<8x64x128xf32, #tpu.memory_space<vmem>> -> memref<1x64x128xf32, #tpu.memory_space<vmem>>
          %dma_start3A_365 = tpu.memref_squeeze %dma_start3A_364 : memref<1x64x128xf32, #tpu.memory_space<vmem>> -> memref<64x128xf32, #tpu.memory_space<vmem>>
          %dma_start3A_366 = arith.constant 0 : i32
          %dma_start3A_367 = tpu.memref_slice %arg3[%dma_start3A_366, %mul3A_354] : memref<64x1000000xf32, #tpu.memory_space<hbm>> -> memref<64x128xf32, #tpu.memory_space<hbm>>
          tpu.enqueue_dma source(%dma_start3A_367 : memref<64x128xf32, #tpu.memory_space<hbm>>) target(%dma_start3A_365 : memref<64x128xf32, #tpu.memory_space<vmem>>) target_semaphore(%arg12 : memref<!tpu.dma_semaphore, #tpu.memory_space<semaphore_mem>>)
        } else {
        }
      } else {
      }
      %eq3A_249 = arith.constant 2 : i32
      %eq3A_250 = arith.cmpi eq, %rem3A_241, %eq3A_249 : i32
      %convert_element_type3A_251 = arith.extui %eq3A_250 : i1 to i32
      %cond3A_252 = arith.constant 0 : i32
      %cond3A_253 = arith.cmpi ne, %convert_element_type3A_251, %cond3A_252 : i32
      scf.if %cond3A_253 {
        %dma_wait3A_279 = arith.constant 2 : i32
        %dma_wait3A_280 = arith.constant 0 : i32
        %dma_wait3A_281 = arith.constant 0 : i32
        %dma_wait3A_282 = tpu.memref_slice %arg6[%dma_wait3A_279, %dma_wait3A_280, %dma_wait3A_281] : memref<8x64x128xf32, #tpu.memory_space<vmem>> -> memref<1x64x128xf32, #tpu.memory_space<vmem>>
        %dma_wait3A_283 = tpu.memref_squeeze %dma_wait3A_282 : memref<1x64x128xf32, #tpu.memory_space<vmem>> -> memref<64x128xf32, #tpu.memory_space<vmem>>
        %dma_wait3A_284 = arith.constant 0 : i32
        %dma_wait3A_285 = arith.constant 0 : i32
        %dma_wait3A_286 = tpu.memref_slice %arg3[%dma_wait3A_284, %dma_wait3A_285] : memref<64x1000000xf32, #tpu.memory_space<hbm>> -> memref<64x128xf32, #tpu.memory_space<hbm>>
        %dma_wait3A_287 = arith.constant 0 : i32
        %dma_wait3A_288 = arith.constant 0 : i32
        %dma_wait3A_289 = tpu.memref_slice %arg6[%dma_wait3A_279, %dma_wait3A_287, %dma_wait3A_288] : memref<8x64x128xf32, #tpu.memory_space<vmem>> -> memref<1x64x128xf32, #tpu.memory_space<vmem>>
        %dma_wait3A_290 = tpu.memref_squeeze %dma_wait3A_289 : memref<1x64x128xf32, #tpu.memory_space<vmem>> -> memref<64x128xf32, #tpu.memory_space<vmem>>
        %dma_wait3A_291 = arith.constant 0 : i32
        %dma_wait3A_292 = arith.constant 0 : i32
        %dma_wait3A_293 = tpu.memref_slice %arg3[%dma_wait3A_291, %dma_wait3A_292] : memref<64x1000000xf32, #tpu.memory_space<hbm>> -> memref<64x128xf32, #tpu.memory_space<hbm>>
        tpu.wait_dma2 semaphore(%arg9 : memref<!tpu.dma_semaphore, #tpu.memory_space<semaphore_mem>>) src(%dma_wait3A_293 : memref<64x128xf32, #tpu.memory_space<hbm>>) dst(%dma_wait3A_290 : memref<64x128xf32, #tpu.memory_space<vmem>>)
        %add3A_294 = arith.addi %mul3A_2, %scan3A_239 : i32
        %dma_start3A_295 = arith.constant 2 : i32
        %dma_start3A_296 = arith.constant 0 : i32
        %dma_start3A_297 = arith.constant 0 : i32
        %dma_start3A_298 = tpu.memref_slice %arg6[%dma_start3A_295, %dma_start3A_296, %dma_start3A_297] : memref<8x64x128xf32, #tpu.memory_space<vmem>> -> memref<1x64x128xf32, #tpu.memory_space<vmem>>
        %dma_start3A_299 = tpu.memref_squeeze %dma_start3A_298 : memref<1x64x128xf32, #tpu.memory_space<vmem>> -> memref<64x128xf32, #tpu.memory_space<vmem>>
        %dma_start3A_300 = arith.constant 0 : i32
        %dma_start3A_301 = arith.constant 0 : i32
        %dma_start3A_302 = tpu.memref_slice %arg4[%add3A_294, %dma_start3A_300, %dma_start3A_301] : memref<4096x64x128xf32, #tpu.memory_space<hbm>> -> memref<1x64x128xf32, #tpu.memory_space<hbm>>
        %dma_start3A_303 = tpu.memref_squeeze %dma_start3A_302 : memref<1x64x128xf32, #tpu.memory_space<hbm>> -> memref<64x128xf32, #tpu.memory_space<hbm>>
        %dma_start3A_304 = arith.constant 0 : i32
        %dma_start3A_305 = arith.constant 0 : i32
        %dma_start3A_306 = tpu.memref_slice %arg4[%add3A_294, %dma_start3A_304, %dma_start3A_305] : memref<4096x64x128xf32, #tpu.memory_space<hbm>> -> memref<1x64x128xf32, #tpu.memory_space<hbm>>
        %dma_start3A_307 = tpu.memref_squeeze %dma_start3A_306 : memref<1x64x128xf32, #tpu.memory_space<hbm>> -> memref<64x128xf32, #tpu.memory_space<hbm>>
        %dma_start3A_308 = arith.constant 0 : i32
        %dma_start3A_309 = arith.constant 0 : i32
        %dma_start3A_310 = tpu.memref_slice %arg6[%dma_start3A_295, %dma_start3A_308, %dma_start3A_309] : memref<8x64x128xf32, #tpu.memory_space<vmem>> -> memref<1x64x128xf32, #tpu.memory_space<vmem>>
        %dma_start3A_311 = tpu.memref_squeeze %dma_start3A_310 : memref<1x64x128xf32, #tpu.memory_space<vmem>> -> memref<64x128xf32, #tpu.memory_space<vmem>>
        tpu.enqueue_dma source(%dma_start3A_311 : memref<64x128xf32, #tpu.memory_space<vmem>>) target(%dma_start3A_307 : memref<64x128xf32, #tpu.memory_space<hbm>>) target_semaphore(%arg17 : memref<!tpu.dma_semaphore, #tpu.memory_space<semaphore_mem>>)
        %ge3A = arith.constant 4 : i32
        %ge3A_312 = arith.cmpi sge, %scan3A_239, %ge3A : i32
        %convert_element_type3A_313 = arith.extui %ge3A_312 : i1 to i32
        %cond3A_314 = arith.constant 0 : i32
        %cond3A_315 = arith.cmpi ne, %convert_element_type3A_313, %cond3A_314 : i32
        scf.if %cond3A_315 {
          %dma_wait3A_322 = arith.constant 6 : i32
          %dma_wait3A_323 = arith.constant 0 : i32
          %dma_wait3A_324 = arith.constant 0 : i32
          %dma_wait3A_325 = tpu.memref_slice %arg6[%dma_wait3A_322, %dma_wait3A_323, %dma_wait3A_324] : memref<8x64x128xf32, #tpu.memory_space<vmem>> -> memref<1x64x128xf32, #tpu.memory_space<vmem>>
          %dma_wait3A_326 = tpu.memref_squeeze %dma_wait3A_325 : memref<1x64x128xf32, #tpu.memory_space<vmem>> -> memref<64x128xf32, #tpu.memory_space<vmem>>
          %dma_wait3A_327 = arith.constant 0 : i32
          %dma_wait3A_328 = arith.constant 0 : i32
          %dma_wait3A_329 = tpu.memref_slice %arg4[%mul3A_2, %dma_wait3A_327, %dma_wait3A_328] : memref<4096x64x128xf32, #tpu.memory_space<hbm>> -> memref<1x64x128xf32, #tpu.memory_space<hbm>>
          %dma_wait3A_330 = tpu.memref_squeeze %dma_wait3A_329 : memref<1x64x128xf32, #tpu.memory_space<hbm>> -> memref<64x128xf32, #tpu.memory_space<hbm>>
          %dma_wait3A_331 = arith.constant 0 : i32
          %dma_wait3A_332 = arith.constant 0 : i32
          %dma_wait3A_333 = tpu.memref_slice %arg4[%mul3A_2, %dma_wait3A_331, %dma_wait3A_332] : memref<4096x64x128xf32, #tpu.memory_space<hbm>> -> memref<1x64x128xf32, #tpu.memory_space<hbm>>
          %dma_wait3A_334 = tpu.memref_squeeze %dma_wait3A_333 : memref<1x64x128xf32, #tpu.memory_space<hbm>> -> memref<64x128xf32, #tpu.memory_space<hbm>>
          %dma_wait3A_335 = arith.constant 0 : i32
          %dma_wait3A_336 = arith.constant 0 : i32
          %dma_wait3A_337 = tpu.memref_slice %arg6[%dma_wait3A_322, %dma_wait3A_335, %dma_wait3A_336] : memref<8x64x128xf32, #tpu.memory_space<vmem>> -> memref<1x64x128xf32, #tpu.memory_space<vmem>>
          %dma_wait3A_338 = tpu.memref_squeeze %dma_wait3A_337 : memref<1x64x128xf32, #tpu.memory_space<vmem>> -> memref<64x128xf32, #tpu.memory_space<vmem>>
          tpu.wait_dma2 semaphore(%arg21 : memref<!tpu.dma_semaphore, #tpu.memory_space<semaphore_mem>>) src(%dma_wait3A_338 : memref<64x128xf32, #tpu.memory_space<vmem>>) dst(%dma_wait3A_334 : memref<64x128xf32, #tpu.memory_space<hbm>>)
        } else {
        }
        %add3A_316 = arith.constant 4 : i32
        %add3A_317 = arith.addi %scan3A_239, %add3A_316 : i32
        %lt3A = arith.constant 128 : i32
        %lt3A_318 = arith.cmpi slt, %add3A_317, %lt3A : i32
        %convert_element_type3A_319 = arith.extui %lt3A_318 : i1 to i32
        %cond3A_320 = arith.constant 0 : i32
        %cond3A_321 = arith.cmpi ne, %convert_element_type3A_319, %cond3A_320 : i32
        scf.if %cond3A_321 {
          %add3A_322 = arith.constant 4 : i32
          %add3A_323 = arith.addi %scan3A_239, %add3A_322 : i32
          %get3A_324 = arith.index_cast %add3A_323 : i32 to index
          %get3A_325 = tpu.vector_load %arg5[%get3A_324] {strides = array<i32>} : memref<144xi32, #tpu.memory_space<vmem>>, vector<16xi32>,
          %get3A_326 = vector.shape_cast %get3A_325 : vector<16xi32> to vector<16xi32>
          %slice3A_327 = vector.extract_strided_slice %get3A_326 {offsets = [0], sizes = [1], strides = [1]} : vector<16xi32> to vector<1xi32>
          %squeeze3A_328 = vector.extract %slice3A_327[0] : i32 from vector<1xi32>
          %jit3A_329 = arith.constant 128 : i32
          %div3A_330 = arith.divsi %squeeze3A_328, %jit3A_329 : i32
          %sign3A_331 = arith.constant 0 : i32
          %sign3A_332 = arith.cmpi sgt, %squeeze3A_328, %sign3A_331 : i32
          %sign3A_333 = arith.extui %sign3A_332 : i1 to i32
          %sign3A_334 = arith.constant 0 : i32
          %sign3A_335 = arith.cmpi slt, %squeeze3A_328, %sign3A_334 : i32
          %sign3A_336 = arith.extui %sign3A_335 : i1 to i32
          %sign3A_337 = arith.subi %sign3A_333, %sign3A_336 : i32
          %sign3A_338 = arith.constant 0 : i32
          %sign3A_339 = arith.cmpi sgt, %jit3A_329, %sign3A_338 : i32
          %sign3A_340 = arith.extui %sign3A_339 : i1 to i32
          %sign3A_341 = arith.constant 0 : i32
          %sign3A_342 = arith.cmpi slt, %jit3A_329, %sign3A_341 : i32
          %sign3A_343 = arith.extui %sign3A_342 : i1 to i32
          %sign3A_344 = arith.subi %sign3A_340, %sign3A_343 : i32
          %ne3A_345 = arith.cmpi ne, %sign3A_337, %sign3A_344 : i32
          %rem3A_346 = arith.remsi %squeeze3A_328, %jit3A_329 : i32
          %ne3A_347 = arith.constant 0 : i32
          %ne3A_348 = arith.cmpi ne, %rem3A_346, %ne3A_347 : i32
          %and3A_349 = arith.andi %ne3A_345, %ne3A_348 : i1
          %sub3A_350 = arith.constant 1 : i32
          %sub3A_351 = arith.subi %div3A_330, %sub3A_350 : i32
          %select_n3A_352 = arith.select %and3A_349, %sub3A_351, %div3A_330 : i32
          %mul3A_353 = arith.constant 128 : i32
          %mul3A_354 = arith.muli %select_n3A_352, %mul3A_353 : i32
          %dma_start3A_355 = arith.constant 6 : i32
          %dma_start3A_356 = arith.constant 0 : i32
          %dma_start3A_357 = arith.constant 0 : i32
          %dma_start3A_358 = tpu.memref_slice %arg6[%dma_start3A_355, %dma_start3A_356, %dma_start3A_357] : memref<8x64x128xf32, #tpu.memory_space<vmem>> -> memref<1x64x128xf32, #tpu.memory_space<vmem>>
          %dma_start3A_359 = tpu.memref_squeeze %dma_start3A_358 : memref<1x64x128xf32, #tpu.memory_space<vmem>> -> memref<64x128xf32, #tpu.memory_space<vmem>>
          %dma_start3A_360 = arith.constant 0 : i32
          %dma_start3A_361 = tpu.memref_slice %arg3[%dma_start3A_360, %mul3A_354] : memref<64x1000000xf32, #tpu.memory_space<hbm>> -> memref<64x128xf32, #tpu.memory_space<hbm>>
          %dma_start3A_362 = arith.constant 0 : i32
          %dma_start3A_363 = arith.constant 0 : i32
          %dma_start3A_364 = tpu.memref_slice %arg6[%dma_start3A_355, %dma_start3A_362, %dma_start3A_363] : memref<8x64x128xf32, #tpu.memory_space<vmem>> -> memref<1x64x128xf32, #tpu.memory_space<vmem>>
          %dma_start3A_365 = tpu.memref_squeeze %dma_start3A_364 : memref<1x64x128xf32, #tpu.memory_space<vmem>> -> memref<64x128xf32, #tpu.memory_space<vmem>>
          %dma_start3A_366 = arith.constant 0 : i32
          %dma_start3A_367 = tpu.memref_slice %arg3[%dma_start3A_366, %mul3A_354] : memref<64x1000000xf32, #tpu.memory_space<hbm>> -> memref<64x128xf32, #tpu.memory_space<hbm>>
          tpu.enqueue_dma source(%dma_start3A_367 : memref<64x128xf32, #tpu.memory_space<hbm>>) target(%dma_start3A_365 : memref<64x128xf32, #tpu.memory_space<vmem>>) target_semaphore(%arg13 : memref<!tpu.dma_semaphore, #tpu.memory_space<semaphore_mem>>)
        } else {
        }
      } else {
      }
      %eq3A_254 = arith.constant 3 : i32
      %eq3A_255 = arith.cmpi eq, %rem3A_241, %eq3A_254 : i32
      %convert_element_type3A_256 = arith.extui %eq3A_255 : i1 to i32
      %cond3A_257 = arith.constant 0 : i32
      %cond3A_258 = arith.cmpi ne, %convert_element_type3A_256, %cond3A_257 : i32
      scf.if %cond3A_258 {
        %dma_wait3A_279 = arith.constant 3 : i32
        %dma_wait3A_280 = arith.constant 0 : i32
        %dma_wait3A_281 = arith.constant 0 : i32
        %dma_wait3A_282 = tpu.memref_slice %arg6[%dma_wait3A_279, %dma_wait3A_280, %dma_wait3A_281] : memref<8x64x128xf32, #tpu.memory_space<vmem>> -> memref<1x64x128xf32, #tpu.memory_space<vmem>>
        %dma_wait3A_283 = tpu.memref_squeeze %dma_wait3A_282 : memref<1x64x128xf32, #tpu.memory_space<vmem>> -> memref<64x128xf32, #tpu.memory_space<vmem>>
        %dma_wait3A_284 = arith.constant 0 : i32
        %dma_wait3A_285 = arith.constant 0 : i32
        %dma_wait3A_286 = tpu.memref_slice %arg3[%dma_wait3A_284, %dma_wait3A_285] : memref<64x1000000xf32, #tpu.memory_space<hbm>> -> memref<64x128xf32, #tpu.memory_space<hbm>>
        %dma_wait3A_287 = arith.constant 0 : i32
        %dma_wait3A_288 = arith.constant 0 : i32
        %dma_wait3A_289 = tpu.memref_slice %arg6[%dma_wait3A_279, %dma_wait3A_287, %dma_wait3A_288] : memref<8x64x128xf32, #tpu.memory_space<vmem>> -> memref<1x64x128xf32, #tpu.memory_space<vmem>>
        %dma_wait3A_290 = tpu.memref_squeeze %dma_wait3A_289 : memref<1x64x128xf32, #tpu.memory_space<vmem>> -> memref<64x128xf32, #tpu.memory_space<vmem>>
        %dma_wait3A_291 = arith.constant 0 : i32
        %dma_wait3A_292 = arith.constant 0 : i32
        %dma_wait3A_293 = tpu.memref_slice %arg3[%dma_wait3A_291, %dma_wait3A_292] : memref<64x1000000xf32, #tpu.memory_space<hbm>> -> memref<64x128xf32, #tpu.memory_space<hbm>>
        tpu.wait_dma2 semaphore(%arg10 : memref<!tpu.dma_semaphore, #tpu.memory_space<semaphore_mem>>) src(%dma_wait3A_293 : memref<64x128xf32, #tpu.memory_space<hbm>>) dst(%dma_wait3A_290 : memref<64x128xf32, #tpu.memory_space<vmem>>)
        %add3A_294 = arith.addi %mul3A_2, %scan3A_239 : i32
        %dma_start3A_295 = arith.constant 3 : i32
        %dma_start3A_296 = arith.constant 0 : i32
        %dma_start3A_297 = arith.constant 0 : i32
        %dma_start3A_298 = tpu.memref_slice %arg6[%dma_start3A_295, %dma_start3A_296, %dma_start3A_297] : memref<8x64x128xf32, #tpu.memory_space<vmem>> -> memref<1x64x128xf32, #tpu.memory_space<vmem>>
        %dma_start3A_299 = tpu.memref_squeeze %dma_start3A_298 : memref<1x64x128xf32, #tpu.memory_space<vmem>> -> memref<64x128xf32, #tpu.memory_space<vmem>>
        %dma_start3A_300 = arith.constant 0 : i32
        %dma_start3A_301 = arith.constant 0 : i32
        %dma_start3A_302 = tpu.memref_slice %arg4[%add3A_294, %dma_start3A_300, %dma_start3A_301] : memref<4096x64x128xf32, #tpu.memory_space<hbm>> -> memref<1x64x128xf32, #tpu.memory_space<hbm>>
        %dma_start3A_303 = tpu.memref_squeeze %dma_start3A_302 : memref<1x64x128xf32, #tpu.memory_space<hbm>> -> memref<64x128xf32, #tpu.memory_space<hbm>>
        %dma_start3A_304 = arith.constant 0 : i32
        %dma_start3A_305 = arith.constant 0 : i32
        %dma_start3A_306 = tpu.memref_slice %arg4[%add3A_294, %dma_start3A_304, %dma_start3A_305] : memref<4096x64x128xf32, #tpu.memory_space<hbm>> -> memref<1x64x128xf32, #tpu.memory_space<hbm>>
        %dma_start3A_307 = tpu.memref_squeeze %dma_start3A_306 : memref<1x64x128xf32, #tpu.memory_space<hbm>> -> memref<64x128xf32, #tpu.memory_space<hbm>>
        %dma_start3A_308 = arith.constant 0 : i32
        %dma_start3A_309 = arith.constant 0 : i32
        %dma_start3A_310 = tpu.memref_slice %arg6[%dma_start3A_295, %dma_start3A_308, %dma_start3A_309] : memref<8x64x128xf32, #tpu.memory_space<vmem>> -> memref<1x64x128xf32, #tpu.memory_space<vmem>>
        %dma_start3A_311 = tpu.memref_squeeze %dma_start3A_310 : memref<1x64x128xf32, #tpu.memory_space<vmem>> -> memref<64x128xf32, #tpu.memory_space<vmem>>
        tpu.enqueue_dma source(%dma_start3A_311 : memref<64x128xf32, #tpu.memory_space<vmem>>) target(%dma_start3A_307 : memref<64x128xf32, #tpu.memory_space<hbm>>) target_semaphore(%arg18 : memref<!tpu.dma_semaphore, #tpu.memory_space<semaphore_mem>>)
        %ge3A = arith.constant 4 : i32
        %ge3A_312 = arith.cmpi sge, %scan3A_239, %ge3A : i32
        %convert_element_type3A_313 = arith.extui %ge3A_312 : i1 to i32
        %cond3A_314 = arith.constant 0 : i32
        %cond3A_315 = arith.cmpi ne, %convert_element_type3A_313, %cond3A_314 : i32
        scf.if %cond3A_315 {
          %dma_wait3A_322 = arith.constant 7 : i32
          %dma_wait3A_323 = arith.constant 0 : i32
          %dma_wait3A_324 = arith.constant 0 : i32
          %dma_wait3A_325 = tpu.memref_slice %arg6[%dma_wait3A_322, %dma_wait3A_323, %dma_wait3A_324] : memref<8x64x128xf32, #tpu.memory_space<vmem>> -> memref<1x64x128xf32, #tpu.memory_space<vmem>>
          %dma_wait3A_326 = tpu.memref_squeeze %dma_wait3A_325 : memref<1x64x128xf32, #tpu.memory_space<vmem>> -> memref<64x128xf32, #tpu.memory_space<vmem>>
          %dma_wait3A_327 = arith.constant 0 : i32
          %dma_wait3A_328 = arith.constant 0 : i32
          %dma_wait3A_329 = tpu.memref_slice %arg4[%mul3A_2, %dma_wait3A_327, %dma_wait3A_328] : memref<4096x64x128xf32, #tpu.memory_space<hbm>> -> memref<1x64x128xf32, #tpu.memory_space<hbm>>
          %dma_wait3A_330 = tpu.memref_squeeze %dma_wait3A_329 : memref<1x64x128xf32, #tpu.memory_space<hbm>> -> memref<64x128xf32, #tpu.memory_space<hbm>>
          %dma_wait3A_331 = arith.constant 0 : i32
          %dma_wait3A_332 = arith.constant 0 : i32
          %dma_wait3A_333 = tpu.memref_slice %arg4[%mul3A_2, %dma_wait3A_331, %dma_wait3A_332] : memref<4096x64x128xf32, #tpu.memory_space<hbm>> -> memref<1x64x128xf32, #tpu.memory_space<hbm>>
          %dma_wait3A_334 = tpu.memref_squeeze %dma_wait3A_333 : memref<1x64x128xf32, #tpu.memory_space<hbm>> -> memref<64x128xf32, #tpu.memory_space<hbm>>
          %dma_wait3A_335 = arith.constant 0 : i32
          %dma_wait3A_336 = arith.constant 0 : i32
          %dma_wait3A_337 = tpu.memref_slice %arg6[%dma_wait3A_322, %dma_wait3A_335, %dma_wait3A_336] : memref<8x64x128xf32, #tpu.memory_space<vmem>> -> memref<1x64x128xf32, #tpu.memory_space<vmem>>
          %dma_wait3A_338 = tpu.memref_squeeze %dma_wait3A_337 : memref<1x64x128xf32, #tpu.memory_space<vmem>> -> memref<64x128xf32, #tpu.memory_space<vmem>>
          tpu.wait_dma2 semaphore(%arg22 : memref<!tpu.dma_semaphore, #tpu.memory_space<semaphore_mem>>) src(%dma_wait3A_338 : memref<64x128xf32, #tpu.memory_space<vmem>>) dst(%dma_wait3A_334 : memref<64x128xf32, #tpu.memory_space<hbm>>)
        } else {
        }
        %add3A_316 = arith.constant 4 : i32
        %add3A_317 = arith.addi %scan3A_239, %add3A_316 : i32
        %lt3A = arith.constant 128 : i32
        %lt3A_318 = arith.cmpi slt, %add3A_317, %lt3A : i32
        %convert_element_type3A_319 = arith.extui %lt3A_318 : i1 to i32
        %cond3A_320 = arith.constant 0 : i32
        %cond3A_321 = arith.cmpi ne, %convert_element_type3A_319, %cond3A_320 : i32
        scf.if %cond3A_321 {
          %add3A_322 = arith.constant 4 : i32
          %add3A_323 = arith.addi %scan3A_239, %add3A_322 : i32
          %get3A_324 = arith.index_cast %add3A_323 : i32 to index
          %get3A_325 = tpu.vector_load %arg5[%get3A_324] {strides = array<i32>} : memref<144xi32, #tpu.memory_space<vmem>>, vector<16xi32>,
          %get3A_326 = vector.shape_cast %get3A_325 : vector<16xi32> to vector<16xi32>
          %slice3A_327 = vector.extract_strided_slice %get3A_326 {offsets = [0], sizes = [1], strides = [1]} : vector<16xi32> to vector<1xi32>
          %squeeze3A_328 = vector.extract %slice3A_327[0] : i32 from vector<1xi32>
          %jit3A_329 = arith.constant 128 : i32
          %div3A_330 = arith.divsi %squeeze3A_328, %jit3A_329 : i32
          %sign3A_331 = arith.constant 0 : i32
          %sign3A_332 = arith.cmpi sgt, %squeeze3A_328, %sign3A_331 : i32
          %sign3A_333 = arith.extui %sign3A_332 : i1 to i32
          %sign3A_334 = arith.constant 0 : i32
          %sign3A_335 = arith.cmpi slt, %squeeze3A_328, %sign3A_334 : i32
          %sign3A_336 = arith.extui %sign3A_335 : i1 to i32
          %sign3A_337 = arith.subi %sign3A_333, %sign3A_336 : i32
          %sign3A_338 = arith.constant 0 : i32
          %sign3A_339 = arith.cmpi sgt, %jit3A_329, %sign3A_338 : i32
          %sign3A_340 = arith.extui %sign3A_339 : i1 to i32
          %sign3A_341 = arith.constant 0 : i32
          %sign3A_342 = arith.cmpi slt, %jit3A_329, %sign3A_341 : i32
          %sign3A_343 = arith.extui %sign3A_342 : i1 to i32
          %sign3A_344 = arith.subi %sign3A_340, %sign3A_343 : i32
          %ne3A_345 = arith.cmpi ne, %sign3A_337, %sign3A_344 : i32
          %rem3A_346 = arith.remsi %squeeze3A_328, %jit3A_329 : i32
          %ne3A_347 = arith.constant 0 : i32
          %ne3A_348 = arith.cmpi ne, %rem3A_346, %ne3A_347 : i32
          %and3A_349 = arith.andi %ne3A_345, %ne3A_348 : i1
          %sub3A_350 = arith.constant 1 : i32
          %sub3A_351 = arith.subi %div3A_330, %sub3A_350 : i32
          %select_n3A_352 = arith.select %and3A_349, %sub3A_351, %div3A_330 : i32
          %mul3A_353 = arith.constant 128 : i32
          %mul3A_354 = arith.muli %select_n3A_352, %mul3A_353 : i32
          %dma_start3A_355 = arith.constant 7 : i32
          %dma_start3A_356 = arith.constant 0 : i32
          %dma_start3A_357 = arith.constant 0 : i32
          %dma_start3A_358 = tpu.memref_slice %arg6[%dma_start3A_355, %dma_start3A_356, %dma_start3A_357] : memref<8x64x128xf32, #tpu.memory_space<vmem>> -> memref<1x64x128xf32, #tpu.memory_space<vmem>>
          %dma_start3A_359 = tpu.memref_squeeze %dma_start3A_358 : memref<1x64x128xf32, #tpu.memory_space<vmem>> -> memref<64x128xf32, #tpu.memory_space<vmem>>
          %dma_start3A_360 = arith.constant 0 : i32
          %dma_start3A_361 = tpu.memref_slice %arg3[%dma_start3A_360, %mul3A_354] : memref<64x1000000xf32, #tpu.memory_space<hbm>> -> memref<64x128xf32, #tpu.memory_space<hbm>>
          %dma_start3A_362 = arith.constant 0 : i32
          %dma_start3A_363 = arith.constant 0 : i32
          %dma_start3A_364 = tpu.memref_slice %arg6[%dma_start3A_355, %dma_start3A_362, %dma_start3A_363] : memref<8x64x128xf32, #tpu.memory_space<vmem>> -> memref<1x64x128xf32, #tpu.memory_space<vmem>>
          %dma_start3A_365 = tpu.memref_squeeze %dma_start3A_364 : memref<1x64x128xf32, #tpu.memory_space<vmem>> -> memref<64x128xf32, #tpu.memory_space<vmem>>
          %dma_start3A_366 = arith.constant 0 : i32
          %dma_start3A_367 = tpu.memref_slice %arg3[%dma_start3A_366, %mul3A_354] : memref<64x1000000xf32, #tpu.memory_space<hbm>> -> memref<64x128xf32, #tpu.memory_space<hbm>>
          tpu.enqueue_dma source(%dma_start3A_367 : memref<64x128xf32, #tpu.memory_space<hbm>>) target(%dma_start3A_365 : memref<64x128xf32, #tpu.memory_space<vmem>>) target_semaphore(%arg14 : memref<!tpu.dma_semaphore, #tpu.memory_space<semaphore_mem>>)
        } else {
        }
      } else {
      }
      %eq3A_259 = arith.constant 4 : i32
      %eq3A_260 = arith.cmpi eq, %rem3A_241, %eq3A_259 : i32
      %convert_element_type3A_261 = arith.extui %eq3A_260 : i1 to i32
      %cond3A_262 = arith.constant 0 : i32
      %cond3A_263 = arith.cmpi ne, %convert_element_type3A_261, %cond3A_262 : i32
      scf.if %cond3A_263 {
        %dma_wait3A_279 = arith.constant 4 : i32
        %dma_wait3A_280 = arith.constant 0 : i32
        %dma_wait3A_281 = arith.constant 0 : i32
        %dma_wait3A_282 = tpu.memref_slice %arg6[%dma_wait3A_279, %dma_wait3A_280, %dma_wait3A_281] : memref<8x64x128xf32, #tpu.memory_space<vmem>> -> memref<1x64x128xf32, #tpu.memory_space<vmem>>
        %dma_wait3A_283 = tpu.memref_squeeze %dma_wait3A_282 : memref<1x64x128xf32, #tpu.memory_space<vmem>> -> memref<64x128xf32, #tpu.memory_space<vmem>>
        %dma_wait3A_284 = arith.constant 0 : i32
        %dma_wait3A_285 = arith.constant 0 : i32
        %dma_wait3A_286 = tpu.memref_slice %arg3[%dma_wait3A_284, %dma_wait3A_285] : memref<64x1000000xf32, #tpu.memory_space<hbm>> -> memref<64x128xf32, #tpu.memory_space<hbm>>
        %dma_wait3A_287 = arith.constant 0 : i32
        %dma_wait3A_288 = arith.constant 0 : i32
        %dma_wait3A_289 = tpu.memref_slice %arg6[%dma_wait3A_279, %dma_wait3A_287, %dma_wait3A_288] : memref<8x64x128xf32, #tpu.memory_space<vmem>> -> memref<1x64x128xf32, #tpu.memory_space<vmem>>
        %dma_wait3A_290 = tpu.memref_squeeze %dma_wait3A_289 : memref<1x64x128xf32, #tpu.memory_space<vmem>> -> memref<64x128xf32, #tpu.memory_space<vmem>>
        %dma_wait3A_291 = arith.constant 0 : i32
        %dma_wait3A_292 = arith.constant 0 : i32
        %dma_wait3A_293 = tpu.memref_slice %arg3[%dma_wait3A_291, %dma_wait3A_292] : memref<64x1000000xf32, #tpu.memory_space<hbm>> -> memref<64x128xf32, #tpu.memory_space<hbm>>
        tpu.wait_dma2 semaphore(%arg11 : memref<!tpu.dma_semaphore, #tpu.memory_space<semaphore_mem>>) src(%dma_wait3A_293 : memref<64x128xf32, #tpu.memory_space<hbm>>) dst(%dma_wait3A_290 : memref<64x128xf32, #tpu.memory_space<vmem>>)
        %add3A_294 = arith.addi %mul3A_2, %scan3A_239 : i32
        %dma_start3A_295 = arith.constant 4 : i32
        %dma_start3A_296 = arith.constant 0 : i32
        %dma_start3A_297 = arith.constant 0 : i32
        %dma_start3A_298 = tpu.memref_slice %arg6[%dma_start3A_295, %dma_start3A_296, %dma_start3A_297] : memref<8x64x128xf32, #tpu.memory_space<vmem>> -> memref<1x64x128xf32, #tpu.memory_space<vmem>>
        %dma_start3A_299 = tpu.memref_squeeze %dma_start3A_298 : memref<1x64x128xf32, #tpu.memory_space<vmem>> -> memref<64x128xf32, #tpu.memory_space<vmem>>
        %dma_start3A_300 = arith.constant 0 : i32
        %dma_start3A_301 = arith.constant 0 : i32
        %dma_start3A_302 = tpu.memref_slice %arg4[%add3A_294, %dma_start3A_300, %dma_start3A_301] : memref<4096x64x128xf32, #tpu.memory_space<hbm>> -> memref<1x64x128xf32, #tpu.memory_space<hbm>>
        %dma_start3A_303 = tpu.memref_squeeze %dma_start3A_302 : memref<1x64x128xf32, #tpu.memory_space<hbm>> -> memref<64x128xf32, #tpu.memory_space<hbm>>
        %dma_start3A_304 = arith.constant 0 : i32
        %dma_start3A_305 = arith.constant 0 : i32
        %dma_start3A_306 = tpu.memref_slice %arg4[%add3A_294, %dma_start3A_304, %dma_start3A_305] : memref<4096x64x128xf32, #tpu.memory_space<hbm>> -> memref<1x64x128xf32, #tpu.memory_space<hbm>>
        %dma_start3A_307 = tpu.memref_squeeze %dma_start3A_306 : memref<1x64x128xf32, #tpu.memory_space<hbm>> -> memref<64x128xf32, #tpu.memory_space<hbm>>
        %dma_start3A_308 = arith.constant 0 : i32
        %dma_start3A_309 = arith.constant 0 : i32
        %dma_start3A_310 = tpu.memref_slice %arg6[%dma_start3A_295, %dma_start3A_308, %dma_start3A_309] : memref<8x64x128xf32, #tpu.memory_space<vmem>> -> memref<1x64x128xf32, #tpu.memory_space<vmem>>
        %dma_start3A_311 = tpu.memref_squeeze %dma_start3A_310 : memref<1x64x128xf32, #tpu.memory_space<vmem>> -> memref<64x128xf32, #tpu.memory_space<vmem>>
        tpu.enqueue_dma source(%dma_start3A_311 : memref<64x128xf32, #tpu.memory_space<vmem>>) target(%dma_start3A_307 : memref<64x128xf32, #tpu.memory_space<hbm>>) target_semaphore(%arg19 : memref<!tpu.dma_semaphore, #tpu.memory_space<semaphore_mem>>)
        %ge3A = arith.constant 4 : i32
        %ge3A_312 = arith.cmpi sge, %scan3A_239, %ge3A : i32
        %convert_element_type3A_313 = arith.extui %ge3A_312 : i1 to i32
        %cond3A_314 = arith.constant 0 : i32
        %cond3A_315 = arith.cmpi ne, %convert_element_type3A_313, %cond3A_314 : i32
        scf.if %cond3A_315 {
          %dma_wait3A_322 = arith.constant 0 : i32
          %dma_wait3A_323 = arith.constant 0 : i32
          %dma_wait3A_324 = arith.constant 0 : i32
          %dma_wait3A_325 = tpu.memref_slice %arg6[%dma_wait3A_322, %dma_wait3A_323, %dma_wait3A_324] : memref<8x64x128xf32, #tpu.memory_space<vmem>> -> memref<1x64x128xf32, #tpu.memory_space<vmem>>
          %dma_wait3A_326 = tpu.memref_squeeze %dma_wait3A_325 : memref<1x64x128xf32, #tpu.memory_space<vmem>> -> memref<64x128xf32, #tpu.memory_space<vmem>>
          %dma_wait3A_327 = arith.constant 0 : i32
          %dma_wait3A_328 = arith.constant 0 : i32
          %dma_wait3A_329 = tpu.memref_slice %arg4[%mul3A_2, %dma_wait3A_327, %dma_wait3A_328] : memref<4096x64x128xf32, #tpu.memory_space<hbm>> -> memref<1x64x128xf32, #tpu.memory_space<hbm>>
          %dma_wait3A_330 = tpu.memref_squeeze %dma_wait3A_329 : memref<1x64x128xf32, #tpu.memory_space<hbm>> -> memref<64x128xf32, #tpu.memory_space<hbm>>
          %dma_wait3A_331 = arith.constant 0 : i32
          %dma_wait3A_332 = arith.constant 0 : i32
          %dma_wait3A_333 = tpu.memref_slice %arg4[%mul3A_2, %dma_wait3A_331, %dma_wait3A_332] : memref<4096x64x128xf32, #tpu.memory_space<hbm>> -> memref<1x64x128xf32, #tpu.memory_space<hbm>>
          %dma_wait3A_334 = tpu.memref_squeeze %dma_wait3A_333 : memref<1x64x128xf32, #tpu.memory_space<hbm>> -> memref<64x128xf32, #tpu.memory_space<hbm>>
          %dma_wait3A_335 = arith.constant 0 : i32
          %dma_wait3A_336 = arith.constant 0 : i32
          %dma_wait3A_337 = tpu.memref_slice %arg6[%dma_wait3A_322, %dma_wait3A_335, %dma_wait3A_336] : memref<8x64x128xf32, #tpu.memory_space<vmem>> -> memref<1x64x128xf32, #tpu.memory_space<vmem>>
          %dma_wait3A_338 = tpu.memref_squeeze %dma_wait3A_337 : memref<1x64x128xf32, #tpu.memory_space<vmem>> -> memref<64x128xf32, #tpu.memory_space<vmem>>
          tpu.wait_dma2 semaphore(%arg15 : memref<!tpu.dma_semaphore, #tpu.memory_space<semaphore_mem>>) src(%dma_wait3A_338 : memref<64x128xf32, #tpu.memory_space<vmem>>) dst(%dma_wait3A_334 : memref<64x128xf32, #tpu.memory_space<hbm>>)
        } else {
        }
        %add3A_316 = arith.constant 4 : i32
        %add3A_317 = arith.addi %scan3A_239, %add3A_316 : i32
        %lt3A = arith.constant 128 : i32
        %lt3A_318 = arith.cmpi slt, %add3A_317, %lt3A : i32
        %convert_element_type3A_319 = arith.extui %lt3A_318 : i1 to i32
        %cond3A_320 = arith.constant 0 : i32
        %cond3A_321 = arith.cmpi ne, %convert_element_type3A_319, %cond3A_320 : i32
        scf.if %cond3A_321 {
          %add3A_322 = arith.constant 4 : i32
          %add3A_323 = arith.addi %scan3A_239, %add3A_322 : i32
          %get3A_324 = arith.index_cast %add3A_323 : i32 to index
          %get3A_325 = tpu.vector_load %arg5[%get3A_324] {strides = array<i32>} : memref<144xi32, #tpu.memory_space<vmem>>, vector<16xi32>,
          %get3A_326 = vector.shape_cast %get3A_325 : vector<16xi32> to vector<16xi32>
          %slice3A_327 = vector.extract_strided_slice %get3A_326 {offsets = [0], sizes = [1], strides = [1]} : vector<16xi32> to vector<1xi32>
          %squeeze3A_328 = vector.extract %slice3A_327[0] : i32 from vector<1xi32>
          %jit3A_329 = arith.constant 128 : i32
          %div3A_330 = arith.divsi %squeeze3A_328, %jit3A_329 : i32
          %sign3A_331 = arith.constant 0 : i32
          %sign3A_332 = arith.cmpi sgt, %squeeze3A_328, %sign3A_331 : i32
          %sign3A_333 = arith.extui %sign3A_332 : i1 to i32
          %sign3A_334 = arith.constant 0 : i32
          %sign3A_335 = arith.cmpi slt, %squeeze3A_328, %sign3A_334 : i32
          %sign3A_336 = arith.extui %sign3A_335 : i1 to i32
          %sign3A_337 = arith.subi %sign3A_333, %sign3A_336 : i32
          %sign3A_338 = arith.constant 0 : i32
          %sign3A_339 = arith.cmpi sgt, %jit3A_329, %sign3A_338 : i32
          %sign3A_340 = arith.extui %sign3A_339 : i1 to i32
          %sign3A_341 = arith.constant 0 : i32
          %sign3A_342 = arith.cmpi slt, %jit3A_329, %sign3A_341 : i32
          %sign3A_343 = arith.extui %sign3A_342 : i1 to i32
          %sign3A_344 = arith.subi %sign3A_340, %sign3A_343 : i32
          %ne3A_345 = arith.cmpi ne, %sign3A_337, %sign3A_344 : i32
          %rem3A_346 = arith.remsi %squeeze3A_328, %jit3A_329 : i32
          %ne3A_347 = arith.constant 0 : i32
          %ne3A_348 = arith.cmpi ne, %rem3A_346, %ne3A_347 : i32
          %and3A_349 = arith.andi %ne3A_345, %ne3A_348 : i1
          %sub3A_350 = arith.constant 1 : i32
          %sub3A_351 = arith.subi %div3A_330, %sub3A_350 : i32
          %select_n3A_352 = arith.select %and3A_349, %sub3A_351, %div3A_330 : i32
          %mul3A_353 = arith.constant 128 : i32
          %mul3A_354 = arith.muli %select_n3A_352, %mul3A_353 : i32
          %dma_start3A_355 = arith.constant 0 : i32
          %dma_start3A_356 = arith.constant 0 : i32
          %dma_start3A_357 = arith.constant 0 : i32
          %dma_start3A_358 = tpu.memref_slice %arg6[%dma_start3A_355, %dma_start3A_356, %dma_start3A_357] : memref<8x64x128xf32, #tpu.memory_space<vmem>> -> memref<1x64x128xf32, #tpu.memory_space<vmem>>
          %dma_start3A_359 = tpu.memref_squeeze %dma_start3A_358 : memref<1x64x128xf32, #tpu.memory_space<vmem>> -> memref<64x128xf32, #tpu.memory_space<vmem>>
          %dma_start3A_360 = arith.constant 0 : i32
          %dma_start3A_361 = tpu.memref_slice %arg3[%dma_start3A_360, %mul3A_354] : memref<64x1000000xf32, #tpu.memory_space<hbm>> -> memref<64x128xf32, #tpu.memory_space<hbm>>
          %dma_start3A_362 = arith.constant 0 : i32
          %dma_start3A_363 = arith.constant 0 : i32
          %dma_start3A_364 = tpu.memref_slice %arg6[%dma_start3A_355, %dma_start3A_362, %dma_start3A_363] : memref<8x64x128xf32, #tpu.memory_space<vmem>> -> memref<1x64x128xf32, #tpu.memory_space<vmem>>
          %dma_start3A_365 = tpu.memref_squeeze %dma_start3A_364 : memref<1x64x128xf32, #tpu.memory_space<vmem>> -> memref<64x128xf32, #tpu.memory_space<vmem>>
          %dma_start3A_366 = arith.constant 0 : i32
          %dma_start3A_367 = tpu.memref_slice %arg3[%dma_start3A_366, %mul3A_354] : memref<64x1000000xf32, #tpu.memory_space<hbm>> -> memref<64x128xf32, #tpu.memory_space<hbm>>
          tpu.enqueue_dma source(%dma_start3A_367 : memref<64x128xf32, #tpu.memory_space<hbm>>) target(%dma_start3A_365 : memref<64x128xf32, #tpu.memory_space<vmem>>) target_semaphore(%arg7 : memref<!tpu.dma_semaphore, #tpu.memory_space<semaphore_mem>>)
        } else {
        }
      } else {
      }
      %eq3A_264 = arith.constant 5 : i32
      %eq3A_265 = arith.cmpi eq, %rem3A_241, %eq3A_264 : i32
      %convert_element_type3A_266 = arith.extui %eq3A_265 : i1 to i32
      %cond3A_267 = arith.constant 0 : i32
      %cond3A_268 = arith.cmpi ne, %convert_element_type3A_266, %cond3A_267 : i32
      scf.if %cond3A_268 {
        %dma_wait3A_279 = arith.constant 5 : i32
        %dma_wait3A_280 = arith.constant 0 : i32
        %dma_wait3A_281 = arith.constant 0 : i32
        %dma_wait3A_282 = tpu.memref_slice %arg6[%dma_wait3A_279, %dma_wait3A_280, %dma_wait3A_281] : memref<8x64x128xf32, #tpu.memory_space<vmem>> -> memref<1x64x128xf32, #tpu.memory_space<vmem>>
        %dma_wait3A_283 = tpu.memref_squeeze %dma_wait3A_282 : memref<1x64x128xf32, #tpu.memory_space<vmem>> -> memref<64x128xf32, #tpu.memory_space<vmem>>
        %dma_wait3A_284 = arith.constant 0 : i32
        %dma_wait3A_285 = arith.constant 0 : i32
        %dma_wait3A_286 = tpu.memref_slice %arg3[%dma_wait3A_284, %dma_wait3A_285] : memref<64x1000000xf32, #tpu.memory_space<hbm>> -> memref<64x128xf32, #tpu.memory_space<hbm>>
        %dma_wait3A_287 = arith.constant 0 : i32
        %dma_wait3A_288 = arith.constant 0 : i32
        %dma_wait3A_289 = tpu.memref_slice %arg6[%dma_wait3A_279, %dma_wait3A_287, %dma_wait3A_288] : memref<8x64x128xf32, #tpu.memory_space<vmem>> -> memref<1x64x128xf32, #tpu.memory_space<vmem>>
        %dma_wait3A_290 = tpu.memref_squeeze %dma_wait3A_289 : memref<1x64x128xf32, #tpu.memory_space<vmem>> -> memref<64x128xf32, #tpu.memory_space<vmem>>
        %dma_wait3A_291 = arith.constant 0 : i32
        %dma_wait3A_292 = arith.constant 0 : i32
        %dma_wait3A_293 = tpu.memref_slice %arg3[%dma_wait3A_291, %dma_wait3A_292] : memref<64x1000000xf32, #tpu.memory_space<hbm>> -> memref<64x128xf32, #tpu.memory_space<hbm>>
        tpu.wait_dma2 semaphore(%arg12 : memref<!tpu.dma_semaphore, #tpu.memory_space<semaphore_mem>>) src(%dma_wait3A_293 : memref<64x128xf32, #tpu.memory_space<hbm>>) dst(%dma_wait3A_290 : memref<64x128xf32, #tpu.memory_space<vmem>>)
        %add3A_294 = arith.addi %mul3A_2, %scan3A_239 : i32
        %dma_start3A_295 = arith.constant 5 : i32
        %dma_start3A_296 = arith.constant 0 : i32
        %dma_start3A_297 = arith.constant 0 : i32
        %dma_start3A_298 = tpu.memref_slice %arg6[%dma_start3A_295, %dma_start3A_296, %dma_start3A_297] : memref<8x64x128xf32, #tpu.memory_space<vmem>> -> memref<1x64x128xf32, #tpu.memory_space<vmem>>
        %dma_start3A_299 = tpu.memref_squeeze %dma_start3A_298 : memref<1x64x128xf32, #tpu.memory_space<vmem>> -> memref<64x128xf32, #tpu.memory_space<vmem>>
        %dma_start3A_300 = arith.constant 0 : i32
        %dma_start3A_301 = arith.constant 0 : i32
        %dma_start3A_302 = tpu.memref_slice %arg4[%add3A_294, %dma_start3A_300, %dma_start3A_301] : memref<4096x64x128xf32, #tpu.memory_space<hbm>> -> memref<1x64x128xf32, #tpu.memory_space<hbm>>
        %dma_start3A_303 = tpu.memref_squeeze %dma_start3A_302 : memref<1x64x128xf32, #tpu.memory_space<hbm>> -> memref<64x128xf32, #tpu.memory_space<hbm>>
        %dma_start3A_304 = arith.constant 0 : i32
        %dma_start3A_305 = arith.constant 0 : i32
        %dma_start3A_306 = tpu.memref_slice %arg4[%add3A_294, %dma_start3A_304, %dma_start3A_305] : memref<4096x64x128xf32, #tpu.memory_space<hbm>> -> memref<1x64x128xf32, #tpu.memory_space<hbm>>
        %dma_start3A_307 = tpu.memref_squeeze %dma_start3A_306 : memref<1x64x128xf32, #tpu.memory_space<hbm>> -> memref<64x128xf32, #tpu.memory_space<hbm>>
        %dma_start3A_308 = arith.constant 0 : i32
        %dma_start3A_309 = arith.constant 0 : i32
        %dma_start3A_310 = tpu.memref_slice %arg6[%dma_start3A_295, %dma_start3A_308, %dma_start3A_309] : memref<8x64x128xf32, #tpu.memory_space<vmem>> -> memref<1x64x128xf32, #tpu.memory_space<vmem>>
        %dma_start3A_311 = tpu.memref_squeeze %dma_start3A_310 : memref<1x64x128xf32, #tpu.memory_space<vmem>> -> memref<64x128xf32, #tpu.memory_space<vmem>>
        tpu.enqueue_dma source(%dma_start3A_311 : memref<64x128xf32, #tpu.memory_space<vmem>>) target(%dma_start3A_307 : memref<64x128xf32, #tpu.memory_space<hbm>>) target_semaphore(%arg20 : memref<!tpu.dma_semaphore, #tpu.memory_space<semaphore_mem>>)
        %ge3A = arith.constant 4 : i32
        %ge3A_312 = arith.cmpi sge, %scan3A_239, %ge3A : i32
        %convert_element_type3A_313 = arith.extui %ge3A_312 : i1 to i32
        %cond3A_314 = arith.constant 0 : i32
        %cond3A_315 = arith.cmpi ne, %convert_element_type3A_313, %cond3A_314 : i32
        scf.if %cond3A_315 {
          %dma_wait3A_322 = arith.constant 1 : i32
          %dma_wait3A_323 = arith.constant 0 : i32
          %dma_wait3A_324 = arith.constant 0 : i32
          %dma_wait3A_325 = tpu.memref_slice %arg6[%dma_wait3A_322, %dma_wait3A_323, %dma_wait3A_324] : memref<8x64x128xf32, #tpu.memory_space<vmem>> -> memref<1x64x128xf32, #tpu.memory_space<vmem>>
          %dma_wait3A_326 = tpu.memref_squeeze %dma_wait3A_325 : memref<1x64x128xf32, #tpu.memory_space<vmem>> -> memref<64x128xf32, #tpu.memory_space<vmem>>
          %dma_wait3A_327 = arith.constant 0 : i32
          %dma_wait3A_328 = arith.constant 0 : i32
          %dma_wait3A_329 = tpu.memref_slice %arg4[%mul3A_2, %dma_wait3A_327, %dma_wait3A_328] : memref<4096x64x128xf32, #tpu.memory_space<hbm>> -> memref<1x64x128xf32, #tpu.memory_space<hbm>>
          %dma_wait3A_330 = tpu.memref_squeeze %dma_wait3A_329 : memref<1x64x128xf32, #tpu.memory_space<hbm>> -> memref<64x128xf32, #tpu.memory_space<hbm>>
          %dma_wait3A_331 = arith.constant 0 : i32
          %dma_wait3A_332 = arith.constant 0 : i32
          %dma_wait3A_333 = tpu.memref_slice %arg4[%mul3A_2, %dma_wait3A_331, %dma_wait3A_332] : memref<4096x64x128xf32, #tpu.memory_space<hbm>> -> memref<1x64x128xf32, #tpu.memory_space<hbm>>
          %dma_wait3A_334 = tpu.memref_squeeze %dma_wait3A_333 : memref<1x64x128xf32, #tpu.memory_space<hbm>> -> memref<64x128xf32, #tpu.memory_space<hbm>>
          %dma_wait3A_335 = arith.constant 0 : i32
          %dma_wait3A_336 = arith.constant 0 : i32
          %dma_wait3A_337 = tpu.memref_slice %arg6[%dma_wait3A_322, %dma_wait3A_335, %dma_wait3A_336] : memref<8x64x128xf32, #tpu.memory_space<vmem>> -> memref<1x64x128xf32, #tpu.memory_space<vmem>>
          %dma_wait3A_338 = tpu.memref_squeeze %dma_wait3A_337 : memref<1x64x128xf32, #tpu.memory_space<vmem>> -> memref<64x128xf32, #tpu.memory_space<vmem>>
          tpu.wait_dma2 semaphore(%arg16 : memref<!tpu.dma_semaphore, #tpu.memory_space<semaphore_mem>>) src(%dma_wait3A_338 : memref<64x128xf32, #tpu.memory_space<vmem>>) dst(%dma_wait3A_334 : memref<64x128xf32, #tpu.memory_space<hbm>>)
        } else {
        }
        %add3A_316 = arith.constant 4 : i32
        %add3A_317 = arith.addi %scan3A_239, %add3A_316 : i32
        %lt3A = arith.constant 128 : i32
        %lt3A_318 = arith.cmpi slt, %add3A_317, %lt3A : i32
        %convert_element_type3A_319 = arith.extui %lt3A_318 : i1 to i32
        %cond3A_320 = arith.constant 0 : i32
        %cond3A_321 = arith.cmpi ne, %convert_element_type3A_319, %cond3A_320 : i32
        scf.if %cond3A_321 {
          %add3A_322 = arith.constant 4 : i32
          %add3A_323 = arith.addi %scan3A_239, %add3A_322 : i32
          %get3A_324 = arith.index_cast %add3A_323 : i32 to index
          %get3A_325 = tpu.vector_load %arg5[%get3A_324] {strides = array<i32>} : memref<144xi32, #tpu.memory_space<vmem>>, vector<16xi32>,
          %get3A_326 = vector.shape_cast %get3A_325 : vector<16xi32> to vector<16xi32>
          %slice3A_327 = vector.extract_strided_slice %get3A_326 {offsets = [0], sizes = [1], strides = [1]} : vector<16xi32> to vector<1xi32>
          %squeeze3A_328 = vector.extract %slice3A_327[0] : i32 from vector<1xi32>
          %jit3A_329 = arith.constant 128 : i32
          %div3A_330 = arith.divsi %squeeze3A_328, %jit3A_329 : i32
          %sign3A_331 = arith.constant 0 : i32
          %sign3A_332 = arith.cmpi sgt, %squeeze3A_328, %sign3A_331 : i32
          %sign3A_333 = arith.extui %sign3A_332 : i1 to i32
          %sign3A_334 = arith.constant 0 : i32
          %sign3A_335 = arith.cmpi slt, %squeeze3A_328, %sign3A_334 : i32
          %sign3A_336 = arith.extui %sign3A_335 : i1 to i32
          %sign3A_337 = arith.subi %sign3A_333, %sign3A_336 : i32
          %sign3A_338 = arith.constant 0 : i32
          %sign3A_339 = arith.cmpi sgt, %jit3A_329, %sign3A_338 : i32
          %sign3A_340 = arith.extui %sign3A_339 : i1 to i32
          %sign3A_341 = arith.constant 0 : i32
          %sign3A_342 = arith.cmpi slt, %jit3A_329, %sign3A_341 : i32
          %sign3A_343 = arith.extui %sign3A_342 : i1 to i32
          %sign3A_344 = arith.subi %sign3A_340, %sign3A_343 : i32
          %ne3A_345 = arith.cmpi ne, %sign3A_337, %sign3A_344 : i32
          %rem3A_346 = arith.remsi %squeeze3A_328, %jit3A_329 : i32
          %ne3A_347 = arith.constant 0 : i32
          %ne3A_348 = arith.cmpi ne, %rem3A_346, %ne3A_347 : i32
          %and3A_349 = arith.andi %ne3A_345, %ne3A_348 : i1
          %sub3A_350 = arith.constant 1 : i32
          %sub3A_351 = arith.subi %div3A_330, %sub3A_350 : i32
          %select_n3A_352 = arith.select %and3A_349, %sub3A_351, %div3A_330 : i32
          %mul3A_353 = arith.constant 128 : i32
          %mul3A_354 = arith.muli %select_n3A_352, %mul3A_353 : i32
          %dma_start3A_355 = arith.constant 1 : i32
          %dma_start3A_356 = arith.constant 0 : i32
          %dma_start3A_357 = arith.constant 0 : i32
          %dma_start3A_358 = tpu.memref_slice %arg6[%dma_start3A_355, %dma_start3A_356, %dma_start3A_357] : memref<8x64x128xf32, #tpu.memory_space<vmem>> -> memref<1x64x128xf32, #tpu.memory_space<vmem>>
          %dma_start3A_359 = tpu.memref_squeeze %dma_start3A_358 : memref<1x64x128xf32, #tpu.memory_space<vmem>> -> memref<64x128xf32, #tpu.memory_space<vmem>>
          %dma_start3A_360 = arith.constant 0 : i32
          %dma_start3A_361 = tpu.memref_slice %arg3[%dma_start3A_360, %mul3A_354] : memref<64x1000000xf32, #tpu.memory_space<hbm>> -> memref<64x128xf32, #tpu.memory_space<hbm>>
          %dma_start3A_362 = arith.constant 0 : i32
          %dma_start3A_363 = arith.constant 0 : i32
          %dma_start3A_364 = tpu.memref_slice %arg6[%dma_start3A_355, %dma_start3A_362, %dma_start3A_363] : memref<8x64x128xf32, #tpu.memory_space<vmem>> -> memref<1x64x128xf32, #tpu.memory_space<vmem>>
          %dma_start3A_365 = tpu.memref_squeeze %dma_start3A_364 : memref<1x64x128xf32, #tpu.memory_space<vmem>> -> memref<64x128xf32, #tpu.memory_space<vmem>>
          %dma_start3A_366 = arith.constant 0 : i32
          %dma_start3A_367 = tpu.memref_slice %arg3[%dma_start3A_366, %mul3A_354] : memref<64x1000000xf32, #tpu.memory_space<hbm>> -> memref<64x128xf32, #tpu.memory_space<hbm>>
          tpu.enqueue_dma source(%dma_start3A_367 : memref<64x128xf32, #tpu.memory_space<hbm>>) target(%dma_start3A_365 : memref<64x128xf32, #tpu.memory_space<vmem>>) target_semaphore(%arg8 : memref<!tpu.dma_semaphore, #tpu.memory_space<semaphore_mem>>)
        } else {
        }
      } else {
      }
      %eq3A_269 = arith.constant 6 : i32
      %eq3A_270 = arith.cmpi eq, %rem3A_241, %eq3A_269 : i32
      %convert_element_type3A_271 = arith.extui %eq3A_270 : i1 to i32
      %cond3A_272 = arith.constant 0 : i32
      %cond3A_273 = arith.cmpi ne, %convert_element_type3A_271, %cond3A_272 : i32
      scf.if %cond3A_273 {
        %dma_wait3A_279 = arith.constant 6 : i32
        %dma_wait3A_280 = arith.constant 0 : i32
        %dma_wait3A_281 = arith.constant 0 : i32
        %dma_wait3A_282 = tpu.memref_slice %arg6[%dma_wait3A_279, %dma_wait3A_280, %dma_wait3A_281] : memref<8x64x128xf32, #tpu.memory_space<vmem>> -> memref<1x64x128xf32, #tpu.memory_space<vmem>>
        %dma_wait3A_283 = tpu.memref_squeeze %dma_wait3A_282 : memref<1x64x128xf32, #tpu.memory_space<vmem>> -> memref<64x128xf32, #tpu.memory_space<vmem>>
        %dma_wait3A_284 = arith.constant 0 : i32
        %dma_wait3A_285 = arith.constant 0 : i32
        %dma_wait3A_286 = tpu.memref_slice %arg3[%dma_wait3A_284, %dma_wait3A_285] : memref<64x1000000xf32, #tpu.memory_space<hbm>> -> memref<64x128xf32, #tpu.memory_space<hbm>>
        %dma_wait3A_287 = arith.constant 0 : i32
        %dma_wait3A_288 = arith.constant 0 : i32
        %dma_wait3A_289 = tpu.memref_slice %arg6[%dma_wait3A_279, %dma_wait3A_287, %dma_wait3A_288] : memref<8x64x128xf32, #tpu.memory_space<vmem>> -> memref<1x64x128xf32, #tpu.memory_space<vmem>>
        %dma_wait3A_290 = tpu.memref_squeeze %dma_wait3A_289 : memref<1x64x128xf32, #tpu.memory_space<vmem>> -> memref<64x128xf32, #tpu.memory_space<vmem>>
        %dma_wait3A_291 = arith.constant 0 : i32
        %dma_wait3A_292 = arith.constant 0 : i32
        %dma_wait3A_293 = tpu.memref_slice %arg3[%dma_wait3A_291, %dma_wait3A_292] : memref<64x1000000xf32, #tpu.memory_space<hbm>> -> memref<64x128xf32, #tpu.memory_space<hbm>>
        tpu.wait_dma2 semaphore(%arg13 : memref<!tpu.dma_semaphore, #tpu.memory_space<semaphore_mem>>) src(%dma_wait3A_293 : memref<64x128xf32, #tpu.memory_space<hbm>>) dst(%dma_wait3A_290 : memref<64x128xf32, #tpu.memory_space<vmem>>)
        %add3A_294 = arith.addi %mul3A_2, %scan3A_239 : i32
        %dma_start3A_295 = arith.constant 6 : i32
        %dma_start3A_296 = arith.constant 0 : i32
        %dma_start3A_297 = arith.constant 0 : i32
        %dma_start3A_298 = tpu.memref_slice %arg6[%dma_start3A_295, %dma_start3A_296, %dma_start3A_297] : memref<8x64x128xf32, #tpu.memory_space<vmem>> -> memref<1x64x128xf32, #tpu.memory_space<vmem>>
        %dma_start3A_299 = tpu.memref_squeeze %dma_start3A_298 : memref<1x64x128xf32, #tpu.memory_space<vmem>> -> memref<64x128xf32, #tpu.memory_space<vmem>>
        %dma_start3A_300 = arith.constant 0 : i32
        %dma_start3A_301 = arith.constant 0 : i32
        %dma_start3A_302 = tpu.memref_slice %arg4[%add3A_294, %dma_start3A_300, %dma_start3A_301] : memref<4096x64x128xf32, #tpu.memory_space<hbm>> -> memref<1x64x128xf32, #tpu.memory_space<hbm>>
        %dma_start3A_303 = tpu.memref_squeeze %dma_start3A_302 : memref<1x64x128xf32, #tpu.memory_space<hbm>> -> memref<64x128xf32, #tpu.memory_space<hbm>>
        %dma_start3A_304 = arith.constant 0 : i32
        %dma_start3A_305 = arith.constant 0 : i32
        %dma_start3A_306 = tpu.memref_slice %arg4[%add3A_294, %dma_start3A_304, %dma_start3A_305] : memref<4096x64x128xf32, #tpu.memory_space<hbm>> -> memref<1x64x128xf32, #tpu.memory_space<hbm>>
        %dma_start3A_307 = tpu.memref_squeeze %dma_start3A_306 : memref<1x64x128xf32, #tpu.memory_space<hbm>> -> memref<64x128xf32, #tpu.memory_space<hbm>>
        %dma_start3A_308 = arith.constant 0 : i32
        %dma_start3A_309 = arith.constant 0 : i32
        %dma_start3A_310 = tpu.memref_slice %arg6[%dma_start3A_295, %dma_start3A_308, %dma_start3A_309] : memref<8x64x128xf32, #tpu.memory_space<vmem>> -> memref<1x64x128xf32, #tpu.memory_space<vmem>>
        %dma_start3A_311 = tpu.memref_squeeze %dma_start3A_310 : memref<1x64x128xf32, #tpu.memory_space<vmem>> -> memref<64x128xf32, #tpu.memory_space<vmem>>
        tpu.enqueue_dma source(%dma_start3A_311 : memref<64x128xf32, #tpu.memory_space<vmem>>) target(%dma_start3A_307 : memref<64x128xf32, #tpu.memory_space<hbm>>) target_semaphore(%arg21 : memref<!tpu.dma_semaphore, #tpu.memory_space<semaphore_mem>>)
        %ge3A = arith.constant 4 : i32
        %ge3A_312 = arith.cmpi sge, %scan3A_239, %ge3A : i32
        %convert_element_type3A_313 = arith.extui %ge3A_312 : i1 to i32
        %cond3A_314 = arith.constant 0 : i32
        %cond3A_315 = arith.cmpi ne, %convert_element_type3A_313, %cond3A_314 : i32
        scf.if %cond3A_315 {
          %dma_wait3A_322 = arith.constant 2 : i32
          %dma_wait3A_323 = arith.constant 0 : i32
          %dma_wait3A_324 = arith.constant 0 : i32
          %dma_wait3A_325 = tpu.memref_slice %arg6[%dma_wait3A_322, %dma_wait3A_323, %dma_wait3A_324] : memref<8x64x128xf32, #tpu.memory_space<vmem>> -> memref<1x64x128xf32, #tpu.memory_space<vmem>>
          %dma_wait3A_326 = tpu.memref_squeeze %dma_wait3A_325 : memref<1x64x128xf32, #tpu.memory_space<vmem>> -> memref<64x128xf32, #tpu.memory_space<vmem>>
          %dma_wait3A_327 = arith.constant 0 : i32
          %dma_wait3A_328 = arith.constant 0 : i32
          %dma_wait3A_329 = tpu.memref_slice %arg4[%mul3A_2, %dma_wait3A_327, %dma_wait3A_328] : memref<4096x64x128xf32, #tpu.memory_space<hbm>> -> memref<1x64x128xf32, #tpu.memory_space<hbm>>
          %dma_wait3A_330 = tpu.memref_squeeze %dma_wait3A_329 : memref<1x64x128xf32, #tpu.memory_space<hbm>> -> memref<64x128xf32, #tpu.memory_space<hbm>>
          %dma_wait3A_331 = arith.constant 0 : i32
          %dma_wait3A_332 = arith.constant 0 : i32
          %dma_wait3A_333 = tpu.memref_slice %arg4[%mul3A_2, %dma_wait3A_331, %dma_wait3A_332] : memref<4096x64x128xf32, #tpu.memory_space<hbm>> -> memref<1x64x128xf32, #tpu.memory_space<hbm>>
          %dma_wait3A_334 = tpu.memref_squeeze %dma_wait3A_333 : memref<1x64x128xf32, #tpu.memory_space<hbm>> -> memref<64x128xf32, #tpu.memory_space<hbm>>
          %dma_wait3A_335 = arith.constant 0 : i32
          %dma_wait3A_336 = arith.constant 0 : i32
          %dma_wait3A_337 = tpu.memref_slice %arg6[%dma_wait3A_322, %dma_wait3A_335, %dma_wait3A_336] : memref<8x64x128xf32, #tpu.memory_space<vmem>> -> memref<1x64x128xf32, #tpu.memory_space<vmem>>
          %dma_wait3A_338 = tpu.memref_squeeze %dma_wait3A_337 : memref<1x64x128xf32, #tpu.memory_space<vmem>> -> memref<64x128xf32, #tpu.memory_space<vmem>>
          tpu.wait_dma2 semaphore(%arg17 : memref<!tpu.dma_semaphore, #tpu.memory_space<semaphore_mem>>) src(%dma_wait3A_338 : memref<64x128xf32, #tpu.memory_space<vmem>>) dst(%dma_wait3A_334 : memref<64x128xf32, #tpu.memory_space<hbm>>)
        } else {
        }
        %add3A_316 = arith.constant 4 : i32
        %add3A_317 = arith.addi %scan3A_239, %add3A_316 : i32
        %lt3A = arith.constant 128 : i32
        %lt3A_318 = arith.cmpi slt, %add3A_317, %lt3A : i32
        %convert_element_type3A_319 = arith.extui %lt3A_318 : i1 to i32
        %cond3A_320 = arith.constant 0 : i32
        %cond3A_321 = arith.cmpi ne, %convert_element_type3A_319, %cond3A_320 : i32
        scf.if %cond3A_321 {
          %add3A_322 = arith.constant 4 : i32
          %add3A_323 = arith.addi %scan3A_239, %add3A_322 : i32
          %get3A_324 = arith.index_cast %add3A_323 : i32 to index
          %get3A_325 = tpu.vector_load %arg5[%get3A_324] {strides = array<i32>} : memref<144xi32, #tpu.memory_space<vmem>>, vector<16xi32>,
          %get3A_326 = vector.shape_cast %get3A_325 : vector<16xi32> to vector<16xi32>
          %slice3A_327 = vector.extract_strided_slice %get3A_326 {offsets = [0], sizes = [1], strides = [1]} : vector<16xi32> to vector<1xi32>
          %squeeze3A_328 = vector.extract %slice3A_327[0] : i32 from vector<1xi32>
          %jit3A_329 = arith.constant 128 : i32
          %div3A_330 = arith.divsi %squeeze3A_328, %jit3A_329 : i32
          %sign3A_331 = arith.constant 0 : i32
          %sign3A_332 = arith.cmpi sgt, %squeeze3A_328, %sign3A_331 : i32
          %sign3A_333 = arith.extui %sign3A_332 : i1 to i32
          %sign3A_334 = arith.constant 0 : i32
          %sign3A_335 = arith.cmpi slt, %squeeze3A_328, %sign3A_334 : i32
          %sign3A_336 = arith.extui %sign3A_335 : i1 to i32
          %sign3A_337 = arith.subi %sign3A_333, %sign3A_336 : i32
          %sign3A_338 = arith.constant 0 : i32
          %sign3A_339 = arith.cmpi sgt, %jit3A_329, %sign3A_338 : i32
          %sign3A_340 = arith.extui %sign3A_339 : i1 to i32
          %sign3A_341 = arith.constant 0 : i32
          %sign3A_342 = arith.cmpi slt, %jit3A_329, %sign3A_341 : i32
          %sign3A_343 = arith.extui %sign3A_342 : i1 to i32
          %sign3A_344 = arith.subi %sign3A_340, %sign3A_343 : i32
          %ne3A_345 = arith.cmpi ne, %sign3A_337, %sign3A_344 : i32
          %rem3A_346 = arith.remsi %squeeze3A_328, %jit3A_329 : i32
          %ne3A_347 = arith.constant 0 : i32
          %ne3A_348 = arith.cmpi ne, %rem3A_346, %ne3A_347 : i32
          %and3A_349 = arith.andi %ne3A_345, %ne3A_348 : i1
          %sub3A_350 = arith.constant 1 : i32
          %sub3A_351 = arith.subi %div3A_330, %sub3A_350 : i32
          %select_n3A_352 = arith.select %and3A_349, %sub3A_351, %div3A_330 : i32
          %mul3A_353 = arith.constant 128 : i32
          %mul3A_354 = arith.muli %select_n3A_352, %mul3A_353 : i32
          %dma_start3A_355 = arith.constant 2 : i32
          %dma_start3A_356 = arith.constant 0 : i32
          %dma_start3A_357 = arith.constant 0 : i32
          %dma_start3A_358 = tpu.memref_slice %arg6[%dma_start3A_355, %dma_start3A_356, %dma_start3A_357] : memref<8x64x128xf32, #tpu.memory_space<vmem>> -> memref<1x64x128xf32, #tpu.memory_space<vmem>>
          %dma_start3A_359 = tpu.memref_squeeze %dma_start3A_358 : memref<1x64x128xf32, #tpu.memory_space<vmem>> -> memref<64x128xf32, #tpu.memory_space<vmem>>
          %dma_start3A_360 = arith.constant 0 : i32
          %dma_start3A_361 = tpu.memref_slice %arg3[%dma_start3A_360, %mul3A_354] : memref<64x1000000xf32, #tpu.memory_space<hbm>> -> memref<64x128xf32, #tpu.memory_space<hbm>>
          %dma_start3A_362 = arith.constant 0 : i32
          %dma_start3A_363 = arith.constant 0 : i32
          %dma_start3A_364 = tpu.memref_slice %arg6[%dma_start3A_355, %dma_start3A_362, %dma_start3A_363] : memref<8x64x128xf32, #tpu.memory_space<vmem>> -> memref<1x64x128xf32, #tpu.memory_space<vmem>>
          %dma_start3A_365 = tpu.memref_squeeze %dma_start3A_364 : memref<1x64x128xf32, #tpu.memory_space<vmem>> -> memref<64x128xf32, #tpu.memory_space<vmem>>
          %dma_start3A_366 = arith.constant 0 : i32
          %dma_start3A_367 = tpu.memref_slice %arg3[%dma_start3A_366, %mul3A_354] : memref<64x1000000xf32, #tpu.memory_space<hbm>> -> memref<64x128xf32, #tpu.memory_space<hbm>>
          tpu.enqueue_dma source(%dma_start3A_367 : memref<64x128xf32, #tpu.memory_space<hbm>>) target(%dma_start3A_365 : memref<64x128xf32, #tpu.memory_space<vmem>>) target_semaphore(%arg9 : memref<!tpu.dma_semaphore, #tpu.memory_space<semaphore_mem>>)
        } else {
        }
      } else {
      }
      %eq3A_274 = arith.constant 7 : i32
      %eq3A_275 = arith.cmpi eq, %rem3A_241, %eq3A_274 : i32
      %convert_element_type3A_276 = arith.extui %eq3A_275 : i1 to i32
      %cond3A_277 = arith.constant 0 : i32
      %cond3A_278 = arith.cmpi ne, %convert_element_type3A_276, %cond3A_277 : i32
      scf.if %cond3A_278 {
        %dma_wait3A_279 = arith.constant 7 : i32
        %dma_wait3A_280 = arith.constant 0 : i32
        %dma_wait3A_281 = arith.constant 0 : i32
        %dma_wait3A_282 = tpu.memref_slice %arg6[%dma_wait3A_279, %dma_wait3A_280, %dma_wait3A_281] : memref<8x64x128xf32, #tpu.memory_space<vmem>> -> memref<1x64x128xf32, #tpu.memory_space<vmem>>
        %dma_wait3A_283 = tpu.memref_squeeze %dma_wait3A_282 : memref<1x64x128xf32, #tpu.memory_space<vmem>> -> memref<64x128xf32, #tpu.memory_space<vmem>>
        %dma_wait3A_284 = arith.constant 0 : i32
        %dma_wait3A_285 = arith.constant 0 : i32
        %dma_wait3A_286 = tpu.memref_slice %arg3[%dma_wait3A_284, %dma_wait3A_285] : memref<64x1000000xf32, #tpu.memory_space<hbm>> -> memref<64x128xf32, #tpu.memory_space<hbm>>
        %dma_wait3A_287 = arith.constant 0 : i32
        %dma_wait3A_288 = arith.constant 0 : i32
        %dma_wait3A_289 = tpu.memref_slice %arg6[%dma_wait3A_279, %dma_wait3A_287, %dma_wait3A_288] : memref<8x64x128xf32, #tpu.memory_space<vmem>> -> memref<1x64x128xf32, #tpu.memory_space<vmem>>
        %dma_wait3A_290 = tpu.memref_squeeze %dma_wait3A_289 : memref<1x64x128xf32, #tpu.memory_space<vmem>> -> memref<64x128xf32, #tpu.memory_space<vmem>>
        %dma_wait3A_291 = arith.constant 0 : i32
        %dma_wait3A_292 = arith.constant 0 : i32
        %dma_wait3A_293 = tpu.memref_slice %arg3[%dma_wait3A_291, %dma_wait3A_292] : memref<64x1000000xf32, #tpu.memory_space<hbm>> -> memref<64x128xf32, #tpu.memory_space<hbm>>
        tpu.wait_dma2 semaphore(%arg14 : memref<!tpu.dma_semaphore, #tpu.memory_space<semaphore_mem>>) src(%dma_wait3A_293 : memref<64x128xf32, #tpu.memory_space<hbm>>) dst(%dma_wait3A_290 : memref<64x128xf32, #tpu.memory_space<vmem>>)
        %add3A_294 = arith.addi %mul3A_2, %scan3A_239 : i32
        %dma_start3A_295 = arith.constant 7 : i32
        %dma_start3A_296 = arith.constant 0 : i32
        %dma_start3A_297 = arith.constant 0 : i32
        %dma_start3A_298 = tpu.memref_slice %arg6[%dma_start3A_295, %dma_start3A_296, %dma_start3A_297] : memref<8x64x128xf32, #tpu.memory_space<vmem>> -> memref<1x64x128xf32, #tpu.memory_space<vmem>>
        %dma_start3A_299 = tpu.memref_squeeze %dma_start3A_298 : memref<1x64x128xf32, #tpu.memory_space<vmem>> -> memref<64x128xf32, #tpu.memory_space<vmem>>
        %dma_start3A_300 = arith.constant 0 : i32
        %dma_start3A_301 = arith.constant 0 : i32
        %dma_start3A_302 = tpu.memref_slice %arg4[%add3A_294, %dma_start3A_300, %dma_start3A_301] : memref<4096x64x128xf32, #tpu.memory_space<hbm>> -> memref<1x64x128xf32, #tpu.memory_space<hbm>>
        %dma_start3A_303 = tpu.memref_squeeze %dma_start3A_302 : memref<1x64x128xf32, #tpu.memory_space<hbm>> -> memref<64x128xf32, #tpu.memory_space<hbm>>
        %dma_start3A_304 = arith.constant 0 : i32
        %dma_start3A_305 = arith.constant 0 : i32
        %dma_start3A_306 = tpu.memref_slice %arg4[%add3A_294, %dma_start3A_304, %dma_start3A_305] : memref<4096x64x128xf32, #tpu.memory_space<hbm>> -> memref<1x64x128xf32, #tpu.memory_space<hbm>>
        %dma_start3A_307 = tpu.memref_squeeze %dma_start3A_306 : memref<1x64x128xf32, #tpu.memory_space<hbm>> -> memref<64x128xf32, #tpu.memory_space<hbm>>
        %dma_start3A_308 = arith.constant 0 : i32
        %dma_start3A_309 = arith.constant 0 : i32
        %dma_start3A_310 = tpu.memref_slice %arg6[%dma_start3A_295, %dma_start3A_308, %dma_start3A_309] : memref<8x64x128xf32, #tpu.memory_space<vmem>> -> memref<1x64x128xf32, #tpu.memory_space<vmem>>
        %dma_start3A_311 = tpu.memref_squeeze %dma_start3A_310 : memref<1x64x128xf32, #tpu.memory_space<vmem>> -> memref<64x128xf32, #tpu.memory_space<vmem>>
        tpu.enqueue_dma source(%dma_start3A_311 : memref<64x128xf32, #tpu.memory_space<vmem>>) target(%dma_start3A_307 : memref<64x128xf32, #tpu.memory_space<hbm>>) target_semaphore(%arg22 : memref<!tpu.dma_semaphore, #tpu.memory_space<semaphore_mem>>)
        %ge3A = arith.constant 4 : i32
        %ge3A_312 = arith.cmpi sge, %scan3A_239, %ge3A : i32
        %convert_element_type3A_313 = arith.extui %ge3A_312 : i1 to i32
        %cond3A_314 = arith.constant 0 : i32
        %cond3A_315 = arith.cmpi ne, %convert_element_type3A_313, %cond3A_314 : i32
        scf.if %cond3A_315 {
          %dma_wait3A_322 = arith.constant 3 : i32
          %dma_wait3A_323 = arith.constant 0 : i32
          %dma_wait3A_324 = arith.constant 0 : i32
          %dma_wait3A_325 = tpu.memref_slice %arg6[%dma_wait3A_322, %dma_wait3A_323, %dma_wait3A_324] : memref<8x64x128xf32, #tpu.memory_space<vmem>> -> memref<1x64x128xf32, #tpu.memory_space<vmem>>
          %dma_wait3A_326 = tpu.memref_squeeze %dma_wait3A_325 : memref<1x64x128xf32, #tpu.memory_space<vmem>> -> memref<64x128xf32, #tpu.memory_space<vmem>>
          %dma_wait3A_327 = arith.constant 0 : i32
          %dma_wait3A_328 = arith.constant 0 : i32
          %dma_wait3A_329 = tpu.memref_slice %arg4[%mul3A_2, %dma_wait3A_327, %dma_wait3A_328] : memref<4096x64x128xf32, #tpu.memory_space<hbm>> -> memref<1x64x128xf32, #tpu.memory_space<hbm>>
          %dma_wait3A_330 = tpu.memref_squeeze %dma_wait3A_329 : memref<1x64x128xf32, #tpu.memory_space<hbm>> -> memref<64x128xf32, #tpu.memory_space<hbm>>
          %dma_wait3A_331 = arith.constant 0 : i32
          %dma_wait3A_332 = arith.constant 0 : i32
          %dma_wait3A_333 = tpu.memref_slice %arg4[%mul3A_2, %dma_wait3A_331, %dma_wait3A_332] : memref<4096x64x128xf32, #tpu.memory_space<hbm>> -> memref<1x64x128xf32, #tpu.memory_space<hbm>>
          %dma_wait3A_334 = tpu.memref_squeeze %dma_wait3A_333 : memref<1x64x128xf32, #tpu.memory_space<hbm>> -> memref<64x128xf32, #tpu.memory_space<hbm>>
          %dma_wait3A_335 = arith.constant 0 : i32
          %dma_wait3A_336 = arith.constant 0 : i32
          %dma_wait3A_337 = tpu.memref_slice %arg6[%dma_wait3A_322, %dma_wait3A_335, %dma_wait3A_336] : memref<8x64x128xf32, #tpu.memory_space<vmem>> -> memref<1x64x128xf32, #tpu.memory_space<vmem>>
          %dma_wait3A_338 = tpu.memref_squeeze %dma_wait3A_337 : memref<1x64x128xf32, #tpu.memory_space<vmem>> -> memref<64x128xf32, #tpu.memory_space<vmem>>
          tpu.wait_dma2 semaphore(%arg18 : memref<!tpu.dma_semaphore, #tpu.memory_space<semaphore_mem>>) src(%dma_wait3A_338 : memref<64x128xf32, #tpu.memory_space<vmem>>) dst(%dma_wait3A_334 : memref<64x128xf32, #tpu.memory_space<hbm>>)
        } else {
        }
        %add3A_316 = arith.constant 4 : i32
        %add3A_317 = arith.addi %scan3A_239, %add3A_316 : i32
        %lt3A = arith.constant 128 : i32
        %lt3A_318 = arith.cmpi slt, %add3A_317, %lt3A : i32
        %convert_element_type3A_319 = arith.extui %lt3A_318 : i1 to i32
        %cond3A_320 = arith.constant 0 : i32
        %cond3A_321 = arith.cmpi ne, %convert_element_type3A_319, %cond3A_320 : i32
        scf.if %cond3A_321 {
          %add3A_322 = arith.constant 4 : i32
          %add3A_323 = arith.addi %scan3A_239, %add3A_322 : i32
          %get3A_324 = arith.index_cast %add3A_323 : i32 to index
          %get3A_325 = tpu.vector_load %arg5[%get3A_324] {strides = array<i32>} : memref<144xi32, #tpu.memory_space<vmem>>, vector<16xi32>,
          %get3A_326 = vector.shape_cast %get3A_325 : vector<16xi32> to vector<16xi32>
          %slice3A_327 = vector.extract_strided_slice %get3A_326 {offsets = [0], sizes = [1], strides = [1]} : vector<16xi32> to vector<1xi32>
          %squeeze3A_328 = vector.extract %slice3A_327[0] : i32 from vector<1xi32>
          %jit3A_329 = arith.constant 128 : i32
          %div3A_330 = arith.divsi %squeeze3A_328, %jit3A_329 : i32
          %sign3A_331 = arith.constant 0 : i32
          %sign3A_332 = arith.cmpi sgt, %squeeze3A_328, %sign3A_331 : i32
          %sign3A_333 = arith.extui %sign3A_332 : i1 to i32
          %sign3A_334 = arith.constant 0 : i32
          %sign3A_335 = arith.cmpi slt, %squeeze3A_328, %sign3A_334 : i32
          %sign3A_336 = arith.extui %sign3A_335 : i1 to i32
          %sign3A_337 = arith.subi %sign3A_333, %sign3A_336 : i32
          %sign3A_338 = arith.constant 0 : i32
          %sign3A_339 = arith.cmpi sgt, %jit3A_329, %sign3A_338 : i32
          %sign3A_340 = arith.extui %sign3A_339 : i1 to i32
          %sign3A_341 = arith.constant 0 : i32
          %sign3A_342 = arith.cmpi slt, %jit3A_329, %sign3A_341 : i32
          %sign3A_343 = arith.extui %sign3A_342 : i1 to i32
          %sign3A_344 = arith.subi %sign3A_340, %sign3A_343 : i32
          %ne3A_345 = arith.cmpi ne, %sign3A_337, %sign3A_344 : i32
          %rem3A_346 = arith.remsi %squeeze3A_328, %jit3A_329 : i32
          %ne3A_347 = arith.constant 0 : i32
          %ne3A_348 = arith.cmpi ne, %rem3A_346, %ne3A_347 : i32
          %and3A_349 = arith.andi %ne3A_345, %ne3A_348 : i1
          %sub3A_350 = arith.constant 1 : i32
          %sub3A_351 = arith.subi %div3A_330, %sub3A_350 : i32
          %select_n3A_352 = arith.select %and3A_349, %sub3A_351, %div3A_330 : i32
          %mul3A_353 = arith.constant 128 : i32
          %mul3A_354 = arith.muli %select_n3A_352, %mul3A_353 : i32
          %dma_start3A_355 = arith.constant 3 : i32
          %dma_start3A_356 = arith.constant 0 : i32
          %dma_start3A_357 = arith.constant 0 : i32
          %dma_start3A_358 = tpu.memref_slice %arg6[%dma_start3A_355, %dma_start3A_356, %dma_start3A_357] : memref<8x64x128xf32, #tpu.memory_space<vmem>> -> memref<1x64x128xf32, #tpu.memory_space<vmem>>
          %dma_start3A_359 = tpu.memref_squeeze %dma_start3A_358 : memref<1x64x128xf32, #tpu.memory_space<vmem>> -> memref<64x128xf32, #tpu.memory_space<vmem>>
          %dma_start3A_360 = arith.constant 0 : i32
          %dma_start3A_361 = tpu.memref_slice %arg3[%dma_start3A_360, %mul3A_354] : memref<64x1000000xf32, #tpu.memory_space<hbm>> -> memref<64x128xf32, #tpu.memory_space<hbm>>
          %dma_start3A_362 = arith.constant 0 : i32
          %dma_start3A_363 = arith.constant 0 : i32
          %dma_start3A_364 = tpu.memref_slice %arg6[%dma_start3A_355, %dma_start3A_362, %dma_start3A_363] : memref<8x64x128xf32, #tpu.memory_space<vmem>> -> memref<1x64x128xf32, #tpu.memory_space<vmem>>
          %dma_start3A_365 = tpu.memref_squeeze %dma_start3A_364 : memref<1x64x128xf32, #tpu.memory_space<vmem>> -> memref<64x128xf32, #tpu.memory_space<vmem>>
          %dma_start3A_366 = arith.constant 0 : i32
          %dma_start3A_367 = tpu.memref_slice %arg3[%dma_start3A_366, %mul3A_354] : memref<64x1000000xf32, #tpu.memory_space<hbm>> -> memref<64x128xf32, #tpu.memory_space<hbm>>
          tpu.enqueue_dma source(%dma_start3A_367 : memref<64x128xf32, #tpu.memory_space<hbm>>) target(%dma_start3A_365 : memref<64x128xf32, #tpu.memory_space<vmem>>) target_semaphore(%arg10 : memref<!tpu.dma_semaphore, #tpu.memory_space<semaphore_mem>>)
        } else {
        }
      } else {
      }
    }
    %scan3A_171 = arith.constant 128 : i32
    %dma_wait3A = arith.constant 4 : i32
    %dma_wait3A_172 = arith.constant 0 : i32
    %dma_wait3A_173 = arith.constant 0 : i32
    %dma_wait3A_174 = tpu.memref_slice %arg6[%dma_wait3A, %dma_wait3A_172, %dma_wait3A_173] : memref<8x64x128xf32, #tpu.memory_space<vmem>> -> memref<1x64x128xf32, #tpu.memory_space<vmem>>
    %dma_wait3A_175 = tpu.memref_squeeze %dma_wait3A_174 : memref<1x64x128xf32, #tpu.memory_space<vmem>> -> memref<64x128xf32, #tpu.memory_space<vmem>>
    %dma_wait3A_176 = arith.constant 0 : i32
    %dma_wait3A_177 = arith.constant 0 : i32
    %dma_wait3A_178 = tpu.memref_slice %arg4[%mul3A_2, %dma_wait3A_176, %dma_wait3A_177] : memref<4096x64x128xf32, #tpu.memory_space<hbm>> -> memref<1x64x128xf32, #tpu.memory_space<hbm>>
    %dma_wait3A_179 = tpu.memref_squeeze %dma_wait3A_178 : memref<1x64x128xf32, #tpu.memory_space<hbm>> -> memref<64x128xf32, #tpu.memory_space<hbm>>
    %dma_wait3A_180 = arith.constant 0 : i32
    %dma_wait3A_181 = arith.constant 0 : i32
    %dma_wait3A_182 = tpu.memref_slice %arg4[%mul3A_2, %dma_wait3A_180, %dma_wait3A_181] : memref<4096x64x128xf32, #tpu.memory_space<hbm>> -> memref<1x64x128xf32, #tpu.memory_space<hbm>>
    %dma_wait3A_183 = tpu.memref_squeeze %dma_wait3A_182 : memref<1x64x128xf32, #tpu.memory_space<hbm>> -> memref<64x128xf32, #tpu.memory_space<hbm>>
    %dma_wait3A_184 = arith.constant 0 : i32
    %dma_wait3A_185 = arith.constant 0 : i32
    %dma_wait3A_186 = tpu.memref_slice %arg6[%dma_wait3A, %dma_wait3A_184, %dma_wait3A_185] : memref<8x64x128xf32, #tpu.memory_space<vmem>> -> memref<1x64x128xf32, #tpu.memory_space<vmem>>
    %dma_wait3A_187 = tpu.memref_squeeze %dma_wait3A_186 : memref<1x64x128xf32, #tpu.memory_space<vmem>> -> memref<64x128xf32, #tpu.memory_space<vmem>>
    tpu.wait_dma2 semaphore(%arg19 : memref<!tpu.dma_semaphore, #tpu.memory_space<semaphore_mem>>) src(%dma_wait3A_187 : memref<64x128xf32, #tpu.memory_space<vmem>>) dst(%dma_wait3A_183 : memref<64x128xf32, #tpu.memory_space<hbm>>)
    %dma_wait3A_188 = arith.constant 5 : i32
    %dma_wait3A_189 = arith.constant 0 : i32
    %dma_wait3A_190 = arith.constant 0 : i32
    %dma_wait3A_191 = tpu.memref_slice %arg6[%dma_wait3A_188, %dma_wait3A_189, %dma_wait3A_190] : memref<8x64x128xf32, #tpu.memory_space<vmem>> -> memref<1x64x128xf32, #tpu.memory_space<vmem>>
    %dma_wait3A_192 = tpu.memref_squeeze %dma_wait3A_191 : memref<1x64x128xf32, #tpu.memory_space<vmem>> -> memref<64x128xf32, #tpu.memory_space<vmem>>
    %dma_wait3A_193 = arith.constant 0 : i32
    %dma_wait3A_194 = arith.constant 0 : i32
    %dma_wait3A_195 = tpu.memref_slice %arg4[%mul3A_2, %dma_wait3A_193, %dma_wait3A_194] : memref<4096x64x128xf32, #tpu.memory_space<hbm>> -> memref<1x64x128xf32, #tpu.memory_space<hbm>>
    %dma_wait3A_196 = tpu.memref_squeeze %dma_wait3A_195 : memref<1x64x128xf32, #tpu.memory_space<hbm>> -> memref<64x128xf32, #tpu.memory_space<hbm>>
    %dma_wait3A_197 = arith.constant 0 : i32
    %dma_wait3A_198 = arith.constant 0 : i32
    %dma_wait3A_199 = tpu.memref_slice %arg4[%mul3A_2, %dma_wait3A_197, %dma_wait3A_198] : memref<4096x64x128xf32, #tpu.memory_space<hbm>> -> memref<1x64x128xf32, #tpu.memory_space<hbm>>
    %dma_wait3A_200 = tpu.memref_squeeze %dma_wait3A_199 : memref<1x64x128xf32, #tpu.memory_space<hbm>> -> memref<64x128xf32, #tpu.memory_space<hbm>>
    %dma_wait3A_201 = arith.constant 0 : i32
    %dma_wait3A_202 = arith.constant 0 : i32
    %dma_wait3A_203 = tpu.memref_slice %arg6[%dma_wait3A_188, %dma_wait3A_201, %dma_wait3A_202] : memref<8x64x128xf32, #tpu.memory_space<vmem>> -> memref<1x64x128xf32, #tpu.memory_space<vmem>>
    %dma_wait3A_204 = tpu.memref_squeeze %dma_wait3A_203 : memref<1x64x128xf32, #tpu.memory_space<vmem>> -> memref<64x128xf32, #tpu.memory_space<vmem>>
    tpu.wait_dma2 semaphore(%arg20 : memref<!tpu.dma_semaphore, #tpu.memory_space<semaphore_mem>>) src(%dma_wait3A_204 : memref<64x128xf32, #tpu.memory_space<vmem>>) dst(%dma_wait3A_200 : memref<64x128xf32, #tpu.memory_space<hbm>>)
    %dma_wait3A_205 = arith.constant 6 : i32
    %dma_wait3A_206 = arith.constant 0 : i32
    %dma_wait3A_207 = arith.constant 0 : i32
    %dma_wait3A_208 = tpu.memref_slice %arg6[%dma_wait3A_205, %dma_wait3A_206, %dma_wait3A_207] : memref<8x64x128xf32, #tpu.memory_space<vmem>> -> memref<1x64x128xf32, #tpu.memory_space<vmem>>
    %dma_wait3A_209 = tpu.memref_squeeze %dma_wait3A_208 : memref<1x64x128xf32, #tpu.memory_space<vmem>> -> memref<64x128xf32, #tpu.memory_space<vmem>>
    %dma_wait3A_210 = arith.constant 0 : i32
    %dma_wait3A_211 = arith.constant 0 : i32
    %dma_wait3A_212 = tpu.memref_slice %arg4[%mul3A_2, %dma_wait3A_210, %dma_wait3A_211] : memref<4096x64x128xf32, #tpu.memory_space<hbm>> -> memref<1x64x128xf32, #tpu.memory_space<hbm>>
    %dma_wait3A_213 = tpu.memref_squeeze %dma_wait3A_212 : memref<1x64x128xf32, #tpu.memory_space<hbm>> -> memref<64x128xf32, #tpu.memory_space<hbm>>
    %dma_wait3A_214 = arith.constant 0 : i32
    %dma_wait3A_215 = arith.constant 0 : i32
    %dma_wait3A_216 = tpu.memref_slice %arg4[%mul3A_2, %dma_wait3A_214, %dma_wait3A_215] : memref<4096x64x128xf32, #tpu.memory_space<hbm>> -> memref<1x64x128xf32, #tpu.memory_space<hbm>>
    %dma_wait3A_217 = tpu.memref_squeeze %dma_wait3A_216 : memref<1x64x128xf32, #tpu.memory_space<hbm>> -> memref<64x128xf32, #tpu.memory_space<hbm>>
    %dma_wait3A_218 = arith.constant 0 : i32
    %dma_wait3A_219 = arith.constant 0 : i32
    %dma_wait3A_220 = tpu.memref_slice %arg6[%dma_wait3A_205, %dma_wait3A_218, %dma_wait3A_219] : memref<8x64x128xf32, #tpu.memory_space<vmem>> -> memref<1x64x128xf32, #tpu.memory_space<vmem>>
    %dma_wait3A_221 = tpu.memref_squeeze %dma_wait3A_220 : memref<1x64x128xf32, #tpu.memory_space<vmem>> -> memref<64x128xf32, #tpu.memory_space<vmem>>
    tpu.wait_dma2 semaphore(%arg21 : memref<!tpu.dma_semaphore, #tpu.memory_space<semaphore_mem>>) src(%dma_wait3A_221 : memref<64x128xf32, #tpu.memory_space<vmem>>) dst(%dma_wait3A_217 : memref<64x128xf32, #tpu.memory_space<hbm>>)
    %dma_wait3A_222 = arith.constant 7 : i32
    %dma_wait3A_223 = arith.constant 0 : i32
    %dma_wait3A_224 = arith.constant 0 : i32
    %dma_wait3A_225 = tpu.memref_slice %arg6[%dma_wait3A_222, %dma_wait3A_223, %dma_wait3A_224] : memref<8x64x128xf32, #tpu.memory_space<vmem>> -> memref<1x64x128xf32, #tpu.memory_space<vmem>>
    %dma_wait3A_226 = tpu.memref_squeeze %dma_wait3A_225 : memref<1x64x128xf32, #tpu.memory_space<vmem>> -> memref<64x128xf32, #tpu.memory_space<vmem>>
    %dma_wait3A_227 = arith.constant 0 : i32
    %dma_wait3A_228 = arith.constant 0 : i32
    %dma_wait3A_229 = tpu.memref_slice %arg4[%mul3A_2, %dma_wait3A_227, %dma_wait3A_228] : memref<4096x64x128xf32, #tpu.memory_space<hbm>> -> memref<1x64x128xf32, #tpu.memory_space<hbm>>
    %dma_wait3A_230 = tpu.memref_squeeze %dma_wait3A_229 : memref<1x64x128xf32, #tpu.memory_space<hbm>> -> memref<64x128xf32, #tpu.memory_space<hbm>>
    %dma_wait3A_231 = arith.constant 0 : i32
    %dma_wait3A_232 = arith.constant 0 : i32
    %dma_wait3A_233 = tpu.memref_slice %arg4[%mul3A_2, %dma_wait3A_231, %dma_wait3A_232] : memref<4096x64x128xf32, #tpu.memory_space<hbm>> -> memref<1x64x128xf32, #tpu.memory_space<hbm>>
    %dma_wait3A_234 = tpu.memref_squeeze %dma_wait3A_233 : memref<1x64x128xf32, #tpu.memory_space<hbm>> -> memref<64x128xf32, #tpu.memory_space<hbm>>
    %dma_wait3A_235 = arith.constant 0 : i32
    %dma_wait3A_236 = arith.constant 0 : i32
    %dma_wait3A_237 = tpu.memref_slice %arg6[%dma_wait3A_222, %dma_wait3A_235, %dma_wait3A_236] : memref<8x64x128xf32, #tpu.memory_space<vmem>> -> memref<1x64x128xf32, #tpu.memory_space<vmem>>
    %dma_wait3A_238 = tpu.memref_squeeze %dma_wait3A_237 : memref<1x64x128xf32, #tpu.memory_space<vmem>> -> memref<64x128xf32, #tpu.memory_space<vmem>>
    tpu.wait_dma2 semaphore(%arg22 : memref<!tpu.dma_semaphore, #tpu.memory_space<semaphore_mem>>) src(%dma_wait3A_238 : memref<64x128xf32, #tpu.memory_space<vmem>>) dst(%dma_wait3A_234 : memref<64x128xf32, #tpu.memory_space<hbm>>)
    return
  }
}

#map = affine_map<(d0, d1) -> (0)>
#map1 = affine_map<(d0, d1) -> (0, 0)>
#map2 = affine_map<(d0, d1) -> (0, 0, 0)>
module attributes {stable_mosaic.version = 14 : i64} {
  func.func @emb(%arg0: i32, %arg1: i32, %arg2: memref<4096xi32, #tpu.memory_space<hbm>>, %arg3: memref<4096xi32, #tpu.memory_space<hbm>>, %arg4: memref<4096x50xi32, #tpu.memory_space<hbm>>, %arg5: memref<33554432xf32, #tpu.memory_space<hbm>>, %arg6: memref<1001472x64xf32, #tpu.memory_space<hbm>>, %arg7: memref<100352x64xf32, #tpu.memory_space<hbm>>, %arg8: memref<4096x50x64xf32, #tpu.memory_space<hbm>>, %arg9: memref<144xi32, #tpu.memory_space<vmem>>, %arg10: memref<128xi32, #tpu.memory_space<vmem>>, %arg11: memref<128x50xi32, #tpu.memory_space<vmem>>, %arg12: memref<64x128xi32, #tpu.memory_space<vmem>>, %arg13: memref<8192xf32, #tpu.memory_space<vmem>>, %arg14: memref<128x64xf32, #tpu.memory_space<vmem>>, %arg15: memref<8x50x64xf32, #tpu.memory_space<vmem>>, %arg16: memref<8x50x64xf32, #tpu.memory_space<vmem>>, %arg17: memref<!tpu.dma_semaphore, #tpu.memory_space<semaphore_mem>>, %arg18: memref<!tpu.dma_semaphore, #tpu.memory_space<semaphore_mem>>, %arg19: memref<!tpu.dma_semaphore, #tpu.memory_space<semaphore_mem>>, %arg20: memref<!tpu.dma_semaphore, #tpu.memory_space<semaphore_mem>>, %arg21: memref<!tpu.dma_semaphore, #tpu.memory_space<semaphore_mem>>, %arg22: memref<!tpu.dma_semaphore, #tpu.memory_space<semaphore_mem>>, %arg23: memref<!tpu.dma_semaphore, #tpu.memory_space<semaphore_mem>>, %arg24: memref<!tpu.dma_semaphore, #tpu.memory_space<semaphore_mem>>, %arg25: memref<!tpu.dma_semaphore, #tpu.memory_space<semaphore_mem>>, %arg26: memref<!tpu.dma_semaphore, #tpu.memory_space<semaphore_mem>>, %arg27: memref<!tpu.dma_semaphore, #tpu.memory_space<semaphore_mem>>, %arg28: memref<!tpu.dma_semaphore, #tpu.memory_space<semaphore_mem>>, %arg29: memref<!tpu.dma_semaphore, #tpu.memory_space<semaphore_mem>>, %arg30: memref<!tpu.dma_semaphore, #tpu.memory_space<semaphore_mem>>, %arg31: memref<!tpu.dma_semaphore, #tpu.memory_space<semaphore_mem>>, %arg32: memref<!tpu.dma_semaphore, #tpu.memory_space<semaphore_mem>>, %arg33: memref<!tpu.dma_semaphore, #tpu.memory_space<semaphore_mem>>, %arg34: memref<!tpu.dma_semaphore, #tpu.memory_space<semaphore_mem>>) attributes {dimension_semantics = [#tpu.dimension_semantics<core_parallel>, #tpu.dimension_semantics<subcore_parallel>], iteration_bounds = array<i64: 2, 16>, scalar_prefetch = 0 : i64, scratch_operands = 26 : i64, tpu.core_type = #tpu.core_type<sc_vector_subcore>, window_params = [{transform_indices = #map}, {transform_indices = #map}, {transform_indices = #map1}, {transform_indices = #map}, {transform_indices = #map1}, {transform_indices = #map1}, {transform_indices = #map2}]} {
    %mul3A = arith.constant 2 : i32
    %mul3A_0 = arith.muli %arg1, %mul3A : i32
    %add3A = arith.addi %mul3A_0, %arg0 : i32
    %mul3A_1 = arith.constant 128 : i32
    %mul3A_2 = arith.muli %add3A, %mul3A_1 : i32
    "tpu.region"() ({
      %run_scoped3A = tpu.sem_alloc : memref<!tpu.dma_semaphore, #tpu.memory_space<semaphore_mem>>
      %dma_start3A_284 = arith.constant 0 : i32
      %dma_start3A_285 = tpu.memref_slice %arg9[%dma_start3A_284] : memref<144xi32, #tpu.memory_space<vmem>> -> memref<128xi32, #tpu.memory_space<vmem>>
      %dma_start3A_286 = tpu.memref_slice %arg2[%mul3A_2] : memref<4096xi32, #tpu.memory_space<hbm>> -> memref<128xi32, #tpu.memory_space<hbm>>
      %dma_start3A_287 = arith.constant 0 : i32
      %dma_start3A_288 = tpu.memref_slice %arg9[%dma_start3A_287] : memref<144xi32, #tpu.memory_space<vmem>> -> memref<128xi32, #tpu.memory_space<vmem>>
      %dma_start3A_289 = tpu.memref_slice %arg2[%mul3A_2] : memref<4096xi32, #tpu.memory_space<hbm>> -> memref<128xi32, #tpu.memory_space<hbm>>
      tpu.enqueue_dma source(%dma_start3A_289 : memref<128xi32, #tpu.memory_space<hbm>>) target(%dma_start3A_288 : memref<128xi32, #tpu.memory_space<vmem>>) target_semaphore(%run_scoped3A : memref<!tpu.dma_semaphore, #tpu.memory_space<semaphore_mem>>)
      %dma_wait3A_290 = arith.constant 0 : i32
      %dma_wait3A_291 = tpu.memref_slice %arg9[%dma_wait3A_290] : memref<144xi32, #tpu.memory_space<vmem>> -> memref<128xi32, #tpu.memory_space<vmem>>
      %dma_wait3A_292 = tpu.memref_slice %arg2[%mul3A_2] : memref<4096xi32, #tpu.memory_space<hbm>> -> memref<128xi32, #tpu.memory_space<hbm>>
      %dma_wait3A_293 = arith.constant 0 : i32
      %dma_wait3A_294 = tpu.memref_slice %arg9[%dma_wait3A_293] : memref<144xi32, #tpu.memory_space<vmem>> -> memref<128xi32, #tpu.memory_space<vmem>>
      %dma_wait3A_295 = tpu.memref_slice %arg2[%mul3A_2] : memref<4096xi32, #tpu.memory_space<hbm>> -> memref<128xi32, #tpu.memory_space<hbm>>
      tpu.wait_dma2 semaphore(%run_scoped3A : memref<!tpu.dma_semaphore, #tpu.memory_space<semaphore_mem>>) src(%dma_wait3A_295 : memref<128xi32, #tpu.memory_space<hbm>>) dst(%dma_wait3A_294 : memref<128xi32, #tpu.memory_space<vmem>>)
      tpu.yield
    }) : () -> ()
    "tpu.region"() ({
      %run_scoped3A = tpu.sem_alloc : memref<!tpu.dma_semaphore, #tpu.memory_space<semaphore_mem>>
      %dma_start3A_284 = tpu.memref_slice %arg3[%mul3A_2] : memref<4096xi32, #tpu.memory_space<hbm>> -> memref<128xi32, #tpu.memory_space<hbm>>
      %dma_start3A_285 = tpu.memref_slice %arg3[%mul3A_2] : memref<4096xi32, #tpu.memory_space<hbm>> -> memref<128xi32, #tpu.memory_space<hbm>>
      tpu.enqueue_dma source(%dma_start3A_285 : memref<128xi32, #tpu.memory_space<hbm>>) target(%arg10 : memref<128xi32, #tpu.memory_space<vmem>>) target_semaphore(%run_scoped3A : memref<!tpu.dma_semaphore, #tpu.memory_space<semaphore_mem>>)
      %dma_wait3A_286 = tpu.memref_slice %arg3[%mul3A_2] : memref<4096xi32, #tpu.memory_space<hbm>> -> memref<128xi32, #tpu.memory_space<hbm>>
      %dma_wait3A_287 = tpu.memref_slice %arg3[%mul3A_2] : memref<4096xi32, #tpu.memory_space<hbm>> -> memref<128xi32, #tpu.memory_space<hbm>>
      tpu.wait_dma2 semaphore(%run_scoped3A : memref<!tpu.dma_semaphore, #tpu.memory_space<semaphore_mem>>) src(%dma_wait3A_287 : memref<128xi32, #tpu.memory_space<hbm>>) dst(%arg10 : memref<128xi32, #tpu.memory_space<vmem>>)
      tpu.yield
    }) : () -> ()
    "tpu.region"() ({
      %run_scoped3A = tpu.sem_alloc : memref<!tpu.dma_semaphore, #tpu.memory_space<semaphore_mem>>
      %dma_start3A_284 = arith.constant 0 : i32
      %dma_start3A_285 = tpu.memref_slice %arg4[%mul3A_2, %dma_start3A_284] : memref<4096x50xi32, #tpu.memory_space<hbm>> -> memref<128x50xi32, #tpu.memory_space<hbm>>
      %dma_start3A_286 = arith.constant 0 : i32
      %dma_start3A_287 = tpu.memref_slice %arg4[%mul3A_2, %dma_start3A_286] : memref<4096x50xi32, #tpu.memory_space<hbm>> -> memref<128x50xi32, #tpu.memory_space<hbm>>
      tpu.enqueue_dma source(%dma_start3A_287 : memref<128x50xi32, #tpu.memory_space<hbm>>) target(%arg11 : memref<128x50xi32, #tpu.memory_space<vmem>>) target_semaphore(%run_scoped3A : memref<!tpu.dma_semaphore, #tpu.memory_space<semaphore_mem>>)
      %dma_wait3A_288 = arith.constant 0 : i32
      %dma_wait3A_289 = tpu.memref_slice %arg4[%mul3A_2, %dma_wait3A_288] : memref<4096x50xi32, #tpu.memory_space<hbm>> -> memref<128x50xi32, #tpu.memory_space<hbm>>
      %dma_wait3A_290 = arith.constant 0 : i32
      %dma_wait3A_291 = tpu.memref_slice %arg4[%mul3A_2, %dma_wait3A_290] : memref<4096x50xi32, #tpu.memory_space<hbm>> -> memref<128x50xi32, #tpu.memory_space<hbm>>
      tpu.wait_dma2 semaphore(%run_scoped3A : memref<!tpu.dma_semaphore, #tpu.memory_space<semaphore_mem>>) src(%dma_wait3A_291 : memref<128x50xi32, #tpu.memory_space<hbm>>) dst(%arg11 : memref<128x50xi32, #tpu.memory_space<vmem>>)
      tpu.yield
    }) : () -> ()
    %dma_start3A = arith.constant 0 : i32
    %dma_start3A_3 = arith.constant 0 : i32
    %dma_start3A_4 = arith.constant 0 : i32
    %dma_start3A_5 = arith.constant 0 : i32
    %dma_start3A_6 = tpu.memref_slice %arg15[%dma_start3A_3, %dma_start3A_4, %dma_start3A_5] : memref<8x50x64xf32, #tpu.memory_space<vmem>> -> memref<1x50x64xf32, #tpu.memory_space<vmem>>
    %dma_start3A_7 = tpu.memref_squeeze %dma_start3A_6 : memref<1x50x64xf32, #tpu.memory_space<vmem>> -> memref<50x64xf32, #tpu.memory_space<vmem>>
    %dma_start3A_8 = arith.constant 0 : i32
    %dma_start3A_9 = tpu.memref_slice %arg11[%dma_start3A, %dma_start3A_8] : memref<128x50xi32, #tpu.memory_space<vmem>> -> memref<1x50xi32, #tpu.memory_space<vmem>>
    %dma_start3A_10 = tpu.memref_squeeze %dma_start3A_9 : memref<1x50xi32, #tpu.memory_space<vmem>> -> memref<50xi32, #tpu.memory_space<vmem>>
    %dma_start3A_11 = arith.constant 0 : i32
    %dma_start3A_12 = arith.constant 0 : i32
    %dma_start3A_13 = tpu.memref_slice %arg6[%dma_start3A_11, %dma_start3A_12] : memref<1001472x64xf32, #tpu.memory_space<hbm>> -> memref<1001472x64xf32, #tpu.memory_space<hbm>>
    tpu.enqueue_indirect_dma source(%dma_start3A_13 : memref<1001472x64xf32, #tpu.memory_space<hbm>>) target(%dma_start3A_7 : memref<50x64xf32, #tpu.memory_space<vmem>>) offsets(%dma_start3A_10 : memref<50xi32, #tpu.memory_space<vmem>>) semaphore(%arg19 : memref<!tpu.dma_semaphore, #tpu.memory_space<semaphore_mem>>)
    %dma_start3A_14 = arith.constant 1 : i32
    %dma_start3A_15 = arith.constant 1 : i32
    %dma_start3A_16 = arith.constant 0 : i32
    %dma_start3A_17 = arith.constant 0 : i32
    %dma_start3A_18 = tpu.memref_slice %arg15[%dma_start3A_15, %dma_start3A_16, %dma_start3A_17] : memref<8x50x64xf32, #tpu.memory_space<vmem>> -> memref<1x50x64xf32, #tpu.memory_space<vmem>>
    %dma_start3A_19 = tpu.memref_squeeze %dma_start3A_18 : memref<1x50x64xf32, #tpu.memory_space<vmem>> -> memref<50x64xf32, #tpu.memory_space<vmem>>
    %dma_start3A_20 = arith.constant 0 : i32
    %dma_start3A_21 = tpu.memref_slice %arg11[%dma_start3A_14, %dma_start3A_20] : memref<128x50xi32, #tpu.memory_space<vmem>> -> memref<1x50xi32, #tpu.memory_space<vmem>>
    %dma_start3A_22 = tpu.memref_squeeze %dma_start3A_21 : memref<1x50xi32, #tpu.memory_space<vmem>> -> memref<50xi32, #tpu.memory_space<vmem>>
    %dma_start3A_23 = arith.constant 0 : i32
    %dma_start3A_24 = arith.constant 0 : i32
    %dma_start3A_25 = tpu.memref_slice %arg6[%dma_start3A_23, %dma_start3A_24] : memref<1001472x64xf32, #tpu.memory_space<hbm>> -> memref<1001472x64xf32, #tpu.memory_space<hbm>>
    tpu.enqueue_indirect_dma source(%dma_start3A_25 : memref<1001472x64xf32, #tpu.memory_space<hbm>>) target(%dma_start3A_19 : memref<50x64xf32, #tpu.memory_space<vmem>>) offsets(%dma_start3A_22 : memref<50xi32, #tpu.memory_space<vmem>>) semaphore(%arg20 : memref<!tpu.dma_semaphore, #tpu.memory_space<semaphore_mem>>)
    %dma_start3A_26 = arith.constant 2 : i32
    %dma_start3A_27 = arith.constant 2 : i32
    %dma_start3A_28 = arith.constant 0 : i32
    %dma_start3A_29 = arith.constant 0 : i32
    %dma_start3A_30 = tpu.memref_slice %arg15[%dma_start3A_27, %dma_start3A_28, %dma_start3A_29] : memref<8x50x64xf32, #tpu.memory_space<vmem>> -> memref<1x50x64xf32, #tpu.memory_space<vmem>>
    %dma_start3A_31 = tpu.memref_squeeze %dma_start3A_30 : memref<1x50x64xf32, #tpu.memory_space<vmem>> -> memref<50x64xf32, #tpu.memory_space<vmem>>
    %dma_start3A_32 = arith.constant 0 : i32
    %dma_start3A_33 = tpu.memref_slice %arg11[%dma_start3A_26, %dma_start3A_32] : memref<128x50xi32, #tpu.memory_space<vmem>> -> memref<1x50xi32, #tpu.memory_space<vmem>>
    %dma_start3A_34 = tpu.memref_squeeze %dma_start3A_33 : memref<1x50xi32, #tpu.memory_space<vmem>> -> memref<50xi32, #tpu.memory_space<vmem>>
    %dma_start3A_35 = arith.constant 0 : i32
    %dma_start3A_36 = arith.constant 0 : i32
    %dma_start3A_37 = tpu.memref_slice %arg6[%dma_start3A_35, %dma_start3A_36] : memref<1001472x64xf32, #tpu.memory_space<hbm>> -> memref<1001472x64xf32, #tpu.memory_space<hbm>>
    tpu.enqueue_indirect_dma source(%dma_start3A_37 : memref<1001472x64xf32, #tpu.memory_space<hbm>>) target(%dma_start3A_31 : memref<50x64xf32, #tpu.memory_space<vmem>>) offsets(%dma_start3A_34 : memref<50xi32, #tpu.memory_space<vmem>>) semaphore(%arg21 : memref<!tpu.dma_semaphore, #tpu.memory_space<semaphore_mem>>)
    %dma_start3A_38 = arith.constant 3 : i32
    %dma_start3A_39 = arith.constant 3 : i32
    %dma_start3A_40 = arith.constant 0 : i32
    %dma_start3A_41 = arith.constant 0 : i32
    %dma_start3A_42 = tpu.memref_slice %arg15[%dma_start3A_39, %dma_start3A_40, %dma_start3A_41] : memref<8x50x64xf32, #tpu.memory_space<vmem>> -> memref<1x50x64xf32, #tpu.memory_space<vmem>>
    %dma_start3A_43 = tpu.memref_squeeze %dma_start3A_42 : memref<1x50x64xf32, #tpu.memory_space<vmem>> -> memref<50x64xf32, #tpu.memory_space<vmem>>
    %dma_start3A_44 = arith.constant 0 : i32
    %dma_start3A_45 = tpu.memref_slice %arg11[%dma_start3A_38, %dma_start3A_44] : memref<128x50xi32, #tpu.memory_space<vmem>> -> memref<1x50xi32, #tpu.memory_space<vmem>>
    %dma_start3A_46 = tpu.memref_squeeze %dma_start3A_45 : memref<1x50xi32, #tpu.memory_space<vmem>> -> memref<50xi32, #tpu.memory_space<vmem>>
    %dma_start3A_47 = arith.constant 0 : i32
    %dma_start3A_48 = arith.constant 0 : i32
    %dma_start3A_49 = tpu.memref_slice %arg6[%dma_start3A_47, %dma_start3A_48] : memref<1001472x64xf32, #tpu.memory_space<hbm>> -> memref<1001472x64xf32, #tpu.memory_space<hbm>>
    tpu.enqueue_indirect_dma source(%dma_start3A_49 : memref<1001472x64xf32, #tpu.memory_space<hbm>>) target(%dma_start3A_43 : memref<50x64xf32, #tpu.memory_space<vmem>>) offsets(%dma_start3A_46 : memref<50xi32, #tpu.memory_space<vmem>>) semaphore(%arg22 : memref<!tpu.dma_semaphore, #tpu.memory_space<semaphore_mem>>)
    %dma_start3A_50 = arith.constant 4 : i32
    %dma_start3A_51 = arith.constant 4 : i32
    %dma_start3A_52 = arith.constant 0 : i32
    %dma_start3A_53 = arith.constant 0 : i32
    %dma_start3A_54 = tpu.memref_slice %arg15[%dma_start3A_51, %dma_start3A_52, %dma_start3A_53] : memref<8x50x64xf32, #tpu.memory_space<vmem>> -> memref<1x50x64xf32, #tpu.memory_space<vmem>>
    %dma_start3A_55 = tpu.memref_squeeze %dma_start3A_54 : memref<1x50x64xf32, #tpu.memory_space<vmem>> -> memref<50x64xf32, #tpu.memory_space<vmem>>
    %dma_start3A_56 = arith.constant 0 : i32
    %dma_start3A_57 = tpu.memref_slice %arg11[%dma_start3A_50, %dma_start3A_56] : memref<128x50xi32, #tpu.memory_space<vmem>> -> memref<1x50xi32, #tpu.memory_space<vmem>>
    %dma_start3A_58 = tpu.memref_squeeze %dma_start3A_57 : memref<1x50xi32, #tpu.memory_space<vmem>> -> memref<50xi32, #tpu.memory_space<vmem>>
    %dma_start3A_59 = arith.constant 0 : i32
    %dma_start3A_60 = arith.constant 0 : i32
    %dma_start3A_61 = tpu.memref_slice %arg6[%dma_start3A_59, %dma_start3A_60] : memref<1001472x64xf32, #tpu.memory_space<hbm>> -> memref<1001472x64xf32, #tpu.memory_space<hbm>>
    tpu.enqueue_indirect_dma source(%dma_start3A_61 : memref<1001472x64xf32, #tpu.memory_space<hbm>>) target(%dma_start3A_55 : memref<50x64xf32, #tpu.memory_space<vmem>>) offsets(%dma_start3A_58 : memref<50xi32, #tpu.memory_space<vmem>>) semaphore(%arg23 : memref<!tpu.dma_semaphore, #tpu.memory_space<semaphore_mem>>)
    %dma_start3A_62 = arith.constant 5 : i32
    %dma_start3A_63 = arith.constant 5 : i32
    %dma_start3A_64 = arith.constant 0 : i32
    %dma_start3A_65 = arith.constant 0 : i32
    %dma_start3A_66 = tpu.memref_slice %arg15[%dma_start3A_63, %dma_start3A_64, %dma_start3A_65] : memref<8x50x64xf32, #tpu.memory_space<vmem>> -> memref<1x50x64xf32, #tpu.memory_space<vmem>>
    %dma_start3A_67 = tpu.memref_squeeze %dma_start3A_66 : memref<1x50x64xf32, #tpu.memory_space<vmem>> -> memref<50x64xf32, #tpu.memory_space<vmem>>
    %dma_start3A_68 = arith.constant 0 : i32
    %dma_start3A_69 = tpu.memref_slice %arg11[%dma_start3A_62, %dma_start3A_68] : memref<128x50xi32, #tpu.memory_space<vmem>> -> memref<1x50xi32, #tpu.memory_space<vmem>>
    %dma_start3A_70 = tpu.memref_squeeze %dma_start3A_69 : memref<1x50xi32, #tpu.memory_space<vmem>> -> memref<50xi32, #tpu.memory_space<vmem>>
    %dma_start3A_71 = arith.constant 0 : i32
    %dma_start3A_72 = arith.constant 0 : i32
    %dma_start3A_73 = tpu.memref_slice %arg6[%dma_start3A_71, %dma_start3A_72] : memref<1001472x64xf32, #tpu.memory_space<hbm>> -> memref<1001472x64xf32, #tpu.memory_space<hbm>>
    tpu.enqueue_indirect_dma source(%dma_start3A_73 : memref<1001472x64xf32, #tpu.memory_space<hbm>>) target(%dma_start3A_67 : memref<50x64xf32, #tpu.memory_space<vmem>>) offsets(%dma_start3A_70 : memref<50xi32, #tpu.memory_space<vmem>>) semaphore(%arg24 : memref<!tpu.dma_semaphore, #tpu.memory_space<semaphore_mem>>)
    %dma_start3A_74 = arith.constant 6 : i32
    %dma_start3A_75 = arith.constant 6 : i32
    %dma_start3A_76 = arith.constant 0 : i32
    %dma_start3A_77 = arith.constant 0 : i32
    %dma_start3A_78 = tpu.memref_slice %arg15[%dma_start3A_75, %dma_start3A_76, %dma_start3A_77] : memref<8x50x64xf32, #tpu.memory_space<vmem>> -> memref<1x50x64xf32, #tpu.memory_space<vmem>>
    %dma_start3A_79 = tpu.memref_squeeze %dma_start3A_78 : memref<1x50x64xf32, #tpu.memory_space<vmem>> -> memref<50x64xf32, #tpu.memory_space<vmem>>
    %dma_start3A_80 = arith.constant 0 : i32
    %dma_start3A_81 = tpu.memref_slice %arg11[%dma_start3A_74, %dma_start3A_80] : memref<128x50xi32, #tpu.memory_space<vmem>> -> memref<1x50xi32, #tpu.memory_space<vmem>>
    %dma_start3A_82 = tpu.memref_squeeze %dma_start3A_81 : memref<1x50xi32, #tpu.memory_space<vmem>> -> memref<50xi32, #tpu.memory_space<vmem>>
    %dma_start3A_83 = arith.constant 0 : i32
    %dma_start3A_84 = arith.constant 0 : i32
    %dma_start3A_85 = tpu.memref_slice %arg6[%dma_start3A_83, %dma_start3A_84] : memref<1001472x64xf32, #tpu.memory_space<hbm>> -> memref<1001472x64xf32, #tpu.memory_space<hbm>>
    tpu.enqueue_indirect_dma source(%dma_start3A_85 : memref<1001472x64xf32, #tpu.memory_space<hbm>>) target(%dma_start3A_79 : memref<50x64xf32, #tpu.memory_space<vmem>>) offsets(%dma_start3A_82 : memref<50xi32, #tpu.memory_space<vmem>>) semaphore(%arg25 : memref<!tpu.dma_semaphore, #tpu.memory_space<semaphore_mem>>)
    %dma_start3A_86 = arith.constant 7 : i32
    %dma_start3A_87 = arith.constant 7 : i32
    %dma_start3A_88 = arith.constant 0 : i32
    %dma_start3A_89 = arith.constant 0 : i32
    %dma_start3A_90 = tpu.memref_slice %arg15[%dma_start3A_87, %dma_start3A_88, %dma_start3A_89] : memref<8x50x64xf32, #tpu.memory_space<vmem>> -> memref<1x50x64xf32, #tpu.memory_space<vmem>>
    %dma_start3A_91 = tpu.memref_squeeze %dma_start3A_90 : memref<1x50x64xf32, #tpu.memory_space<vmem>> -> memref<50x64xf32, #tpu.memory_space<vmem>>
    %dma_start3A_92 = arith.constant 0 : i32
    %dma_start3A_93 = tpu.memref_slice %arg11[%dma_start3A_86, %dma_start3A_92] : memref<128x50xi32, #tpu.memory_space<vmem>> -> memref<1x50xi32, #tpu.memory_space<vmem>>
    %dma_start3A_94 = tpu.memref_squeeze %dma_start3A_93 : memref<1x50xi32, #tpu.memory_space<vmem>> -> memref<50xi32, #tpu.memory_space<vmem>>
    %dma_start3A_95 = arith.constant 0 : i32
    %dma_start3A_96 = arith.constant 0 : i32
    %dma_start3A_97 = tpu.memref_slice %arg6[%dma_start3A_95, %dma_start3A_96] : memref<1001472x64xf32, #tpu.memory_space<hbm>> -> memref<1001472x64xf32, #tpu.memory_space<hbm>>
    tpu.enqueue_indirect_dma source(%dma_start3A_97 : memref<1001472x64xf32, #tpu.memory_space<hbm>>) target(%dma_start3A_91 : memref<50x64xf32, #tpu.memory_space<vmem>>) offsets(%dma_start3A_94 : memref<50xi32, #tpu.memory_space<vmem>>) semaphore(%arg26 : memref<!tpu.dma_semaphore, #tpu.memory_space<semaphore_mem>>)
    %dma_start3A_98 = arith.constant 0 : i32
    %dma_start3A_99 = arith.constant 0 : i32
    %dma_start3A_100 = tpu.memref_slice %arg7[%dma_start3A_98, %dma_start3A_99] : memref<100352x64xf32, #tpu.memory_space<hbm>> -> memref<100352x64xf32, #tpu.memory_space<hbm>>
    tpu.enqueue_indirect_dma source(%dma_start3A_100 : memref<100352x64xf32, #tpu.memory_space<hbm>>) target(%arg14 : memref<128x64xf32, #tpu.memory_space<vmem>>) offsets(%arg10 : memref<128xi32, #tpu.memory_space<vmem>>) semaphore(%arg17 : memref<!tpu.dma_semaphore, #tpu.memory_space<semaphore_mem>>)
    %iota3A = tpu.iota {dimensions = array<i32: 0>} : vector<16xi32>
    %scan3A = arith.constant 0 : i32
    %scan3A_101 = arith.constant 0 : i32
    %scan3A_102 = arith.constant 64 : i32
    %scan3A_103 = arith.addi %scan3A_101, %scan3A_102 : i32
    %scan3A_104 = arith.constant 1 : i32
    scf.for %scan3A_284 = %scan3A_101 to %scan3A_103 step %scan3A_104  : i32 {
      %mul3A_285 = arith.constant 2 : i32
      %mul3A_286 = arith.muli %mul3A_285, %scan3A_284 : i32
      %add3A_287 = arith.constant 0 : i32
      %add3A_288 = arith.addi %mul3A_286, %add3A_287 : i32
      %get3A = arith.index_cast %add3A_288 : i32 to index
      %get3A_289 = tpu.vector_load %arg9[%get3A] {strides = array<i32>} : memref<144xi32, #tpu.memory_space<vmem>>, vector<16xi32>,
      %get3A_290 = vector.shape_cast %get3A_289 : vector<16xi32> to vector<16xi32>
      %slice3A = vector.extract_strided_slice %get3A_290 {offsets = [0], sizes = [1], strides = [1]} : vector<16xi32> to vector<1xi32>
      %squeeze3A = vector.extract %slice3A[0] : i32 from vector<1xi32>
      %rem3A = arith.constant 128 : i32
      %rem3A_291 = arith.remsi %squeeze3A, %rem3A : i32
      %add3A_292 = arith.constant 0 : i32
      %add3A_293 = vector.broadcast %add3A_292 : i32 to vector<16xi32>
      %add3A_294 = arith.addi %add3A_293, %iota3A : vector<16xi32>
      %add3A_295 = arith.addi %mul3A_2, %add3A_288 : i32
      %mul3A_296 = arith.constant 8192 : i32
      %mul3A_297 = arith.muli %add3A_295, %mul3A_296 : i32
      %mul3A_298 = arith.constant 128 : i32
      %mul3A_299 = vector.broadcast %mul3A_298 : i32 to vector<16xi32>
      %mul3A_300 = arith.muli %add3A_294, %mul3A_299 : vector<16xi32>
      %add3A_301 = vector.broadcast %mul3A_297 : i32 to vector<16xi32>
      %add3A_302 = arith.addi %add3A_301, %mul3A_300 : vector<16xi32>
      %add3A_303 = vector.broadcast %rem3A_291 : i32 to vector<16xi32>
      %add3A_304 = arith.addi %add3A_302, %add3A_303 : vector<16xi32>
      %swap3A = arith.index_cast %scan3A_284 : i32 to index
      %swap3A_305 = arith.constant 0 : index
      %swap3A_306 = tpu.vector_load %arg12[%swap3A, %swap3A_305] {strides = array<i32>} : memref<64x128xi32, #tpu.memory_space<vmem>>, vector<1x16xi32>,
      %swap3A_307 = vector.shape_cast %swap3A_306 : vector<1x16xi32> to vector<16xi32>
      %swap3A_308 = vector.shape_cast %add3A_304 : vector<16xi32> to vector<1x16xi32>
      tpu.vector_store %arg12[%swap3A, %swap3A_305], %swap3A_308 {strides = array<i32>} : memref<64x128xi32, #tpu.memory_space<vmem>>, vector<1x16xi32>,
      %add3A_309 = arith.constant 0 : i32
      %add3A_310 = arith.addi %mul3A_286, %add3A_309 : i32
      %get3A_311 = arith.index_cast %add3A_310 : i32 to index
      %get3A_312 = tpu.vector_load %arg9[%get3A_311] {strides = array<i32>} : memref<144xi32, #tpu.memory_space<vmem>>, vector<16xi32>,
      %get3A_313 = vector.shape_cast %get3A_312 : vector<16xi32> to vector<16xi32>
      %slice3A_314 = vector.extract_strided_slice %get3A_313 {offsets = [0], sizes = [1], strides = [1]} : vector<16xi32> to vector<1xi32>
      %squeeze3A_315 = vector.extract %slice3A_314[0] : i32 from vector<1xi32>
      %rem3A_316 = arith.constant 128 : i32
      %rem3A_317 = arith.remsi %squeeze3A_315, %rem3A_316 : i32
      %add3A_318 = arith.constant 16 : i32
      %add3A_319 = vector.broadcast %add3A_318 : i32 to vector<16xi32>
      %add3A_320 = arith.addi %add3A_319, %iota3A : vector<16xi32>
      %add3A_321 = arith.addi %mul3A_2, %add3A_310 : i32
      %mul3A_322 = arith.constant 8192 : i32
      %mul3A_323 = arith.muli %add3A_321, %mul3A_322 : i32
      %mul3A_324 = arith.constant 128 : i32
      %mul3A_325 = vector.broadcast %mul3A_324 : i32 to vector<16xi32>
      %mul3A_326 = arith.muli %add3A_320, %mul3A_325 : vector<16xi32>
      %add3A_327 = vector.broadcast %mul3A_323 : i32 to vector<16xi32>
      %add3A_328 = arith.addi %add3A_327, %mul3A_326 : vector<16xi32>
      %add3A_329 = vector.broadcast %rem3A_317 : i32 to vector<16xi32>
      %add3A_330 = arith.addi %add3A_328, %add3A_329 : vector<16xi32>
      %swap3A_331 = arith.index_cast %scan3A_284 : i32 to index
      %swap3A_332 = arith.constant 16 : index
      %swap3A_333 = tpu.vector_load %arg12[%swap3A_331, %swap3A_332] {strides = array<i32>} : memref<64x128xi32, #tpu.memory_space<vmem>>, vector<1x16xi32>,
      %swap3A_334 = vector.shape_cast %swap3A_333 : vector<1x16xi32> to vector<16xi32>
      %swap3A_335 = vector.shape_cast %add3A_330 : vector<16xi32> to vector<1x16xi32>
      tpu.vector_store %arg12[%swap3A_331, %swap3A_332], %swap3A_335 {strides = array<i32>} : memref<64x128xi32, #tpu.memory_space<vmem>>, vector<1x16xi32>,
      %add3A_336 = arith.constant 0 : i32
      %add3A_337 = arith.addi %mul3A_286, %add3A_336 : i32
      %get3A_338 = arith.index_cast %add3A_337 : i32 to index
      %get3A_339 = tpu.vector_load %arg9[%get3A_338] {strides = array<i32>} : memref<144xi32, #tpu.memory_space<vmem>>, vector<16xi32>,
      %get3A_340 = vector.shape_cast %get3A_339 : vector<16xi32> to vector<16xi32>
      %slice3A_341 = vector.extract_strided_slice %get3A_340 {offsets = [0], sizes = [1], strides = [1]} : vector<16xi32> to vector<1xi32>
      %squeeze3A_342 = vector.extract %slice3A_341[0] : i32 from vector<1xi32>
      %rem3A_343 = arith.constant 128 : i32
      %rem3A_344 = arith.remsi %squeeze3A_342, %rem3A_343 : i32
      %add3A_345 = arith.constant 32 : i32
      %add3A_346 = vector.broadcast %add3A_345 : i32 to vector<16xi32>
      %add3A_347 = arith.addi %add3A_346, %iota3A : vector<16xi32>
      %add3A_348 = arith.addi %mul3A_2, %add3A_337 : i32
      %mul3A_349 = arith.constant 8192 : i32
      %mul3A_350 = arith.muli %add3A_348, %mul3A_349 : i32
      %mul3A_351 = arith.constant 128 : i32
      %mul3A_352 = vector.broadcast %mul3A_351 : i32 to vector<16xi32>
      %mul3A_353 = arith.muli %add3A_347, %mul3A_352 : vector<16xi32>
      %add3A_354 = vector.broadcast %mul3A_350 : i32 to vector<16xi32>
      %add3A_355 = arith.addi %add3A_354, %mul3A_353 : vector<16xi32>
      %add3A_356 = vector.broadcast %rem3A_344 : i32 to vector<16xi32>
      %add3A_357 = arith.addi %add3A_355, %add3A_356 : vector<16xi32>
      %swap3A_358 = arith.index_cast %scan3A_284 : i32 to index
      %swap3A_359 = arith.constant 32 : index
      %swap3A_360 = tpu.vector_load %arg12[%swap3A_358, %swap3A_359] {strides = array<i32>} : memref<64x128xi32, #tpu.memory_space<vmem>>, vector<1x16xi32>,
      %swap3A_361 = vector.shape_cast %swap3A_360 : vector<1x16xi32> to vector<16xi32>
      %swap3A_362 = vector.shape_cast %add3A_357 : vector<16xi32> to vector<1x16xi32>
      tpu.vector_store %arg12[%swap3A_358, %swap3A_359], %swap3A_362 {strides = array<i32>} : memref<64x128xi32, #tpu.memory_space<vmem>>, vector<1x16xi32>,
      %add3A_363 = arith.constant 0 : i32
      %add3A_364 = arith.addi %mul3A_286, %add3A_363 : i32
      %get3A_365 = arith.index_cast %add3A_364 : i32 to index
      %get3A_366 = tpu.vector_load %arg9[%get3A_365] {strides = array<i32>} : memref<144xi32, #tpu.memory_space<vmem>>, vector<16xi32>,
      %get3A_367 = vector.shape_cast %get3A_366 : vector<16xi32> to vector<16xi32>
      %slice3A_368 = vector.extract_strided_slice %get3A_367 {offsets = [0], sizes = [1], strides = [1]} : vector<16xi32> to vector<1xi32>
      %squeeze3A_369 = vector.extract %slice3A_368[0] : i32 from vector<1xi32>
      %rem3A_370 = arith.constant 128 : i32
      %rem3A_371 = arith.remsi %squeeze3A_369, %rem3A_370 : i32
      %add3A_372 = arith.constant 48 : i32
      %add3A_373 = vector.broadcast %add3A_372 : i32 to vector<16xi32>
      %add3A_374 = arith.addi %add3A_373, %iota3A : vector<16xi32>
      %add3A_375 = arith.addi %mul3A_2, %add3A_364 : i32
      %mul3A_376 = arith.constant 8192 : i32
      %mul3A_377 = arith.muli %add3A_375, %mul3A_376 : i32
      %mul3A_378 = arith.constant 128 : i32
      %mul3A_379 = vector.broadcast %mul3A_378 : i32 to vector<16xi32>
      %mul3A_380 = arith.muli %add3A_374, %mul3A_379 : vector<16xi32>
      %add3A_381 = vector.broadcast %mul3A_377 : i32 to vector<16xi32>
      %add3A_382 = arith.addi %add3A_381, %mul3A_380 : vector<16xi32>
      %add3A_383 = vector.broadcast %rem3A_371 : i32 to vector<16xi32>
      %add3A_384 = arith.addi %add3A_382, %add3A_383 : vector<16xi32>
      %swap3A_385 = arith.index_cast %scan3A_284 : i32 to index
      %swap3A_386 = arith.constant 48 : index
      %swap3A_387 = tpu.vector_load %arg12[%swap3A_385, %swap3A_386] {strides = array<i32>} : memref<64x128xi32, #tpu.memory_space<vmem>>, vector<1x16xi32>,
      %swap3A_388 = vector.shape_cast %swap3A_387 : vector<1x16xi32> to vector<16xi32>
      %swap3A_389 = vector.shape_cast %add3A_384 : vector<16xi32> to vector<1x16xi32>
      tpu.vector_store %arg12[%swap3A_385, %swap3A_386], %swap3A_389 {strides = array<i32>} : memref<64x128xi32, #tpu.memory_space<vmem>>, vector<1x16xi32>,
      %add3A_390 = arith.constant 1 : i32
      %add3A_391 = arith.addi %mul3A_286, %add3A_390 : i32
      %get3A_392 = arith.index_cast %add3A_391 : i32 to index
      %get3A_393 = tpu.vector_load %arg9[%get3A_392] {strides = array<i32>} : memref<144xi32, #tpu.memory_space<vmem>>, vector<16xi32>,
      %get3A_394 = vector.shape_cast %get3A_393 : vector<16xi32> to vector<16xi32>
      %slice3A_395 = vector.extract_strided_slice %get3A_394 {offsets = [0], sizes = [1], strides = [1]} : vector<16xi32> to vector<1xi32>
      %squeeze3A_396 = vector.extract %slice3A_395[0] : i32 from vector<1xi32>
      %rem3A_397 = arith.constant 128 : i32
      %rem3A_398 = arith.remsi %squeeze3A_396, %rem3A_397 : i32
      %add3A_399 = arith.constant 0 : i32
      %add3A_400 = vector.broadcast %add3A_399 : i32 to vector<16xi32>
      %add3A_401 = arith.addi %add3A_400, %iota3A : vector<16xi32>
      %add3A_402 = arith.addi %mul3A_2, %add3A_391 : i32
      %mul3A_403 = arith.constant 8192 : i32
      %mul3A_404 = arith.muli %add3A_402, %mul3A_403 : i32
      %mul3A_405 = arith.constant 128 : i32
      %mul3A_406 = vector.broadcast %mul3A_405 : i32 to vector<16xi32>
      %mul3A_407 = arith.muli %add3A_401, %mul3A_406 : vector<16xi32>
      %add3A_408 = vector.broadcast %mul3A_404 : i32 to vector<16xi32>
      %add3A_409 = arith.addi %add3A_408, %mul3A_407 : vector<16xi32>
      %add3A_410 = vector.broadcast %rem3A_398 : i32 to vector<16xi32>
      %add3A_411 = arith.addi %add3A_409, %add3A_410 : vector<16xi32>
      %swap3A_412 = arith.index_cast %scan3A_284 : i32 to index
      %swap3A_413 = arith.constant 64 : index
      %swap3A_414 = tpu.vector_load %arg12[%swap3A_412, %swap3A_413] {strides = array<i32>} : memref<64x128xi32, #tpu.memory_space<vmem>>, vector<1x16xi32>,
      %swap3A_415 = vector.shape_cast %swap3A_414 : vector<1x16xi32> to vector<16xi32>
      %swap3A_416 = vector.shape_cast %add3A_411 : vector<16xi32> to vector<1x16xi32>
      tpu.vector_store %arg12[%swap3A_412, %swap3A_413], %swap3A_416 {strides = array<i32>} : memref<64x128xi32, #tpu.memory_space<vmem>>, vector<1x16xi32>,
      %add3A_417 = arith.constant 1 : i32
      %add3A_418 = arith.addi %mul3A_286, %add3A_417 : i32
      %get3A_419 = arith.index_cast %add3A_418 : i32 to index
      %get3A_420 = tpu.vector_load %arg9[%get3A_419] {strides = array<i32>} : memref<144xi32, #tpu.memory_space<vmem>>, vector<16xi32>,
      %get3A_421 = vector.shape_cast %get3A_420 : vector<16xi32> to vector<16xi32>
      %slice3A_422 = vector.extract_strided_slice %get3A_421 {offsets = [0], sizes = [1], strides = [1]} : vector<16xi32> to vector<1xi32>
      %squeeze3A_423 = vector.extract %slice3A_422[0] : i32 from vector<1xi32>
      %rem3A_424 = arith.constant 128 : i32
      %rem3A_425 = arith.remsi %squeeze3A_423, %rem3A_424 : i32
      %add3A_426 = arith.constant 16 : i32
      %add3A_427 = vector.broadcast %add3A_426 : i32 to vector<16xi32>
      %add3A_428 = arith.addi %add3A_427, %iota3A : vector<16xi32>
      %add3A_429 = arith.addi %mul3A_2, %add3A_418 : i32
      %mul3A_430 = arith.constant 8192 : i32
      %mul3A_431 = arith.muli %add3A_429, %mul3A_430 : i32
      %mul3A_432 = arith.constant 128 : i32
      %mul3A_433 = vector.broadcast %mul3A_432 : i32 to vector<16xi32>
      %mul3A_434 = arith.muli %add3A_428, %mul3A_433 : vector<16xi32>
      %add3A_435 = vector.broadcast %mul3A_431 : i32 to vector<16xi32>
      %add3A_436 = arith.addi %add3A_435, %mul3A_434 : vector<16xi32>
      %add3A_437 = vector.broadcast %rem3A_425 : i32 to vector<16xi32>
      %add3A_438 = arith.addi %add3A_436, %add3A_437 : vector<16xi32>
      %swap3A_439 = arith.index_cast %scan3A_284 : i32 to index
      %swap3A_440 = arith.constant 80 : index
      %swap3A_441 = tpu.vector_load %arg12[%swap3A_439, %swap3A_440] {strides = array<i32>} : memref<64x128xi32, #tpu.memory_space<vmem>>, vector<1x16xi32>,
      %swap3A_442 = vector.shape_cast %swap3A_441 : vector<1x16xi32> to vector<16xi32>
      %swap3A_443 = vector.shape_cast %add3A_438 : vector<16xi32> to vector<1x16xi32>
      tpu.vector_store %arg12[%swap3A_439, %swap3A_440], %swap3A_443 {strides = array<i32>} : memref<64x128xi32, #tpu.memory_space<vmem>>, vector<1x16xi32>,
      %add3A_444 = arith.constant 1 : i32
      %add3A_445 = arith.addi %mul3A_286, %add3A_444 : i32
      %get3A_446 = arith.index_cast %add3A_445 : i32 to index
      %get3A_447 = tpu.vector_load %arg9[%get3A_446] {strides = array<i32>} : memref<144xi32, #tpu.memory_space<vmem>>, vector<16xi32>,
      %get3A_448 = vector.shape_cast %get3A_447 : vector<16xi32> to vector<16xi32>
      %slice3A_449 = vector.extract_strided_slice %get3A_448 {offsets = [0], sizes = [1], strides = [1]} : vector<16xi32> to vector<1xi32>
      %squeeze3A_450 = vector.extract %slice3A_449[0] : i32 from vector<1xi32>
      %rem3A_451 = arith.constant 128 : i32
      %rem3A_452 = arith.remsi %squeeze3A_450, %rem3A_451 : i32
      %add3A_453 = arith.constant 32 : i32
      %add3A_454 = vector.broadcast %add3A_453 : i32 to vector<16xi32>
      %add3A_455 = arith.addi %add3A_454, %iota3A : vector<16xi32>
      %add3A_456 = arith.addi %mul3A_2, %add3A_445 : i32
      %mul3A_457 = arith.constant 8192 : i32
      %mul3A_458 = arith.muli %add3A_456, %mul3A_457 : i32
      %mul3A_459 = arith.constant 128 : i32
      %mul3A_460 = vector.broadcast %mul3A_459 : i32 to vector<16xi32>
      %mul3A_461 = arith.muli %add3A_455, %mul3A_460 : vector<16xi32>
      %add3A_462 = vector.broadcast %mul3A_458 : i32 to vector<16xi32>
      %add3A_463 = arith.addi %add3A_462, %mul3A_461 : vector<16xi32>
      %add3A_464 = vector.broadcast %rem3A_452 : i32 to vector<16xi32>
      %add3A_465 = arith.addi %add3A_463, %add3A_464 : vector<16xi32>
      %swap3A_466 = arith.index_cast %scan3A_284 : i32 to index
      %swap3A_467 = arith.constant 96 : index
      %swap3A_468 = tpu.vector_load %arg12[%swap3A_466, %swap3A_467] {strides = array<i32>} : memref<64x128xi32, #tpu.memory_space<vmem>>, vector<1x16xi32>,
      %swap3A_469 = vector.shape_cast %swap3A_468 : vector<1x16xi32> to vector<16xi32>
      %swap3A_470 = vector.shape_cast %add3A_465 : vector<16xi32> to vector<1x16xi32>
      tpu.vector_store %arg12[%swap3A_466, %swap3A_467], %swap3A_470 {strides = array<i32>} : memref<64x128xi32, #tpu.memory_space<vmem>>, vector<1x16xi32>,
      %add3A_471 = arith.constant 1 : i32
      %add3A_472 = arith.addi %mul3A_286, %add3A_471 : i32
      %get3A_473 = arith.index_cast %add3A_472 : i32 to index
      %get3A_474 = tpu.vector_load %arg9[%get3A_473] {strides = array<i32>} : memref<144xi32, #tpu.memory_space<vmem>>, vector<16xi32>,
      %get3A_475 = vector.shape_cast %get3A_474 : vector<16xi32> to vector<16xi32>
      %slice3A_476 = vector.extract_strided_slice %get3A_475 {offsets = [0], sizes = [1], strides = [1]} : vector<16xi32> to vector<1xi32>
      %squeeze3A_477 = vector.extract %slice3A_476[0] : i32 from vector<1xi32>
      %rem3A_478 = arith.constant 128 : i32
      %rem3A_479 = arith.remsi %squeeze3A_477, %rem3A_478 : i32
      %add3A_480 = arith.constant 48 : i32
      %add3A_481 = vector.broadcast %add3A_480 : i32 to vector<16xi32>
      %add3A_482 = arith.addi %add3A_481, %iota3A : vector<16xi32>
      %add3A_483 = arith.addi %mul3A_2, %add3A_472 : i32
      %mul3A_484 = arith.constant 8192 : i32
      %mul3A_485 = arith.muli %add3A_483, %mul3A_484 : i32
      %mul3A_486 = arith.constant 128 : i32
      %mul3A_487 = vector.broadcast %mul3A_486 : i32 to vector<16xi32>
      %mul3A_488 = arith.muli %add3A_482, %mul3A_487 : vector<16xi32>
      %add3A_489 = vector.broadcast %mul3A_485 : i32 to vector<16xi32>
      %add3A_490 = arith.addi %add3A_489, %mul3A_488 : vector<16xi32>
      %add3A_491 = vector.broadcast %rem3A_479 : i32 to vector<16xi32>
      %add3A_492 = arith.addi %add3A_490, %add3A_491 : vector<16xi32>
      %swap3A_493 = arith.index_cast %scan3A_284 : i32 to index
      %swap3A_494 = arith.constant 112 : index
      %swap3A_495 = tpu.vector_load %arg12[%swap3A_493, %swap3A_494] {strides = array<i32>} : memref<64x128xi32, #tpu.memory_space<vmem>>, vector<1x16xi32>,
      %swap3A_496 = vector.shape_cast %swap3A_495 : vector<1x16xi32> to vector<16xi32>
      %swap3A_497 = vector.shape_cast %add3A_492 : vector<16xi32> to vector<1x16xi32>
      tpu.vector_store %arg12[%swap3A_493, %swap3A_494], %swap3A_497 {strides = array<i32>} : memref<64x128xi32, #tpu.memory_space<vmem>>, vector<1x16xi32>,
    }
    %scan3A_105 = arith.constant 64 : i32
    %scan3A_106 = arith.constant 0 : i32
    %scan3A_107 = arith.constant 0 : i32
    %scan3A_108 = arith.constant 64 : i32
    %scan3A_109 = arith.addi %scan3A_107, %scan3A_108 : i32
    %scan3A_110 = arith.constant 1 : i32
    scf.for %scan3A_284 = %scan3A_107 to %scan3A_109 step %scan3A_110  : i32 {
      %mul3A_285 = arith.constant 128 : i32
      %mul3A_286 = arith.muli %scan3A_284, %mul3A_285 : i32
      %dma_start3A_287 = tpu.memref_slice %arg13[%mul3A_286] : memref<8192xf32, #tpu.memory_space<vmem>> -> memref<128xf32, #tpu.memory_space<vmem>>
      %dma_start3A_288 = arith.constant 0 : i32
      %dma_start3A_289 = tpu.memref_slice %arg12[%scan3A_284, %dma_start3A_288] : memref<64x128xi32, #tpu.memory_space<vmem>> -> memref<1x128xi32, #tpu.memory_space<vmem>>
      %dma_start3A_290 = tpu.memref_squeeze %dma_start3A_289 : memref<1x128xi32, #tpu.memory_space<vmem>> -> memref<128xi32, #tpu.memory_space<vmem>>
      %dma_start3A_291 = arith.constant 0 : i32
      %dma_start3A_292 = tpu.memref_slice %arg5[%dma_start3A_291] : memref<33554432xf32, #tpu.memory_space<hbm>> -> memref<33554432xf32, #tpu.memory_space<hbm>>
      tpu.enqueue_indirect_dma source(%dma_start3A_292 : memref<33554432xf32, #tpu.memory_space<hbm>>) target(%dma_start3A_287 : memref<128xf32, #tpu.memory_space<vmem>>) offsets(%dma_start3A_290 : memref<128xi32, #tpu.memory_space<vmem>>) semaphore(%arg18 : memref<!tpu.dma_semaphore, #tpu.memory_space<semaphore_mem>>)
    }
    %scan3A_111 = arith.constant 64 : i32
    %scan3A_112 = arith.constant 0 : i32
    %scan3A_113 = arith.constant 0 : i32
    %scan3A_114 = arith.constant 64 : i32
    %scan3A_115 = arith.addi %scan3A_113, %scan3A_114 : i32
    %scan3A_116 = arith.constant 1 : i32
    scf.for %scan3A_284 = %scan3A_113 to %scan3A_115 step %scan3A_116  : i32 {
      %dma_wait3A_285 = arith.constant 0 : i32
      %dma_wait3A_286 = arith.constant 0 : i32
      %dma_wait3A_287 = tpu.memref_slice %arg13[%dma_wait3A_286] : memref<8192xf32, #tpu.memory_space<vmem>> -> memref<128xf32, #tpu.memory_space<vmem>>
      %dma_wait3A_288 = arith.constant 0 : i32
      %dma_wait3A_289 = tpu.memref_slice %arg12[%dma_wait3A_285, %dma_wait3A_288] : memref<64x128xi32, #tpu.memory_space<vmem>> -> memref<1x128xi32, #tpu.memory_space<vmem>>
      %dma_wait3A_290 = tpu.memref_squeeze %dma_wait3A_289 : memref<1x128xi32, #tpu.memory_space<vmem>> -> memref<128xi32, #tpu.memory_space<vmem>>
      %dma_wait3A_291 = arith.constant 0 : i32
      %dma_wait3A_292 = tpu.memref_slice %arg5[%dma_wait3A_291] : memref<33554432xf32, #tpu.memory_space<hbm>> -> memref<33554432xf32, #tpu.memory_space<hbm>>
      tpu.wait_indirect_dma semaphore(%arg18 : memref<!tpu.dma_semaphore, #tpu.memory_space<semaphore_mem>>) src(%dma_wait3A_292 : memref<33554432xf32, #tpu.memory_space<hbm>>) dst(%dma_wait3A_287 : memref<128xf32, #tpu.memory_space<vmem>>)
    }
    %scan3A_117 = arith.constant 64 : i32
    %dma_wait3A = arith.constant 0 : i32
    %dma_wait3A_118 = arith.constant 0 : i32
    %dma_wait3A_119 = tpu.memref_slice %arg7[%dma_wait3A, %dma_wait3A_118] : memref<100352x64xf32, #tpu.memory_space<hbm>> -> memref<100352x64xf32, #tpu.memory_space<hbm>>
    tpu.wait_indirect_dma semaphore(%arg17 : memref<!tpu.dma_semaphore, #tpu.memory_space<semaphore_mem>>) src(%dma_wait3A_119 : memref<100352x64xf32, #tpu.memory_space<hbm>>) dst(%arg14 : memref<128x64xf32, #tpu.memory_space<vmem>>)
    %scan3A_120 = arith.constant 0 : i32
    %scan3A_121 = arith.constant 0 : i32
    %scan3A_122 = arith.constant 128 : i32
    %scan3A_123 = arith.addi %scan3A_121, %scan3A_122 : i32
    %scan3A_124 = arith.constant 1 : i32
    scf.for %scan3A_284 = %scan3A_121 to %scan3A_123 step %scan3A_124  : i32 {
      %mul3A_285 = arith.constant 64 : i32
      %mul3A_286 = arith.muli %scan3A_284, %mul3A_285 : i32
      %add3A_287 = arith.constant 0 : i32
      %add3A_288 = arith.addi %mul3A_286, %add3A_287 : i32
      %get3A = arith.index_cast %add3A_288 : i32 to index
      %get3A_289 = tpu.vector_load %arg13[%get3A] {strides = array<i32>} : memref<8192xf32, #tpu.memory_space<vmem>>, vector<16xf32>,
      %get3A_290 = vector.shape_cast %get3A_289 : vector<16xf32> to vector<16xf32>
      %get3A_291 = arith.index_cast %scan3A_284 : i32 to index
      %get3A_292 = arith.constant 0 : index
      %get3A_293 = tpu.vector_load %arg14[%get3A_291, %get3A_292] {strides = array<i32>} : memref<128x64xf32, #tpu.memory_space<vmem>>, vector<1x16xf32>,
      %get3A_294 = vector.shape_cast %get3A_293 : vector<1x16xf32> to vector<16xf32>
      %add3A_295 = arith.addf %get3A_290, %get3A_294 : vector<16xf32>
      %mul3A_296 = arith.constant 64 : i32
      %mul3A_297 = arith.muli %scan3A_284, %mul3A_296 : i32
      %add3A_298 = arith.constant 0 : i32
      %add3A_299 = arith.addi %mul3A_297, %add3A_298 : i32
      %swap3A = arith.index_cast %add3A_299 : i32 to index
      %swap3A_300 = tpu.vector_load %arg13[%swap3A] {strides = array<i32>} : memref<8192xf32, #tpu.memory_space<vmem>>, vector<16xf32>,
      %swap3A_301 = vector.shape_cast %swap3A_300 : vector<16xf32> to vector<16xf32>
      %swap3A_302 = vector.shape_cast %add3A_295 : vector<16xf32> to vector<16xf32>
      tpu.vector_store %arg13[%swap3A], %swap3A_302 {strides = array<i32>} : memref<8192xf32, #tpu.memory_space<vmem>>, vector<16xf32>,
      %mul3A_303 = arith.constant 64 : i32
      %mul3A_304 = arith.muli %scan3A_284, %mul3A_303 : i32
      %add3A_305 = arith.constant 16 : i32
      %add3A_306 = arith.addi %mul3A_304, %add3A_305 : i32
      %get3A_307 = arith.index_cast %add3A_306 : i32 to index
      %get3A_308 = tpu.vector_load %arg13[%get3A_307] {strides = array<i32>} : memref<8192xf32, #tpu.memory_space<vmem>>, vector<16xf32>,
      %get3A_309 = vector.shape_cast %get3A_308 : vector<16xf32> to vector<16xf32>
      %get3A_310 = arith.index_cast %scan3A_284 : i32 to index
      %get3A_311 = arith.constant 16 : index
      %get3A_312 = tpu.vector_load %arg14[%get3A_310, %get3A_311] {strides = array<i32>} : memref<128x64xf32, #tpu.memory_space<vmem>>, vector<1x16xf32>,
      %get3A_313 = vector.shape_cast %get3A_312 : vector<1x16xf32> to vector<16xf32>
      %add3A_314 = arith.addf %get3A_309, %get3A_313 : vector<16xf32>
      %mul3A_315 = arith.constant 64 : i32
      %mul3A_316 = arith.muli %scan3A_284, %mul3A_315 : i32
      %add3A_317 = arith.constant 16 : i32
      %add3A_318 = arith.addi %mul3A_316, %add3A_317 : i32
      %swap3A_319 = arith.index_cast %add3A_318 : i32 to index
      %swap3A_320 = tpu.vector_load %arg13[%swap3A_319] {strides = array<i32>} : memref<8192xf32, #tpu.memory_space<vmem>>, vector<16xf32>,
      %swap3A_321 = vector.shape_cast %swap3A_320 : vector<16xf32> to vector<16xf32>
      %swap3A_322 = vector.shape_cast %add3A_314 : vector<16xf32> to vector<16xf32>
      tpu.vector_store %arg13[%swap3A_319], %swap3A_322 {strides = array<i32>} : memref<8192xf32, #tpu.memory_space<vmem>>, vector<16xf32>,
      %mul3A_323 = arith.constant 64 : i32
      %mul3A_324 = arith.muli %scan3A_284, %mul3A_323 : i32
      %add3A_325 = arith.constant 32 : i32
      %add3A_326 = arith.addi %mul3A_324, %add3A_325 : i32
      %get3A_327 = arith.index_cast %add3A_326 : i32 to index
      %get3A_328 = tpu.vector_load %arg13[%get3A_327] {strides = array<i32>} : memref<8192xf32, #tpu.memory_space<vmem>>, vector<16xf32>,
      %get3A_329 = vector.shape_cast %get3A_328 : vector<16xf32> to vector<16xf32>
      %get3A_330 = arith.index_cast %scan3A_284 : i32 to index
      %get3A_331 = arith.constant 32 : index
      %get3A_332 = tpu.vector_load %arg14[%get3A_330, %get3A_331] {strides = array<i32>} : memref<128x64xf32, #tpu.memory_space<vmem>>, vector<1x16xf32>,
      %get3A_333 = vector.shape_cast %get3A_332 : vector<1x16xf32> to vector<16xf32>
      %add3A_334 = arith.addf %get3A_329, %get3A_333 : vector<16xf32>
      %mul3A_335 = arith.constant 64 : i32
      %mul3A_336 = arith.muli %scan3A_284, %mul3A_335 : i32
      %add3A_337 = arith.constant 32 : i32
      %add3A_338 = arith.addi %mul3A_336, %add3A_337 : i32
      %swap3A_339 = arith.index_cast %add3A_338 : i32 to index
      %swap3A_340 = tpu.vector_load %arg13[%swap3A_339] {strides = array<i32>} : memref<8192xf32, #tpu.memory_space<vmem>>, vector<16xf32>,
      %swap3A_341 = vector.shape_cast %swap3A_340 : vector<16xf32> to vector<16xf32>
      %swap3A_342 = vector.shape_cast %add3A_334 : vector<16xf32> to vector<16xf32>
      tpu.vector_store %arg13[%swap3A_339], %swap3A_342 {strides = array<i32>} : memref<8192xf32, #tpu.memory_space<vmem>>, vector<16xf32>,
      %mul3A_343 = arith.constant 64 : i32
      %mul3A_344 = arith.muli %scan3A_284, %mul3A_343 : i32
      %add3A_345 = arith.constant 48 : i32
      %add3A_346 = arith.addi %mul3A_344, %add3A_345 : i32
      %get3A_347 = arith.index_cast %add3A_346 : i32 to index
      %get3A_348 = tpu.vector_load %arg13[%get3A_347] {strides = array<i32>} : memref<8192xf32, #tpu.memory_space<vmem>>, vector<16xf32>,
      %get3A_349 = vector.shape_cast %get3A_348 : vector<16xf32> to vector<16xf32>
      %get3A_350 = arith.index_cast %scan3A_284 : i32 to index
      %get3A_351 = arith.constant 48 : index
      %get3A_352 = tpu.vector_load %arg14[%get3A_350, %get3A_351] {strides = array<i32>} : memref<128x64xf32, #tpu.memory_space<vmem>>, vector<1x16xf32>,
      %get3A_353 = vector.shape_cast %get3A_352 : vector<1x16xf32> to vector<16xf32>
      %add3A_354 = arith.addf %get3A_349, %get3A_353 : vector<16xf32>
      %mul3A_355 = arith.constant 64 : i32
      %mul3A_356 = arith.muli %scan3A_284, %mul3A_355 : i32
      %add3A_357 = arith.constant 48 : i32
      %add3A_358 = arith.addi %mul3A_356, %add3A_357 : i32
      %swap3A_359 = arith.index_cast %add3A_358 : i32 to index
      %swap3A_360 = tpu.vector_load %arg13[%swap3A_359] {strides = array<i32>} : memref<8192xf32, #tpu.memory_space<vmem>>, vector<16xf32>,
      %swap3A_361 = vector.shape_cast %swap3A_360 : vector<16xf32> to vector<16xf32>
      %swap3A_362 = vector.shape_cast %add3A_354 : vector<16xf32> to vector<16xf32>
      tpu.vector_store %arg13[%swap3A_359], %swap3A_362 {strides = array<i32>} : memref<8192xf32, #tpu.memory_space<vmem>>, vector<16xf32>,
    }
    %scan3A_125 = arith.constant 128 : i32
    %scan3A_126 = arith.constant 0 : i32
    %scan3A_127 = arith.constant 0 : i32
    %scan3A_128 = arith.constant 16 : i32
    %scan3A_129 = arith.addi %scan3A_127, %scan3A_128 : i32
    %scan3A_130 = arith.constant 1 : i32
    scf.for %scan3A_284 = %scan3A_127 to %scan3A_129 step %scan3A_130  : i32 {
      %mul3A_285 = arith.constant 8 : i32
      %mul3A_286 = arith.muli %scan3A_284, %mul3A_285 : i32
      %add3A_287 = arith.constant 0 : i32
      %add3A_288 = arith.addi %mul3A_286, %add3A_287 : i32
      %dma_wait3A_289 = arith.constant 0 : i32
      %dma_wait3A_290 = arith.constant 0 : i32
      %dma_wait3A_291 = arith.constant 0 : i32
      %dma_wait3A_292 = tpu.memref_slice %arg15[%dma_wait3A_289, %dma_wait3A_290, %dma_wait3A_291] : memref<8x50x64xf32, #tpu.memory_space<vmem>> -> memref<1x50x64xf32, #tpu.memory_space<vmem>>
      %dma_wait3A_293 = tpu.memref_squeeze %dma_wait3A_292 : memref<1x50x64xf32, #tpu.memory_space<vmem>> -> memref<50x64xf32, #tpu.memory_space<vmem>>
      %dma_wait3A_294 = arith.constant 0 : i32
      %dma_wait3A_295 = tpu.memref_slice %arg11[%add3A_288, %dma_wait3A_294] : memref<128x50xi32, #tpu.memory_space<vmem>> -> memref<1x50xi32, #tpu.memory_space<vmem>>
      %dma_wait3A_296 = tpu.memref_squeeze %dma_wait3A_295 : memref<1x50xi32, #tpu.memory_space<vmem>> -> memref<50xi32, #tpu.memory_space<vmem>>
      %dma_wait3A_297 = arith.constant 0 : i32
      %dma_wait3A_298 = arith.constant 0 : i32
      %dma_wait3A_299 = tpu.memref_slice %arg6[%dma_wait3A_297, %dma_wait3A_298] : memref<1001472x64xf32, #tpu.memory_space<hbm>> -> memref<1001472x64xf32, #tpu.memory_space<hbm>>
      tpu.wait_indirect_dma semaphore(%arg19 : memref<!tpu.dma_semaphore, #tpu.memory_space<semaphore_mem>>) src(%dma_wait3A_299 : memref<1001472x64xf32, #tpu.memory_space<hbm>>) dst(%dma_wait3A_293 : memref<50x64xf32, #tpu.memory_space<vmem>>)
      %gt3A = arith.constant 0 : i32
      %gt3A_300 = arith.cmpi sgt, %scan3A_284, %gt3A : i32
      %convert_element_type3A = arith.extui %gt3A_300 : i1 to i32
      %cond3A = arith.constant 0 : i32
      %cond3A_301 = arith.cmpi ne, %convert_element_type3A, %cond3A : i32
      scf.if %cond3A_301 {
        %add3A_912 = arith.addi %mul3A_2, %add3A_288 : i32
        %dma_wait3A_913 = arith.constant 0 : i32
        %dma_wait3A_914 = arith.constant 0 : i32
        %dma_wait3A_915 = arith.constant 0 : i32
        %dma_wait3A_916 = tpu.memref_slice %arg16[%dma_wait3A_913, %dma_wait3A_914, %dma_wait3A_915] : memref<8x50x64xf32, #tpu.memory_space<vmem>> -> memref<1x50x64xf32, #tpu.memory_space<vmem>>
        %dma_wait3A_917 = tpu.memref_squeeze %dma_wait3A_916 : memref<1x50x64xf32, #tpu.memory_space<vmem>> -> memref<50x64xf32, #tpu.memory_space<vmem>>
        %dma_wait3A_918 = arith.constant 0 : i32
        %dma_wait3A_919 = arith.constant 0 : i32
        %dma_wait3A_920 = tpu.memref_slice %arg8[%add3A_912, %dma_wait3A_918, %dma_wait3A_919] : memref<4096x50x64xf32, #tpu.memory_space<hbm>> -> memref<1x50x64xf32, #tpu.memory_space<hbm>>
        %dma_wait3A_921 = tpu.memref_squeeze %dma_wait3A_920 : memref<1x50x64xf32, #tpu.memory_space<hbm>> -> memref<50x64xf32, #tpu.memory_space<hbm>>
        %dma_wait3A_922 = arith.constant 0 : i32
        %dma_wait3A_923 = arith.constant 0 : i32
        %dma_wait3A_924 = tpu.memref_slice %arg8[%add3A_912, %dma_wait3A_922, %dma_wait3A_923] : memref<4096x50x64xf32, #tpu.memory_space<hbm>> -> memref<1x50x64xf32, #tpu.memory_space<hbm>>
        %dma_wait3A_925 = tpu.memref_squeeze %dma_wait3A_924 : memref<1x50x64xf32, #tpu.memory_space<hbm>> -> memref<50x64xf32, #tpu.memory_space<hbm>>
        %dma_wait3A_926 = arith.constant 0 : i32
        %dma_wait3A_927 = arith.constant 0 : i32
        %dma_wait3A_928 = tpu.memref_slice %arg16[%dma_wait3A_913, %dma_wait3A_926, %dma_wait3A_927] : memref<8x50x64xf32, #tpu.memory_space<vmem>> -> memref<1x50x64xf32, #tpu.memory_space<vmem>>
        %dma_wait3A_929 = tpu.memref_squeeze %dma_wait3A_928 : memref<1x50x64xf32, #tpu.memory_space<vmem>> -> memref<50x64xf32, #tpu.memory_space<vmem>>
        tpu.wait_dma2 semaphore(%arg27 : memref<!tpu.dma_semaphore, #tpu.memory_space<semaphore_mem>>) src(%dma_wait3A_929 : memref<50x64xf32, #tpu.memory_space<vmem>>) dst(%dma_wait3A_925 : memref<50x64xf32, #tpu.memory_space<hbm>>)
      } else {
      }
      %mul3A_302 = arith.constant 64 : i32
      %mul3A_303 = arith.muli %add3A_288, %mul3A_302 : i32
      %add3A_304 = arith.constant 0 : i32
      %add3A_305 = arith.addi %mul3A_303, %add3A_304 : i32
      %get3A = arith.index_cast %add3A_305 : i32 to index
      %get3A_306 = tpu.vector_load %arg13[%get3A] {strides = array<i32>} : memref<8192xf32, #tpu.memory_space<vmem>>, vector<16xf32>,
      %get3A_307 = vector.shape_cast %get3A_306 : vector<16xf32> to vector<16xf32>
      %mul3A_308 = arith.constant 64 : i32
      %mul3A_309 = arith.muli %add3A_288, %mul3A_308 : i32
      %add3A_310 = arith.constant 16 : i32
      %add3A_311 = arith.addi %mul3A_309, %add3A_310 : i32
      %get3A_312 = arith.index_cast %add3A_311 : i32 to index
      %get3A_313 = tpu.vector_load %arg13[%get3A_312] {strides = array<i32>} : memref<8192xf32, #tpu.memory_space<vmem>>, vector<16xf32>,
      %get3A_314 = vector.shape_cast %get3A_313 : vector<16xf32> to vector<16xf32>
      %mul3A_315 = arith.constant 64 : i32
      %mul3A_316 = arith.muli %add3A_288, %mul3A_315 : i32
      %add3A_317 = arith.constant 32 : i32
      %add3A_318 = arith.addi %mul3A_316, %add3A_317 : i32
      %get3A_319 = arith.index_cast %add3A_318 : i32 to index
      %get3A_320 = tpu.vector_load %arg13[%get3A_319] {strides = array<i32>} : memref<8192xf32, #tpu.memory_space<vmem>>, vector<16xf32>,
      %get3A_321 = vector.shape_cast %get3A_320 : vector<16xf32> to vector<16xf32>
      %mul3A_322 = arith.constant 64 : i32
      %mul3A_323 = arith.muli %add3A_288, %mul3A_322 : i32
      %add3A_324 = arith.constant 48 : i32
      %add3A_325 = arith.addi %mul3A_323, %add3A_324 : i32
      %get3A_326 = arith.index_cast %add3A_325 : i32 to index
      %get3A_327 = tpu.vector_load %arg13[%get3A_326] {strides = array<i32>} : memref<8192xf32, #tpu.memory_space<vmem>>, vector<16xf32>,
      %get3A_328 = vector.shape_cast %get3A_327 : vector<16xf32> to vector<16xf32>
      %scan3A_329 = arith.constant 0 : i32
      %scan3A_330 = arith.constant 0 : i32
      %scan3A_331 = arith.constant 50 : i32
      %scan3A_332 = arith.addi %scan3A_330, %scan3A_331 : i32
      %scan3A_333 = arith.constant 1 : i32
      scf.for %scan3A_912 = %scan3A_330 to %scan3A_332 step %scan3A_333  : i32 {
        %get3A_913 = arith.constant 0 : i32
        %get3A_914 = arith.index_cast %get3A_913 : i32 to index
        %get3A_915 = arith.index_cast %scan3A_912 : i32 to index
        %get3A_916 = arith.constant 0 : index
        %get3A_917 = tpu.vector_load %arg15[%get3A_914, %get3A_915, %get3A_916] {strides = array<i32>} : memref<8x50x64xf32, #tpu.memory_space<vmem>>, vector<1x1x16xf32>,
        %get3A_918 = vector.shape_cast %get3A_917 : vector<1x1x16xf32> to vector<16xf32>
        %add3A_919 = arith.addf %get3A_918, %get3A_307 : vector<16xf32>
        %swap3A = arith.constant 0 : i32
        %swap3A_920 = arith.index_cast %swap3A : i32 to index
        %swap3A_921 = arith.index_cast %scan3A_912 : i32 to index
        %swap3A_922 = arith.constant 0 : index
        %swap3A_923 = tpu.vector_load %arg16[%swap3A_920, %swap3A_921, %swap3A_922] {strides = array<i32>} : memref<8x50x64xf32, #tpu.memory_space<vmem>>, vector<1x1x16xf32>,
        %swap3A_924 = vector.shape_cast %swap3A_923 : vector<1x1x16xf32> to vector<16xf32>
        %swap3A_925 = vector.shape_cast %add3A_919 : vector<16xf32> to vector<1x1x16xf32>
        tpu.vector_store %arg16[%swap3A_920, %swap3A_921, %swap3A_922], %swap3A_925 {strides = array<i32>} : memref<8x50x64xf32, #tpu.memory_space<vmem>>, vector<1x1x16xf32>,
        %get3A_926 = arith.constant 0 : i32
        %get3A_927 = arith.index_cast %get3A_926 : i32 to index
        %get3A_928 = arith.index_cast %scan3A_912 : i32 to index
        %get3A_929 = arith.constant 16 : index
        %get3A_930 = tpu.vector_load %arg15[%get3A_927, %get3A_928, %get3A_929] {strides = array<i32>} : memref<8x50x64xf32, #tpu.memory_space<vmem>>, vector<1x1x16xf32>,
        %get3A_931 = vector.shape_cast %get3A_930 : vector<1x1x16xf32> to vector<16xf32>
        %add3A_932 = arith.addf %get3A_931, %get3A_314 : vector<16xf32>
        %swap3A_933 = arith.constant 0 : i32
        %swap3A_934 = arith.index_cast %swap3A_933 : i32 to index
        %swap3A_935 = arith.index_cast %scan3A_912 : i32 to index
        %swap3A_936 = arith.constant 16 : index
        %swap3A_937 = tpu.vector_load %arg16[%swap3A_934, %swap3A_935, %swap3A_936] {strides = array<i32>} : memref<8x50x64xf32, #tpu.memory_space<vmem>>, vector<1x1x16xf32>,
        %swap3A_938 = vector.shape_cast %swap3A_937 : vector<1x1x16xf32> to vector<16xf32>
        %swap3A_939 = vector.shape_cast %add3A_932 : vector<16xf32> to vector<1x1x16xf32>
        tpu.vector_store %arg16[%swap3A_934, %swap3A_935, %swap3A_936], %swap3A_939 {strides = array<i32>} : memref<8x50x64xf32, #tpu.memory_space<vmem>>, vector<1x1x16xf32>,
        %get3A_940 = arith.constant 0 : i32
        %get3A_941 = arith.index_cast %get3A_940 : i32 to index
        %get3A_942 = arith.index_cast %scan3A_912 : i32 to index
        %get3A_943 = arith.constant 32 : index
        %get3A_944 = tpu.vector_load %arg15[%get3A_941, %get3A_942, %get3A_943] {strides = array<i32>} : memref<8x50x64xf32, #tpu.memory_space<vmem>>, vector<1x1x16xf32>,
        %get3A_945 = vector.shape_cast %get3A_944 : vector<1x1x16xf32> to vector<16xf32>
        %add3A_946 = arith.addf %get3A_945, %get3A_321 : vector<16xf32>
        %swap3A_947 = arith.constant 0 : i32
        %swap3A_948 = arith.index_cast %swap3A_947 : i32 to index
        %swap3A_949 = arith.index_cast %scan3A_912 : i32 to index
        %swap3A_950 = arith.constant 32 : index
        %swap3A_951 = tpu.vector_load %arg16[%swap3A_948, %swap3A_949, %swap3A_950] {strides = array<i32>} : memref<8x50x64xf32, #tpu.memory_space<vmem>>, vector<1x1x16xf32>,
        %swap3A_952 = vector.shape_cast %swap3A_951 : vector<1x1x16xf32> to vector<16xf32>
        %swap3A_953 = vector.shape_cast %add3A_946 : vector<16xf32> to vector<1x1x16xf32>
        tpu.vector_store %arg16[%swap3A_948, %swap3A_949, %swap3A_950], %swap3A_953 {strides = array<i32>} : memref<8x50x64xf32, #tpu.memory_space<vmem>>, vector<1x1x16xf32>,
        %get3A_954 = arith.constant 0 : i32
        %get3A_955 = arith.index_cast %get3A_954 : i32 to index
        %get3A_956 = arith.index_cast %scan3A_912 : i32 to index
        %get3A_957 = arith.constant 48 : index
        %get3A_958 = tpu.vector_load %arg15[%get3A_955, %get3A_956, %get3A_957] {strides = array<i32>} : memref<8x50x64xf32, #tpu.memory_space<vmem>>, vector<1x1x16xf32>,
        %get3A_959 = vector.shape_cast %get3A_958 : vector<1x1x16xf32> to vector<16xf32>
        %add3A_960 = arith.addf %get3A_959, %get3A_328 : vector<16xf32>
        %swap3A_961 = arith.constant 0 : i32
        %swap3A_962 = arith.index_cast %swap3A_961 : i32 to index
        %swap3A_963 = arith.index_cast %scan3A_912 : i32 to index
        %swap3A_964 = arith.constant 48 : index
        %swap3A_965 = tpu.vector_load %arg16[%swap3A_962, %swap3A_963, %swap3A_964] {strides = array<i32>} : memref<8x50x64xf32, #tpu.memory_space<vmem>>, vector<1x1x16xf32>,
        %swap3A_966 = vector.shape_cast %swap3A_965 : vector<1x1x16xf32> to vector<16xf32>
        %swap3A_967 = vector.shape_cast %add3A_960 : vector<16xf32> to vector<1x1x16xf32>
        tpu.vector_store %arg16[%swap3A_962, %swap3A_963, %swap3A_964], %swap3A_967 {strides = array<i32>} : memref<8x50x64xf32, #tpu.memory_space<vmem>>, vector<1x1x16xf32>,
      }
      %scan3A_334 = arith.constant 50 : i32
      %add3A_335 = arith.addi %mul3A_2, %add3A_288 : i32
      %dma_start3A_336 = arith.constant 0 : i32
      %dma_start3A_337 = arith.constant 0 : i32
      %dma_start3A_338 = arith.constant 0 : i32
      %dma_start3A_339 = tpu.memref_slice %arg16[%dma_start3A_336, %dma_start3A_337, %dma_start3A_338] : memref<8x50x64xf32, #tpu.memory_space<vmem>> -> memref<1x50x64xf32, #tpu.memory_space<vmem>>
      %dma_start3A_340 = tpu.memref_squeeze %dma_start3A_339 : memref<1x50x64xf32, #tpu.memory_space<vmem>> -> memref<50x64xf32, #tpu.memory_space<vmem>>
      %dma_start3A_341 = arith.constant 0 : i32
      %dma_start3A_342 = arith.constant 0 : i32
      %dma_start3A_343 = tpu.memref_slice %arg8[%add3A_335, %dma_start3A_341, %dma_start3A_342] : memref<4096x50x64xf32, #tpu.memory_space<hbm>> -> memref<1x50x64xf32, #tpu.memory_space<hbm>>
      %dma_start3A_344 = tpu.memref_squeeze %dma_start3A_343 : memref<1x50x64xf32, #tpu.memory_space<hbm>> -> memref<50x64xf32, #tpu.memory_space<hbm>>
      %dma_start3A_345 = arith.constant 0 : i32
      %dma_start3A_346 = arith.constant 0 : i32
      %dma_start3A_347 = tpu.memref_slice %arg8[%add3A_335, %dma_start3A_345, %dma_start3A_346] : memref<4096x50x64xf32, #tpu.memory_space<hbm>> -> memref<1x50x64xf32, #tpu.memory_space<hbm>>
      %dma_start3A_348 = tpu.memref_squeeze %dma_start3A_347 : memref<1x50x64xf32, #tpu.memory_space<hbm>> -> memref<50x64xf32, #tpu.memory_space<hbm>>
      %dma_start3A_349 = arith.constant 0 : i32
      %dma_start3A_350 = arith.constant 0 : i32
      %dma_start3A_351 = tpu.memref_slice %arg16[%dma_start3A_336, %dma_start3A_349, %dma_start3A_350] : memref<8x50x64xf32, #tpu.memory_space<vmem>> -> memref<1x50x64xf32, #tpu.memory_space<vmem>>
      %dma_start3A_352 = tpu.memref_squeeze %dma_start3A_351 : memref<1x50x64xf32, #tpu.memory_space<vmem>> -> memref<50x64xf32, #tpu.memory_space<vmem>>
      tpu.enqueue_dma source(%dma_start3A_352 : memref<50x64xf32, #tpu.memory_space<vmem>>) target(%dma_start3A_348 : memref<50x64xf32, #tpu.memory_space<hbm>>) target_semaphore(%arg27 : memref<!tpu.dma_semaphore, #tpu.memory_space<semaphore_mem>>)
      %add3A_353 = arith.constant 8 : i32
      %add3A_354 = arith.addi %add3A_288, %add3A_353 : i32
      %lt3A = arith.constant 128 : i32
      %lt3A_355 = arith.cmpi slt, %add3A_354, %lt3A : i32
      %convert_element_type3A_356 = arith.extui %lt3A_355 : i1 to i32
      %cond3A_357 = arith.constant 0 : i32
      %cond3A_358 = arith.cmpi ne, %convert_element_type3A_356, %cond3A_357 : i32
      scf.if %cond3A_358 {
        %add3A_912 = arith.constant 8 : i32
        %add3A_913 = arith.addi %add3A_288, %add3A_912 : i32
        %dma_start3A_914 = arith.constant 0 : i32
        %dma_start3A_915 = arith.constant 0 : i32
        %dma_start3A_916 = arith.constant 0 : i32
        %dma_start3A_917 = tpu.memref_slice %arg15[%dma_start3A_914, %dma_start3A_915, %dma_start3A_916] : memref<8x50x64xf32, #tpu.memory_space<vmem>> -> memref<1x50x64xf32, #tpu.memory_space<vmem>>
        %dma_start3A_918 = tpu.memref_squeeze %dma_start3A_917 : memref<1x50x64xf32, #tpu.memory_space<vmem>> -> memref<50x64xf32, #tpu.memory_space<vmem>>
        %dma_start3A_919 = arith.constant 0 : i32
        %dma_start3A_920 = tpu.memref_slice %arg11[%add3A_913, %dma_start3A_919] : memref<128x50xi32, #tpu.memory_space<vmem>> -> memref<1x50xi32, #tpu.memory_space<vmem>>
        %dma_start3A_921 = tpu.memref_squeeze %dma_start3A_920 : memref<1x50xi32, #tpu.memory_space<vmem>> -> memref<50xi32, #tpu.memory_space<vmem>>
        %dma_start3A_922 = arith.constant 0 : i32
        %dma_start3A_923 = arith.constant 0 : i32
        %dma_start3A_924 = tpu.memref_slice %arg6[%dma_start3A_922, %dma_start3A_923] : memref<1001472x64xf32, #tpu.memory_space<hbm>> -> memref<1001472x64xf32, #tpu.memory_space<hbm>>
        tpu.enqueue_indirect_dma source(%dma_start3A_924 : memref<1001472x64xf32, #tpu.memory_space<hbm>>) target(%dma_start3A_918 : memref<50x64xf32, #tpu.memory_space<vmem>>) offsets(%dma_start3A_921 : memref<50xi32, #tpu.memory_space<vmem>>) semaphore(%arg19 : memref<!tpu.dma_semaphore, #tpu.memory_space<semaphore_mem>>)
      } else {
      }
      %mul3A_359 = arith.constant 8 : i32
      %mul3A_360 = arith.muli %scan3A_284, %mul3A_359 : i32
      %add3A_361 = arith.constant 1 : i32
      %add3A_362 = arith.addi %mul3A_360, %add3A_361 : i32
      %dma_wait3A_363 = arith.constant 1 : i32
      %dma_wait3A_364 = arith.constant 0 : i32
      %dma_wait3A_365 = arith.constant 0 : i32
      %dma_wait3A_366 = tpu.memref_slice %arg15[%dma_wait3A_363, %dma_wait3A_364, %dma_wait3A_365] : memref<8x50x64xf32, #tpu.memory_space<vmem>> -> memref<1x50x64xf32, #tpu.memory_space<vmem>>
      %dma_wait3A_367 = tpu.memref_squeeze %dma_wait3A_366 : memref<1x50x64xf32, #tpu.memory_space<vmem>> -> memref<50x64xf32, #tpu.memory_space<vmem>>
      %dma_wait3A_368 = arith.constant 0 : i32
      %dma_wait3A_369 = tpu.memref_slice %arg11[%add3A_362, %dma_wait3A_368] : memref<128x50xi32, #tpu.memory_space<vmem>> -> memref<1x50xi32, #tpu.memory_space<vmem>>
      %dma_wait3A_370 = tpu.memref_squeeze %dma_wait3A_369 : memref<1x50xi32, #tpu.memory_space<vmem>> -> memref<50xi32, #tpu.memory_space<vmem>>
      %dma_wait3A_371 = arith.constant 0 : i32
      %dma_wait3A_372 = arith.constant 0 : i32
      %dma_wait3A_373 = tpu.memref_slice %arg6[%dma_wait3A_371, %dma_wait3A_372] : memref<1001472x64xf32, #tpu.memory_space<hbm>> -> memref<1001472x64xf32, #tpu.memory_space<hbm>>
      tpu.wait_indirect_dma semaphore(%arg20 : memref<!tpu.dma_semaphore, #tpu.memory_space<semaphore_mem>>) src(%dma_wait3A_373 : memref<1001472x64xf32, #tpu.memory_space<hbm>>) dst(%dma_wait3A_367 : memref<50x64xf32, #tpu.memory_space<vmem>>)
      %gt3A_374 = arith.constant 0 : i32
      %gt3A_375 = arith.cmpi sgt, %scan3A_284, %gt3A_374 : i32
      %convert_element_type3A_376 = arith.extui %gt3A_375 : i1 to i32
      %cond3A_377 = arith.constant 0 : i32
      %cond3A_378 = arith.cmpi ne, %convert_element_type3A_376, %cond3A_377 : i32
      scf.if %cond3A_378 {
        %add3A_912 = arith.addi %mul3A_2, %add3A_362 : i32
        %dma_wait3A_913 = arith.constant 1 : i32
        %dma_wait3A_914 = arith.constant 0 : i32
        %dma_wait3A_915 = arith.constant 0 : i32
        %dma_wait3A_916 = tpu.memref_slice %arg16[%dma_wait3A_913, %dma_wait3A_914, %dma_wait3A_915] : memref<8x50x64xf32, #tpu.memory_space<vmem>> -> memref<1x50x64xf32, #tpu.memory_space<vmem>>
        %dma_wait3A_917 = tpu.memref_squeeze %dma_wait3A_916 : memref<1x50x64xf32, #tpu.memory_space<vmem>> -> memref<50x64xf32, #tpu.memory_space<vmem>>
        %dma_wait3A_918 = arith.constant 0 : i32
        %dma_wait3A_919 = arith.constant 0 : i32
        %dma_wait3A_920 = tpu.memref_slice %arg8[%add3A_912, %dma_wait3A_918, %dma_wait3A_919] : memref<4096x50x64xf32, #tpu.memory_space<hbm>> -> memref<1x50x64xf32, #tpu.memory_space<hbm>>
        %dma_wait3A_921 = tpu.memref_squeeze %dma_wait3A_920 : memref<1x50x64xf32, #tpu.memory_space<hbm>> -> memref<50x64xf32, #tpu.memory_space<hbm>>
        %dma_wait3A_922 = arith.constant 0 : i32
        %dma_wait3A_923 = arith.constant 0 : i32
        %dma_wait3A_924 = tpu.memref_slice %arg8[%add3A_912, %dma_wait3A_922, %dma_wait3A_923] : memref<4096x50x64xf32, #tpu.memory_space<hbm>> -> memref<1x50x64xf32, #tpu.memory_space<hbm>>
        %dma_wait3A_925 = tpu.memref_squeeze %dma_wait3A_924 : memref<1x50x64xf32, #tpu.memory_space<hbm>> -> memref<50x64xf32, #tpu.memory_space<hbm>>
        %dma_wait3A_926 = arith.constant 0 : i32
        %dma_wait3A_927 = arith.constant 0 : i32
        %dma_wait3A_928 = tpu.memref_slice %arg16[%dma_wait3A_913, %dma_wait3A_926, %dma_wait3A_927] : memref<8x50x64xf32, #tpu.memory_space<vmem>> -> memref<1x50x64xf32, #tpu.memory_space<vmem>>
        %dma_wait3A_929 = tpu.memref_squeeze %dma_wait3A_928 : memref<1x50x64xf32, #tpu.memory_space<vmem>> -> memref<50x64xf32, #tpu.memory_space<vmem>>
        tpu.wait_dma2 semaphore(%arg28 : memref<!tpu.dma_semaphore, #tpu.memory_space<semaphore_mem>>) src(%dma_wait3A_929 : memref<50x64xf32, #tpu.memory_space<vmem>>) dst(%dma_wait3A_925 : memref<50x64xf32, #tpu.memory_space<hbm>>)
      } else {
      }
      %mul3A_379 = arith.constant 64 : i32
      %mul3A_380 = arith.muli %add3A_362, %mul3A_379 : i32
      %add3A_381 = arith.constant 0 : i32
      %add3A_382 = arith.addi %mul3A_380, %add3A_381 : i32
      %get3A_383 = arith.index_cast %add3A_382 : i32 to index
      %get3A_384 = tpu.vector_load %arg13[%get3A_383] {strides = array<i32>} : memref<8192xf32, #tpu.memory_space<vmem>>, vector<16xf32>,
      %get3A_385 = vector.shape_cast %get3A_384 : vector<16xf32> to vector<16xf32>
      %mul3A_386 = arith.constant 64 : i32
      %mul3A_387 = arith.muli %add3A_362, %mul3A_386 : i32
      %add3A_388 = arith.constant 16 : i32
      %add3A_389 = arith.addi %mul3A_387, %add3A_388 : i32
      %get3A_390 = arith.index_cast %add3A_389 : i32 to index
      %get3A_391 = tpu.vector_load %arg13[%get3A_390] {strides = array<i32>} : memref<8192xf32, #tpu.memory_space<vmem>>, vector<16xf32>,
      %get3A_392 = vector.shape_cast %get3A_391 : vector<16xf32> to vector<16xf32>
      %mul3A_393 = arith.constant 64 : i32
      %mul3A_394 = arith.muli %add3A_362, %mul3A_393 : i32
      %add3A_395 = arith.constant 32 : i32
      %add3A_396 = arith.addi %mul3A_394, %add3A_395 : i32
      %get3A_397 = arith.index_cast %add3A_396 : i32 to index
      %get3A_398 = tpu.vector_load %arg13[%get3A_397] {strides = array<i32>} : memref<8192xf32, #tpu.memory_space<vmem>>, vector<16xf32>,
      %get3A_399 = vector.shape_cast %get3A_398 : vector<16xf32> to vector<16xf32>
      %mul3A_400 = arith.constant 64 : i32
      %mul3A_401 = arith.muli %add3A_362, %mul3A_400 : i32
      %add3A_402 = arith.constant 48 : i32
      %add3A_403 = arith.addi %mul3A_401, %add3A_402 : i32
      %get3A_404 = arith.index_cast %add3A_403 : i32 to index
      %get3A_405 = tpu.vector_load %arg13[%get3A_404] {strides = array<i32>} : memref<8192xf32, #tpu.memory_space<vmem>>, vector<16xf32>,
      %get3A_406 = vector.shape_cast %get3A_405 : vector<16xf32> to vector<16xf32>
      %scan3A_407 = arith.constant 0 : i32
      %scan3A_408 = arith.constant 0 : i32
      %scan3A_409 = arith.constant 50 : i32
      %scan3A_410 = arith.addi %scan3A_408, %scan3A_409 : i32
      %scan3A_411 = arith.constant 1 : i32
      scf.for %scan3A_912 = %scan3A_408 to %scan3A_410 step %scan3A_411  : i32 {
        %get3A_913 = arith.constant 1 : i32
        %get3A_914 = arith.index_cast %get3A_913 : i32 to index
        %get3A_915 = arith.index_cast %scan3A_912 : i32 to index
        %get3A_916 = arith.constant 0 : index
        %get3A_917 = tpu.vector_load %arg15[%get3A_914, %get3A_915, %get3A_916] {strides = array<i32>} : memref<8x50x64xf32, #tpu.memory_space<vmem>>, vector<1x1x16xf32>,
        %get3A_918 = vector.shape_cast %get3A_917 : vector<1x1x16xf32> to vector<16xf32>
        %add3A_919 = arith.addf %get3A_918, %get3A_385 : vector<16xf32>
        %swap3A = arith.constant 1 : i32
        %swap3A_920 = arith.index_cast %swap3A : i32 to index
        %swap3A_921 = arith.index_cast %scan3A_912 : i32 to index
        %swap3A_922 = arith.constant 0 : index
        %swap3A_923 = tpu.vector_load %arg16[%swap3A_920, %swap3A_921, %swap3A_922] {strides = array<i32>} : memref<8x50x64xf32, #tpu.memory_space<vmem>>, vector<1x1x16xf32>,
        %swap3A_924 = vector.shape_cast %swap3A_923 : vector<1x1x16xf32> to vector<16xf32>
        %swap3A_925 = vector.shape_cast %add3A_919 : vector<16xf32> to vector<1x1x16xf32>
        tpu.vector_store %arg16[%swap3A_920, %swap3A_921, %swap3A_922], %swap3A_925 {strides = array<i32>} : memref<8x50x64xf32, #tpu.memory_space<vmem>>, vector<1x1x16xf32>,
        %get3A_926 = arith.constant 1 : i32
        %get3A_927 = arith.index_cast %get3A_926 : i32 to index
        %get3A_928 = arith.index_cast %scan3A_912 : i32 to index
        %get3A_929 = arith.constant 16 : index
        %get3A_930 = tpu.vector_load %arg15[%get3A_927, %get3A_928, %get3A_929] {strides = array<i32>} : memref<8x50x64xf32, #tpu.memory_space<vmem>>, vector<1x1x16xf32>,
        %get3A_931 = vector.shape_cast %get3A_930 : vector<1x1x16xf32> to vector<16xf32>
        %add3A_932 = arith.addf %get3A_931, %get3A_392 : vector<16xf32>
        %swap3A_933 = arith.constant 1 : i32
        %swap3A_934 = arith.index_cast %swap3A_933 : i32 to index
        %swap3A_935 = arith.index_cast %scan3A_912 : i32 to index
        %swap3A_936 = arith.constant 16 : index
        %swap3A_937 = tpu.vector_load %arg16[%swap3A_934, %swap3A_935, %swap3A_936] {strides = array<i32>} : memref<8x50x64xf32, #tpu.memory_space<vmem>>, vector<1x1x16xf32>,
        %swap3A_938 = vector.shape_cast %swap3A_937 : vector<1x1x16xf32> to vector<16xf32>
        %swap3A_939 = vector.shape_cast %add3A_932 : vector<16xf32> to vector<1x1x16xf32>
        tpu.vector_store %arg16[%swap3A_934, %swap3A_935, %swap3A_936], %swap3A_939 {strides = array<i32>} : memref<8x50x64xf32, #tpu.memory_space<vmem>>, vector<1x1x16xf32>,
        %get3A_940 = arith.constant 1 : i32
        %get3A_941 = arith.index_cast %get3A_940 : i32 to index
        %get3A_942 = arith.index_cast %scan3A_912 : i32 to index
        %get3A_943 = arith.constant 32 : index
        %get3A_944 = tpu.vector_load %arg15[%get3A_941, %get3A_942, %get3A_943] {strides = array<i32>} : memref<8x50x64xf32, #tpu.memory_space<vmem>>, vector<1x1x16xf32>,
        %get3A_945 = vector.shape_cast %get3A_944 : vector<1x1x16xf32> to vector<16xf32>
        %add3A_946 = arith.addf %get3A_945, %get3A_399 : vector<16xf32>
        %swap3A_947 = arith.constant 1 : i32
        %swap3A_948 = arith.index_cast %swap3A_947 : i32 to index
        %swap3A_949 = arith.index_cast %scan3A_912 : i32 to index
        %swap3A_950 = arith.constant 32 : index
        %swap3A_951 = tpu.vector_load %arg16[%swap3A_948, %swap3A_949, %swap3A_950] {strides = array<i32>} : memref<8x50x64xf32, #tpu.memory_space<vmem>>, vector<1x1x16xf32>,
        %swap3A_952 = vector.shape_cast %swap3A_951 : vector<1x1x16xf32> to vector<16xf32>
        %swap3A_953 = vector.shape_cast %add3A_946 : vector<16xf32> to vector<1x1x16xf32>
        tpu.vector_store %arg16[%swap3A_948, %swap3A_949, %swap3A_950], %swap3A_953 {strides = array<i32>} : memref<8x50x64xf32, #tpu.memory_space<vmem>>, vector<1x1x16xf32>,
        %get3A_954 = arith.constant 1 : i32
        %get3A_955 = arith.index_cast %get3A_954 : i32 to index
        %get3A_956 = arith.index_cast %scan3A_912 : i32 to index
        %get3A_957 = arith.constant 48 : index
        %get3A_958 = tpu.vector_load %arg15[%get3A_955, %get3A_956, %get3A_957] {strides = array<i32>} : memref<8x50x64xf32, #tpu.memory_space<vmem>>, vector<1x1x16xf32>,
        %get3A_959 = vector.shape_cast %get3A_958 : vector<1x1x16xf32> to vector<16xf32>
        %add3A_960 = arith.addf %get3A_959, %get3A_406 : vector<16xf32>
        %swap3A_961 = arith.constant 1 : i32
        %swap3A_962 = arith.index_cast %swap3A_961 : i32 to index
        %swap3A_963 = arith.index_cast %scan3A_912 : i32 to index
        %swap3A_964 = arith.constant 48 : index
        %swap3A_965 = tpu.vector_load %arg16[%swap3A_962, %swap3A_963, %swap3A_964] {strides = array<i32>} : memref<8x50x64xf32, #tpu.memory_space<vmem>>, vector<1x1x16xf32>,
        %swap3A_966 = vector.shape_cast %swap3A_965 : vector<1x1x16xf32> to vector<16xf32>
        %swap3A_967 = vector.shape_cast %add3A_960 : vector<16xf32> to vector<1x1x16xf32>
        tpu.vector_store %arg16[%swap3A_962, %swap3A_963, %swap3A_964], %swap3A_967 {strides = array<i32>} : memref<8x50x64xf32, #tpu.memory_space<vmem>>, vector<1x1x16xf32>,
      }
      %scan3A_412 = arith.constant 50 : i32
      %add3A_413 = arith.addi %mul3A_2, %add3A_362 : i32
      %dma_start3A_414 = arith.constant 1 : i32
      %dma_start3A_415 = arith.constant 0 : i32
      %dma_start3A_416 = arith.constant 0 : i32
      %dma_start3A_417 = tpu.memref_slice %arg16[%dma_start3A_414, %dma_start3A_415, %dma_start3A_416] : memref<8x50x64xf32, #tpu.memory_space<vmem>> -> memref<1x50x64xf32, #tpu.memory_space<vmem>>
      %dma_start3A_418 = tpu.memref_squeeze %dma_start3A_417 : memref<1x50x64xf32, #tpu.memory_space<vmem>> -> memref<50x64xf32, #tpu.memory_space<vmem>>
      %dma_start3A_419 = arith.constant 0 : i32
      %dma_start3A_420 = arith.constant 0 : i32
      %dma_start3A_421 = tpu.memref_slice %arg8[%add3A_413, %dma_start3A_419, %dma_start3A_420] : memref<4096x50x64xf32, #tpu.memory_space<hbm>> -> memref<1x50x64xf32, #tpu.memory_space<hbm>>
      %dma_start3A_422 = tpu.memref_squeeze %dma_start3A_421 : memref<1x50x64xf32, #tpu.memory_space<hbm>> -> memref<50x64xf32, #tpu.memory_space<hbm>>
      %dma_start3A_423 = arith.constant 0 : i32
      %dma_start3A_424 = arith.constant 0 : i32
      %dma_start3A_425 = tpu.memref_slice %arg8[%add3A_413, %dma_start3A_423, %dma_start3A_424] : memref<4096x50x64xf32, #tpu.memory_space<hbm>> -> memref<1x50x64xf32, #tpu.memory_space<hbm>>
      %dma_start3A_426 = tpu.memref_squeeze %dma_start3A_425 : memref<1x50x64xf32, #tpu.memory_space<hbm>> -> memref<50x64xf32, #tpu.memory_space<hbm>>
      %dma_start3A_427 = arith.constant 0 : i32
      %dma_start3A_428 = arith.constant 0 : i32
      %dma_start3A_429 = tpu.memref_slice %arg16[%dma_start3A_414, %dma_start3A_427, %dma_start3A_428] : memref<8x50x64xf32, #tpu.memory_space<vmem>> -> memref<1x50x64xf32, #tpu.memory_space<vmem>>
      %dma_start3A_430 = tpu.memref_squeeze %dma_start3A_429 : memref<1x50x64xf32, #tpu.memory_space<vmem>> -> memref<50x64xf32, #tpu.memory_space<vmem>>
      tpu.enqueue_dma source(%dma_start3A_430 : memref<50x64xf32, #tpu.memory_space<vmem>>) target(%dma_start3A_426 : memref<50x64xf32, #tpu.memory_space<hbm>>) target_semaphore(%arg28 : memref<!tpu.dma_semaphore, #tpu.memory_space<semaphore_mem>>)
      %add3A_431 = arith.constant 8 : i32
      %add3A_432 = arith.addi %add3A_362, %add3A_431 : i32
      %lt3A_433 = arith.constant 128 : i32
      %lt3A_434 = arith.cmpi slt, %add3A_432, %lt3A_433 : i32
      %convert_element_type3A_435 = arith.extui %lt3A_434 : i1 to i32
      %cond3A_436 = arith.constant 0 : i32
      %cond3A_437 = arith.cmpi ne, %convert_element_type3A_435, %cond3A_436 : i32
      scf.if %cond3A_437 {
        %add3A_912 = arith.constant 8 : i32
        %add3A_913 = arith.addi %add3A_362, %add3A_912 : i32
        %dma_start3A_914 = arith.constant 1 : i32
        %dma_start3A_915 = arith.constant 0 : i32
        %dma_start3A_916 = arith.constant 0 : i32
        %dma_start3A_917 = tpu.memref_slice %arg15[%dma_start3A_914, %dma_start3A_915, %dma_start3A_916] : memref<8x50x64xf32, #tpu.memory_space<vmem>> -> memref<1x50x64xf32, #tpu.memory_space<vmem>>
        %dma_start3A_918 = tpu.memref_squeeze %dma_start3A_917 : memref<1x50x64xf32, #tpu.memory_space<vmem>> -> memref<50x64xf32, #tpu.memory_space<vmem>>
        %dma_start3A_919 = arith.constant 0 : i32
        %dma_start3A_920 = tpu.memref_slice %arg11[%add3A_913, %dma_start3A_919] : memref<128x50xi32, #tpu.memory_space<vmem>> -> memref<1x50xi32, #tpu.memory_space<vmem>>
        %dma_start3A_921 = tpu.memref_squeeze %dma_start3A_920 : memref<1x50xi32, #tpu.memory_space<vmem>> -> memref<50xi32, #tpu.memory_space<vmem>>
        %dma_start3A_922 = arith.constant 0 : i32
        %dma_start3A_923 = arith.constant 0 : i32
        %dma_start3A_924 = tpu.memref_slice %arg6[%dma_start3A_922, %dma_start3A_923] : memref<1001472x64xf32, #tpu.memory_space<hbm>> -> memref<1001472x64xf32, #tpu.memory_space<hbm>>
        tpu.enqueue_indirect_dma source(%dma_start3A_924 : memref<1001472x64xf32, #tpu.memory_space<hbm>>) target(%dma_start3A_918 : memref<50x64xf32, #tpu.memory_space<vmem>>) offsets(%dma_start3A_921 : memref<50xi32, #tpu.memory_space<vmem>>) semaphore(%arg20 : memref<!tpu.dma_semaphore, #tpu.memory_space<semaphore_mem>>)
      } else {
      }
      %mul3A_438 = arith.constant 8 : i32
      %mul3A_439 = arith.muli %scan3A_284, %mul3A_438 : i32
      %add3A_440 = arith.constant 2 : i32
      %add3A_441 = arith.addi %mul3A_439, %add3A_440 : i32
      %dma_wait3A_442 = arith.constant 2 : i32
      %dma_wait3A_443 = arith.constant 0 : i32
      %dma_wait3A_444 = arith.constant 0 : i32
      %dma_wait3A_445 = tpu.memref_slice %arg15[%dma_wait3A_442, %dma_wait3A_443, %dma_wait3A_444] : memref<8x50x64xf32, #tpu.memory_space<vmem>> -> memref<1x50x64xf32, #tpu.memory_space<vmem>>
      %dma_wait3A_446 = tpu.memref_squeeze %dma_wait3A_445 : memref<1x50x64xf32, #tpu.memory_space<vmem>> -> memref<50x64xf32, #tpu.memory_space<vmem>>
      %dma_wait3A_447 = arith.constant 0 : i32
      %dma_wait3A_448 = tpu.memref_slice %arg11[%add3A_441, %dma_wait3A_447] : memref<128x50xi32, #tpu.memory_space<vmem>> -> memref<1x50xi32, #tpu.memory_space<vmem>>
      %dma_wait3A_449 = tpu.memref_squeeze %dma_wait3A_448 : memref<1x50xi32, #tpu.memory_space<vmem>> -> memref<50xi32, #tpu.memory_space<vmem>>
      %dma_wait3A_450 = arith.constant 0 : i32
      %dma_wait3A_451 = arith.constant 0 : i32
      %dma_wait3A_452 = tpu.memref_slice %arg6[%dma_wait3A_450, %dma_wait3A_451] : memref<1001472x64xf32, #tpu.memory_space<hbm>> -> memref<1001472x64xf32, #tpu.memory_space<hbm>>
      tpu.wait_indirect_dma semaphore(%arg21 : memref<!tpu.dma_semaphore, #tpu.memory_space<semaphore_mem>>) src(%dma_wait3A_452 : memref<1001472x64xf32, #tpu.memory_space<hbm>>) dst(%dma_wait3A_446 : memref<50x64xf32, #tpu.memory_space<vmem>>)
      %gt3A_453 = arith.constant 0 : i32
      %gt3A_454 = arith.cmpi sgt, %scan3A_284, %gt3A_453 : i32
      %convert_element_type3A_455 = arith.extui %gt3A_454 : i1 to i32
      %cond3A_456 = arith.constant 0 : i32
      %cond3A_457 = arith.cmpi ne, %convert_element_type3A_455, %cond3A_456 : i32
      scf.if %cond3A_457 {
        %add3A_912 = arith.addi %mul3A_2, %add3A_441 : i32
        %dma_wait3A_913 = arith.constant 2 : i32
        %dma_wait3A_914 = arith.constant 0 : i32
        %dma_wait3A_915 = arith.constant 0 : i32
        %dma_wait3A_916 = tpu.memref_slice %arg16[%dma_wait3A_913, %dma_wait3A_914, %dma_wait3A_915] : memref<8x50x64xf32, #tpu.memory_space<vmem>> -> memref<1x50x64xf32, #tpu.memory_space<vmem>>
        %dma_wait3A_917 = tpu.memref_squeeze %dma_wait3A_916 : memref<1x50x64xf32, #tpu.memory_space<vmem>> -> memref<50x64xf32, #tpu.memory_space<vmem>>
        %dma_wait3A_918 = arith.constant 0 : i32
        %dma_wait3A_919 = arith.constant 0 : i32
        %dma_wait3A_920 = tpu.memref_slice %arg8[%add3A_912, %dma_wait3A_918, %dma_wait3A_919] : memref<4096x50x64xf32, #tpu.memory_space<hbm>> -> memref<1x50x64xf32, #tpu.memory_space<hbm>>
        %dma_wait3A_921 = tpu.memref_squeeze %dma_wait3A_920 : memref<1x50x64xf32, #tpu.memory_space<hbm>> -> memref<50x64xf32, #tpu.memory_space<hbm>>
        %dma_wait3A_922 = arith.constant 0 : i32
        %dma_wait3A_923 = arith.constant 0 : i32
        %dma_wait3A_924 = tpu.memref_slice %arg8[%add3A_912, %dma_wait3A_922, %dma_wait3A_923] : memref<4096x50x64xf32, #tpu.memory_space<hbm>> -> memref<1x50x64xf32, #tpu.memory_space<hbm>>
        %dma_wait3A_925 = tpu.memref_squeeze %dma_wait3A_924 : memref<1x50x64xf32, #tpu.memory_space<hbm>> -> memref<50x64xf32, #tpu.memory_space<hbm>>
        %dma_wait3A_926 = arith.constant 0 : i32
        %dma_wait3A_927 = arith.constant 0 : i32
        %dma_wait3A_928 = tpu.memref_slice %arg16[%dma_wait3A_913, %dma_wait3A_926, %dma_wait3A_927] : memref<8x50x64xf32, #tpu.memory_space<vmem>> -> memref<1x50x64xf32, #tpu.memory_space<vmem>>
        %dma_wait3A_929 = tpu.memref_squeeze %dma_wait3A_928 : memref<1x50x64xf32, #tpu.memory_space<vmem>> -> memref<50x64xf32, #tpu.memory_space<vmem>>
        tpu.wait_dma2 semaphore(%arg29 : memref<!tpu.dma_semaphore, #tpu.memory_space<semaphore_mem>>) src(%dma_wait3A_929 : memref<50x64xf32, #tpu.memory_space<vmem>>) dst(%dma_wait3A_925 : memref<50x64xf32, #tpu.memory_space<hbm>>)
      } else {
      }
      %mul3A_458 = arith.constant 64 : i32
      %mul3A_459 = arith.muli %add3A_441, %mul3A_458 : i32
      %add3A_460 = arith.constant 0 : i32
      %add3A_461 = arith.addi %mul3A_459, %add3A_460 : i32
      %get3A_462 = arith.index_cast %add3A_461 : i32 to index
      %get3A_463 = tpu.vector_load %arg13[%get3A_462] {strides = array<i32>} : memref<8192xf32, #tpu.memory_space<vmem>>, vector<16xf32>,
      %get3A_464 = vector.shape_cast %get3A_463 : vector<16xf32> to vector<16xf32>
      %mul3A_465 = arith.constant 64 : i32
      %mul3A_466 = arith.muli %add3A_441, %mul3A_465 : i32
      %add3A_467 = arith.constant 16 : i32
      %add3A_468 = arith.addi %mul3A_466, %add3A_467 : i32
      %get3A_469 = arith.index_cast %add3A_468 : i32 to index
      %get3A_470 = tpu.vector_load %arg13[%get3A_469] {strides = array<i32>} : memref<8192xf32, #tpu.memory_space<vmem>>, vector<16xf32>,
      %get3A_471 = vector.shape_cast %get3A_470 : vector<16xf32> to vector<16xf32>
      %mul3A_472 = arith.constant 64 : i32
      %mul3A_473 = arith.muli %add3A_441, %mul3A_472 : i32
      %add3A_474 = arith.constant 32 : i32
      %add3A_475 = arith.addi %mul3A_473, %add3A_474 : i32
      %get3A_476 = arith.index_cast %add3A_475 : i32 to index
      %get3A_477 = tpu.vector_load %arg13[%get3A_476] {strides = array<i32>} : memref<8192xf32, #tpu.memory_space<vmem>>, vector<16xf32>,
      %get3A_478 = vector.shape_cast %get3A_477 : vector<16xf32> to vector<16xf32>
      %mul3A_479 = arith.constant 64 : i32
      %mul3A_480 = arith.muli %add3A_441, %mul3A_479 : i32
      %add3A_481 = arith.constant 48 : i32
      %add3A_482 = arith.addi %mul3A_480, %add3A_481 : i32
      %get3A_483 = arith.index_cast %add3A_482 : i32 to index
      %get3A_484 = tpu.vector_load %arg13[%get3A_483] {strides = array<i32>} : memref<8192xf32, #tpu.memory_space<vmem>>, vector<16xf32>,
      %get3A_485 = vector.shape_cast %get3A_484 : vector<16xf32> to vector<16xf32>
      %scan3A_486 = arith.constant 0 : i32
      %scan3A_487 = arith.constant 0 : i32
      %scan3A_488 = arith.constant 50 : i32
      %scan3A_489 = arith.addi %scan3A_487, %scan3A_488 : i32
      %scan3A_490 = arith.constant 1 : i32
      scf.for %scan3A_912 = %scan3A_487 to %scan3A_489 step %scan3A_490  : i32 {
        %get3A_913 = arith.constant 2 : i32
        %get3A_914 = arith.index_cast %get3A_913 : i32 to index
        %get3A_915 = arith.index_cast %scan3A_912 : i32 to index
        %get3A_916 = arith.constant 0 : index
        %get3A_917 = tpu.vector_load %arg15[%get3A_914, %get3A_915, %get3A_916] {strides = array<i32>} : memref<8x50x64xf32, #tpu.memory_space<vmem>>, vector<1x1x16xf32>,
        %get3A_918 = vector.shape_cast %get3A_917 : vector<1x1x16xf32> to vector<16xf32>
        %add3A_919 = arith.addf %get3A_918, %get3A_464 : vector<16xf32>
        %swap3A = arith.constant 2 : i32
        %swap3A_920 = arith.index_cast %swap3A : i32 to index
        %swap3A_921 = arith.index_cast %scan3A_912 : i32 to index
        %swap3A_922 = arith.constant 0 : index
        %swap3A_923 = tpu.vector_load %arg16[%swap3A_920, %swap3A_921, %swap3A_922] {strides = array<i32>} : memref<8x50x64xf32, #tpu.memory_space<vmem>>, vector<1x1x16xf32>,
        %swap3A_924 = vector.shape_cast %swap3A_923 : vector<1x1x16xf32> to vector<16xf32>
        %swap3A_925 = vector.shape_cast %add3A_919 : vector<16xf32> to vector<1x1x16xf32>
        tpu.vector_store %arg16[%swap3A_920, %swap3A_921, %swap3A_922], %swap3A_925 {strides = array<i32>} : memref<8x50x64xf32, #tpu.memory_space<vmem>>, vector<1x1x16xf32>,
        %get3A_926 = arith.constant 2 : i32
        %get3A_927 = arith.index_cast %get3A_926 : i32 to index
        %get3A_928 = arith.index_cast %scan3A_912 : i32 to index
        %get3A_929 = arith.constant 16 : index
        %get3A_930 = tpu.vector_load %arg15[%get3A_927, %get3A_928, %get3A_929] {strides = array<i32>} : memref<8x50x64xf32, #tpu.memory_space<vmem>>, vector<1x1x16xf32>,
        %get3A_931 = vector.shape_cast %get3A_930 : vector<1x1x16xf32> to vector<16xf32>
        %add3A_932 = arith.addf %get3A_931, %get3A_471 : vector<16xf32>
        %swap3A_933 = arith.constant 2 : i32
        %swap3A_934 = arith.index_cast %swap3A_933 : i32 to index
        %swap3A_935 = arith.index_cast %scan3A_912 : i32 to index
        %swap3A_936 = arith.constant 16 : index
        %swap3A_937 = tpu.vector_load %arg16[%swap3A_934, %swap3A_935, %swap3A_936] {strides = array<i32>} : memref<8x50x64xf32, #tpu.memory_space<vmem>>, vector<1x1x16xf32>,
        %swap3A_938 = vector.shape_cast %swap3A_937 : vector<1x1x16xf32> to vector<16xf32>
        %swap3A_939 = vector.shape_cast %add3A_932 : vector<16xf32> to vector<1x1x16xf32>
        tpu.vector_store %arg16[%swap3A_934, %swap3A_935, %swap3A_936], %swap3A_939 {strides = array<i32>} : memref<8x50x64xf32, #tpu.memory_space<vmem>>, vector<1x1x16xf32>,
        %get3A_940 = arith.constant 2 : i32
        %get3A_941 = arith.index_cast %get3A_940 : i32 to index
        %get3A_942 = arith.index_cast %scan3A_912 : i32 to index
        %get3A_943 = arith.constant 32 : index
        %get3A_944 = tpu.vector_load %arg15[%get3A_941, %get3A_942, %get3A_943] {strides = array<i32>} : memref<8x50x64xf32, #tpu.memory_space<vmem>>, vector<1x1x16xf32>,
        %get3A_945 = vector.shape_cast %get3A_944 : vector<1x1x16xf32> to vector<16xf32>
        %add3A_946 = arith.addf %get3A_945, %get3A_478 : vector<16xf32>
        %swap3A_947 = arith.constant 2 : i32
        %swap3A_948 = arith.index_cast %swap3A_947 : i32 to index
        %swap3A_949 = arith.index_cast %scan3A_912 : i32 to index
        %swap3A_950 = arith.constant 32 : index
        %swap3A_951 = tpu.vector_load %arg16[%swap3A_948, %swap3A_949, %swap3A_950] {strides = array<i32>} : memref<8x50x64xf32, #tpu.memory_space<vmem>>, vector<1x1x16xf32>,
        %swap3A_952 = vector.shape_cast %swap3A_951 : vector<1x1x16xf32> to vector<16xf32>
        %swap3A_953 = vector.shape_cast %add3A_946 : vector<16xf32> to vector<1x1x16xf32>
        tpu.vector_store %arg16[%swap3A_948, %swap3A_949, %swap3A_950], %swap3A_953 {strides = array<i32>} : memref<8x50x64xf32, #tpu.memory_space<vmem>>, vector<1x1x16xf32>,
        %get3A_954 = arith.constant 2 : i32
        %get3A_955 = arith.index_cast %get3A_954 : i32 to index
        %get3A_956 = arith.index_cast %scan3A_912 : i32 to index
        %get3A_957 = arith.constant 48 : index
        %get3A_958 = tpu.vector_load %arg15[%get3A_955, %get3A_956, %get3A_957] {strides = array<i32>} : memref<8x50x64xf32, #tpu.memory_space<vmem>>, vector<1x1x16xf32>,
        %get3A_959 = vector.shape_cast %get3A_958 : vector<1x1x16xf32> to vector<16xf32>
        %add3A_960 = arith.addf %get3A_959, %get3A_485 : vector<16xf32>
        %swap3A_961 = arith.constant 2 : i32
        %swap3A_962 = arith.index_cast %swap3A_961 : i32 to index
        %swap3A_963 = arith.index_cast %scan3A_912 : i32 to index
        %swap3A_964 = arith.constant 48 : index
        %swap3A_965 = tpu.vector_load %arg16[%swap3A_962, %swap3A_963, %swap3A_964] {strides = array<i32>} : memref<8x50x64xf32, #tpu.memory_space<vmem>>, vector<1x1x16xf32>,
        %swap3A_966 = vector.shape_cast %swap3A_965 : vector<1x1x16xf32> to vector<16xf32>
        %swap3A_967 = vector.shape_cast %add3A_960 : vector<16xf32> to vector<1x1x16xf32>
        tpu.vector_store %arg16[%swap3A_962, %swap3A_963, %swap3A_964], %swap3A_967 {strides = array<i32>} : memref<8x50x64xf32, #tpu.memory_space<vmem>>, vector<1x1x16xf32>,
      }
      %scan3A_491 = arith.constant 50 : i32
      %add3A_492 = arith.addi %mul3A_2, %add3A_441 : i32
      %dma_start3A_493 = arith.constant 2 : i32
      %dma_start3A_494 = arith.constant 0 : i32
      %dma_start3A_495 = arith.constant 0 : i32
      %dma_start3A_496 = tpu.memref_slice %arg16[%dma_start3A_493, %dma_start3A_494, %dma_start3A_495] : memref<8x50x64xf32, #tpu.memory_space<vmem>> -> memref<1x50x64xf32, #tpu.memory_space<vmem>>
      %dma_start3A_497 = tpu.memref_squeeze %dma_start3A_496 : memref<1x50x64xf32, #tpu.memory_space<vmem>> -> memref<50x64xf32, #tpu.memory_space<vmem>>
      %dma_start3A_498 = arith.constant 0 : i32
      %dma_start3A_499 = arith.constant 0 : i32
      %dma_start3A_500 = tpu.memref_slice %arg8[%add3A_492, %dma_start3A_498, %dma_start3A_499] : memref<4096x50x64xf32, #tpu.memory_space<hbm>> -> memref<1x50x64xf32, #tpu.memory_space<hbm>>
      %dma_start3A_501 = tpu.memref_squeeze %dma_start3A_500 : memref<1x50x64xf32, #tpu.memory_space<hbm>> -> memref<50x64xf32, #tpu.memory_space<hbm>>
      %dma_start3A_502 = arith.constant 0 : i32
      %dma_start3A_503 = arith.constant 0 : i32
      %dma_start3A_504 = tpu.memref_slice %arg8[%add3A_492, %dma_start3A_502, %dma_start3A_503] : memref<4096x50x64xf32, #tpu.memory_space<hbm>> -> memref<1x50x64xf32, #tpu.memory_space<hbm>>
      %dma_start3A_505 = tpu.memref_squeeze %dma_start3A_504 : memref<1x50x64xf32, #tpu.memory_space<hbm>> -> memref<50x64xf32, #tpu.memory_space<hbm>>
      %dma_start3A_506 = arith.constant 0 : i32
      %dma_start3A_507 = arith.constant 0 : i32
      %dma_start3A_508 = tpu.memref_slice %arg16[%dma_start3A_493, %dma_start3A_506, %dma_start3A_507] : memref<8x50x64xf32, #tpu.memory_space<vmem>> -> memref<1x50x64xf32, #tpu.memory_space<vmem>>
      %dma_start3A_509 = tpu.memref_squeeze %dma_start3A_508 : memref<1x50x64xf32, #tpu.memory_space<vmem>> -> memref<50x64xf32, #tpu.memory_space<vmem>>
      tpu.enqueue_dma source(%dma_start3A_509 : memref<50x64xf32, #tpu.memory_space<vmem>>) target(%dma_start3A_505 : memref<50x64xf32, #tpu.memory_space<hbm>>) target_semaphore(%arg29 : memref<!tpu.dma_semaphore, #tpu.memory_space<semaphore_mem>>)
      %add3A_510 = arith.constant 8 : i32
      %add3A_511 = arith.addi %add3A_441, %add3A_510 : i32
      %lt3A_512 = arith.constant 128 : i32
      %lt3A_513 = arith.cmpi slt, %add3A_511, %lt3A_512 : i32
      %convert_element_type3A_514 = arith.extui %lt3A_513 : i1 to i32
      %cond3A_515 = arith.constant 0 : i32
      %cond3A_516 = arith.cmpi ne, %convert_element_type3A_514, %cond3A_515 : i32
      scf.if %cond3A_516 {
        %add3A_912 = arith.constant 8 : i32
        %add3A_913 = arith.addi %add3A_441, %add3A_912 : i32
        %dma_start3A_914 = arith.constant 2 : i32
        %dma_start3A_915 = arith.constant 0 : i32
        %dma_start3A_916 = arith.constant 0 : i32
        %dma_start3A_917 = tpu.memref_slice %arg15[%dma_start3A_914, %dma_start3A_915, %dma_start3A_916] : memref<8x50x64xf32, #tpu.memory_space<vmem>> -> memref<1x50x64xf32, #tpu.memory_space<vmem>>
        %dma_start3A_918 = tpu.memref_squeeze %dma_start3A_917 : memref<1x50x64xf32, #tpu.memory_space<vmem>> -> memref<50x64xf32, #tpu.memory_space<vmem>>
        %dma_start3A_919 = arith.constant 0 : i32
        %dma_start3A_920 = tpu.memref_slice %arg11[%add3A_913, %dma_start3A_919] : memref<128x50xi32, #tpu.memory_space<vmem>> -> memref<1x50xi32, #tpu.memory_space<vmem>>
        %dma_start3A_921 = tpu.memref_squeeze %dma_start3A_920 : memref<1x50xi32, #tpu.memory_space<vmem>> -> memref<50xi32, #tpu.memory_space<vmem>>
        %dma_start3A_922 = arith.constant 0 : i32
        %dma_start3A_923 = arith.constant 0 : i32
        %dma_start3A_924 = tpu.memref_slice %arg6[%dma_start3A_922, %dma_start3A_923] : memref<1001472x64xf32, #tpu.memory_space<hbm>> -> memref<1001472x64xf32, #tpu.memory_space<hbm>>
        tpu.enqueue_indirect_dma source(%dma_start3A_924 : memref<1001472x64xf32, #tpu.memory_space<hbm>>) target(%dma_start3A_918 : memref<50x64xf32, #tpu.memory_space<vmem>>) offsets(%dma_start3A_921 : memref<50xi32, #tpu.memory_space<vmem>>) semaphore(%arg21 : memref<!tpu.dma_semaphore, #tpu.memory_space<semaphore_mem>>)
      } else {
      }
      %mul3A_517 = arith.constant 8 : i32
      %mul3A_518 = arith.muli %scan3A_284, %mul3A_517 : i32
      %add3A_519 = arith.constant 3 : i32
      %add3A_520 = arith.addi %mul3A_518, %add3A_519 : i32
      %dma_wait3A_521 = arith.constant 3 : i32
      %dma_wait3A_522 = arith.constant 0 : i32
      %dma_wait3A_523 = arith.constant 0 : i32
      %dma_wait3A_524 = tpu.memref_slice %arg15[%dma_wait3A_521, %dma_wait3A_522, %dma_wait3A_523] : memref<8x50x64xf32, #tpu.memory_space<vmem>> -> memref<1x50x64xf32, #tpu.memory_space<vmem>>
      %dma_wait3A_525 = tpu.memref_squeeze %dma_wait3A_524 : memref<1x50x64xf32, #tpu.memory_space<vmem>> -> memref<50x64xf32, #tpu.memory_space<vmem>>
      %dma_wait3A_526 = arith.constant 0 : i32
      %dma_wait3A_527 = tpu.memref_slice %arg11[%add3A_520, %dma_wait3A_526] : memref<128x50xi32, #tpu.memory_space<vmem>> -> memref<1x50xi32, #tpu.memory_space<vmem>>
      %dma_wait3A_528 = tpu.memref_squeeze %dma_wait3A_527 : memref<1x50xi32, #tpu.memory_space<vmem>> -> memref<50xi32, #tpu.memory_space<vmem>>
      %dma_wait3A_529 = arith.constant 0 : i32
      %dma_wait3A_530 = arith.constant 0 : i32
      %dma_wait3A_531 = tpu.memref_slice %arg6[%dma_wait3A_529, %dma_wait3A_530] : memref<1001472x64xf32, #tpu.memory_space<hbm>> -> memref<1001472x64xf32, #tpu.memory_space<hbm>>
      tpu.wait_indirect_dma semaphore(%arg22 : memref<!tpu.dma_semaphore, #tpu.memory_space<semaphore_mem>>) src(%dma_wait3A_531 : memref<1001472x64xf32, #tpu.memory_space<hbm>>) dst(%dma_wait3A_525 : memref<50x64xf32, #tpu.memory_space<vmem>>)
      %gt3A_532 = arith.constant 0 : i32
      %gt3A_533 = arith.cmpi sgt, %scan3A_284, %gt3A_532 : i32
      %convert_element_type3A_534 = arith.extui %gt3A_533 : i1 to i32
      %cond3A_535 = arith.constant 0 : i32
      %cond3A_536 = arith.cmpi ne, %convert_element_type3A_534, %cond3A_535 : i32
      scf.if %cond3A_536 {
        %add3A_912 = arith.addi %mul3A_2, %add3A_520 : i32
        %dma_wait3A_913 = arith.constant 3 : i32
        %dma_wait3A_914 = arith.constant 0 : i32
        %dma_wait3A_915 = arith.constant 0 : i32
        %dma_wait3A_916 = tpu.memref_slice %arg16[%dma_wait3A_913, %dma_wait3A_914, %dma_wait3A_915] : memref<8x50x64xf32, #tpu.memory_space<vmem>> -> memref<1x50x64xf32, #tpu.memory_space<vmem>>
        %dma_wait3A_917 = tpu.memref_squeeze %dma_wait3A_916 : memref<1x50x64xf32, #tpu.memory_space<vmem>> -> memref<50x64xf32, #tpu.memory_space<vmem>>
        %dma_wait3A_918 = arith.constant 0 : i32
        %dma_wait3A_919 = arith.constant 0 : i32
        %dma_wait3A_920 = tpu.memref_slice %arg8[%add3A_912, %dma_wait3A_918, %dma_wait3A_919] : memref<4096x50x64xf32, #tpu.memory_space<hbm>> -> memref<1x50x64xf32, #tpu.memory_space<hbm>>
        %dma_wait3A_921 = tpu.memref_squeeze %dma_wait3A_920 : memref<1x50x64xf32, #tpu.memory_space<hbm>> -> memref<50x64xf32, #tpu.memory_space<hbm>>
        %dma_wait3A_922 = arith.constant 0 : i32
        %dma_wait3A_923 = arith.constant 0 : i32
        %dma_wait3A_924 = tpu.memref_slice %arg8[%add3A_912, %dma_wait3A_922, %dma_wait3A_923] : memref<4096x50x64xf32, #tpu.memory_space<hbm>> -> memref<1x50x64xf32, #tpu.memory_space<hbm>>
        %dma_wait3A_925 = tpu.memref_squeeze %dma_wait3A_924 : memref<1x50x64xf32, #tpu.memory_space<hbm>> -> memref<50x64xf32, #tpu.memory_space<hbm>>
        %dma_wait3A_926 = arith.constant 0 : i32
        %dma_wait3A_927 = arith.constant 0 : i32
        %dma_wait3A_928 = tpu.memref_slice %arg16[%dma_wait3A_913, %dma_wait3A_926, %dma_wait3A_927] : memref<8x50x64xf32, #tpu.memory_space<vmem>> -> memref<1x50x64xf32, #tpu.memory_space<vmem>>
        %dma_wait3A_929 = tpu.memref_squeeze %dma_wait3A_928 : memref<1x50x64xf32, #tpu.memory_space<vmem>> -> memref<50x64xf32, #tpu.memory_space<vmem>>
        tpu.wait_dma2 semaphore(%arg30 : memref<!tpu.dma_semaphore, #tpu.memory_space<semaphore_mem>>) src(%dma_wait3A_929 : memref<50x64xf32, #tpu.memory_space<vmem>>) dst(%dma_wait3A_925 : memref<50x64xf32, #tpu.memory_space<hbm>>)
      } else {
      }
      %mul3A_537 = arith.constant 64 : i32
      %mul3A_538 = arith.muli %add3A_520, %mul3A_537 : i32
      %add3A_539 = arith.constant 0 : i32
      %add3A_540 = arith.addi %mul3A_538, %add3A_539 : i32
      %get3A_541 = arith.index_cast %add3A_540 : i32 to index
      %get3A_542 = tpu.vector_load %arg13[%get3A_541] {strides = array<i32>} : memref<8192xf32, #tpu.memory_space<vmem>>, vector<16xf32>,
      %get3A_543 = vector.shape_cast %get3A_542 : vector<16xf32> to vector<16xf32>
      %mul3A_544 = arith.constant 64 : i32
      %mul3A_545 = arith.muli %add3A_520, %mul3A_544 : i32
      %add3A_546 = arith.constant 16 : i32
      %add3A_547 = arith.addi %mul3A_545, %add3A_546 : i32
      %get3A_548 = arith.index_cast %add3A_547 : i32 to index
      %get3A_549 = tpu.vector_load %arg13[%get3A_548] {strides = array<i32>} : memref<8192xf32, #tpu.memory_space<vmem>>, vector<16xf32>,
      %get3A_550 = vector.shape_cast %get3A_549 : vector<16xf32> to vector<16xf32>
      %mul3A_551 = arith.constant 64 : i32
      %mul3A_552 = arith.muli %add3A_520, %mul3A_551 : i32
      %add3A_553 = arith.constant 32 : i32
      %add3A_554 = arith.addi %mul3A_552, %add3A_553 : i32
      %get3A_555 = arith.index_cast %add3A_554 : i32 to index
      %get3A_556 = tpu.vector_load %arg13[%get3A_555] {strides = array<i32>} : memref<8192xf32, #tpu.memory_space<vmem>>, vector<16xf32>,
      %get3A_557 = vector.shape_cast %get3A_556 : vector<16xf32> to vector<16xf32>
      %mul3A_558 = arith.constant 64 : i32
      %mul3A_559 = arith.muli %add3A_520, %mul3A_558 : i32
      %add3A_560 = arith.constant 48 : i32
      %add3A_561 = arith.addi %mul3A_559, %add3A_560 : i32
      %get3A_562 = arith.index_cast %add3A_561 : i32 to index
      %get3A_563 = tpu.vector_load %arg13[%get3A_562] {strides = array<i32>} : memref<8192xf32, #tpu.memory_space<vmem>>, vector<16xf32>,
      %get3A_564 = vector.shape_cast %get3A_563 : vector<16xf32> to vector<16xf32>
      %scan3A_565 = arith.constant 0 : i32
      %scan3A_566 = arith.constant 0 : i32
      %scan3A_567 = arith.constant 50 : i32
      %scan3A_568 = arith.addi %scan3A_566, %scan3A_567 : i32
      %scan3A_569 = arith.constant 1 : i32
      scf.for %scan3A_912 = %scan3A_566 to %scan3A_568 step %scan3A_569  : i32 {
        %get3A_913 = arith.constant 3 : i32
        %get3A_914 = arith.index_cast %get3A_913 : i32 to index
        %get3A_915 = arith.index_cast %scan3A_912 : i32 to index
        %get3A_916 = arith.constant 0 : index
        %get3A_917 = tpu.vector_load %arg15[%get3A_914, %get3A_915, %get3A_916] {strides = array<i32>} : memref<8x50x64xf32, #tpu.memory_space<vmem>>, vector<1x1x16xf32>,
        %get3A_918 = vector.shape_cast %get3A_917 : vector<1x1x16xf32> to vector<16xf32>
        %add3A_919 = arith.addf %get3A_918, %get3A_543 : vector<16xf32>
        %swap3A = arith.constant 3 : i32
        %swap3A_920 = arith.index_cast %swap3A : i32 to index
        %swap3A_921 = arith.index_cast %scan3A_912 : i32 to index
        %swap3A_922 = arith.constant 0 : index
        %swap3A_923 = tpu.vector_load %arg16[%swap3A_920, %swap3A_921, %swap3A_922] {strides = array<i32>} : memref<8x50x64xf32, #tpu.memory_space<vmem>>, vector<1x1x16xf32>,
        %swap3A_924 = vector.shape_cast %swap3A_923 : vector<1x1x16xf32> to vector<16xf32>
        %swap3A_925 = vector.shape_cast %add3A_919 : vector<16xf32> to vector<1x1x16xf32>
        tpu.vector_store %arg16[%swap3A_920, %swap3A_921, %swap3A_922], %swap3A_925 {strides = array<i32>} : memref<8x50x64xf32, #tpu.memory_space<vmem>>, vector<1x1x16xf32>,
        %get3A_926 = arith.constant 3 : i32
        %get3A_927 = arith.index_cast %get3A_926 : i32 to index
        %get3A_928 = arith.index_cast %scan3A_912 : i32 to index
        %get3A_929 = arith.constant 16 : index
        %get3A_930 = tpu.vector_load %arg15[%get3A_927, %get3A_928, %get3A_929] {strides = array<i32>} : memref<8x50x64xf32, #tpu.memory_space<vmem>>, vector<1x1x16xf32>,
        %get3A_931 = vector.shape_cast %get3A_930 : vector<1x1x16xf32> to vector<16xf32>
        %add3A_932 = arith.addf %get3A_931, %get3A_550 : vector<16xf32>
        %swap3A_933 = arith.constant 3 : i32
        %swap3A_934 = arith.index_cast %swap3A_933 : i32 to index
        %swap3A_935 = arith.index_cast %scan3A_912 : i32 to index
        %swap3A_936 = arith.constant 16 : index
        %swap3A_937 = tpu.vector_load %arg16[%swap3A_934, %swap3A_935, %swap3A_936] {strides = array<i32>} : memref<8x50x64xf32, #tpu.memory_space<vmem>>, vector<1x1x16xf32>,
        %swap3A_938 = vector.shape_cast %swap3A_937 : vector<1x1x16xf32> to vector<16xf32>
        %swap3A_939 = vector.shape_cast %add3A_932 : vector<16xf32> to vector<1x1x16xf32>
        tpu.vector_store %arg16[%swap3A_934, %swap3A_935, %swap3A_936], %swap3A_939 {strides = array<i32>} : memref<8x50x64xf32, #tpu.memory_space<vmem>>, vector<1x1x16xf32>,
        %get3A_940 = arith.constant 3 : i32
        %get3A_941 = arith.index_cast %get3A_940 : i32 to index
        %get3A_942 = arith.index_cast %scan3A_912 : i32 to index
        %get3A_943 = arith.constant 32 : index
        %get3A_944 = tpu.vector_load %arg15[%get3A_941, %get3A_942, %get3A_943] {strides = array<i32>} : memref<8x50x64xf32, #tpu.memory_space<vmem>>, vector<1x1x16xf32>,
        %get3A_945 = vector.shape_cast %get3A_944 : vector<1x1x16xf32> to vector<16xf32>
        %add3A_946 = arith.addf %get3A_945, %get3A_557 : vector<16xf32>
        %swap3A_947 = arith.constant 3 : i32
        %swap3A_948 = arith.index_cast %swap3A_947 : i32 to index
        %swap3A_949 = arith.index_cast %scan3A_912 : i32 to index
        %swap3A_950 = arith.constant 32 : index
        %swap3A_951 = tpu.vector_load %arg16[%swap3A_948, %swap3A_949, %swap3A_950] {strides = array<i32>} : memref<8x50x64xf32, #tpu.memory_space<vmem>>, vector<1x1x16xf32>,
        %swap3A_952 = vector.shape_cast %swap3A_951 : vector<1x1x16xf32> to vector<16xf32>
        %swap3A_953 = vector.shape_cast %add3A_946 : vector<16xf32> to vector<1x1x16xf32>
        tpu.vector_store %arg16[%swap3A_948, %swap3A_949, %swap3A_950], %swap3A_953 {strides = array<i32>} : memref<8x50x64xf32, #tpu.memory_space<vmem>>, vector<1x1x16xf32>,
        %get3A_954 = arith.constant 3 : i32
        %get3A_955 = arith.index_cast %get3A_954 : i32 to index
        %get3A_956 = arith.index_cast %scan3A_912 : i32 to index
        %get3A_957 = arith.constant 48 : index
        %get3A_958 = tpu.vector_load %arg15[%get3A_955, %get3A_956, %get3A_957] {strides = array<i32>} : memref<8x50x64xf32, #tpu.memory_space<vmem>>, vector<1x1x16xf32>,
        %get3A_959 = vector.shape_cast %get3A_958 : vector<1x1x16xf32> to vector<16xf32>
        %add3A_960 = arith.addf %get3A_959, %get3A_564 : vector<16xf32>
        %swap3A_961 = arith.constant 3 : i32
        %swap3A_962 = arith.index_cast %swap3A_961 : i32 to index
        %swap3A_963 = arith.index_cast %scan3A_912 : i32 to index
        %swap3A_964 = arith.constant 48 : index
        %swap3A_965 = tpu.vector_load %arg16[%swap3A_962, %swap3A_963, %swap3A_964] {strides = array<i32>} : memref<8x50x64xf32, #tpu.memory_space<vmem>>, vector<1x1x16xf32>,
        %swap3A_966 = vector.shape_cast %swap3A_965 : vector<1x1x16xf32> to vector<16xf32>
        %swap3A_967 = vector.shape_cast %add3A_960 : vector<16xf32> to vector<1x1x16xf32>
        tpu.vector_store %arg16[%swap3A_962, %swap3A_963, %swap3A_964], %swap3A_967 {strides = array<i32>} : memref<8x50x64xf32, #tpu.memory_space<vmem>>, vector<1x1x16xf32>,
      }
      %scan3A_570 = arith.constant 50 : i32
      %add3A_571 = arith.addi %mul3A_2, %add3A_520 : i32
      %dma_start3A_572 = arith.constant 3 : i32
      %dma_start3A_573 = arith.constant 0 : i32
      %dma_start3A_574 = arith.constant 0 : i32
      %dma_start3A_575 = tpu.memref_slice %arg16[%dma_start3A_572, %dma_start3A_573, %dma_start3A_574] : memref<8x50x64xf32, #tpu.memory_space<vmem>> -> memref<1x50x64xf32, #tpu.memory_space<vmem>>
      %dma_start3A_576 = tpu.memref_squeeze %dma_start3A_575 : memref<1x50x64xf32, #tpu.memory_space<vmem>> -> memref<50x64xf32, #tpu.memory_space<vmem>>
      %dma_start3A_577 = arith.constant 0 : i32
      %dma_start3A_578 = arith.constant 0 : i32
      %dma_start3A_579 = tpu.memref_slice %arg8[%add3A_571, %dma_start3A_577, %dma_start3A_578] : memref<4096x50x64xf32, #tpu.memory_space<hbm>> -> memref<1x50x64xf32, #tpu.memory_space<hbm>>
      %dma_start3A_580 = tpu.memref_squeeze %dma_start3A_579 : memref<1x50x64xf32, #tpu.memory_space<hbm>> -> memref<50x64xf32, #tpu.memory_space<hbm>>
      %dma_start3A_581 = arith.constant 0 : i32
      %dma_start3A_582 = arith.constant 0 : i32
      %dma_start3A_583 = tpu.memref_slice %arg8[%add3A_571, %dma_start3A_581, %dma_start3A_582] : memref<4096x50x64xf32, #tpu.memory_space<hbm>> -> memref<1x50x64xf32, #tpu.memory_space<hbm>>
      %dma_start3A_584 = tpu.memref_squeeze %dma_start3A_583 : memref<1x50x64xf32, #tpu.memory_space<hbm>> -> memref<50x64xf32, #tpu.memory_space<hbm>>
      %dma_start3A_585 = arith.constant 0 : i32
      %dma_start3A_586 = arith.constant 0 : i32
      %dma_start3A_587 = tpu.memref_slice %arg16[%dma_start3A_572, %dma_start3A_585, %dma_start3A_586] : memref<8x50x64xf32, #tpu.memory_space<vmem>> -> memref<1x50x64xf32, #tpu.memory_space<vmem>>
      %dma_start3A_588 = tpu.memref_squeeze %dma_start3A_587 : memref<1x50x64xf32, #tpu.memory_space<vmem>> -> memref<50x64xf32, #tpu.memory_space<vmem>>
      tpu.enqueue_dma source(%dma_start3A_588 : memref<50x64xf32, #tpu.memory_space<vmem>>) target(%dma_start3A_584 : memref<50x64xf32, #tpu.memory_space<hbm>>) target_semaphore(%arg30 : memref<!tpu.dma_semaphore, #tpu.memory_space<semaphore_mem>>)
      %add3A_589 = arith.constant 8 : i32
      %add3A_590 = arith.addi %add3A_520, %add3A_589 : i32
      %lt3A_591 = arith.constant 128 : i32
      %lt3A_592 = arith.cmpi slt, %add3A_590, %lt3A_591 : i32
      %convert_element_type3A_593 = arith.extui %lt3A_592 : i1 to i32
      %cond3A_594 = arith.constant 0 : i32
      %cond3A_595 = arith.cmpi ne, %convert_element_type3A_593, %cond3A_594 : i32
      scf.if %cond3A_595 {
        %add3A_912 = arith.constant 8 : i32
        %add3A_913 = arith.addi %add3A_520, %add3A_912 : i32
        %dma_start3A_914 = arith.constant 3 : i32
        %dma_start3A_915 = arith.constant 0 : i32
        %dma_start3A_916 = arith.constant 0 : i32
        %dma_start3A_917 = tpu.memref_slice %arg15[%dma_start3A_914, %dma_start3A_915, %dma_start3A_916] : memref<8x50x64xf32, #tpu.memory_space<vmem>> -> memref<1x50x64xf32, #tpu.memory_space<vmem>>
        %dma_start3A_918 = tpu.memref_squeeze %dma_start3A_917 : memref<1x50x64xf32, #tpu.memory_space<vmem>> -> memref<50x64xf32, #tpu.memory_space<vmem>>
        %dma_start3A_919 = arith.constant 0 : i32
        %dma_start3A_920 = tpu.memref_slice %arg11[%add3A_913, %dma_start3A_919] : memref<128x50xi32, #tpu.memory_space<vmem>> -> memref<1x50xi32, #tpu.memory_space<vmem>>
        %dma_start3A_921 = tpu.memref_squeeze %dma_start3A_920 : memref<1x50xi32, #tpu.memory_space<vmem>> -> memref<50xi32, #tpu.memory_space<vmem>>
        %dma_start3A_922 = arith.constant 0 : i32
        %dma_start3A_923 = arith.constant 0 : i32
        %dma_start3A_924 = tpu.memref_slice %arg6[%dma_start3A_922, %dma_start3A_923] : memref<1001472x64xf32, #tpu.memory_space<hbm>> -> memref<1001472x64xf32, #tpu.memory_space<hbm>>
        tpu.enqueue_indirect_dma source(%dma_start3A_924 : memref<1001472x64xf32, #tpu.memory_space<hbm>>) target(%dma_start3A_918 : memref<50x64xf32, #tpu.memory_space<vmem>>) offsets(%dma_start3A_921 : memref<50xi32, #tpu.memory_space<vmem>>) semaphore(%arg22 : memref<!tpu.dma_semaphore, #tpu.memory_space<semaphore_mem>>)
      } else {
      }
      %mul3A_596 = arith.constant 8 : i32
      %mul3A_597 = arith.muli %scan3A_284, %mul3A_596 : i32
      %add3A_598 = arith.constant 4 : i32
      %add3A_599 = arith.addi %mul3A_597, %add3A_598 : i32
      %dma_wait3A_600 = arith.constant 4 : i32
      %dma_wait3A_601 = arith.constant 0 : i32
      %dma_wait3A_602 = arith.constant 0 : i32
      %dma_wait3A_603 = tpu.memref_slice %arg15[%dma_wait3A_600, %dma_wait3A_601, %dma_wait3A_602] : memref<8x50x64xf32, #tpu.memory_space<vmem>> -> memref<1x50x64xf32, #tpu.memory_space<vmem>>
      %dma_wait3A_604 = tpu.memref_squeeze %dma_wait3A_603 : memref<1x50x64xf32, #tpu.memory_space<vmem>> -> memref<50x64xf32, #tpu.memory_space<vmem>>
      %dma_wait3A_605 = arith.constant 0 : i32
      %dma_wait3A_606 = tpu.memref_slice %arg11[%add3A_599, %dma_wait3A_605] : memref<128x50xi32, #tpu.memory_space<vmem>> -> memref<1x50xi32, #tpu.memory_space<vmem>>
      %dma_wait3A_607 = tpu.memref_squeeze %dma_wait3A_606 : memref<1x50xi32, #tpu.memory_space<vmem>> -> memref<50xi32, #tpu.memory_space<vmem>>
      %dma_wait3A_608 = arith.constant 0 : i32
      %dma_wait3A_609 = arith.constant 0 : i32
      %dma_wait3A_610 = tpu.memref_slice %arg6[%dma_wait3A_608, %dma_wait3A_609] : memref<1001472x64xf32, #tpu.memory_space<hbm>> -> memref<1001472x64xf32, #tpu.memory_space<hbm>>
      tpu.wait_indirect_dma semaphore(%arg23 : memref<!tpu.dma_semaphore, #tpu.memory_space<semaphore_mem>>) src(%dma_wait3A_610 : memref<1001472x64xf32, #tpu.memory_space<hbm>>) dst(%dma_wait3A_604 : memref<50x64xf32, #tpu.memory_space<vmem>>)
      %gt3A_611 = arith.constant 0 : i32
      %gt3A_612 = arith.cmpi sgt, %scan3A_284, %gt3A_611 : i32
      %convert_element_type3A_613 = arith.extui %gt3A_612 : i1 to i32
      %cond3A_614 = arith.constant 0 : i32
      %cond3A_615 = arith.cmpi ne, %convert_element_type3A_613, %cond3A_614 : i32
      scf.if %cond3A_615 {
        %add3A_912 = arith.addi %mul3A_2, %add3A_599 : i32
        %dma_wait3A_913 = arith.constant 4 : i32
        %dma_wait3A_914 = arith.constant 0 : i32
        %dma_wait3A_915 = arith.constant 0 : i32
        %dma_wait3A_916 = tpu.memref_slice %arg16[%dma_wait3A_913, %dma_wait3A_914, %dma_wait3A_915] : memref<8x50x64xf32, #tpu.memory_space<vmem>> -> memref<1x50x64xf32, #tpu.memory_space<vmem>>
        %dma_wait3A_917 = tpu.memref_squeeze %dma_wait3A_916 : memref<1x50x64xf32, #tpu.memory_space<vmem>> -> memref<50x64xf32, #tpu.memory_space<vmem>>
        %dma_wait3A_918 = arith.constant 0 : i32
        %dma_wait3A_919 = arith.constant 0 : i32
        %dma_wait3A_920 = tpu.memref_slice %arg8[%add3A_912, %dma_wait3A_918, %dma_wait3A_919] : memref<4096x50x64xf32, #tpu.memory_space<hbm>> -> memref<1x50x64xf32, #tpu.memory_space<hbm>>
        %dma_wait3A_921 = tpu.memref_squeeze %dma_wait3A_920 : memref<1x50x64xf32, #tpu.memory_space<hbm>> -> memref<50x64xf32, #tpu.memory_space<hbm>>
        %dma_wait3A_922 = arith.constant 0 : i32
        %dma_wait3A_923 = arith.constant 0 : i32
        %dma_wait3A_924 = tpu.memref_slice %arg8[%add3A_912, %dma_wait3A_922, %dma_wait3A_923] : memref<4096x50x64xf32, #tpu.memory_space<hbm>> -> memref<1x50x64xf32, #tpu.memory_space<hbm>>
        %dma_wait3A_925 = tpu.memref_squeeze %dma_wait3A_924 : memref<1x50x64xf32, #tpu.memory_space<hbm>> -> memref<50x64xf32, #tpu.memory_space<hbm>>
        %dma_wait3A_926 = arith.constant 0 : i32
        %dma_wait3A_927 = arith.constant 0 : i32
        %dma_wait3A_928 = tpu.memref_slice %arg16[%dma_wait3A_913, %dma_wait3A_926, %dma_wait3A_927] : memref<8x50x64xf32, #tpu.memory_space<vmem>> -> memref<1x50x64xf32, #tpu.memory_space<vmem>>
        %dma_wait3A_929 = tpu.memref_squeeze %dma_wait3A_928 : memref<1x50x64xf32, #tpu.memory_space<vmem>> -> memref<50x64xf32, #tpu.memory_space<vmem>>
        tpu.wait_dma2 semaphore(%arg31 : memref<!tpu.dma_semaphore, #tpu.memory_space<semaphore_mem>>) src(%dma_wait3A_929 : memref<50x64xf32, #tpu.memory_space<vmem>>) dst(%dma_wait3A_925 : memref<50x64xf32, #tpu.memory_space<hbm>>)
      } else {
      }
      %mul3A_616 = arith.constant 64 : i32
      %mul3A_617 = arith.muli %add3A_599, %mul3A_616 : i32
      %add3A_618 = arith.constant 0 : i32
      %add3A_619 = arith.addi %mul3A_617, %add3A_618 : i32
      %get3A_620 = arith.index_cast %add3A_619 : i32 to index
      %get3A_621 = tpu.vector_load %arg13[%get3A_620] {strides = array<i32>} : memref<8192xf32, #tpu.memory_space<vmem>>, vector<16xf32>,
      %get3A_622 = vector.shape_cast %get3A_621 : vector<16xf32> to vector<16xf32>
      %mul3A_623 = arith.constant 64 : i32
      %mul3A_624 = arith.muli %add3A_599, %mul3A_623 : i32
      %add3A_625 = arith.constant 16 : i32
      %add3A_626 = arith.addi %mul3A_624, %add3A_625 : i32
      %get3A_627 = arith.index_cast %add3A_626 : i32 to index
      %get3A_628 = tpu.vector_load %arg13[%get3A_627] {strides = array<i32>} : memref<8192xf32, #tpu.memory_space<vmem>>, vector<16xf32>,
      %get3A_629 = vector.shape_cast %get3A_628 : vector<16xf32> to vector<16xf32>
      %mul3A_630 = arith.constant 64 : i32
      %mul3A_631 = arith.muli %add3A_599, %mul3A_630 : i32
      %add3A_632 = arith.constant 32 : i32
      %add3A_633 = arith.addi %mul3A_631, %add3A_632 : i32
      %get3A_634 = arith.index_cast %add3A_633 : i32 to index
      %get3A_635 = tpu.vector_load %arg13[%get3A_634] {strides = array<i32>} : memref<8192xf32, #tpu.memory_space<vmem>>, vector<16xf32>,
      %get3A_636 = vector.shape_cast %get3A_635 : vector<16xf32> to vector<16xf32>
      %mul3A_637 = arith.constant 64 : i32
      %mul3A_638 = arith.muli %add3A_599, %mul3A_637 : i32
      %add3A_639 = arith.constant 48 : i32
      %add3A_640 = arith.addi %mul3A_638, %add3A_639 : i32
      %get3A_641 = arith.index_cast %add3A_640 : i32 to index
      %get3A_642 = tpu.vector_load %arg13[%get3A_641] {strides = array<i32>} : memref<8192xf32, #tpu.memory_space<vmem>>, vector<16xf32>,
      %get3A_643 = vector.shape_cast %get3A_642 : vector<16xf32> to vector<16xf32>
      %scan3A_644 = arith.constant 0 : i32
      %scan3A_645 = arith.constant 0 : i32
      %scan3A_646 = arith.constant 50 : i32
      %scan3A_647 = arith.addi %scan3A_645, %scan3A_646 : i32
      %scan3A_648 = arith.constant 1 : i32
      scf.for %scan3A_912 = %scan3A_645 to %scan3A_647 step %scan3A_648  : i32 {
        %get3A_913 = arith.constant 4 : i32
        %get3A_914 = arith.index_cast %get3A_913 : i32 to index
        %get3A_915 = arith.index_cast %scan3A_912 : i32 to index
        %get3A_916 = arith.constant 0 : index
        %get3A_917 = tpu.vector_load %arg15[%get3A_914, %get3A_915, %get3A_916] {strides = array<i32>} : memref<8x50x64xf32, #tpu.memory_space<vmem>>, vector<1x1x16xf32>,
        %get3A_918 = vector.shape_cast %get3A_917 : vector<1x1x16xf32> to vector<16xf32>
        %add3A_919 = arith.addf %get3A_918, %get3A_622 : vector<16xf32>
        %swap3A = arith.constant 4 : i32
        %swap3A_920 = arith.index_cast %swap3A : i32 to index
        %swap3A_921 = arith.index_cast %scan3A_912 : i32 to index
        %swap3A_922 = arith.constant 0 : index
        %swap3A_923 = tpu.vector_load %arg16[%swap3A_920, %swap3A_921, %swap3A_922] {strides = array<i32>} : memref<8x50x64xf32, #tpu.memory_space<vmem>>, vector<1x1x16xf32>,
        %swap3A_924 = vector.shape_cast %swap3A_923 : vector<1x1x16xf32> to vector<16xf32>
        %swap3A_925 = vector.shape_cast %add3A_919 : vector<16xf32> to vector<1x1x16xf32>
        tpu.vector_store %arg16[%swap3A_920, %swap3A_921, %swap3A_922], %swap3A_925 {strides = array<i32>} : memref<8x50x64xf32, #tpu.memory_space<vmem>>, vector<1x1x16xf32>,
        %get3A_926 = arith.constant 4 : i32
        %get3A_927 = arith.index_cast %get3A_926 : i32 to index
        %get3A_928 = arith.index_cast %scan3A_912 : i32 to index
        %get3A_929 = arith.constant 16 : index
        %get3A_930 = tpu.vector_load %arg15[%get3A_927, %get3A_928, %get3A_929] {strides = array<i32>} : memref<8x50x64xf32, #tpu.memory_space<vmem>>, vector<1x1x16xf32>,
        %get3A_931 = vector.shape_cast %get3A_930 : vector<1x1x16xf32> to vector<16xf32>
        %add3A_932 = arith.addf %get3A_931, %get3A_629 : vector<16xf32>
        %swap3A_933 = arith.constant 4 : i32
        %swap3A_934 = arith.index_cast %swap3A_933 : i32 to index
        %swap3A_935 = arith.index_cast %scan3A_912 : i32 to index
        %swap3A_936 = arith.constant 16 : index
        %swap3A_937 = tpu.vector_load %arg16[%swap3A_934, %swap3A_935, %swap3A_936] {strides = array<i32>} : memref<8x50x64xf32, #tpu.memory_space<vmem>>, vector<1x1x16xf32>,
        %swap3A_938 = vector.shape_cast %swap3A_937 : vector<1x1x16xf32> to vector<16xf32>
        %swap3A_939 = vector.shape_cast %add3A_932 : vector<16xf32> to vector<1x1x16xf32>
        tpu.vector_store %arg16[%swap3A_934, %swap3A_935, %swap3A_936], %swap3A_939 {strides = array<i32>} : memref<8x50x64xf32, #tpu.memory_space<vmem>>, vector<1x1x16xf32>,
        %get3A_940 = arith.constant 4 : i32
        %get3A_941 = arith.index_cast %get3A_940 : i32 to index
        %get3A_942 = arith.index_cast %scan3A_912 : i32 to index
        %get3A_943 = arith.constant 32 : index
        %get3A_944 = tpu.vector_load %arg15[%get3A_941, %get3A_942, %get3A_943] {strides = array<i32>} : memref<8x50x64xf32, #tpu.memory_space<vmem>>, vector<1x1x16xf32>,
        %get3A_945 = vector.shape_cast %get3A_944 : vector<1x1x16xf32> to vector<16xf32>
        %add3A_946 = arith.addf %get3A_945, %get3A_636 : vector<16xf32>
        %swap3A_947 = arith.constant 4 : i32
        %swap3A_948 = arith.index_cast %swap3A_947 : i32 to index
        %swap3A_949 = arith.index_cast %scan3A_912 : i32 to index
        %swap3A_950 = arith.constant 32 : index
        %swap3A_951 = tpu.vector_load %arg16[%swap3A_948, %swap3A_949, %swap3A_950] {strides = array<i32>} : memref<8x50x64xf32, #tpu.memory_space<vmem>>, vector<1x1x16xf32>,
        %swap3A_952 = vector.shape_cast %swap3A_951 : vector<1x1x16xf32> to vector<16xf32>
        %swap3A_953 = vector.shape_cast %add3A_946 : vector<16xf32> to vector<1x1x16xf32>
        tpu.vector_store %arg16[%swap3A_948, %swap3A_949, %swap3A_950], %swap3A_953 {strides = array<i32>} : memref<8x50x64xf32, #tpu.memory_space<vmem>>, vector<1x1x16xf32>,
        %get3A_954 = arith.constant 4 : i32
        %get3A_955 = arith.index_cast %get3A_954 : i32 to index
        %get3A_956 = arith.index_cast %scan3A_912 : i32 to index
        %get3A_957 = arith.constant 48 : index
        %get3A_958 = tpu.vector_load %arg15[%get3A_955, %get3A_956, %get3A_957] {strides = array<i32>} : memref<8x50x64xf32, #tpu.memory_space<vmem>>, vector<1x1x16xf32>,
        %get3A_959 = vector.shape_cast %get3A_958 : vector<1x1x16xf32> to vector<16xf32>
        %add3A_960 = arith.addf %get3A_959, %get3A_643 : vector<16xf32>
        %swap3A_961 = arith.constant 4 : i32
        %swap3A_962 = arith.index_cast %swap3A_961 : i32 to index
        %swap3A_963 = arith.index_cast %scan3A_912 : i32 to index
        %swap3A_964 = arith.constant 48 : index
        %swap3A_965 = tpu.vector_load %arg16[%swap3A_962, %swap3A_963, %swap3A_964] {strides = array<i32>} : memref<8x50x64xf32, #tpu.memory_space<vmem>>, vector<1x1x16xf32>,
        %swap3A_966 = vector.shape_cast %swap3A_965 : vector<1x1x16xf32> to vector<16xf32>
        %swap3A_967 = vector.shape_cast %add3A_960 : vector<16xf32> to vector<1x1x16xf32>
        tpu.vector_store %arg16[%swap3A_962, %swap3A_963, %swap3A_964], %swap3A_967 {strides = array<i32>} : memref<8x50x64xf32, #tpu.memory_space<vmem>>, vector<1x1x16xf32>,
      }
      %scan3A_649 = arith.constant 50 : i32
      %add3A_650 = arith.addi %mul3A_2, %add3A_599 : i32
      %dma_start3A_651 = arith.constant 4 : i32
      %dma_start3A_652 = arith.constant 0 : i32
      %dma_start3A_653 = arith.constant 0 : i32
      %dma_start3A_654 = tpu.memref_slice %arg16[%dma_start3A_651, %dma_start3A_652, %dma_start3A_653] : memref<8x50x64xf32, #tpu.memory_space<vmem>> -> memref<1x50x64xf32, #tpu.memory_space<vmem>>
      %dma_start3A_655 = tpu.memref_squeeze %dma_start3A_654 : memref<1x50x64xf32, #tpu.memory_space<vmem>> -> memref<50x64xf32, #tpu.memory_space<vmem>>
      %dma_start3A_656 = arith.constant 0 : i32
      %dma_start3A_657 = arith.constant 0 : i32
      %dma_start3A_658 = tpu.memref_slice %arg8[%add3A_650, %dma_start3A_656, %dma_start3A_657] : memref<4096x50x64xf32, #tpu.memory_space<hbm>> -> memref<1x50x64xf32, #tpu.memory_space<hbm>>
      %dma_start3A_659 = tpu.memref_squeeze %dma_start3A_658 : memref<1x50x64xf32, #tpu.memory_space<hbm>> -> memref<50x64xf32, #tpu.memory_space<hbm>>
      %dma_start3A_660 = arith.constant 0 : i32
      %dma_start3A_661 = arith.constant 0 : i32
      %dma_start3A_662 = tpu.memref_slice %arg8[%add3A_650, %dma_start3A_660, %dma_start3A_661] : memref<4096x50x64xf32, #tpu.memory_space<hbm>> -> memref<1x50x64xf32, #tpu.memory_space<hbm>>
      %dma_start3A_663 = tpu.memref_squeeze %dma_start3A_662 : memref<1x50x64xf32, #tpu.memory_space<hbm>> -> memref<50x64xf32, #tpu.memory_space<hbm>>
      %dma_start3A_664 = arith.constant 0 : i32
      %dma_start3A_665 = arith.constant 0 : i32
      %dma_start3A_666 = tpu.memref_slice %arg16[%dma_start3A_651, %dma_start3A_664, %dma_start3A_665] : memref<8x50x64xf32, #tpu.memory_space<vmem>> -> memref<1x50x64xf32, #tpu.memory_space<vmem>>
      %dma_start3A_667 = tpu.memref_squeeze %dma_start3A_666 : memref<1x50x64xf32, #tpu.memory_space<vmem>> -> memref<50x64xf32, #tpu.memory_space<vmem>>
      tpu.enqueue_dma source(%dma_start3A_667 : memref<50x64xf32, #tpu.memory_space<vmem>>) target(%dma_start3A_663 : memref<50x64xf32, #tpu.memory_space<hbm>>) target_semaphore(%arg31 : memref<!tpu.dma_semaphore, #tpu.memory_space<semaphore_mem>>)
      %add3A_668 = arith.constant 8 : i32
      %add3A_669 = arith.addi %add3A_599, %add3A_668 : i32
      %lt3A_670 = arith.constant 128 : i32
      %lt3A_671 = arith.cmpi slt, %add3A_669, %lt3A_670 : i32
      %convert_element_type3A_672 = arith.extui %lt3A_671 : i1 to i32
      %cond3A_673 = arith.constant 0 : i32
      %cond3A_674 = arith.cmpi ne, %convert_element_type3A_672, %cond3A_673 : i32
      scf.if %cond3A_674 {
        %add3A_912 = arith.constant 8 : i32
        %add3A_913 = arith.addi %add3A_599, %add3A_912 : i32
        %dma_start3A_914 = arith.constant 4 : i32
        %dma_start3A_915 = arith.constant 0 : i32
        %dma_start3A_916 = arith.constant 0 : i32
        %dma_start3A_917 = tpu.memref_slice %arg15[%dma_start3A_914, %dma_start3A_915, %dma_start3A_916] : memref<8x50x64xf32, #tpu.memory_space<vmem>> -> memref<1x50x64xf32, #tpu.memory_space<vmem>>
        %dma_start3A_918 = tpu.memref_squeeze %dma_start3A_917 : memref<1x50x64xf32, #tpu.memory_space<vmem>> -> memref<50x64xf32, #tpu.memory_space<vmem>>
        %dma_start3A_919 = arith.constant 0 : i32
        %dma_start3A_920 = tpu.memref_slice %arg11[%add3A_913, %dma_start3A_919] : memref<128x50xi32, #tpu.memory_space<vmem>> -> memref<1x50xi32, #tpu.memory_space<vmem>>
        %dma_start3A_921 = tpu.memref_squeeze %dma_start3A_920 : memref<1x50xi32, #tpu.memory_space<vmem>> -> memref<50xi32, #tpu.memory_space<vmem>>
        %dma_start3A_922 = arith.constant 0 : i32
        %dma_start3A_923 = arith.constant 0 : i32
        %dma_start3A_924 = tpu.memref_slice %arg6[%dma_start3A_922, %dma_start3A_923] : memref<1001472x64xf32, #tpu.memory_space<hbm>> -> memref<1001472x64xf32, #tpu.memory_space<hbm>>
        tpu.enqueue_indirect_dma source(%dma_start3A_924 : memref<1001472x64xf32, #tpu.memory_space<hbm>>) target(%dma_start3A_918 : memref<50x64xf32, #tpu.memory_space<vmem>>) offsets(%dma_start3A_921 : memref<50xi32, #tpu.memory_space<vmem>>) semaphore(%arg23 : memref<!tpu.dma_semaphore, #tpu.memory_space<semaphore_mem>>)
      } else {
      }
      %mul3A_675 = arith.constant 8 : i32
      %mul3A_676 = arith.muli %scan3A_284, %mul3A_675 : i32
      %add3A_677 = arith.constant 5 : i32
      %add3A_678 = arith.addi %mul3A_676, %add3A_677 : i32
      %dma_wait3A_679 = arith.constant 5 : i32
      %dma_wait3A_680 = arith.constant 0 : i32
      %dma_wait3A_681 = arith.constant 0 : i32
      %dma_wait3A_682 = tpu.memref_slice %arg15[%dma_wait3A_679, %dma_wait3A_680, %dma_wait3A_681] : memref<8x50x64xf32, #tpu.memory_space<vmem>> -> memref<1x50x64xf32, #tpu.memory_space<vmem>>
      %dma_wait3A_683 = tpu.memref_squeeze %dma_wait3A_682 : memref<1x50x64xf32, #tpu.memory_space<vmem>> -> memref<50x64xf32, #tpu.memory_space<vmem>>
      %dma_wait3A_684 = arith.constant 0 : i32
      %dma_wait3A_685 = tpu.memref_slice %arg11[%add3A_678, %dma_wait3A_684] : memref<128x50xi32, #tpu.memory_space<vmem>> -> memref<1x50xi32, #tpu.memory_space<vmem>>
      %dma_wait3A_686 = tpu.memref_squeeze %dma_wait3A_685 : memref<1x50xi32, #tpu.memory_space<vmem>> -> memref<50xi32, #tpu.memory_space<vmem>>
      %dma_wait3A_687 = arith.constant 0 : i32
      %dma_wait3A_688 = arith.constant 0 : i32
      %dma_wait3A_689 = tpu.memref_slice %arg6[%dma_wait3A_687, %dma_wait3A_688] : memref<1001472x64xf32, #tpu.memory_space<hbm>> -> memref<1001472x64xf32, #tpu.memory_space<hbm>>
      tpu.wait_indirect_dma semaphore(%arg24 : memref<!tpu.dma_semaphore, #tpu.memory_space<semaphore_mem>>) src(%dma_wait3A_689 : memref<1001472x64xf32, #tpu.memory_space<hbm>>) dst(%dma_wait3A_683 : memref<50x64xf32, #tpu.memory_space<vmem>>)
      %gt3A_690 = arith.constant 0 : i32
      %gt3A_691 = arith.cmpi sgt, %scan3A_284, %gt3A_690 : i32
      %convert_element_type3A_692 = arith.extui %gt3A_691 : i1 to i32
      %cond3A_693 = arith.constant 0 : i32
      %cond3A_694 = arith.cmpi ne, %convert_element_type3A_692, %cond3A_693 : i32
      scf.if %cond3A_694 {
        %add3A_912 = arith.addi %mul3A_2, %add3A_678 : i32
        %dma_wait3A_913 = arith.constant 5 : i32
        %dma_wait3A_914 = arith.constant 0 : i32
        %dma_wait3A_915 = arith.constant 0 : i32
        %dma_wait3A_916 = tpu.memref_slice %arg16[%dma_wait3A_913, %dma_wait3A_914, %dma_wait3A_915] : memref<8x50x64xf32, #tpu.memory_space<vmem>> -> memref<1x50x64xf32, #tpu.memory_space<vmem>>
        %dma_wait3A_917 = tpu.memref_squeeze %dma_wait3A_916 : memref<1x50x64xf32, #tpu.memory_space<vmem>> -> memref<50x64xf32, #tpu.memory_space<vmem>>
        %dma_wait3A_918 = arith.constant 0 : i32
        %dma_wait3A_919 = arith.constant 0 : i32
        %dma_wait3A_920 = tpu.memref_slice %arg8[%add3A_912, %dma_wait3A_918, %dma_wait3A_919] : memref<4096x50x64xf32, #tpu.memory_space<hbm>> -> memref<1x50x64xf32, #tpu.memory_space<hbm>>
        %dma_wait3A_921 = tpu.memref_squeeze %dma_wait3A_920 : memref<1x50x64xf32, #tpu.memory_space<hbm>> -> memref<50x64xf32, #tpu.memory_space<hbm>>
        %dma_wait3A_922 = arith.constant 0 : i32
        %dma_wait3A_923 = arith.constant 0 : i32
        %dma_wait3A_924 = tpu.memref_slice %arg8[%add3A_912, %dma_wait3A_922, %dma_wait3A_923] : memref<4096x50x64xf32, #tpu.memory_space<hbm>> -> memref<1x50x64xf32, #tpu.memory_space<hbm>>
        %dma_wait3A_925 = tpu.memref_squeeze %dma_wait3A_924 : memref<1x50x64xf32, #tpu.memory_space<hbm>> -> memref<50x64xf32, #tpu.memory_space<hbm>>
        %dma_wait3A_926 = arith.constant 0 : i32
        %dma_wait3A_927 = arith.constant 0 : i32
        %dma_wait3A_928 = tpu.memref_slice %arg16[%dma_wait3A_913, %dma_wait3A_926, %dma_wait3A_927] : memref<8x50x64xf32, #tpu.memory_space<vmem>> -> memref<1x50x64xf32, #tpu.memory_space<vmem>>
        %dma_wait3A_929 = tpu.memref_squeeze %dma_wait3A_928 : memref<1x50x64xf32, #tpu.memory_space<vmem>> -> memref<50x64xf32, #tpu.memory_space<vmem>>
        tpu.wait_dma2 semaphore(%arg32 : memref<!tpu.dma_semaphore, #tpu.memory_space<semaphore_mem>>) src(%dma_wait3A_929 : memref<50x64xf32, #tpu.memory_space<vmem>>) dst(%dma_wait3A_925 : memref<50x64xf32, #tpu.memory_space<hbm>>)
      } else {
      }
      %mul3A_695 = arith.constant 64 : i32
      %mul3A_696 = arith.muli %add3A_678, %mul3A_695 : i32
      %add3A_697 = arith.constant 0 : i32
      %add3A_698 = arith.addi %mul3A_696, %add3A_697 : i32
      %get3A_699 = arith.index_cast %add3A_698 : i32 to index
      %get3A_700 = tpu.vector_load %arg13[%get3A_699] {strides = array<i32>} : memref<8192xf32, #tpu.memory_space<vmem>>, vector<16xf32>,
      %get3A_701 = vector.shape_cast %get3A_700 : vector<16xf32> to vector<16xf32>
      %mul3A_702 = arith.constant 64 : i32
      %mul3A_703 = arith.muli %add3A_678, %mul3A_702 : i32
      %add3A_704 = arith.constant 16 : i32
      %add3A_705 = arith.addi %mul3A_703, %add3A_704 : i32
      %get3A_706 = arith.index_cast %add3A_705 : i32 to index
      %get3A_707 = tpu.vector_load %arg13[%get3A_706] {strides = array<i32>} : memref<8192xf32, #tpu.memory_space<vmem>>, vector<16xf32>,
      %get3A_708 = vector.shape_cast %get3A_707 : vector<16xf32> to vector<16xf32>
      %mul3A_709 = arith.constant 64 : i32
      %mul3A_710 = arith.muli %add3A_678, %mul3A_709 : i32
      %add3A_711 = arith.constant 32 : i32
      %add3A_712 = arith.addi %mul3A_710, %add3A_711 : i32
      %get3A_713 = arith.index_cast %add3A_712 : i32 to index
      %get3A_714 = tpu.vector_load %arg13[%get3A_713] {strides = array<i32>} : memref<8192xf32, #tpu.memory_space<vmem>>, vector<16xf32>,
      %get3A_715 = vector.shape_cast %get3A_714 : vector<16xf32> to vector<16xf32>
      %mul3A_716 = arith.constant 64 : i32
      %mul3A_717 = arith.muli %add3A_678, %mul3A_716 : i32
      %add3A_718 = arith.constant 48 : i32
      %add3A_719 = arith.addi %mul3A_717, %add3A_718 : i32
      %get3A_720 = arith.index_cast %add3A_719 : i32 to index
      %get3A_721 = tpu.vector_load %arg13[%get3A_720] {strides = array<i32>} : memref<8192xf32, #tpu.memory_space<vmem>>, vector<16xf32>,
      %get3A_722 = vector.shape_cast %get3A_721 : vector<16xf32> to vector<16xf32>
      %scan3A_723 = arith.constant 0 : i32
      %scan3A_724 = arith.constant 0 : i32
      %scan3A_725 = arith.constant 50 : i32
      %scan3A_726 = arith.addi %scan3A_724, %scan3A_725 : i32
      %scan3A_727 = arith.constant 1 : i32
      scf.for %scan3A_912 = %scan3A_724 to %scan3A_726 step %scan3A_727  : i32 {
        %get3A_913 = arith.constant 5 : i32
        %get3A_914 = arith.index_cast %get3A_913 : i32 to index
        %get3A_915 = arith.index_cast %scan3A_912 : i32 to index
        %get3A_916 = arith.constant 0 : index
        %get3A_917 = tpu.vector_load %arg15[%get3A_914, %get3A_915, %get3A_916] {strides = array<i32>} : memref<8x50x64xf32, #tpu.memory_space<vmem>>, vector<1x1x16xf32>,
        %get3A_918 = vector.shape_cast %get3A_917 : vector<1x1x16xf32> to vector<16xf32>
        %add3A_919 = arith.addf %get3A_918, %get3A_701 : vector<16xf32>
        %swap3A = arith.constant 5 : i32
        %swap3A_920 = arith.index_cast %swap3A : i32 to index
        %swap3A_921 = arith.index_cast %scan3A_912 : i32 to index
        %swap3A_922 = arith.constant 0 : index
        %swap3A_923 = tpu.vector_load %arg16[%swap3A_920, %swap3A_921, %swap3A_922] {strides = array<i32>} : memref<8x50x64xf32, #tpu.memory_space<vmem>>, vector<1x1x16xf32>,
        %swap3A_924 = vector.shape_cast %swap3A_923 : vector<1x1x16xf32> to vector<16xf32>
        %swap3A_925 = vector.shape_cast %add3A_919 : vector<16xf32> to vector<1x1x16xf32>
        tpu.vector_store %arg16[%swap3A_920, %swap3A_921, %swap3A_922], %swap3A_925 {strides = array<i32>} : memref<8x50x64xf32, #tpu.memory_space<vmem>>, vector<1x1x16xf32>,
        %get3A_926 = arith.constant 5 : i32
        %get3A_927 = arith.index_cast %get3A_926 : i32 to index
        %get3A_928 = arith.index_cast %scan3A_912 : i32 to index
        %get3A_929 = arith.constant 16 : index
        %get3A_930 = tpu.vector_load %arg15[%get3A_927, %get3A_928, %get3A_929] {strides = array<i32>} : memref<8x50x64xf32, #tpu.memory_space<vmem>>, vector<1x1x16xf32>,
        %get3A_931 = vector.shape_cast %get3A_930 : vector<1x1x16xf32> to vector<16xf32>
        %add3A_932 = arith.addf %get3A_931, %get3A_708 : vector<16xf32>
        %swap3A_933 = arith.constant 5 : i32
        %swap3A_934 = arith.index_cast %swap3A_933 : i32 to index
        %swap3A_935 = arith.index_cast %scan3A_912 : i32 to index
        %swap3A_936 = arith.constant 16 : index
        %swap3A_937 = tpu.vector_load %arg16[%swap3A_934, %swap3A_935, %swap3A_936] {strides = array<i32>} : memref<8x50x64xf32, #tpu.memory_space<vmem>>, vector<1x1x16xf32>,
        %swap3A_938 = vector.shape_cast %swap3A_937 : vector<1x1x16xf32> to vector<16xf32>
        %swap3A_939 = vector.shape_cast %add3A_932 : vector<16xf32> to vector<1x1x16xf32>
        tpu.vector_store %arg16[%swap3A_934, %swap3A_935, %swap3A_936], %swap3A_939 {strides = array<i32>} : memref<8x50x64xf32, #tpu.memory_space<vmem>>, vector<1x1x16xf32>,
        %get3A_940 = arith.constant 5 : i32
        %get3A_941 = arith.index_cast %get3A_940 : i32 to index
        %get3A_942 = arith.index_cast %scan3A_912 : i32 to index
        %get3A_943 = arith.constant 32 : index
        %get3A_944 = tpu.vector_load %arg15[%get3A_941, %get3A_942, %get3A_943] {strides = array<i32>} : memref<8x50x64xf32, #tpu.memory_space<vmem>>, vector<1x1x16xf32>,
        %get3A_945 = vector.shape_cast %get3A_944 : vector<1x1x16xf32> to vector<16xf32>
        %add3A_946 = arith.addf %get3A_945, %get3A_715 : vector<16xf32>
        %swap3A_947 = arith.constant 5 : i32
        %swap3A_948 = arith.index_cast %swap3A_947 : i32 to index
        %swap3A_949 = arith.index_cast %scan3A_912 : i32 to index
        %swap3A_950 = arith.constant 32 : index
        %swap3A_951 = tpu.vector_load %arg16[%swap3A_948, %swap3A_949, %swap3A_950] {strides = array<i32>} : memref<8x50x64xf32, #tpu.memory_space<vmem>>, vector<1x1x16xf32>,
        %swap3A_952 = vector.shape_cast %swap3A_951 : vector<1x1x16xf32> to vector<16xf32>
        %swap3A_953 = vector.shape_cast %add3A_946 : vector<16xf32> to vector<1x1x16xf32>
        tpu.vector_store %arg16[%swap3A_948, %swap3A_949, %swap3A_950], %swap3A_953 {strides = array<i32>} : memref<8x50x64xf32, #tpu.memory_space<vmem>>, vector<1x1x16xf32>,
        %get3A_954 = arith.constant 5 : i32
        %get3A_955 = arith.index_cast %get3A_954 : i32 to index
        %get3A_956 = arith.index_cast %scan3A_912 : i32 to index
        %get3A_957 = arith.constant 48 : index
        %get3A_958 = tpu.vector_load %arg15[%get3A_955, %get3A_956, %get3A_957] {strides = array<i32>} : memref<8x50x64xf32, #tpu.memory_space<vmem>>, vector<1x1x16xf32>,
        %get3A_959 = vector.shape_cast %get3A_958 : vector<1x1x16xf32> to vector<16xf32>
        %add3A_960 = arith.addf %get3A_959, %get3A_722 : vector<16xf32>
        %swap3A_961 = arith.constant 5 : i32
        %swap3A_962 = arith.index_cast %swap3A_961 : i32 to index
        %swap3A_963 = arith.index_cast %scan3A_912 : i32 to index
        %swap3A_964 = arith.constant 48 : index
        %swap3A_965 = tpu.vector_load %arg16[%swap3A_962, %swap3A_963, %swap3A_964] {strides = array<i32>} : memref<8x50x64xf32, #tpu.memory_space<vmem>>, vector<1x1x16xf32>,
        %swap3A_966 = vector.shape_cast %swap3A_965 : vector<1x1x16xf32> to vector<16xf32>
        %swap3A_967 = vector.shape_cast %add3A_960 : vector<16xf32> to vector<1x1x16xf32>
        tpu.vector_store %arg16[%swap3A_962, %swap3A_963, %swap3A_964], %swap3A_967 {strides = array<i32>} : memref<8x50x64xf32, #tpu.memory_space<vmem>>, vector<1x1x16xf32>,
      }
      %scan3A_728 = arith.constant 50 : i32
      %add3A_729 = arith.addi %mul3A_2, %add3A_678 : i32
      %dma_start3A_730 = arith.constant 5 : i32
      %dma_start3A_731 = arith.constant 0 : i32
      %dma_start3A_732 = arith.constant 0 : i32
      %dma_start3A_733 = tpu.memref_slice %arg16[%dma_start3A_730, %dma_start3A_731, %dma_start3A_732] : memref<8x50x64xf32, #tpu.memory_space<vmem>> -> memref<1x50x64xf32, #tpu.memory_space<vmem>>
      %dma_start3A_734 = tpu.memref_squeeze %dma_start3A_733 : memref<1x50x64xf32, #tpu.memory_space<vmem>> -> memref<50x64xf32, #tpu.memory_space<vmem>>
      %dma_start3A_735 = arith.constant 0 : i32
      %dma_start3A_736 = arith.constant 0 : i32
      %dma_start3A_737 = tpu.memref_slice %arg8[%add3A_729, %dma_start3A_735, %dma_start3A_736] : memref<4096x50x64xf32, #tpu.memory_space<hbm>> -> memref<1x50x64xf32, #tpu.memory_space<hbm>>
      %dma_start3A_738 = tpu.memref_squeeze %dma_start3A_737 : memref<1x50x64xf32, #tpu.memory_space<hbm>> -> memref<50x64xf32, #tpu.memory_space<hbm>>
      %dma_start3A_739 = arith.constant 0 : i32
      %dma_start3A_740 = arith.constant 0 : i32
      %dma_start3A_741 = tpu.memref_slice %arg8[%add3A_729, %dma_start3A_739, %dma_start3A_740] : memref<4096x50x64xf32, #tpu.memory_space<hbm>> -> memref<1x50x64xf32, #tpu.memory_space<hbm>>
      %dma_start3A_742 = tpu.memref_squeeze %dma_start3A_741 : memref<1x50x64xf32, #tpu.memory_space<hbm>> -> memref<50x64xf32, #tpu.memory_space<hbm>>
      %dma_start3A_743 = arith.constant 0 : i32
      %dma_start3A_744 = arith.constant 0 : i32
      %dma_start3A_745 = tpu.memref_slice %arg16[%dma_start3A_730, %dma_start3A_743, %dma_start3A_744] : memref<8x50x64xf32, #tpu.memory_space<vmem>> -> memref<1x50x64xf32, #tpu.memory_space<vmem>>
      %dma_start3A_746 = tpu.memref_squeeze %dma_start3A_745 : memref<1x50x64xf32, #tpu.memory_space<vmem>> -> memref<50x64xf32, #tpu.memory_space<vmem>>
      tpu.enqueue_dma source(%dma_start3A_746 : memref<50x64xf32, #tpu.memory_space<vmem>>) target(%dma_start3A_742 : memref<50x64xf32, #tpu.memory_space<hbm>>) target_semaphore(%arg32 : memref<!tpu.dma_semaphore, #tpu.memory_space<semaphore_mem>>)
      %add3A_747 = arith.constant 8 : i32
      %add3A_748 = arith.addi %add3A_678, %add3A_747 : i32
      %lt3A_749 = arith.constant 128 : i32
      %lt3A_750 = arith.cmpi slt, %add3A_748, %lt3A_749 : i32
      %convert_element_type3A_751 = arith.extui %lt3A_750 : i1 to i32
      %cond3A_752 = arith.constant 0 : i32
      %cond3A_753 = arith.cmpi ne, %convert_element_type3A_751, %cond3A_752 : i32
      scf.if %cond3A_753 {
        %add3A_912 = arith.constant 8 : i32
        %add3A_913 = arith.addi %add3A_678, %add3A_912 : i32
        %dma_start3A_914 = arith.constant 5 : i32
        %dma_start3A_915 = arith.constant 0 : i32
        %dma_start3A_916 = arith.constant 0 : i32
        %dma_start3A_917 = tpu.memref_slice %arg15[%dma_start3A_914, %dma_start3A_915, %dma_start3A_916] : memref<8x50x64xf32, #tpu.memory_space<vmem>> -> memref<1x50x64xf32, #tpu.memory_space<vmem>>
        %dma_start3A_918 = tpu.memref_squeeze %dma_start3A_917 : memref<1x50x64xf32, #tpu.memory_space<vmem>> -> memref<50x64xf32, #tpu.memory_space<vmem>>
        %dma_start3A_919 = arith.constant 0 : i32
        %dma_start3A_920 = tpu.memref_slice %arg11[%add3A_913, %dma_start3A_919] : memref<128x50xi32, #tpu.memory_space<vmem>> -> memref<1x50xi32, #tpu.memory_space<vmem>>
        %dma_start3A_921 = tpu.memref_squeeze %dma_start3A_920 : memref<1x50xi32, #tpu.memory_space<vmem>> -> memref<50xi32, #tpu.memory_space<vmem>>
        %dma_start3A_922 = arith.constant 0 : i32
        %dma_start3A_923 = arith.constant 0 : i32
        %dma_start3A_924 = tpu.memref_slice %arg6[%dma_start3A_922, %dma_start3A_923] : memref<1001472x64xf32, #tpu.memory_space<hbm>> -> memref<1001472x64xf32, #tpu.memory_space<hbm>>
        tpu.enqueue_indirect_dma source(%dma_start3A_924 : memref<1001472x64xf32, #tpu.memory_space<hbm>>) target(%dma_start3A_918 : memref<50x64xf32, #tpu.memory_space<vmem>>) offsets(%dma_start3A_921 : memref<50xi32, #tpu.memory_space<vmem>>) semaphore(%arg24 : memref<!tpu.dma_semaphore, #tpu.memory_space<semaphore_mem>>)
      } else {
      }
      %mul3A_754 = arith.constant 8 : i32
      %mul3A_755 = arith.muli %scan3A_284, %mul3A_754 : i32
      %add3A_756 = arith.constant 6 : i32
      %add3A_757 = arith.addi %mul3A_755, %add3A_756 : i32
      %dma_wait3A_758 = arith.constant 6 : i32
      %dma_wait3A_759 = arith.constant 0 : i32
      %dma_wait3A_760 = arith.constant 0 : i32
      %dma_wait3A_761 = tpu.memref_slice %arg15[%dma_wait3A_758, %dma_wait3A_759, %dma_wait3A_760] : memref<8x50x64xf32, #tpu.memory_space<vmem>> -> memref<1x50x64xf32, #tpu.memory_space<vmem>>
      %dma_wait3A_762 = tpu.memref_squeeze %dma_wait3A_761 : memref<1x50x64xf32, #tpu.memory_space<vmem>> -> memref<50x64xf32, #tpu.memory_space<vmem>>
      %dma_wait3A_763 = arith.constant 0 : i32
      %dma_wait3A_764 = tpu.memref_slice %arg11[%add3A_757, %dma_wait3A_763] : memref<128x50xi32, #tpu.memory_space<vmem>> -> memref<1x50xi32, #tpu.memory_space<vmem>>
      %dma_wait3A_765 = tpu.memref_squeeze %dma_wait3A_764 : memref<1x50xi32, #tpu.memory_space<vmem>> -> memref<50xi32, #tpu.memory_space<vmem>>
      %dma_wait3A_766 = arith.constant 0 : i32
      %dma_wait3A_767 = arith.constant 0 : i32
      %dma_wait3A_768 = tpu.memref_slice %arg6[%dma_wait3A_766, %dma_wait3A_767] : memref<1001472x64xf32, #tpu.memory_space<hbm>> -> memref<1001472x64xf32, #tpu.memory_space<hbm>>
      tpu.wait_indirect_dma semaphore(%arg25 : memref<!tpu.dma_semaphore, #tpu.memory_space<semaphore_mem>>) src(%dma_wait3A_768 : memref<1001472x64xf32, #tpu.memory_space<hbm>>) dst(%dma_wait3A_762 : memref<50x64xf32, #tpu.memory_space<vmem>>)
      %gt3A_769 = arith.constant 0 : i32
      %gt3A_770 = arith.cmpi sgt, %scan3A_284, %gt3A_769 : i32
      %convert_element_type3A_771 = arith.extui %gt3A_770 : i1 to i32
      %cond3A_772 = arith.constant 0 : i32
      %cond3A_773 = arith.cmpi ne, %convert_element_type3A_771, %cond3A_772 : i32
      scf.if %cond3A_773 {
        %add3A_912 = arith.addi %mul3A_2, %add3A_757 : i32
        %dma_wait3A_913 = arith.constant 6 : i32
        %dma_wait3A_914 = arith.constant 0 : i32
        %dma_wait3A_915 = arith.constant 0 : i32
        %dma_wait3A_916 = tpu.memref_slice %arg16[%dma_wait3A_913, %dma_wait3A_914, %dma_wait3A_915] : memref<8x50x64xf32, #tpu.memory_space<vmem>> -> memref<1x50x64xf32, #tpu.memory_space<vmem>>
        %dma_wait3A_917 = tpu.memref_squeeze %dma_wait3A_916 : memref<1x50x64xf32, #tpu.memory_space<vmem>> -> memref<50x64xf32, #tpu.memory_space<vmem>>
        %dma_wait3A_918 = arith.constant 0 : i32
        %dma_wait3A_919 = arith.constant 0 : i32
        %dma_wait3A_920 = tpu.memref_slice %arg8[%add3A_912, %dma_wait3A_918, %dma_wait3A_919] : memref<4096x50x64xf32, #tpu.memory_space<hbm>> -> memref<1x50x64xf32, #tpu.memory_space<hbm>>
        %dma_wait3A_921 = tpu.memref_squeeze %dma_wait3A_920 : memref<1x50x64xf32, #tpu.memory_space<hbm>> -> memref<50x64xf32, #tpu.memory_space<hbm>>
        %dma_wait3A_922 = arith.constant 0 : i32
        %dma_wait3A_923 = arith.constant 0 : i32
        %dma_wait3A_924 = tpu.memref_slice %arg8[%add3A_912, %dma_wait3A_922, %dma_wait3A_923] : memref<4096x50x64xf32, #tpu.memory_space<hbm>> -> memref<1x50x64xf32, #tpu.memory_space<hbm>>
        %dma_wait3A_925 = tpu.memref_squeeze %dma_wait3A_924 : memref<1x50x64xf32, #tpu.memory_space<hbm>> -> memref<50x64xf32, #tpu.memory_space<hbm>>
        %dma_wait3A_926 = arith.constant 0 : i32
        %dma_wait3A_927 = arith.constant 0 : i32
        %dma_wait3A_928 = tpu.memref_slice %arg16[%dma_wait3A_913, %dma_wait3A_926, %dma_wait3A_927] : memref<8x50x64xf32, #tpu.memory_space<vmem>> -> memref<1x50x64xf32, #tpu.memory_space<vmem>>
        %dma_wait3A_929 = tpu.memref_squeeze %dma_wait3A_928 : memref<1x50x64xf32, #tpu.memory_space<vmem>> -> memref<50x64xf32, #tpu.memory_space<vmem>>
        tpu.wait_dma2 semaphore(%arg33 : memref<!tpu.dma_semaphore, #tpu.memory_space<semaphore_mem>>) src(%dma_wait3A_929 : memref<50x64xf32, #tpu.memory_space<vmem>>) dst(%dma_wait3A_925 : memref<50x64xf32, #tpu.memory_space<hbm>>)
      } else {
      }
      %mul3A_774 = arith.constant 64 : i32
      %mul3A_775 = arith.muli %add3A_757, %mul3A_774 : i32
      %add3A_776 = arith.constant 0 : i32
      %add3A_777 = arith.addi %mul3A_775, %add3A_776 : i32
      %get3A_778 = arith.index_cast %add3A_777 : i32 to index
      %get3A_779 = tpu.vector_load %arg13[%get3A_778] {strides = array<i32>} : memref<8192xf32, #tpu.memory_space<vmem>>, vector<16xf32>,
      %get3A_780 = vector.shape_cast %get3A_779 : vector<16xf32> to vector<16xf32>
      %mul3A_781 = arith.constant 64 : i32
      %mul3A_782 = arith.muli %add3A_757, %mul3A_781 : i32
      %add3A_783 = arith.constant 16 : i32
      %add3A_784 = arith.addi %mul3A_782, %add3A_783 : i32
      %get3A_785 = arith.index_cast %add3A_784 : i32 to index
      %get3A_786 = tpu.vector_load %arg13[%get3A_785] {strides = array<i32>} : memref<8192xf32, #tpu.memory_space<vmem>>, vector<16xf32>,
      %get3A_787 = vector.shape_cast %get3A_786 : vector<16xf32> to vector<16xf32>
      %mul3A_788 = arith.constant 64 : i32
      %mul3A_789 = arith.muli %add3A_757, %mul3A_788 : i32
      %add3A_790 = arith.constant 32 : i32
      %add3A_791 = arith.addi %mul3A_789, %add3A_790 : i32
      %get3A_792 = arith.index_cast %add3A_791 : i32 to index
      %get3A_793 = tpu.vector_load %arg13[%get3A_792] {strides = array<i32>} : memref<8192xf32, #tpu.memory_space<vmem>>, vector<16xf32>,
      %get3A_794 = vector.shape_cast %get3A_793 : vector<16xf32> to vector<16xf32>
      %mul3A_795 = arith.constant 64 : i32
      %mul3A_796 = arith.muli %add3A_757, %mul3A_795 : i32
      %add3A_797 = arith.constant 48 : i32
      %add3A_798 = arith.addi %mul3A_796, %add3A_797 : i32
      %get3A_799 = arith.index_cast %add3A_798 : i32 to index
      %get3A_800 = tpu.vector_load %arg13[%get3A_799] {strides = array<i32>} : memref<8192xf32, #tpu.memory_space<vmem>>, vector<16xf32>,
      %get3A_801 = vector.shape_cast %get3A_800 : vector<16xf32> to vector<16xf32>
      %scan3A_802 = arith.constant 0 : i32
      %scan3A_803 = arith.constant 0 : i32
      %scan3A_804 = arith.constant 50 : i32
      %scan3A_805 = arith.addi %scan3A_803, %scan3A_804 : i32
      %scan3A_806 = arith.constant 1 : i32
      scf.for %scan3A_912 = %scan3A_803 to %scan3A_805 step %scan3A_806  : i32 {
        %get3A_913 = arith.constant 6 : i32
        %get3A_914 = arith.index_cast %get3A_913 : i32 to index
        %get3A_915 = arith.index_cast %scan3A_912 : i32 to index
        %get3A_916 = arith.constant 0 : index
        %get3A_917 = tpu.vector_load %arg15[%get3A_914, %get3A_915, %get3A_916] {strides = array<i32>} : memref<8x50x64xf32, #tpu.memory_space<vmem>>, vector<1x1x16xf32>,
        %get3A_918 = vector.shape_cast %get3A_917 : vector<1x1x16xf32> to vector<16xf32>
        %add3A_919 = arith.addf %get3A_918, %get3A_780 : vector<16xf32>
        %swap3A = arith.constant 6 : i32
        %swap3A_920 = arith.index_cast %swap3A : i32 to index
        %swap3A_921 = arith.index_cast %scan3A_912 : i32 to index
        %swap3A_922 = arith.constant 0 : index
        %swap3A_923 = tpu.vector_load %arg16[%swap3A_920, %swap3A_921, %swap3A_922] {strides = array<i32>} : memref<8x50x64xf32, #tpu.memory_space<vmem>>, vector<1x1x16xf32>,
        %swap3A_924 = vector.shape_cast %swap3A_923 : vector<1x1x16xf32> to vector<16xf32>
        %swap3A_925 = vector.shape_cast %add3A_919 : vector<16xf32> to vector<1x1x16xf32>
        tpu.vector_store %arg16[%swap3A_920, %swap3A_921, %swap3A_922], %swap3A_925 {strides = array<i32>} : memref<8x50x64xf32, #tpu.memory_space<vmem>>, vector<1x1x16xf32>,
        %get3A_926 = arith.constant 6 : i32
        %get3A_927 = arith.index_cast %get3A_926 : i32 to index
        %get3A_928 = arith.index_cast %scan3A_912 : i32 to index
        %get3A_929 = arith.constant 16 : index
        %get3A_930 = tpu.vector_load %arg15[%get3A_927, %get3A_928, %get3A_929] {strides = array<i32>} : memref<8x50x64xf32, #tpu.memory_space<vmem>>, vector<1x1x16xf32>,
        %get3A_931 = vector.shape_cast %get3A_930 : vector<1x1x16xf32> to vector<16xf32>
        %add3A_932 = arith.addf %get3A_931, %get3A_787 : vector<16xf32>
        %swap3A_933 = arith.constant 6 : i32
        %swap3A_934 = arith.index_cast %swap3A_933 : i32 to index
        %swap3A_935 = arith.index_cast %scan3A_912 : i32 to index
        %swap3A_936 = arith.constant 16 : index
        %swap3A_937 = tpu.vector_load %arg16[%swap3A_934, %swap3A_935, %swap3A_936] {strides = array<i32>} : memref<8x50x64xf32, #tpu.memory_space<vmem>>, vector<1x1x16xf32>,
        %swap3A_938 = vector.shape_cast %swap3A_937 : vector<1x1x16xf32> to vector<16xf32>
        %swap3A_939 = vector.shape_cast %add3A_932 : vector<16xf32> to vector<1x1x16xf32>
        tpu.vector_store %arg16[%swap3A_934, %swap3A_935, %swap3A_936], %swap3A_939 {strides = array<i32>} : memref<8x50x64xf32, #tpu.memory_space<vmem>>, vector<1x1x16xf32>,
        %get3A_940 = arith.constant 6 : i32
        %get3A_941 = arith.index_cast %get3A_940 : i32 to index
        %get3A_942 = arith.index_cast %scan3A_912 : i32 to index
        %get3A_943 = arith.constant 32 : index
        %get3A_944 = tpu.vector_load %arg15[%get3A_941, %get3A_942, %get3A_943] {strides = array<i32>} : memref<8x50x64xf32, #tpu.memory_space<vmem>>, vector<1x1x16xf32>,
        %get3A_945 = vector.shape_cast %get3A_944 : vector<1x1x16xf32> to vector<16xf32>
        %add3A_946 = arith.addf %get3A_945, %get3A_794 : vector<16xf32>
        %swap3A_947 = arith.constant 6 : i32
        %swap3A_948 = arith.index_cast %swap3A_947 : i32 to index
        %swap3A_949 = arith.index_cast %scan3A_912 : i32 to index
        %swap3A_950 = arith.constant 32 : index
        %swap3A_951 = tpu.vector_load %arg16[%swap3A_948, %swap3A_949, %swap3A_950] {strides = array<i32>} : memref<8x50x64xf32, #tpu.memory_space<vmem>>, vector<1x1x16xf32>,
        %swap3A_952 = vector.shape_cast %swap3A_951 : vector<1x1x16xf32> to vector<16xf32>
        %swap3A_953 = vector.shape_cast %add3A_946 : vector<16xf32> to vector<1x1x16xf32>
        tpu.vector_store %arg16[%swap3A_948, %swap3A_949, %swap3A_950], %swap3A_953 {strides = array<i32>} : memref<8x50x64xf32, #tpu.memory_space<vmem>>, vector<1x1x16xf32>,
        %get3A_954 = arith.constant 6 : i32
        %get3A_955 = arith.index_cast %get3A_954 : i32 to index
        %get3A_956 = arith.index_cast %scan3A_912 : i32 to index
        %get3A_957 = arith.constant 48 : index
        %get3A_958 = tpu.vector_load %arg15[%get3A_955, %get3A_956, %get3A_957] {strides = array<i32>} : memref<8x50x64xf32, #tpu.memory_space<vmem>>, vector<1x1x16xf32>,
        %get3A_959 = vector.shape_cast %get3A_958 : vector<1x1x16xf32> to vector<16xf32>
        %add3A_960 = arith.addf %get3A_959, %get3A_801 : vector<16xf32>
        %swap3A_961 = arith.constant 6 : i32
        %swap3A_962 = arith.index_cast %swap3A_961 : i32 to index
        %swap3A_963 = arith.index_cast %scan3A_912 : i32 to index
        %swap3A_964 = arith.constant 48 : index
        %swap3A_965 = tpu.vector_load %arg16[%swap3A_962, %swap3A_963, %swap3A_964] {strides = array<i32>} : memref<8x50x64xf32, #tpu.memory_space<vmem>>, vector<1x1x16xf32>,
        %swap3A_966 = vector.shape_cast %swap3A_965 : vector<1x1x16xf32> to vector<16xf32>
        %swap3A_967 = vector.shape_cast %add3A_960 : vector<16xf32> to vector<1x1x16xf32>
        tpu.vector_store %arg16[%swap3A_962, %swap3A_963, %swap3A_964], %swap3A_967 {strides = array<i32>} : memref<8x50x64xf32, #tpu.memory_space<vmem>>, vector<1x1x16xf32>,
      }
      %scan3A_807 = arith.constant 50 : i32
      %add3A_808 = arith.addi %mul3A_2, %add3A_757 : i32
      %dma_start3A_809 = arith.constant 6 : i32
      %dma_start3A_810 = arith.constant 0 : i32
      %dma_start3A_811 = arith.constant 0 : i32
      %dma_start3A_812 = tpu.memref_slice %arg16[%dma_start3A_809, %dma_start3A_810, %dma_start3A_811] : memref<8x50x64xf32, #tpu.memory_space<vmem>> -> memref<1x50x64xf32, #tpu.memory_space<vmem>>
      %dma_start3A_813 = tpu.memref_squeeze %dma_start3A_812 : memref<1x50x64xf32, #tpu.memory_space<vmem>> -> memref<50x64xf32, #tpu.memory_space<vmem>>
      %dma_start3A_814 = arith.constant 0 : i32
      %dma_start3A_815 = arith.constant 0 : i32
      %dma_start3A_816 = tpu.memref_slice %arg8[%add3A_808, %dma_start3A_814, %dma_start3A_815] : memref<4096x50x64xf32, #tpu.memory_space<hbm>> -> memref<1x50x64xf32, #tpu.memory_space<hbm>>
      %dma_start3A_817 = tpu.memref_squeeze %dma_start3A_816 : memref<1x50x64xf32, #tpu.memory_space<hbm>> -> memref<50x64xf32, #tpu.memory_space<hbm>>
      %dma_start3A_818 = arith.constant 0 : i32
      %dma_start3A_819 = arith.constant 0 : i32
      %dma_start3A_820 = tpu.memref_slice %arg8[%add3A_808, %dma_start3A_818, %dma_start3A_819] : memref<4096x50x64xf32, #tpu.memory_space<hbm>> -> memref<1x50x64xf32, #tpu.memory_space<hbm>>
      %dma_start3A_821 = tpu.memref_squeeze %dma_start3A_820 : memref<1x50x64xf32, #tpu.memory_space<hbm>> -> memref<50x64xf32, #tpu.memory_space<hbm>>
      %dma_start3A_822 = arith.constant 0 : i32
      %dma_start3A_823 = arith.constant 0 : i32
      %dma_start3A_824 = tpu.memref_slice %arg16[%dma_start3A_809, %dma_start3A_822, %dma_start3A_823] : memref<8x50x64xf32, #tpu.memory_space<vmem>> -> memref<1x50x64xf32, #tpu.memory_space<vmem>>
      %dma_start3A_825 = tpu.memref_squeeze %dma_start3A_824 : memref<1x50x64xf32, #tpu.memory_space<vmem>> -> memref<50x64xf32, #tpu.memory_space<vmem>>
      tpu.enqueue_dma source(%dma_start3A_825 : memref<50x64xf32, #tpu.memory_space<vmem>>) target(%dma_start3A_821 : memref<50x64xf32, #tpu.memory_space<hbm>>) target_semaphore(%arg33 : memref<!tpu.dma_semaphore, #tpu.memory_space<semaphore_mem>>)
      %add3A_826 = arith.constant 8 : i32
      %add3A_827 = arith.addi %add3A_757, %add3A_826 : i32
      %lt3A_828 = arith.constant 128 : i32
      %lt3A_829 = arith.cmpi slt, %add3A_827, %lt3A_828 : i32
      %convert_element_type3A_830 = arith.extui %lt3A_829 : i1 to i32
      %cond3A_831 = arith.constant 0 : i32
      %cond3A_832 = arith.cmpi ne, %convert_element_type3A_830, %cond3A_831 : i32
      scf.if %cond3A_832 {
        %add3A_912 = arith.constant 8 : i32
        %add3A_913 = arith.addi %add3A_757, %add3A_912 : i32
        %dma_start3A_914 = arith.constant 6 : i32
        %dma_start3A_915 = arith.constant 0 : i32
        %dma_start3A_916 = arith.constant 0 : i32
        %dma_start3A_917 = tpu.memref_slice %arg15[%dma_start3A_914, %dma_start3A_915, %dma_start3A_916] : memref<8x50x64xf32, #tpu.memory_space<vmem>> -> memref<1x50x64xf32, #tpu.memory_space<vmem>>
        %dma_start3A_918 = tpu.memref_squeeze %dma_start3A_917 : memref<1x50x64xf32, #tpu.memory_space<vmem>> -> memref<50x64xf32, #tpu.memory_space<vmem>>
        %dma_start3A_919 = arith.constant 0 : i32
        %dma_start3A_920 = tpu.memref_slice %arg11[%add3A_913, %dma_start3A_919] : memref<128x50xi32, #tpu.memory_space<vmem>> -> memref<1x50xi32, #tpu.memory_space<vmem>>
        %dma_start3A_921 = tpu.memref_squeeze %dma_start3A_920 : memref<1x50xi32, #tpu.memory_space<vmem>> -> memref<50xi32, #tpu.memory_space<vmem>>
        %dma_start3A_922 = arith.constant 0 : i32
        %dma_start3A_923 = arith.constant 0 : i32
        %dma_start3A_924 = tpu.memref_slice %arg6[%dma_start3A_922, %dma_start3A_923] : memref<1001472x64xf32, #tpu.memory_space<hbm>> -> memref<1001472x64xf32, #tpu.memory_space<hbm>>
        tpu.enqueue_indirect_dma source(%dma_start3A_924 : memref<1001472x64xf32, #tpu.memory_space<hbm>>) target(%dma_start3A_918 : memref<50x64xf32, #tpu.memory_space<vmem>>) offsets(%dma_start3A_921 : memref<50xi32, #tpu.memory_space<vmem>>) semaphore(%arg25 : memref<!tpu.dma_semaphore, #tpu.memory_space<semaphore_mem>>)
      } else {
      }
      %mul3A_833 = arith.constant 8 : i32
      %mul3A_834 = arith.muli %scan3A_284, %mul3A_833 : i32
      %add3A_835 = arith.constant 7 : i32
      %add3A_836 = arith.addi %mul3A_834, %add3A_835 : i32
      %dma_wait3A_837 = arith.constant 7 : i32
      %dma_wait3A_838 = arith.constant 0 : i32
      %dma_wait3A_839 = arith.constant 0 : i32
      %dma_wait3A_840 = tpu.memref_slice %arg15[%dma_wait3A_837, %dma_wait3A_838, %dma_wait3A_839] : memref<8x50x64xf32, #tpu.memory_space<vmem>> -> memref<1x50x64xf32, #tpu.memory_space<vmem>>
      %dma_wait3A_841 = tpu.memref_squeeze %dma_wait3A_840 : memref<1x50x64xf32, #tpu.memory_space<vmem>> -> memref<50x64xf32, #tpu.memory_space<vmem>>
      %dma_wait3A_842 = arith.constant 0 : i32
      %dma_wait3A_843 = tpu.memref_slice %arg11[%add3A_836, %dma_wait3A_842] : memref<128x50xi32, #tpu.memory_space<vmem>> -> memref<1x50xi32, #tpu.memory_space<vmem>>
      %dma_wait3A_844 = tpu.memref_squeeze %dma_wait3A_843 : memref<1x50xi32, #tpu.memory_space<vmem>> -> memref<50xi32, #tpu.memory_space<vmem>>
      %dma_wait3A_845 = arith.constant 0 : i32
      %dma_wait3A_846 = arith.constant 0 : i32
      %dma_wait3A_847 = tpu.memref_slice %arg6[%dma_wait3A_845, %dma_wait3A_846] : memref<1001472x64xf32, #tpu.memory_space<hbm>> -> memref<1001472x64xf32, #tpu.memory_space<hbm>>
      tpu.wait_indirect_dma semaphore(%arg26 : memref<!tpu.dma_semaphore, #tpu.memory_space<semaphore_mem>>) src(%dma_wait3A_847 : memref<1001472x64xf32, #tpu.memory_space<hbm>>) dst(%dma_wait3A_841 : memref<50x64xf32, #tpu.memory_space<vmem>>)
      %gt3A_848 = arith.constant 0 : i32
      %gt3A_849 = arith.cmpi sgt, %scan3A_284, %gt3A_848 : i32
      %convert_element_type3A_850 = arith.extui %gt3A_849 : i1 to i32
      %cond3A_851 = arith.constant 0 : i32
      %cond3A_852 = arith.cmpi ne, %convert_element_type3A_850, %cond3A_851 : i32
      scf.if %cond3A_852 {
        %add3A_912 = arith.addi %mul3A_2, %add3A_836 : i32
        %dma_wait3A_913 = arith.constant 7 : i32
        %dma_wait3A_914 = arith.constant 0 : i32
        %dma_wait3A_915 = arith.constant 0 : i32
        %dma_wait3A_916 = tpu.memref_slice %arg16[%dma_wait3A_913, %dma_wait3A_914, %dma_wait3A_915] : memref<8x50x64xf32, #tpu.memory_space<vmem>> -> memref<1x50x64xf32, #tpu.memory_space<vmem>>
        %dma_wait3A_917 = tpu.memref_squeeze %dma_wait3A_916 : memref<1x50x64xf32, #tpu.memory_space<vmem>> -> memref<50x64xf32, #tpu.memory_space<vmem>>
        %dma_wait3A_918 = arith.constant 0 : i32
        %dma_wait3A_919 = arith.constant 0 : i32
        %dma_wait3A_920 = tpu.memref_slice %arg8[%add3A_912, %dma_wait3A_918, %dma_wait3A_919] : memref<4096x50x64xf32, #tpu.memory_space<hbm>> -> memref<1x50x64xf32, #tpu.memory_space<hbm>>
        %dma_wait3A_921 = tpu.memref_squeeze %dma_wait3A_920 : memref<1x50x64xf32, #tpu.memory_space<hbm>> -> memref<50x64xf32, #tpu.memory_space<hbm>>
        %dma_wait3A_922 = arith.constant 0 : i32
        %dma_wait3A_923 = arith.constant 0 : i32
        %dma_wait3A_924 = tpu.memref_slice %arg8[%add3A_912, %dma_wait3A_922, %dma_wait3A_923] : memref<4096x50x64xf32, #tpu.memory_space<hbm>> -> memref<1x50x64xf32, #tpu.memory_space<hbm>>
        %dma_wait3A_925 = tpu.memref_squeeze %dma_wait3A_924 : memref<1x50x64xf32, #tpu.memory_space<hbm>> -> memref<50x64xf32, #tpu.memory_space<hbm>>
        %dma_wait3A_926 = arith.constant 0 : i32
        %dma_wait3A_927 = arith.constant 0 : i32
        %dma_wait3A_928 = tpu.memref_slice %arg16[%dma_wait3A_913, %dma_wait3A_926, %dma_wait3A_927] : memref<8x50x64xf32, #tpu.memory_space<vmem>> -> memref<1x50x64xf32, #tpu.memory_space<vmem>>
        %dma_wait3A_929 = tpu.memref_squeeze %dma_wait3A_928 : memref<1x50x64xf32, #tpu.memory_space<vmem>> -> memref<50x64xf32, #tpu.memory_space<vmem>>
        tpu.wait_dma2 semaphore(%arg34 : memref<!tpu.dma_semaphore, #tpu.memory_space<semaphore_mem>>) src(%dma_wait3A_929 : memref<50x64xf32, #tpu.memory_space<vmem>>) dst(%dma_wait3A_925 : memref<50x64xf32, #tpu.memory_space<hbm>>)
      } else {
      }
      %mul3A_853 = arith.constant 64 : i32
      %mul3A_854 = arith.muli %add3A_836, %mul3A_853 : i32
      %add3A_855 = arith.constant 0 : i32
      %add3A_856 = arith.addi %mul3A_854, %add3A_855 : i32
      %get3A_857 = arith.index_cast %add3A_856 : i32 to index
      %get3A_858 = tpu.vector_load %arg13[%get3A_857] {strides = array<i32>} : memref<8192xf32, #tpu.memory_space<vmem>>, vector<16xf32>,
      %get3A_859 = vector.shape_cast %get3A_858 : vector<16xf32> to vector<16xf32>
      %mul3A_860 = arith.constant 64 : i32
      %mul3A_861 = arith.muli %add3A_836, %mul3A_860 : i32
      %add3A_862 = arith.constant 16 : i32
      %add3A_863 = arith.addi %mul3A_861, %add3A_862 : i32
      %get3A_864 = arith.index_cast %add3A_863 : i32 to index
      %get3A_865 = tpu.vector_load %arg13[%get3A_864] {strides = array<i32>} : memref<8192xf32, #tpu.memory_space<vmem>>, vector<16xf32>,
      %get3A_866 = vector.shape_cast %get3A_865 : vector<16xf32> to vector<16xf32>
      %mul3A_867 = arith.constant 64 : i32
      %mul3A_868 = arith.muli %add3A_836, %mul3A_867 : i32
      %add3A_869 = arith.constant 32 : i32
      %add3A_870 = arith.addi %mul3A_868, %add3A_869 : i32
      %get3A_871 = arith.index_cast %add3A_870 : i32 to index
      %get3A_872 = tpu.vector_load %arg13[%get3A_871] {strides = array<i32>} : memref<8192xf32, #tpu.memory_space<vmem>>, vector<16xf32>,
      %get3A_873 = vector.shape_cast %get3A_872 : vector<16xf32> to vector<16xf32>
      %mul3A_874 = arith.constant 64 : i32
      %mul3A_875 = arith.muli %add3A_836, %mul3A_874 : i32
      %add3A_876 = arith.constant 48 : i32
      %add3A_877 = arith.addi %mul3A_875, %add3A_876 : i32
      %get3A_878 = arith.index_cast %add3A_877 : i32 to index
      %get3A_879 = tpu.vector_load %arg13[%get3A_878] {strides = array<i32>} : memref<8192xf32, #tpu.memory_space<vmem>>, vector<16xf32>,
      %get3A_880 = vector.shape_cast %get3A_879 : vector<16xf32> to vector<16xf32>
      %scan3A_881 = arith.constant 0 : i32
      %scan3A_882 = arith.constant 0 : i32
      %scan3A_883 = arith.constant 50 : i32
      %scan3A_884 = arith.addi %scan3A_882, %scan3A_883 : i32
      %scan3A_885 = arith.constant 1 : i32
      scf.for %scan3A_912 = %scan3A_882 to %scan3A_884 step %scan3A_885  : i32 {
        %get3A_913 = arith.constant 7 : i32
        %get3A_914 = arith.index_cast %get3A_913 : i32 to index
        %get3A_915 = arith.index_cast %scan3A_912 : i32 to index
        %get3A_916 = arith.constant 0 : index
        %get3A_917 = tpu.vector_load %arg15[%get3A_914, %get3A_915, %get3A_916] {strides = array<i32>} : memref<8x50x64xf32, #tpu.memory_space<vmem>>, vector<1x1x16xf32>,
        %get3A_918 = vector.shape_cast %get3A_917 : vector<1x1x16xf32> to vector<16xf32>
        %add3A_919 = arith.addf %get3A_918, %get3A_859 : vector<16xf32>
        %swap3A = arith.constant 7 : i32
        %swap3A_920 = arith.index_cast %swap3A : i32 to index
        %swap3A_921 = arith.index_cast %scan3A_912 : i32 to index
        %swap3A_922 = arith.constant 0 : index
        %swap3A_923 = tpu.vector_load %arg16[%swap3A_920, %swap3A_921, %swap3A_922] {strides = array<i32>} : memref<8x50x64xf32, #tpu.memory_space<vmem>>, vector<1x1x16xf32>,
        %swap3A_924 = vector.shape_cast %swap3A_923 : vector<1x1x16xf32> to vector<16xf32>
        %swap3A_925 = vector.shape_cast %add3A_919 : vector<16xf32> to vector<1x1x16xf32>
        tpu.vector_store %arg16[%swap3A_920, %swap3A_921, %swap3A_922], %swap3A_925 {strides = array<i32>} : memref<8x50x64xf32, #tpu.memory_space<vmem>>, vector<1x1x16xf32>,
        %get3A_926 = arith.constant 7 : i32
        %get3A_927 = arith.index_cast %get3A_926 : i32 to index
        %get3A_928 = arith.index_cast %scan3A_912 : i32 to index
        %get3A_929 = arith.constant 16 : index
        %get3A_930 = tpu.vector_load %arg15[%get3A_927, %get3A_928, %get3A_929] {strides = array<i32>} : memref<8x50x64xf32, #tpu.memory_space<vmem>>, vector<1x1x16xf32>,
        %get3A_931 = vector.shape_cast %get3A_930 : vector<1x1x16xf32> to vector<16xf32>
        %add3A_932 = arith.addf %get3A_931, %get3A_866 : vector<16xf32>
        %swap3A_933 = arith.constant 7 : i32
        %swap3A_934 = arith.index_cast %swap3A_933 : i32 to index
        %swap3A_935 = arith.index_cast %scan3A_912 : i32 to index
        %swap3A_936 = arith.constant 16 : index
        %swap3A_937 = tpu.vector_load %arg16[%swap3A_934, %swap3A_935, %swap3A_936] {strides = array<i32>} : memref<8x50x64xf32, #tpu.memory_space<vmem>>, vector<1x1x16xf32>,
        %swap3A_938 = vector.shape_cast %swap3A_937 : vector<1x1x16xf32> to vector<16xf32>
        %swap3A_939 = vector.shape_cast %add3A_932 : vector<16xf32> to vector<1x1x16xf32>
        tpu.vector_store %arg16[%swap3A_934, %swap3A_935, %swap3A_936], %swap3A_939 {strides = array<i32>} : memref<8x50x64xf32, #tpu.memory_space<vmem>>, vector<1x1x16xf32>,
        %get3A_940 = arith.constant 7 : i32
        %get3A_941 = arith.index_cast %get3A_940 : i32 to index
        %get3A_942 = arith.index_cast %scan3A_912 : i32 to index
        %get3A_943 = arith.constant 32 : index
        %get3A_944 = tpu.vector_load %arg15[%get3A_941, %get3A_942, %get3A_943] {strides = array<i32>} : memref<8x50x64xf32, #tpu.memory_space<vmem>>, vector<1x1x16xf32>,
        %get3A_945 = vector.shape_cast %get3A_944 : vector<1x1x16xf32> to vector<16xf32>
        %add3A_946 = arith.addf %get3A_945, %get3A_873 : vector<16xf32>
        %swap3A_947 = arith.constant 7 : i32
        %swap3A_948 = arith.index_cast %swap3A_947 : i32 to index
        %swap3A_949 = arith.index_cast %scan3A_912 : i32 to index
        %swap3A_950 = arith.constant 32 : index
        %swap3A_951 = tpu.vector_load %arg16[%swap3A_948, %swap3A_949, %swap3A_950] {strides = array<i32>} : memref<8x50x64xf32, #tpu.memory_space<vmem>>, vector<1x1x16xf32>,
        %swap3A_952 = vector.shape_cast %swap3A_951 : vector<1x1x16xf32> to vector<16xf32>
        %swap3A_953 = vector.shape_cast %add3A_946 : vector<16xf32> to vector<1x1x16xf32>
        tpu.vector_store %arg16[%swap3A_948, %swap3A_949, %swap3A_950], %swap3A_953 {strides = array<i32>} : memref<8x50x64xf32, #tpu.memory_space<vmem>>, vector<1x1x16xf32>,
        %get3A_954 = arith.constant 7 : i32
        %get3A_955 = arith.index_cast %get3A_954 : i32 to index
        %get3A_956 = arith.index_cast %scan3A_912 : i32 to index
        %get3A_957 = arith.constant 48 : index
        %get3A_958 = tpu.vector_load %arg15[%get3A_955, %get3A_956, %get3A_957] {strides = array<i32>} : memref<8x50x64xf32, #tpu.memory_space<vmem>>, vector<1x1x16xf32>,
        %get3A_959 = vector.shape_cast %get3A_958 : vector<1x1x16xf32> to vector<16xf32>
        %add3A_960 = arith.addf %get3A_959, %get3A_880 : vector<16xf32>
        %swap3A_961 = arith.constant 7 : i32
        %swap3A_962 = arith.index_cast %swap3A_961 : i32 to index
        %swap3A_963 = arith.index_cast %scan3A_912 : i32 to index
        %swap3A_964 = arith.constant 48 : index
        %swap3A_965 = tpu.vector_load %arg16[%swap3A_962, %swap3A_963, %swap3A_964] {strides = array<i32>} : memref<8x50x64xf32, #tpu.memory_space<vmem>>, vector<1x1x16xf32>,
        %swap3A_966 = vector.shape_cast %swap3A_965 : vector<1x1x16xf32> to vector<16xf32>
        %swap3A_967 = vector.shape_cast %add3A_960 : vector<16xf32> to vector<1x1x16xf32>
        tpu.vector_store %arg16[%swap3A_962, %swap3A_963, %swap3A_964], %swap3A_967 {strides = array<i32>} : memref<8x50x64xf32, #tpu.memory_space<vmem>>, vector<1x1x16xf32>,
      }
      %scan3A_886 = arith.constant 50 : i32
      %add3A_887 = arith.addi %mul3A_2, %add3A_836 : i32
      %dma_start3A_888 = arith.constant 7 : i32
      %dma_start3A_889 = arith.constant 0 : i32
      %dma_start3A_890 = arith.constant 0 : i32
      %dma_start3A_891 = tpu.memref_slice %arg16[%dma_start3A_888, %dma_start3A_889, %dma_start3A_890] : memref<8x50x64xf32, #tpu.memory_space<vmem>> -> memref<1x50x64xf32, #tpu.memory_space<vmem>>
      %dma_start3A_892 = tpu.memref_squeeze %dma_start3A_891 : memref<1x50x64xf32, #tpu.memory_space<vmem>> -> memref<50x64xf32, #tpu.memory_space<vmem>>
      %dma_start3A_893 = arith.constant 0 : i32
      %dma_start3A_894 = arith.constant 0 : i32
      %dma_start3A_895 = tpu.memref_slice %arg8[%add3A_887, %dma_start3A_893, %dma_start3A_894] : memref<4096x50x64xf32, #tpu.memory_space<hbm>> -> memref<1x50x64xf32, #tpu.memory_space<hbm>>
      %dma_start3A_896 = tpu.memref_squeeze %dma_start3A_895 : memref<1x50x64xf32, #tpu.memory_space<hbm>> -> memref<50x64xf32, #tpu.memory_space<hbm>>
      %dma_start3A_897 = arith.constant 0 : i32
      %dma_start3A_898 = arith.constant 0 : i32
      %dma_start3A_899 = tpu.memref_slice %arg8[%add3A_887, %dma_start3A_897, %dma_start3A_898] : memref<4096x50x64xf32, #tpu.memory_space<hbm>> -> memref<1x50x64xf32, #tpu.memory_space<hbm>>
      %dma_start3A_900 = tpu.memref_squeeze %dma_start3A_899 : memref<1x50x64xf32, #tpu.memory_space<hbm>> -> memref<50x64xf32, #tpu.memory_space<hbm>>
      %dma_start3A_901 = arith.constant 0 : i32
      %dma_start3A_902 = arith.constant 0 : i32
      %dma_start3A_903 = tpu.memref_slice %arg16[%dma_start3A_888, %dma_start3A_901, %dma_start3A_902] : memref<8x50x64xf32, #tpu.memory_space<vmem>> -> memref<1x50x64xf32, #tpu.memory_space<vmem>>
      %dma_start3A_904 = tpu.memref_squeeze %dma_start3A_903 : memref<1x50x64xf32, #tpu.memory_space<vmem>> -> memref<50x64xf32, #tpu.memory_space<vmem>>
      tpu.enqueue_dma source(%dma_start3A_904 : memref<50x64xf32, #tpu.memory_space<vmem>>) target(%dma_start3A_900 : memref<50x64xf32, #tpu.memory_space<hbm>>) target_semaphore(%arg34 : memref<!tpu.dma_semaphore, #tpu.memory_space<semaphore_mem>>)
      %add3A_905 = arith.constant 8 : i32
      %add3A_906 = arith.addi %add3A_836, %add3A_905 : i32
      %lt3A_907 = arith.constant 128 : i32
      %lt3A_908 = arith.cmpi slt, %add3A_906, %lt3A_907 : i32
      %convert_element_type3A_909 = arith.extui %lt3A_908 : i1 to i32
      %cond3A_910 = arith.constant 0 : i32
      %cond3A_911 = arith.cmpi ne, %convert_element_type3A_909, %cond3A_910 : i32
      scf.if %cond3A_911 {
        %add3A_912 = arith.constant 8 : i32
        %add3A_913 = arith.addi %add3A_836, %add3A_912 : i32
        %dma_start3A_914 = arith.constant 7 : i32
        %dma_start3A_915 = arith.constant 0 : i32
        %dma_start3A_916 = arith.constant 0 : i32
        %dma_start3A_917 = tpu.memref_slice %arg15[%dma_start3A_914, %dma_start3A_915, %dma_start3A_916] : memref<8x50x64xf32, #tpu.memory_space<vmem>> -> memref<1x50x64xf32, #tpu.memory_space<vmem>>
        %dma_start3A_918 = tpu.memref_squeeze %dma_start3A_917 : memref<1x50x64xf32, #tpu.memory_space<vmem>> -> memref<50x64xf32, #tpu.memory_space<vmem>>
        %dma_start3A_919 = arith.constant 0 : i32
        %dma_start3A_920 = tpu.memref_slice %arg11[%add3A_913, %dma_start3A_919] : memref<128x50xi32, #tpu.memory_space<vmem>> -> memref<1x50xi32, #tpu.memory_space<vmem>>
        %dma_start3A_921 = tpu.memref_squeeze %dma_start3A_920 : memref<1x50xi32, #tpu.memory_space<vmem>> -> memref<50xi32, #tpu.memory_space<vmem>>
        %dma_start3A_922 = arith.constant 0 : i32
        %dma_start3A_923 = arith.constant 0 : i32
        %dma_start3A_924 = tpu.memref_slice %arg6[%dma_start3A_922, %dma_start3A_923] : memref<1001472x64xf32, #tpu.memory_space<hbm>> -> memref<1001472x64xf32, #tpu.memory_space<hbm>>
        tpu.enqueue_indirect_dma source(%dma_start3A_924 : memref<1001472x64xf32, #tpu.memory_space<hbm>>) target(%dma_start3A_918 : memref<50x64xf32, #tpu.memory_space<vmem>>) offsets(%dma_start3A_921 : memref<50xi32, #tpu.memory_space<vmem>>) semaphore(%arg26 : memref<!tpu.dma_semaphore, #tpu.memory_space<semaphore_mem>>)
      } else {
      }
    }
    %scan3A_131 = arith.constant 16 : i32
    %add3A_132 = arith.constant 120 : i32
    %add3A_133 = arith.addi %mul3A_2, %add3A_132 : i32
    %dma_wait3A_134 = arith.constant 0 : i32
    %dma_wait3A_135 = arith.constant 0 : i32
    %dma_wait3A_136 = arith.constant 0 : i32
    %dma_wait3A_137 = tpu.memref_slice %arg16[%dma_wait3A_134, %dma_wait3A_135, %dma_wait3A_136] : memref<8x50x64xf32, #tpu.memory_space<vmem>> -> memref<1x50x64xf32, #tpu.memory_space<vmem>>
    %dma_wait3A_138 = tpu.memref_squeeze %dma_wait3A_137 : memref<1x50x64xf32, #tpu.memory_space<vmem>> -> memref<50x64xf32, #tpu.memory_space<vmem>>
    %dma_wait3A_139 = arith.constant 0 : i32
    %dma_wait3A_140 = arith.constant 0 : i32
    %dma_wait3A_141 = tpu.memref_slice %arg8[%add3A_133, %dma_wait3A_139, %dma_wait3A_140] : memref<4096x50x64xf32, #tpu.memory_space<hbm>> -> memref<1x50x64xf32, #tpu.memory_space<hbm>>
    %dma_wait3A_142 = tpu.memref_squeeze %dma_wait3A_141 : memref<1x50x64xf32, #tpu.memory_space<hbm>> -> memref<50x64xf32, #tpu.memory_space<hbm>>
    %dma_wait3A_143 = arith.constant 0 : i32
    %dma_wait3A_144 = arith.constant 0 : i32
    %dma_wait3A_145 = tpu.memref_slice %arg8[%add3A_133, %dma_wait3A_143, %dma_wait3A_144] : memref<4096x50x64xf32, #tpu.memory_space<hbm>> -> memref<1x50x64xf32, #tpu.memory_space<hbm>>
    %dma_wait3A_146 = tpu.memref_squeeze %dma_wait3A_145 : memref<1x50x64xf32, #tpu.memory_space<hbm>> -> memref<50x64xf32, #tpu.memory_space<hbm>>
    %dma_wait3A_147 = arith.constant 0 : i32
    %dma_wait3A_148 = arith.constant 0 : i32
    %dma_wait3A_149 = tpu.memref_slice %arg16[%dma_wait3A_134, %dma_wait3A_147, %dma_wait3A_148] : memref<8x50x64xf32, #tpu.memory_space<vmem>> -> memref<1x50x64xf32, #tpu.memory_space<vmem>>
    %dma_wait3A_150 = tpu.memref_squeeze %dma_wait3A_149 : memref<1x50x64xf32, #tpu.memory_space<vmem>> -> memref<50x64xf32, #tpu.memory_space<vmem>>
    tpu.wait_dma2 semaphore(%arg27 : memref<!tpu.dma_semaphore, #tpu.memory_space<semaphore_mem>>) src(%dma_wait3A_150 : memref<50x64xf32, #tpu.memory_space<vmem>>) dst(%dma_wait3A_146 : memref<50x64xf32, #tpu.memory_space<hbm>>)
    %add3A_151 = arith.constant 121 : i32
    %add3A_152 = arith.addi %mul3A_2, %add3A_151 : i32
    %dma_wait3A_153 = arith.constant 1 : i32
    %dma_wait3A_154 = arith.constant 0 : i32
    %dma_wait3A_155 = arith.constant 0 : i32
    %dma_wait3A_156 = tpu.memref_slice %arg16[%dma_wait3A_153, %dma_wait3A_154, %dma_wait3A_155] : memref<8x50x64xf32, #tpu.memory_space<vmem>> -> memref<1x50x64xf32, #tpu.memory_space<vmem>>
    %dma_wait3A_157 = tpu.memref_squeeze %dma_wait3A_156 : memref<1x50x64xf32, #tpu.memory_space<vmem>> -> memref<50x64xf32, #tpu.memory_space<vmem>>
    %dma_wait3A_158 = arith.constant 0 : i32
    %dma_wait3A_159 = arith.constant 0 : i32
    %dma_wait3A_160 = tpu.memref_slice %arg8[%add3A_152, %dma_wait3A_158, %dma_wait3A_159] : memref<4096x50x64xf32, #tpu.memory_space<hbm>> -> memref<1x50x64xf32, #tpu.memory_space<hbm>>
    %dma_wait3A_161 = tpu.memref_squeeze %dma_wait3A_160 : memref<1x50x64xf32, #tpu.memory_space<hbm>> -> memref<50x64xf32, #tpu.memory_space<hbm>>
    %dma_wait3A_162 = arith.constant 0 : i32
    %dma_wait3A_163 = arith.constant 0 : i32
    %dma_wait3A_164 = tpu.memref_slice %arg8[%add3A_152, %dma_wait3A_162, %dma_wait3A_163] : memref<4096x50x64xf32, #tpu.memory_space<hbm>> -> memref<1x50x64xf32, #tpu.memory_space<hbm>>
    %dma_wait3A_165 = tpu.memref_squeeze %dma_wait3A_164 : memref<1x50x64xf32, #tpu.memory_space<hbm>> -> memref<50x64xf32, #tpu.memory_space<hbm>>
    %dma_wait3A_166 = arith.constant 0 : i32
    %dma_wait3A_167 = arith.constant 0 : i32
    %dma_wait3A_168 = tpu.memref_slice %arg16[%dma_wait3A_153, %dma_wait3A_166, %dma_wait3A_167] : memref<8x50x64xf32, #tpu.memory_space<vmem>> -> memref<1x50x64xf32, #tpu.memory_space<vmem>>
    %dma_wait3A_169 = tpu.memref_squeeze %dma_wait3A_168 : memref<1x50x64xf32, #tpu.memory_space<vmem>> -> memref<50x64xf32, #tpu.memory_space<vmem>>
    tpu.wait_dma2 semaphore(%arg28 : memref<!tpu.dma_semaphore, #tpu.memory_space<semaphore_mem>>) src(%dma_wait3A_169 : memref<50x64xf32, #tpu.memory_space<vmem>>) dst(%dma_wait3A_165 : memref<50x64xf32, #tpu.memory_space<hbm>>)
    %add3A_170 = arith.constant 122 : i32
    %add3A_171 = arith.addi %mul3A_2, %add3A_170 : i32
    %dma_wait3A_172 = arith.constant 2 : i32
    %dma_wait3A_173 = arith.constant 0 : i32
    %dma_wait3A_174 = arith.constant 0 : i32
    %dma_wait3A_175 = tpu.memref_slice %arg16[%dma_wait3A_172, %dma_wait3A_173, %dma_wait3A_174] : memref<8x50x64xf32, #tpu.memory_space<vmem>> -> memref<1x50x64xf32, #tpu.memory_space<vmem>>
    %dma_wait3A_176 = tpu.memref_squeeze %dma_wait3A_175 : memref<1x50x64xf32, #tpu.memory_space<vmem>> -> memref<50x64xf32, #tpu.memory_space<vmem>>
    %dma_wait3A_177 = arith.constant 0 : i32
    %dma_wait3A_178 = arith.constant 0 : i32
    %dma_wait3A_179 = tpu.memref_slice %arg8[%add3A_171, %dma_wait3A_177, %dma_wait3A_178] : memref<4096x50x64xf32, #tpu.memory_space<hbm>> -> memref<1x50x64xf32, #tpu.memory_space<hbm>>
    %dma_wait3A_180 = tpu.memref_squeeze %dma_wait3A_179 : memref<1x50x64xf32, #tpu.memory_space<hbm>> -> memref<50x64xf32, #tpu.memory_space<hbm>>
    %dma_wait3A_181 = arith.constant 0 : i32
    %dma_wait3A_182 = arith.constant 0 : i32
    %dma_wait3A_183 = tpu.memref_slice %arg8[%add3A_171, %dma_wait3A_181, %dma_wait3A_182] : memref<4096x50x64xf32, #tpu.memory_space<hbm>> -> memref<1x50x64xf32, #tpu.memory_space<hbm>>
    %dma_wait3A_184 = tpu.memref_squeeze %dma_wait3A_183 : memref<1x50x64xf32, #tpu.memory_space<hbm>> -> memref<50x64xf32, #tpu.memory_space<hbm>>
    %dma_wait3A_185 = arith.constant 0 : i32
    %dma_wait3A_186 = arith.constant 0 : i32
    %dma_wait3A_187 = tpu.memref_slice %arg16[%dma_wait3A_172, %dma_wait3A_185, %dma_wait3A_186] : memref<8x50x64xf32, #tpu.memory_space<vmem>> -> memref<1x50x64xf32, #tpu.memory_space<vmem>>
    %dma_wait3A_188 = tpu.memref_squeeze %dma_wait3A_187 : memref<1x50x64xf32, #tpu.memory_space<vmem>> -> memref<50x64xf32, #tpu.memory_space<vmem>>
    tpu.wait_dma2 semaphore(%arg29 : memref<!tpu.dma_semaphore, #tpu.memory_space<semaphore_mem>>) src(%dma_wait3A_188 : memref<50x64xf32, #tpu.memory_space<vmem>>) dst(%dma_wait3A_184 : memref<50x64xf32, #tpu.memory_space<hbm>>)
    %add3A_189 = arith.constant 123 : i32
    %add3A_190 = arith.addi %mul3A_2, %add3A_189 : i32
    %dma_wait3A_191 = arith.constant 3 : i32
    %dma_wait3A_192 = arith.constant 0 : i32
    %dma_wait3A_193 = arith.constant 0 : i32
    %dma_wait3A_194 = tpu.memref_slice %arg16[%dma_wait3A_191, %dma_wait3A_192, %dma_wait3A_193] : memref<8x50x64xf32, #tpu.memory_space<vmem>> -> memref<1x50x64xf32, #tpu.memory_space<vmem>>
    %dma_wait3A_195 = tpu.memref_squeeze %dma_wait3A_194 : memref<1x50x64xf32, #tpu.memory_space<vmem>> -> memref<50x64xf32, #tpu.memory_space<vmem>>
    %dma_wait3A_196 = arith.constant 0 : i32
    %dma_wait3A_197 = arith.constant 0 : i32
    %dma_wait3A_198 = tpu.memref_slice %arg8[%add3A_190, %dma_wait3A_196, %dma_wait3A_197] : memref<4096x50x64xf32, #tpu.memory_space<hbm>> -> memref<1x50x64xf32, #tpu.memory_space<hbm>>
    %dma_wait3A_199 = tpu.memref_squeeze %dma_wait3A_198 : memref<1x50x64xf32, #tpu.memory_space<hbm>> -> memref<50x64xf32, #tpu.memory_space<hbm>>
    %dma_wait3A_200 = arith.constant 0 : i32
    %dma_wait3A_201 = arith.constant 0 : i32
    %dma_wait3A_202 = tpu.memref_slice %arg8[%add3A_190, %dma_wait3A_200, %dma_wait3A_201] : memref<4096x50x64xf32, #tpu.memory_space<hbm>> -> memref<1x50x64xf32, #tpu.memory_space<hbm>>
    %dma_wait3A_203 = tpu.memref_squeeze %dma_wait3A_202 : memref<1x50x64xf32, #tpu.memory_space<hbm>> -> memref<50x64xf32, #tpu.memory_space<hbm>>
    %dma_wait3A_204 = arith.constant 0 : i32
    %dma_wait3A_205 = arith.constant 0 : i32
    %dma_wait3A_206 = tpu.memref_slice %arg16[%dma_wait3A_191, %dma_wait3A_204, %dma_wait3A_205] : memref<8x50x64xf32, #tpu.memory_space<vmem>> -> memref<1x50x64xf32, #tpu.memory_space<vmem>>
    %dma_wait3A_207 = tpu.memref_squeeze %dma_wait3A_206 : memref<1x50x64xf32, #tpu.memory_space<vmem>> -> memref<50x64xf32, #tpu.memory_space<vmem>>
    tpu.wait_dma2 semaphore(%arg30 : memref<!tpu.dma_semaphore, #tpu.memory_space<semaphore_mem>>) src(%dma_wait3A_207 : memref<50x64xf32, #tpu.memory_space<vmem>>) dst(%dma_wait3A_203 : memref<50x64xf32, #tpu.memory_space<hbm>>)
    %add3A_208 = arith.constant 124 : i32
    %add3A_209 = arith.addi %mul3A_2, %add3A_208 : i32
    %dma_wait3A_210 = arith.constant 4 : i32
    %dma_wait3A_211 = arith.constant 0 : i32
    %dma_wait3A_212 = arith.constant 0 : i32
    %dma_wait3A_213 = tpu.memref_slice %arg16[%dma_wait3A_210, %dma_wait3A_211, %dma_wait3A_212] : memref<8x50x64xf32, #tpu.memory_space<vmem>> -> memref<1x50x64xf32, #tpu.memory_space<vmem>>
    %dma_wait3A_214 = tpu.memref_squeeze %dma_wait3A_213 : memref<1x50x64xf32, #tpu.memory_space<vmem>> -> memref<50x64xf32, #tpu.memory_space<vmem>>
    %dma_wait3A_215 = arith.constant 0 : i32
    %dma_wait3A_216 = arith.constant 0 : i32
    %dma_wait3A_217 = tpu.memref_slice %arg8[%add3A_209, %dma_wait3A_215, %dma_wait3A_216] : memref<4096x50x64xf32, #tpu.memory_space<hbm>> -> memref<1x50x64xf32, #tpu.memory_space<hbm>>
    %dma_wait3A_218 = tpu.memref_squeeze %dma_wait3A_217 : memref<1x50x64xf32, #tpu.memory_space<hbm>> -> memref<50x64xf32, #tpu.memory_space<hbm>>
    %dma_wait3A_219 = arith.constant 0 : i32
    %dma_wait3A_220 = arith.constant 0 : i32
    %dma_wait3A_221 = tpu.memref_slice %arg8[%add3A_209, %dma_wait3A_219, %dma_wait3A_220] : memref<4096x50x64xf32, #tpu.memory_space<hbm>> -> memref<1x50x64xf32, #tpu.memory_space<hbm>>
    %dma_wait3A_222 = tpu.memref_squeeze %dma_wait3A_221 : memref<1x50x64xf32, #tpu.memory_space<hbm>> -> memref<50x64xf32, #tpu.memory_space<hbm>>
    %dma_wait3A_223 = arith.constant 0 : i32
    %dma_wait3A_224 = arith.constant 0 : i32
    %dma_wait3A_225 = tpu.memref_slice %arg16[%dma_wait3A_210, %dma_wait3A_223, %dma_wait3A_224] : memref<8x50x64xf32, #tpu.memory_space<vmem>> -> memref<1x50x64xf32, #tpu.memory_space<vmem>>
    %dma_wait3A_226 = tpu.memref_squeeze %dma_wait3A_225 : memref<1x50x64xf32, #tpu.memory_space<vmem>> -> memref<50x64xf32, #tpu.memory_space<vmem>>
    tpu.wait_dma2 semaphore(%arg31 : memref<!tpu.dma_semaphore, #tpu.memory_space<semaphore_mem>>) src(%dma_wait3A_226 : memref<50x64xf32, #tpu.memory_space<vmem>>) dst(%dma_wait3A_222 : memref<50x64xf32, #tpu.memory_space<hbm>>)
    %add3A_227 = arith.constant 125 : i32
    %add3A_228 = arith.addi %mul3A_2, %add3A_227 : i32
    %dma_wait3A_229 = arith.constant 5 : i32
    %dma_wait3A_230 = arith.constant 0 : i32
    %dma_wait3A_231 = arith.constant 0 : i32
    %dma_wait3A_232 = tpu.memref_slice %arg16[%dma_wait3A_229, %dma_wait3A_230, %dma_wait3A_231] : memref<8x50x64xf32, #tpu.memory_space<vmem>> -> memref<1x50x64xf32, #tpu.memory_space<vmem>>
    %dma_wait3A_233 = tpu.memref_squeeze %dma_wait3A_232 : memref<1x50x64xf32, #tpu.memory_space<vmem>> -> memref<50x64xf32, #tpu.memory_space<vmem>>
    %dma_wait3A_234 = arith.constant 0 : i32
    %dma_wait3A_235 = arith.constant 0 : i32
    %dma_wait3A_236 = tpu.memref_slice %arg8[%add3A_228, %dma_wait3A_234, %dma_wait3A_235] : memref<4096x50x64xf32, #tpu.memory_space<hbm>> -> memref<1x50x64xf32, #tpu.memory_space<hbm>>
    %dma_wait3A_237 = tpu.memref_squeeze %dma_wait3A_236 : memref<1x50x64xf32, #tpu.memory_space<hbm>> -> memref<50x64xf32, #tpu.memory_space<hbm>>
    %dma_wait3A_238 = arith.constant 0 : i32
    %dma_wait3A_239 = arith.constant 0 : i32
    %dma_wait3A_240 = tpu.memref_slice %arg8[%add3A_228, %dma_wait3A_238, %dma_wait3A_239] : memref<4096x50x64xf32, #tpu.memory_space<hbm>> -> memref<1x50x64xf32, #tpu.memory_space<hbm>>
    %dma_wait3A_241 = tpu.memref_squeeze %dma_wait3A_240 : memref<1x50x64xf32, #tpu.memory_space<hbm>> -> memref<50x64xf32, #tpu.memory_space<hbm>>
    %dma_wait3A_242 = arith.constant 0 : i32
    %dma_wait3A_243 = arith.constant 0 : i32
    %dma_wait3A_244 = tpu.memref_slice %arg16[%dma_wait3A_229, %dma_wait3A_242, %dma_wait3A_243] : memref<8x50x64xf32, #tpu.memory_space<vmem>> -> memref<1x50x64xf32, #tpu.memory_space<vmem>>
    %dma_wait3A_245 = tpu.memref_squeeze %dma_wait3A_244 : memref<1x50x64xf32, #tpu.memory_space<vmem>> -> memref<50x64xf32, #tpu.memory_space<vmem>>
    tpu.wait_dma2 semaphore(%arg32 : memref<!tpu.dma_semaphore, #tpu.memory_space<semaphore_mem>>) src(%dma_wait3A_245 : memref<50x64xf32, #tpu.memory_space<vmem>>) dst(%dma_wait3A_241 : memref<50x64xf32, #tpu.memory_space<hbm>>)
    %add3A_246 = arith.constant 126 : i32
    %add3A_247 = arith.addi %mul3A_2, %add3A_246 : i32
    %dma_wait3A_248 = arith.constant 6 : i32
    %dma_wait3A_249 = arith.constant 0 : i32
    %dma_wait3A_250 = arith.constant 0 : i32
    %dma_wait3A_251 = tpu.memref_slice %arg16[%dma_wait3A_248, %dma_wait3A_249, %dma_wait3A_250] : memref<8x50x64xf32, #tpu.memory_space<vmem>> -> memref<1x50x64xf32, #tpu.memory_space<vmem>>
    %dma_wait3A_252 = tpu.memref_squeeze %dma_wait3A_251 : memref<1x50x64xf32, #tpu.memory_space<vmem>> -> memref<50x64xf32, #tpu.memory_space<vmem>>
    %dma_wait3A_253 = arith.constant 0 : i32
    %dma_wait3A_254 = arith.constant 0 : i32
    %dma_wait3A_255 = tpu.memref_slice %arg8[%add3A_247, %dma_wait3A_253, %dma_wait3A_254] : memref<4096x50x64xf32, #tpu.memory_space<hbm>> -> memref<1x50x64xf32, #tpu.memory_space<hbm>>
    %dma_wait3A_256 = tpu.memref_squeeze %dma_wait3A_255 : memref<1x50x64xf32, #tpu.memory_space<hbm>> -> memref<50x64xf32, #tpu.memory_space<hbm>>
    %dma_wait3A_257 = arith.constant 0 : i32
    %dma_wait3A_258 = arith.constant 0 : i32
    %dma_wait3A_259 = tpu.memref_slice %arg8[%add3A_247, %dma_wait3A_257, %dma_wait3A_258] : memref<4096x50x64xf32, #tpu.memory_space<hbm>> -> memref<1x50x64xf32, #tpu.memory_space<hbm>>
    %dma_wait3A_260 = tpu.memref_squeeze %dma_wait3A_259 : memref<1x50x64xf32, #tpu.memory_space<hbm>> -> memref<50x64xf32, #tpu.memory_space<hbm>>
    %dma_wait3A_261 = arith.constant 0 : i32
    %dma_wait3A_262 = arith.constant 0 : i32
    %dma_wait3A_263 = tpu.memref_slice %arg16[%dma_wait3A_248, %dma_wait3A_261, %dma_wait3A_262] : memref<8x50x64xf32, #tpu.memory_space<vmem>> -> memref<1x50x64xf32, #tpu.memory_space<vmem>>
    %dma_wait3A_264 = tpu.memref_squeeze %dma_wait3A_263 : memref<1x50x64xf32, #tpu.memory_space<vmem>> -> memref<50x64xf32, #tpu.memory_space<vmem>>
    tpu.wait_dma2 semaphore(%arg33 : memref<!tpu.dma_semaphore, #tpu.memory_space<semaphore_mem>>) src(%dma_wait3A_264 : memref<50x64xf32, #tpu.memory_space<vmem>>) dst(%dma_wait3A_260 : memref<50x64xf32, #tpu.memory_space<hbm>>)
    %add3A_265 = arith.constant 127 : i32
    %add3A_266 = arith.addi %mul3A_2, %add3A_265 : i32
    %dma_wait3A_267 = arith.constant 7 : i32
    %dma_wait3A_268 = arith.constant 0 : i32
    %dma_wait3A_269 = arith.constant 0 : i32
    %dma_wait3A_270 = tpu.memref_slice %arg16[%dma_wait3A_267, %dma_wait3A_268, %dma_wait3A_269] : memref<8x50x64xf32, #tpu.memory_space<vmem>> -> memref<1x50x64xf32, #tpu.memory_space<vmem>>
    %dma_wait3A_271 = tpu.memref_squeeze %dma_wait3A_270 : memref<1x50x64xf32, #tpu.memory_space<vmem>> -> memref<50x64xf32, #tpu.memory_space<vmem>>
    %dma_wait3A_272 = arith.constant 0 : i32
    %dma_wait3A_273 = arith.constant 0 : i32
    %dma_wait3A_274 = tpu.memref_slice %arg8[%add3A_266, %dma_wait3A_272, %dma_wait3A_273] : memref<4096x50x64xf32, #tpu.memory_space<hbm>> -> memref<1x50x64xf32, #tpu.memory_space<hbm>>
    %dma_wait3A_275 = tpu.memref_squeeze %dma_wait3A_274 : memref<1x50x64xf32, #tpu.memory_space<hbm>> -> memref<50x64xf32, #tpu.memory_space<hbm>>
    %dma_wait3A_276 = arith.constant 0 : i32
    %dma_wait3A_277 = arith.constant 0 : i32
    %dma_wait3A_278 = tpu.memref_slice %arg8[%add3A_266, %dma_wait3A_276, %dma_wait3A_277] : memref<4096x50x64xf32, #tpu.memory_space<hbm>> -> memref<1x50x64xf32, #tpu.memory_space<hbm>>
    %dma_wait3A_279 = tpu.memref_squeeze %dma_wait3A_278 : memref<1x50x64xf32, #tpu.memory_space<hbm>> -> memref<50x64xf32, #tpu.memory_space<hbm>>
    %dma_wait3A_280 = arith.constant 0 : i32
    %dma_wait3A_281 = arith.constant 0 : i32
    %dma_wait3A_282 = tpu.memref_slice %arg16[%dma_wait3A_267, %dma_wait3A_280, %dma_wait3A_281] : memref<8x50x64xf32, #tpu.memory_space<vmem>> -> memref<1x50x64xf32, #tpu.memory_space<vmem>>
    %dma_wait3A_283 = tpu.memref_squeeze %dma_wait3A_282 : memref<1x50x64xf32, #tpu.memory_space<vmem>> -> memref<50x64xf32, #tpu.memory_space<vmem>>
    tpu.wait_dma2 semaphore(%arg34 : memref<!tpu.dma_semaphore, #tpu.memory_space<semaphore_mem>>) src(%dma_wait3A_283 : memref<50x64xf32, #tpu.memory_space<vmem>>) dst(%dma_wait3A_279 : memref<50x64xf32, #tpu.memory_space<hbm>>)
    return
  }
}

module attributes {stable_mosaic.version = 14 : i64} {
  func.func @body(%arg0: i32, %arg1: memref<64x1024xf32, #tpu.memory_space<vmem>>, %arg2: memref<64x1024xf32, #tpu.memory_space<vmem>>, %arg3: memref<1024x128xf32, #tpu.memory_space<vmem>>) attributes {dimension_semantics = [#tpu.dimension_semantics<arbitrary>], iteration_bounds = array<i64: 489>, scalar_prefetch = 0 : i64, scratch_operands = 0 : i64, tpu.core_type = #tpu.core_type<tc>, window_params = [{transform_indices = @transform_0, window_bounds = array<i64: 64, 1024>}, {transform_indices = @transform_1, window_bounds = array<i64: 64, 1024>}, {transform_indices = @transform_2, window_bounds = array<i64: 1024, 128>}]} {
    %get3A = arith.constant 0 : index
    %get3A_0 = arith.constant 0 : index
    %get3A_1 = vector.load %arg1[%get3A, %get3A_0] : memref<64x1024xf32, #tpu.memory_space<vmem>>, vector<64x1024xf32>
    %transpose3A = tpu.transpose %get3A_1, [1, 0] : vector<64x1024xf32> -> vector<1024x64xf32>
    %swap3A = arith.constant 0 : index
    %swap3A_2 = arith.constant 0 : index
    %swap3A_3 = vector.load %arg3[%swap3A, %swap3A_2] : memref<1024x128xf32, #tpu.memory_space<vmem>>, vector<1024x64xf32>
    tpu.vector_store %arg3[%swap3A, %swap3A_2], %transpose3A {strides = array<i32>} : memref<1024x128xf32, #tpu.memory_space<vmem>>, vector<1024x64xf32>,
    %get3A_4 = arith.constant 0 : index
    %get3A_5 = arith.constant 0 : index
    %get3A_6 = vector.load %arg2[%get3A_4, %get3A_5] : memref<64x1024xf32, #tpu.memory_space<vmem>>, vector<64x1024xf32>
    %transpose3A_7 = tpu.transpose %get3A_6, [1, 0] : vector<64x1024xf32> -> vector<1024x64xf32>
    %swap3A_8 = arith.constant 0 : index
    %swap3A_9 = arith.constant 64 : index
    %swap3A_10 = vector.load %arg3[%swap3A_8, %swap3A_9] : memref<1024x128xf32, #tpu.memory_space<vmem>>, vector<1024x64xf32>
    tpu.vector_store %arg3[%swap3A_8, %swap3A_9], %transpose3A_7 {strides = array<i32>} : memref<1024x128xf32, #tpu.memory_space<vmem>>, vector<1024x64xf32>,
    return
  }
  func.func @transform_0(%arg0: i32) -> (i32, i32) {
    %c0_i32 = arith.constant 0 : i32
    %c0_i32_0 = arith.constant 0 : i32
    return %c0_i32, %arg0 : i32, i32
  }
  func.func @transform_1(%arg0: i32) -> (i32, i32) {
    %add3A = arith.constant 489 : i32
    %add3A_0 = arith.addi %arg0, %add3A : i32
    %min3A = arith.constant 976 : i32
    %min3A_1 = arith.minsi %add3A_0, %min3A : i32
    %c0_i32 = arith.constant 0 : i32
    %c0_i32_2 = arith.constant 0 : i32
    return %c0_i32, %min3A_1 : i32, i32
  }
  func.func @transform_2(%arg0: i32) -> (i32, i32) {
    %c0_i32 = arith.constant 0 : i32
    %c0_i32_0 = arith.constant 0 : i32
    return %arg0, %c0_i32 : i32, i32
  }
}

module attributes {stable_mosaic.version = 14 : i64} {
  func.func @body(%arg0: i32, %arg1: memref<64x1024xf32, #tpu.memory_space<vmem>>, %arg2: memref<64x1024xf32, #tpu.memory_space<vmem>>, %arg3: memref<1024x128xf32, #tpu.memory_space<vmem>>) attributes {dimension_semantics = [#tpu.dimension_semantics<arbitrary>], iteration_bounds = array<i64: 49>, scalar_prefetch = 0 : i64, scratch_operands = 0 : i64, tpu.core_type = #tpu.core_type<tc>, window_params = [{transform_indices = @transform_0, window_bounds = array<i64: 64, 1024>}, {transform_indices = @transform_1, window_bounds = array<i64: 64, 1024>}, {transform_indices = @transform_2, window_bounds = array<i64: 1024, 128>}]} {
    %get3A = arith.constant 0 : index
    %get3A_0 = arith.constant 0 : index
    %get3A_1 = vector.load %arg1[%get3A, %get3A_0] : memref<64x1024xf32, #tpu.memory_space<vmem>>, vector<64x1024xf32>
    %transpose3A = tpu.transpose %get3A_1, [1, 0] : vector<64x1024xf32> -> vector<1024x64xf32>
    %swap3A = arith.constant 0 : index
    %swap3A_2 = arith.constant 0 : index
    %swap3A_3 = vector.load %arg3[%swap3A, %swap3A_2] : memref<1024x128xf32, #tpu.memory_space<vmem>>, vector<1024x64xf32>
    tpu.vector_store %arg3[%swap3A, %swap3A_2], %transpose3A {strides = array<i32>} : memref<1024x128xf32, #tpu.memory_space<vmem>>, vector<1024x64xf32>,
    %get3A_4 = arith.constant 0 : index
    %get3A_5 = arith.constant 0 : index
    %get3A_6 = vector.load %arg2[%get3A_4, %get3A_5] : memref<64x1024xf32, #tpu.memory_space<vmem>>, vector<64x1024xf32>
    %transpose3A_7 = tpu.transpose %get3A_6, [1, 0] : vector<64x1024xf32> -> vector<1024x64xf32>
    %swap3A_8 = arith.constant 0 : index
    %swap3A_9 = arith.constant 64 : index
    %swap3A_10 = vector.load %arg3[%swap3A_8, %swap3A_9] : memref<1024x128xf32, #tpu.memory_space<vmem>>, vector<1024x64xf32>
    tpu.vector_store %arg3[%swap3A_8, %swap3A_9], %transpose3A_7 {strides = array<i32>} : memref<1024x128xf32, #tpu.memory_space<vmem>>, vector<1024x64xf32>,
    return
  }
  func.func @transform_0(%arg0: i32) -> (i32, i32) {
    %c0_i32 = arith.constant 0 : i32
    %c0_i32_0 = arith.constant 0 : i32
    return %c0_i32, %arg0 : i32, i32
  }
  func.func @transform_1(%arg0: i32) -> (i32, i32) {
    %add3A = arith.constant 49 : i32
    %add3A_0 = arith.addi %arg0, %add3A : i32
    %min3A = arith.constant 97 : i32
    %min3A_1 = arith.minsi %add3A_0, %min3A : i32
    %c0_i32 = arith.constant 0 : i32
    %c0_i32_2 = arith.constant 0 : i32
    return %c0_i32, %min3A_1 : i32, i32
  }
  func.func @transform_2(%arg0: i32) -> (i32, i32) {
    %c0_i32 = arith.constant 0 : i32
    %c0_i32_0 = arith.constant 0 : i32
    return %arg0, %c0_i32 : i32, i32
  }
}

</mosaic_0001>

<sc_bundles>
// kernel: kernel.6.cloned.1.call-start
scs
__scs_entry_jumppad:
0x0: {  	(pc) =	sbr.rel $0x88, $3  }
0x1: {  	(tag) =	ssettag $0x0;
	lr =	simm.s32 $0x1  }
0x2: {  	[smem:$0x3F9B] =	sst lr;
	_ =	strace $0xD0000000  }
0x3: {  	_ = 	snop  }
0x4: {  	_ = 	snop  }
0x5: {  	_ = 	snop  }
0x6: {  	_ = 	snop  }
0x7: {  	_ = 	snop  }
__scs_overlays_trampoline_lowered:
0x8: {  	[smem:$0x3FAA] =	sst s0  }
0x9: {  	[smem:$0x3FAB] =	sst s1  }
0xa: {  	[smem:$0x3FAC] =	sst s2  }
0xb: {  	[smem:$0x3FAD] =	sst s3  }
0xc: {  	[smem:$0x3FAE] =	sst s4  }
0xd: {  	[smem:$0x3FAF] =	sst s5  }
0xe: {  	[smem:$0x3FB0] =	sst s6  }
0xf: {  	[smem:$0x3FB1] =	sst s7  }
0x10: {  	[smem:$0x3FB2] =	sst s8  }
0x11: {  	[smem:$0x3FB3] =	sst s9;
	s0 =	simm.s32 @!p0 $0x0  }
0x12: {  	s1 =	sld [smem:$0x3F99];
	s0 =	simm.s32 @p0 $0x1  }
0x13: {  	[smem:$0x3FB4] =	sst s0;
	s0 =	simm.s32 @!p1 $0x0  }
0x14: {  	s2 =	sld [smem:$0x3F98];
	s0 =	simm.s32 @p1 $0x1  }
0x15: {  	[smem:$0x3FB5] =	sst s0;
	s0 =	simm.s32 @!p2 $0x0  }
0x16: {  	s3 =	sld [smem:$0x3FDB];
	s0 =	simm.s32 @p2 $0x1  }
0x17: {  	s4 =	simm.s32 $0x1BF5;
	[smem:$0x3FB7] =	sst s0  }
0x18: {  	s0 =	sld [smem:$0x3F9A];
	_ =	swait.ge [sflag:s4], $0x0  }
0x19: {  	s7 =	sld [smem:$0x3F9B]  }
0x1a: {  	s8 =	sadd.s32 $0xFFFFE003, lr  }
0x1b: {  	s9 =	sadd.s32 $0xFFFFFEF7, lr;
	s5 =	simm.s32 $0xFFFFFFFF;
	p2 =	slt.u32 s8, $0xFFFFF086  }
0x1c: {  	p1 =	slt.u32 s9, $0xF7A;
	s5 =	simm.s32 @!p2 $0x0  }
0x1d: {  	s5 =	simm.s32 @p1 $0x1;
	p0 =	seq.s32 s7, s2  }
0x1e: {  	s7 =	smul.u32 @!p0 $0xF7A, s2;
	p2 =	seq.s32 @!p0 s5, $0x0  }
0x1f: {  	s9 =	smul.u32 $0xF7A, s1;
	s8 =	simm.s32 @!p0 $0x1BF5;
	p2 =	por !p2, p0  }
0x20: {  	[sflag:s8] =	ssyncset.s32 @!p0 $0xFFFFF086;
	s6 =	sadd.s32 @!p0 s3, s7;
	s7 =	simm.s32 @!p0 $0x108  }
0x21: {  	s3 =	sadd.s32 s3, s9;
	s6 =	sadd.s32 @!p0 $0x88, s6;
	s7 =	simm.s32 @p2 $0x1082  }
0x22: {  	[simem:s7], [sflag:s8] =	dma.local @!p0 [hbm:s6], $0xF7A  }
0x23: {  	s9 =	sor.u32 $0xD0000000, s2;
	s6 =	simm.s32 $0x108;
	_ =	swait.ge @!p0 [sflag:s8], $0x0  }
0x24: {  	s3 =	sadd.s32 $0x88, s3;
	s6 =	simm.s32 @!p1 $0x1082;
	[sflag:s4] =	ssyncset.s32 $0xFFFFF086  }
0x25: {  	[simem:s6], [sflag:s4] =	dma.local [hbm:s3], $0xF7A  }
0x26: {  	[smem:$0x3F9B] =	sst s1;
	(tag) =	ssettag s2;
	_ =	strace s9  }
0x27: {  	s1 =	sld [smem:$0x3FAB]  }
0x28: {  	s2 =	sld [smem:$0x3FAC]  }
0x29: {  	s4 =	sld [smem:$0x3FAE]  }
0x2a: {  	p0 =	seq.s32 s5, $0x0;
	s5 =	sld [smem:$0x3FAF]  }
0x2b: {  	s6 =	sld [smem:$0x3FB0]  }
0x2c: {  	s7 =	sld [smem:$0x3FB1]  }
0x2d: {  	s3 =	simm.s32 $0x108;
	s8 =	sld [smem:$0x3FB2]  }
0x2e: {  	s3 =	simm.s32 @!p0 $0x1082;
	s9 =	sld [smem:$0x3FB3]  }
0x2f: {  	lr =	sadd.s32 s0, s3;
	s0 =	sld [smem:$0x3FAA]  }
0x30: {  	s3 =	sld [smem:$0x3FAD]  }
0x31: {  	[smem:$0x3FB6] =	sst s10  }
0x32: {  	s10 =	sld [smem:$0x3FB4];
	_ =	sdelay $0x3  }
0x33: {  	p0 =	seq.s32 s10, $0x1;
	s10 =	sld [smem:$0x3FB6];
	_ =	sdelay $0x3  }
0x34: {  	[smem:$0x3FB6] =	sst s10  }
0x35: {  	s10 =	sld [smem:$0x3FB5];
	_ =	sdelay $0x3  }
0x36: {  	p1 =	seq.s32 s10, $0x1;
	s10 =	sld [smem:$0x3FB6];
	_ =	sdelay $0x3  }
0x37: {  	[smem:$0x3FB6] =	sst s10  }
0x38: {  	s10 =	sld [smem:$0x3FB7]  }
0x39: {  	_ = 	snop;
	(pc) =	sbr.ind lr, $3  }
0x3a: {  	_ = 	snop  }
0x3b: {  	_ = 	snop  }
0x3c: {  	p2 =	seq.s32 s10, $0x1;
	s10 =	sld [smem:$0x3FB6]  }
0x3d: {  	_ =	shalt  }
0x3e: {  	_ =	shalt  }
0x3f: {  	_ =	shalt  }
0x40: {  	_ =	shalt  }
0x41: {  	_ =	shalt  }
0x42: {  	_ =	shalt  }
0x43: {  	_ =	shalt  }
0x44: {  	_ =	shalt  }
0x45: {  	_ =	shalt  }
0x46: {  	_ =	shalt  }
0x47: {  	_ =	shalt  }
0x48: {  	_ =	shalt  }
0x49: {  	_ =	shalt  }
0x4a: {  	_ =	shalt  }
0x4b: {  	_ =	shalt  }
0x4c: {  	_ =	shalt  }
0x4d: {  	_ =	shalt  }
0x4e: {  	_ =	shalt  }
0x4f: {  	_ =	shalt  }
0x50: {  	_ =	shalt  }
0x51: {  	_ =	shalt  }
0x52: {  	_ =	shalt  }
0x53: {  	_ =	shalt  }
0x54: {  	_ =	shalt  }
0x55: {  	_ =	shalt  }
0x56: {  	_ =	shalt  }
0x57: {  	_ =	shalt  }
0x58: {  	_ =	shalt  }
0x59: {  	_ =	shalt  }
0x5a: {  	_ =	shalt  }
0x5b: {  	_ =	shalt  }
0x5c: {  	_ =	shalt  }
0x5d: {  	_ =	shalt  }
0x5e: {  	_ =	shalt  }
0x5f: {  	_ =	shalt  }
0x60: {  	_ =	shalt  }
0x61: {  	_ =	shalt  }
0x62: {  	_ =	shalt  }
0x63: {  	_ =	shalt  }
0x64: {  	_ =	shalt  }
0x65: {  	_ =	shalt  }
0x66: {  	_ =	shalt  }
0x67: {  	_ =	shalt  }
0x68: {  	_ =	shalt  }
0x69: {  	_ =	shalt  }
0x6a: {  	_ =	shalt  }
0x6b: {  	_ =	shalt  }
0x6c: {  	_ =	shalt  }
0x6d: {  	_ =	shalt  }
0x6e: {  	_ =	shalt  }
0x6f: {  	_ =	shalt  }
0x70: {  	_ =	shalt  }
0x71: {  	_ =	shalt  }
0x72: {  	_ =	shalt  }
0x73: {  	_ =	shalt  }
0x74: {  	_ =	shalt  }
0x75: {  	_ =	shalt  }
0x76: {  	_ =	shalt  }
0x77: {  	_ =	shalt  }
0x78: {  	_ =	shalt  }
0x79: {  	_ =	shalt  }
0x7a: {  	_ =	shalt  }
0x7b: {  	_ =	shalt  }
0x7c: {  	_ =	shalt  }
0x7d: {  	_ =	shalt  }
0x7e: {  	_ =	shalt  }
0x7f: {  	_ =	shalt  }
0x80: {  	_ =	shalt  }
0x81: {  	_ =	shalt  }
0x82: {  	_ =	shalt  }
0x83: {  	_ =	shalt  }
0x84: {  	_ =	shalt  }
0x85: {  	_ =	shalt  }
0x86: {  	_ =	shalt  }
0x87: {  	_ =	shalt  }
.Lfunc_end0:
.L_simem_size_0:
called_computation.1_lowered:
.L_overlay_start_0:
0x88: {  	s2 =	sld [smem:$0x3FD9]  }
0x89: {  	s3 =	sld [smem:$0x3FFE];
	_ =	sdelay $0x1  }
0x8a: {  	s1 =	srdreg.scid  }
0x8b: {  	s0 =	sand.u32 $0x1, s1  }
0x8c: {  	s17 =	sshll.u32 s0, $0xA;
	s2 =	sadd.s32 s3, s2  }
0x8d: {  	s2 =	sadd.s32 s2, s17  }
0x8e: {  	[smem:$0x3FC2] =	sst s2  }
0x8f: {  	_ = 	snop  }
0x90: {  	s2 =	sld [smem:$0x3FC9]  }
0x91: {  	s18 =	sld [smem:$0x3FC6];
	(tm) =	ssettm $0x1  }
0x92: {  	s4 =	sld [smem:$0x3FFB];
	_ =	sdelay $0x3  }
0x93: {  	_ =	strace s4  }
0x94: {  	s4 =	sld [smem:$0x3FFC];
	_ =	sdelay $0x3  }
0x95: {  	_ =	strace s4  }
0x96: {  	s4 =	sld [smem:$0x3FFD];
	_ =	sdelay $0x3  }
0x97: {  	_ =	strace s4  }
0x98: {  	_ =	strace $0x8FFFFFFF  }
0x99: {  	s19 =	sld [smem:$0x3FDB];
	_ =	sdelay $0x1  }
0x9a: {  	s5 =	simm.s32 $_scs_section_size  }
0x9b: {  	s6 =	simm.s32 $_size__tile_overlayer_lowered;
	s7 =	simm.s32 $_tile_overlayer_lowered  }
0x9c: {  	s22 =	simm.s32 $0x1BFF;
	s21 =	sshll.u32 s7, $0x1;
	s4 =	sadd.s32 s5, s19  }
0x9d: {  	s8 =	simm.s32 $0x0;
	s20 =	sshll.u32 s6, $0x1;
	s6 =	sadd.s32 s21, s4  }
0x9e: {  	[timem:s8], [sflag:s22] =	dma.local [hbm:s6], s20  }
0x9f: {  	_ =	swait.ge [sflag:s22], s20  }
0xa0: {  	s5 =	ssub.s32 $0x0, s20;
	[sflag:s22] =	ssyncset.done $0x0  }
0xa1: {  	[sflag:s22] =	ssyncadd.s32 s5;
	_ =	sdelay $0x1  }
0xa2: {  	s23 =	simm.s32 $0x1B8B  }
0xa3: {  	_ =	swait.ge [sflag:s23], $0x1  }
0xa4: {  	[sflag:s23] =	ssyncset.done $0x0  }
0xa5: {  	s25 =	simm.s32 $0x1B8E;
	s24 =	sld [smem:$0x3FFE];
	[sflag:s23] =	ssyncadd.s32 $0xFFFFFFFF  }
0xa6: {  	s26 =	simm.s32 $execute0_lowered;
	[smem:$0x3FD2] =	sst s25  }
0xa7: {  	s6 =	sshll.u32 s26, $0x1;
	_ =	strace $0x80000046;
	[dreg:$0x1] =	wrdreg $0xFFFFFFFF  }
0xa8: {  	s28 =	simm.s32 $_size_execute0_lowered;
	s4 =	sadd.s32 s4, s6;
	[dreg:$0x0] =	wrdreg $0x0  }
0xa9: {  	s6 =	sshll.u32 s28, $0x1;
	[dreg:$0x2] =	wrdreg s4  }
0xaa: {  	[dreg:$0x3] =	wrdreg s6  }
0xab: {  	[dreg:$0x4] =	wrdreg $0xC0  }
0xac: {  	_ =	task [dreg:s8], $0x5FFFF  }
0xad: {  	[dreg:$0x1] =	wrdreg $0xFFFFFFFF  }
0xae: {  	[dreg:$0x0] =	wrdreg $0x60  }
0xaf: {  	[dreg:$0x2] =	wrdreg s2  }
0xb0: {  	[dreg:$0x3] =	wrdreg s18  }
0xb1: {  	[dreg:$0x4] =	wrdreg s24  }
0xb2: {  	[dreg:$0x5] =	wrdreg $0x9  }
0xb3: {  	_ =	task.clear_ibuf [dreg:s8], $0x6FFFF;
	_ =	strace $0x90000046  }
0xb4: {  	s29 =	simm.s32 $0x9;
	_ =	strace $0x80000048  }
0xb5: {  	_ =	swait.ge [sflag:s29], $0x1  }
0xb6: {  	[sflag:s29] =	ssyncadd.s32 $0xFFFFFFFF  }
0xb7: {  	_ =	strace $0x90000048  }
0xb8: {  	_ =	sfence  }
0xb9: {  	s30 =	sld [smem:$0x0];
	_ =	sdelay $0x2  }
0xba: {  	s31 =	sshll.u32 s1, $0xD;
	s1 =	sshrl.u32 s1, $0x2  }
0xbb: {  	s3 =	sand.u32 $0x4000, s31;
	s1 =	sadd.s32 s1, s30  }
0xbc: {  	s0 =	sor.u32 s3, s0;
	s1 =	sshll.u32 s1, $0x11  }
0xbd: {  	s0 =	sor.u32 s1, s0  }
0xbe: {  	s0 =	sadd.s32 $0x8F2B, s0  }
0xbf: {  	[sflag:s0] =	ssyncadd.remote.s32 $0x1  }
0xc0: {  	_ =	sfence.sel $0xFFFF  }
0xc1: {  	[dreg:$0x0] =	wrdreg $0xFFFFFFFF;
	(pc) =	sbr.abs _section_cstart, $3  }
0xc2: {  	[dreg:$0x1] =	wrdreg $0xFFFFFFFF  }
0xc3: {  	_ =	task.clear_ibuf [dreg:s8], $0x2FFFF;
	_ =	strace $0x9FFFFFFF  }
0xc4: {  	(tm) =	ssettm $0x7FFFFFFF  }
0xc5: {  	_ =	shalt  }
tec
execute0_lowered:
.L_overlay_start_1:
0x0: {  	(tag) =	ssettag $0x1  }
0x1: {  	s0 =	rddreg [dreg:$0x0]  }
0x2: {  	s2 =	rddreg [dreg:$0x1]  }
0x3: {  	s1 =	rddreg [dreg:$0x2]  }
0x4: {  	s3 =	simm.s32 $0x0;
	s6 =	stileid.u32;
	s5 =	srdreg.scid  }
0x5: {  	s9 =	simm.s32 $0x400;
	s10 =	simm.s32 $0x7A1400;
	s11 =	simm.s32 $0x100  }
0x6: {  	s12 =	simm.s32 $0x2100;
	s13 =	simm.s32 $0x4100;
	s14 =	simm.s32 $0x6100  }
0x7: {  	s15 =	simm.s32 $0x8100;
	s16 =	simm.s32 $0x2;
	s17 =	simm.s32 $0xA100  }
0x8: {  	s18 =	simm.s32 $0x3;
	s19 =	simm.s32 $0xC100;
	s20 =	simm.s32 $0x4  }
0x9: {  	s21 =	simm.s32 $0xE100;
	s22 =	simm.s32 $0xD;
	s23 =	simm.s32 $0xE  }
0xa: {  	s28 =	simm.s32 $0x6;
	s29 =	simm.s32 $0x7;
	s30 =	simm.s32 $0x8  }
0xb: {  	s31 =	simm.s32 $0x0;
	[smem:$0x7FF] =	sst s3;
	s4 =	sshll.u32 s6, $0x12  }
0xc: {  	s24 =	sand.u32 $0x1, s5;
	s6 =	sshll.u32 s6, $0x8;
	_ =	strace $0x80000047  }
0xd: {  	s1 =	sadd.s32 s4, s1;
	s5 =	ssub.s32 $0x2, s24;
	s7 =	sshll.u32 s24, $0x7  }
0xe: {  	s4 =	sshll.u32 s24, $0x11;
	s24 =	simm.s32 $0xF;
	s8 =	sshrl.u32 s5, $0x1  }
.Ltmp0:
0xf: {  	s6 =	sor.u32 s7, s6;
	s1 =	sadd.s32 s4, s1;
	(pc) =	sbr.rel .LBB2_1-.Ltmp0, $4  }
0x10: {  	s7 =	simm.s32 $0x11;
	s6 =	sshrl.u32 s6, $0x3;
	s26 =	sadd.s32 $0x1000, s1  }
0x11: {  	s5 =	ssub.s32 s5, s8;
	s0 =	sadd.s32 s0, s6;
	[dreg:$0x6] =	wrdreg s26  }
0x12: {  	s8 =	simm.s32 $0x1;
	s25 =	smax.u32 s5, $0x1;
	[dreg:$0x4] =	wrdreg s0  }
0x13: {  	s26 =	simm.s32 $0x5;
	[dreg:$0x5] =	wrdreg s25;
	s25 =	simm.s32 $0x10  }
.LBB2_26:
0x14: {  	_ =	swait.ge [sflag:s22], $0x2000  }
0x15: {  	[sflag:s22] =	ssyncset.done $0x0  }
0x16: {  	[sflag:s22] =	ssyncadd.s32 $0xFFFFE000  }
0x17: {  	_ =	swait.ge [sflag:s23], $0x2000  }
0x18: {  	[sflag:s23] =	ssyncset.done $0x0  }
0x19: {  	[sflag:s23] =	ssyncadd.s32 $0xFFFFE000  }
0x1a: {  	_ =	swait.ge [sflag:s24], $0x2000  }
0x1b: {  	[sflag:s24] =	ssyncset.done $0x0  }
0x1c: {  	[sflag:s24] =	ssyncadd.s32 $0xFFFFE000  }
0x1d: {  	_ =	swait.ge [sflag:s25], $0x2000  }
0x1e: {  	s31 =	sadd.s32 $0x1, s31;
	s0 =	rddreg [dreg:$0x5]  }
0x1f: {  	p0 =	sne.s32 s31, s0  }
.Ltmp1:
0x20: {  	_ = 	snop;
	(pc) =	sbr.rel @!p0 .LBB2_27-.Ltmp1, $3  }
0x21: {  	_ =	sdelay $0x1  }
0x22: {  	[sflag:s25] =	ssyncset.done $0x0  }
0x23: {  	[sflag:s25] =	ssyncadd.s32 $0xFFFFE000  }
.LBB2_1:
0x24: {  	s0 =	rddreg [dreg:$0x4]  }
0x25: {  	[tilespmem:s3], [sflag:$0x11] =	stream.linear.gather [hbm4b:s0+s3], $0x80, $0x38;
	[tilespmem:$0x10100] =	vst v63  }
0x26: {  	_ =	swait.ge [sflag:s7], $0x80  }
0x27: {  	[sflag:s7] =	ssyncset.done $0x0  }
0x28: {  	[sflag:s7] =	ssyncadd.s32 $0xFFFFFF80  }
0x29: {  	v0 =	vld [tilespmem:$0x0];
	_ =	sdelay $0x4  }
0x2a: {  	(v2sf) =	vpush v0, $0x0;
	_ =	sdelay $0xe  }
0x2b: {  	s1 =	spop (v2sf)  }
0x2c: {  	s4 =	sand.u32 $0x7F, s1  }
0x2d: {  	s5 =	sshra.s32 s1, $0x1F;
	p0 =	slt.s32 s1, $0x1;
	p1 =	sne.s32 s4, $0x0  }
0x2e: {  	s5 =	sshrl.u32 s5, $0x19;
	p0 =	por !p0, !p1  }
0x2f: {  	s4 =	simm.s32 $0x1;
	s1 =	sadd.s32 s5, s1;
	p0 =	por !p0, !p0  }
0x30: {  	s1 =	sshrl.u32 s1, $0x7;
	s4 =	simm.s32 @!p0 $0x0  }
0x31: {  	s1 =	ssub.s32 s1, s4  }
0x32: {  	s1 =	sshll.u32 s1, $0x7  }
0x33: {  	s1 =	sand.u32 $0x1FFFFF80, s1  }
0x34: {  	s1 =	sadd.s32 s2, s1  }
0x35: {  	[tilespmem:s11], [sflag:$0x1] =	stream.strided.gather [hbm4b:s1+s9], $0x2000, s10, s9, $0x38;
	[tilespmem:$0x10100] =	vst v63  }
0x36: {  	v61 =	vld [tilespmem:$0x1];
	_ =	sdelay $0x4  }
0x37: {  	(v2sf) =	vpush v61, $0x0;
	_ =	sdelay $0xe  }
0x38: {  	s1 =	spop (v2sf)  }
0x39: {  	s6 =	sand.u32 $0x7F, s1  }
0x3a: {  	s0 =	sshra.s32 s1, $0x1F;
	p1 =	slt.s32 s1, $0x1;
	p2 =	sne.s32 s6, $0x0  }
0x3b: {  	s5 =	sshrl.u32 s0, $0x19;
	p0 =	por !p1, !p2  }
0x3c: {  	s4 =	simm.s32 $0x1;
	s1 =	sadd.s32 s5, s1;
	p0 =	por !p0, !p0  }
0x3d: {  	s1 =	sshrl.u32 s1, $0x7;
	s4 =	simm.s32 @!p0 $0x0  }
0x3e: {  	s1 =	ssub.s32 s1, s4  }
0x3f: {  	s1 =	sshll.u32 s1, $0x7  }
0x40: {  	s1 =	sand.u32 $0x1FFFFF80, s1  }
0x41: {  	s1 =	sadd.s32 s2, s1  }
0x42: {  	[tilespmem:s12], [sflag:$0x2] =	stream.strided.gather [hbm4b:s1+s9], $0x2000, s10, s9, $0x38;
	[tilespmem:$0x10100] =	vst v63  }
0x43: {  	v62 =	vld [tilespmem:$0x2];
	_ =	sdelay $0x4  }
0x44: {  	(v2sf) =	vpush v62, $0x0;
	_ =	sdelay $0xe  }
0x45: {  	s1 =	spop (v2sf)  }
0x46: {  	s6 =	sand.u32 $0x7F, s1  }
0x47: {  	s0 =	sshra.s32 s1, $0x1F;
	p3 =	slt.s32 s1, $0x1;
	p4 =	sne.s32 s6, $0x0  }
0x48: {  	s5 =	sshrl.u32 s0, $0x19;
	p0 =	por !p3, !p4  }
0x49: {  	s4 =	simm.s32 $0x1;
	s1 =	sadd.s32 s5, s1;
	p0 =	por !p0, !p0  }
0x4a: {  	s1 =	sshrl.u32 s1, $0x7;
	s4 =	simm.s32 @!p0 $0x0  }
0x4b: {  	s1 =	ssub.s32 s1, s4  }
0x4c: {  	s1 =	sshll.u32 s1, $0x7  }
0x4d: {  	s1 =	sand.u32 $0x1FFFFF80, s1  }
0x4e: {  	s1 =	sadd.s32 s2, s1  }
0x4f: {  	[tilespmem:s13], [sflag:$0x3] =	stream.strided.gather [hbm4b:s1+s9], $0x2000, s10, s9, $0x38;
	[tilespmem:$0x10100] =	vst v63  }
0x50: {  	v63 =	vld [tilespmem:$0x3];
	_ =	sdelay $0x4  }
0x51: {  	(v2sf) =	vpush v63, $0x0;
	_ =	sdelay $0xe  }
0x52: {  	s1 =	spop (v2sf)  }
0x53: {  	s6 =	sand.u32 $0x7F, s1  }
0x54: {  	s0 =	sshra.s32 s1, $0x1F;
	p5 =	slt.s32 s1, $0x1;
	p6 =	sne.s32 s6, $0x0  }
0x55: {  	s6 =	sshrl.u32 s0, $0x19;
	p0 =	por !p5, !p6  }
0x56: {  	s4 =	simm.s32 $0x1;
	s1 =	sadd.s32 s6, s1;
	p0 =	por !p0, !p0  }
0x57: {  	s1 =	sshrl.u32 s1, $0x7;
	s4 =	simm.s32 @!p0 $0x0  }
0x58: {  	s1 =	ssub.s32 s1, s4  }
.Ltmp2:
0x59: {  	s1 =	sshll.u32 s1, $0x7;
	(pc) =	sbr.rel .LBB2_2-.Ltmp2, $4  }
0x5a: {  	s1 =	sand.u32 $0x1FFFFF80, s1  }
0x5b: {  	s1 =	sadd.s32 s2, s1  }
0x5c: {  	[tilespmem:s14], [sflag:$0x4] =	stream.strided.gather [hbm4b:s1+s9], $0x2000, s10, s9, $0x38;
	[tilespmem:$0x10100] =	vst v63  }
0x5d: {  	s6 =	rddreg [dreg:$0x6];
	s4 =	simm.s32 $0x0;
	s1 =	simm.s32 $0x4  }
.LBB2_25:
0x5e: {  	s4 =	sadd.s32 $0x1, s4  }
0x5f: {  	p0 =	sne.s32 s4, $0x80  }
.Ltmp3:
0x60: {  	_ = 	snop;
	(pc) =	sbr.rel @!p0 .LBB2_26-.Ltmp3, $2  }
0x61: {  	_ =	sdelay $0x2  }
0x62: {  	s1 =	sadd.s32 $0x1, s1;
	s6 =	sadd.s32 $0x400, s6  }
.LBB2_2:
0x63: {  	s5 =	sand.u32 $0x7, s4  }
0x64: {  	p0 =	sgt.s32 s5, $0x3  }
.Ltmp4:
0x65: {  	_ = 	snop;
	(pc) =	sbr.rel @p0 .LBB2_7-.Ltmp4, $1  }
0x66: {  	_ =	sdelay $0x3  }
0x67: {  	p0 =	sgt.s32 s5, $0x1  }
.Ltmp5:
0x68: {  	_ = 	snop;
	(pc) =	sbr.rel @p0 .LBB2_15-.Ltmp5, $1  }
0x69: {  	_ =	sdelay $0x3  }
0x6a: {  	p0 =	seq.s32 s5, $0x0  }
.Ltmp6:
0x6b: {  	_ = 	snop;
	(pc) =	sbr.rel @!p0 .LBB2_11-.Ltmp6, $1  }
0x6c: {  	_ =	sdelay $0x3  }
0x6d: {  	p0 =	slt.u32 s4, $0x4  }
0x6e: {  	_ =	swait.ge [sflag:s8], $0x2000;
	p1 =	sgt.u32 @!p0 s4, $0x7B  }
0x6f: {  	[sflag:s8] =	ssyncset.done $0x0;
	p1 =	por p0, !p1  }
.Ltmp7:
0x70: {  	s5 =	simm.s32 @!p0 $0xD;
	[sflag:s8] =	ssyncadd.s32 $0xFFFFE000;
	(pc) =	sbr.rel @!p1 .LBB2_25-.Ltmp7, $4  }
0x71: {  	[hbm4b:s6+s3] =	stream.linear.scatter [tilespmem:s11], [sflag:$0x9], $0x2000, $0x38;
	[tilespmem:$0x10100] =	vst v63  }
0x72: {  	_ =	swait.ge @!p0 [sflag:s5], $0x2000  }
0x73: {  	[sflag:s5] =	ssyncset.done @!p0 $0x0  }
0x74: {  	[sflag:s5] =	ssyncadd.s32 @!p0 $0xFFFFE000  }
0x75: {  	v0 =	vld [tilespmem:s1+$0x0];
	_ =	sdelay $0x4  }
0x76: {  	(v2sf) =	vpush v0, $0x0;
	_ =	sdelay $0xe  }
0x77: {  	s5 =	spop (v2sf)  }
0x78: {  	s0 =	sand.u32 $0x7F, s5  }
0x79: {  	p1 =	slt.s32 s5, $0x1;
	p0 =	sne.s32 s0, $0x0;
	s0 =	sshra.s32 s5, $0x1F  }
0x7a: {  	s0 =	sshrl.u32 s0, $0x19;
	p0 =	por !p1, !p0  }
0x7b: {  	s0 =	sadd.s32 s0, s5;
	p0 =	por !p0, !p0;
	s5 =	simm.s32 $0x1  }
0x7c: {  	s0 =	sshrl.u32 s0, $0x7;
	s5 =	simm.s32 @!p0 $0x0  }
.Ltmp8:
0x7d: {  	s0 =	ssub.s32 s0, s5;
	(pc) =	sbr.rel .LBB2_25-.Ltmp8, $4  }
0x7e: {  	s0 =	sshll.u32 s0, $0x7  }
0x7f: {  	s0 =	sand.u32 $0x1FFFFF80, s0  }
0x80: {  	s0 =	sadd.s32 s2, s0  }
0x81: {  	[tilespmem:s15], [sflag:$0x5] =	stream.strided.gather [hbm4b:s0+s9], $0x2000, s10, s9, $0x38;
	[tilespmem:$0x10100] =	vst v63  }
.LBB2_7:
0x82: {  	p0 =	sgt.s32 s5, $0x5  }
.Ltmp9:
0x83: {  	_ = 	snop;
	(pc) =	sbr.rel @p0 .LBB2_22-.Ltmp9, $1  }
0x84: {  	_ =	sdelay $0x3  }
0x85: {  	p0 =	seq.s32 s5, $0x4  }
.Ltmp10:
0x86: {  	_ = 	snop;
	(pc) =	sbr.rel @!p0 .LBB2_18-.Ltmp10, $1  }
0x87: {  	_ =	sdelay $0x3  }
0x88: {  	p0 =	slt.u32 s4, $0x4  }
0x89: {  	_ =	swait.ge [sflag:s26], $0x2000;
	p1 =	sgt.u32 @!p0 s4, $0x7B  }
0x8a: {  	[sflag:s26] =	ssyncset.done $0x0;
	p1 =	por p0, !p1  }
.Ltmp11:
0x8b: {  	s0 =	simm.s32 @!p0 $0x9;
	[sflag:s26] =	ssyncadd.s32 $0xFFFFE000;
	(pc) =	sbr.rel @!p1 .LBB2_25-.Ltmp11, $4  }
0x8c: {  	[hbm4b:s6+s3] =	stream.linear.scatter [tilespmem:s15], [sflag:$0xD], $0x2000, $0x38;
	[tilespmem:$0x10100] =	vst v63  }
0x8d: {  	_ =	swait.ge @!p0 [sflag:s0], $0x2000  }
0x8e: {  	[sflag:s0] =	ssyncset.done @!p0 $0x0  }
0x8f: {  	[sflag:s0] =	ssyncadd.s32 @!p0 $0xFFFFE000  }
0x90: {  	v0 =	vld [tilespmem:s1+$0x0];
	_ =	sdelay $0x4  }
0x91: {  	(v2sf) =	vpush v0, $0x0;
	_ =	sdelay $0xe  }
0x92: {  	s0 =	spop (v2sf)  }
0x93: {  	s5 =	sand.u32 $0x7F, s0  }
0x94: {  	p1 =	slt.s32 s0, $0x1;
	p0 =	sne.s32 s5, $0x0;
	s5 =	sshra.s32 s0, $0x1F  }
0x95: {  	s5 =	sshrl.u32 s5, $0x19;
	p0 =	por !p1, !p0  }
0x96: {  	s0 =	sadd.s32 s5, s0;
	p0 =	por !p0, !p0;
	s5 =	simm.s32 $0x1  }
0x97: {  	s0 =	sshrl.u32 s0, $0x7;
	s5 =	simm.s32 @!p0 $0x0  }
.Ltmp12:
0x98: {  	s0 =	ssub.s32 s0, s5;
	(pc) =	sbr.rel .LBB2_25-.Ltmp12, $4  }
0x99: {  	s0 =	sshll.u32 s0, $0x7  }
0x9a: {  	s0 =	sand.u32 $0x1FFFFF80, s0  }
0x9b: {  	s0 =	sadd.s32 s2, s0  }
0x9c: {  	[tilespmem:s11], [sflag:$0x1] =	stream.strided.gather [hbm4b:s0+s9], $0x2000, s10, s9, $0x38;
	[tilespmem:$0x10100] =	vst v63  }
.LBB2_15:
0x9d: {  	p0 =	seq.s32 s5, $0x2  }
.Ltmp13:
0x9e: {  	_ = 	snop;
	(pc) =	sbr.rel @!p0 .LBB2_16-.Ltmp13, $1  }
0x9f: {  	_ =	sdelay $0x3  }
0xa0: {  	p0 =	slt.u32 s4, $0x4  }
0xa1: {  	_ =	swait.ge [sflag:s18], $0x2000;
	p1 =	sgt.u32 @!p0 s4, $0x7B  }
0xa2: {  	[sflag:s18] =	ssyncset.done $0x0;
	p1 =	por p0, !p1  }
.Ltmp14:
0xa3: {  	s0 =	simm.s32 @!p0 $0xF;
	[sflag:s18] =	ssyncadd.s32 $0xFFFFE000;
	(pc) =	sbr.rel @!p1 .LBB2_25-.Ltmp14, $4  }
0xa4: {  	[hbm4b:s6+s3] =	stream.linear.scatter [tilespmem:s13], [sflag:$0xB], $0x2000, $0x38;
	[tilespmem:$0x10100] =	vst v63  }
0xa5: {  	_ =	swait.ge @!p0 [sflag:s0], $0x2000  }
0xa6: {  	[sflag:s0] =	ssyncset.done @!p0 $0x0  }
0xa7: {  	[sflag:s0] =	ssyncadd.s32 @!p0 $0xFFFFE000  }
0xa8: {  	v0 =	vld [tilespmem:s1+$0x0];
	_ =	sdelay $0x4  }
0xa9: {  	(v2sf) =	vpush v0, $0x0;
	_ =	sdelay $0xe  }
0xaa: {  	s0 =	spop (v2sf)  }
0xab: {  	s5 =	sand.u32 $0x7F, s0  }
0xac: {  	p1 =	slt.s32 s0, $0x1;
	p0 =	sne.s32 s5, $0x0;
	s5 =	sshra.s32 s0, $0x1F  }
0xad: {  	s5 =	sshrl.u32 s5, $0x19;
	p0 =	por !p1, !p0  }
0xae: {  	s0 =	sadd.s32 s5, s0;
	p0 =	por !p0, !p0;
	s5 =	simm.s32 $0x1  }
0xaf: {  	s0 =	sshrl.u32 s0, $0x7;
	s5 =	simm.s32 @!p0 $0x0  }
.Ltmp15:
0xb0: {  	s0 =	ssub.s32 s0, s5;
	(pc) =	sbr.rel .LBB2_25-.Ltmp15, $4  }
0xb1: {  	s0 =	sshll.u32 s0, $0x7  }
0xb2: {  	s0 =	sand.u32 $0x1FFFFF80, s0  }
0xb3: {  	s0 =	sadd.s32 s2, s0  }
0xb4: {  	[tilespmem:s19], [sflag:$0x7] =	stream.strided.gather [hbm4b:s0+s9], $0x2000, s10, s9, $0x38;
	[tilespmem:$0x10100] =	vst v63  }
.LBB2_22:
0xb5: {  	p2 =	seq.s32 s5, $0x6  }
.Ltmp16:
0xb6: {  	_ = 	snop;
	(pc) =	sbr.rel @!p2 .LBB2_23-.Ltmp16, $3  }
0xb7: {  	_ =	sdelay $0x1  }
0xb8: {  	p0 =	slt.u32 s4, $0x4  }
0xb9: {  	p1 =	sgt.u32 @!p0 s4, $0x7B  }
0xba: {  	_ =	swait.ge [sflag:s29], $0x2000  }
0xbb: {  	p1 =	por p0, !p1;
	[sflag:s29] =	ssyncset.done $0x0  }
.Ltmp17:
0xbc: {  	s0 =	simm.s32 @!p0 $0xB;
	[sflag:s29] =	ssyncadd.s32 $0xFFFFE000;
	(pc) =	sbr.rel @!p1 .LBB2_25-.Ltmp17, $4  }
0xbd: {  	[hbm4b:s6+s3] =	stream.linear.scatter [tilespmem:s19], [sflag:$0xF], $0x2000, $0x38;
	[tilespmem:$0x10100] =	vst v63  }
0xbe: {  	_ =	swait.ge @!p0 [sflag:s0], $0x2000  }
0xbf: {  	[sflag:s0] =	ssyncset.done @!p0 $0x0  }
0xc0: {  	[sflag:s0] =	ssyncadd.s32 @!p0 $0xFFFFE000  }
0xc1: {  	v0 =	vld [tilespmem:s1+$0x0];
	_ =	sdelay $0x4  }
0xc2: {  	(v2sf) =	vpush v0, $0x0;
	_ =	sdelay $0xe  }
0xc3: {  	s0 =	spop (v2sf)  }
0xc4: {  	s5 =	sand.u32 $0x7F, s0  }
0xc5: {  	p1 =	slt.s32 s0, $0x1;
	p0 =	sne.s32 s5, $0x0;
	s5 =	sshra.s32 s0, $0x1F  }
0xc6: {  	s5 =	sshrl.u32 s5, $0x19;
	p0 =	por !p1, !p0  }
0xc7: {  	s0 =	sadd.s32 s5, s0;
	p0 =	por !p0, !p0;
	s5 =	simm.s32 $0x1  }
0xc8: {  	s0 =	sshrl.u32 s0, $0x7;
	s5 =	simm.s32 @!p0 $0x0  }
.Ltmp18:
0xc9: {  	s0 =	ssub.s32 s0, s5;
	(pc) =	sbr.rel .LBB2_25-.Ltmp18, $4  }
0xca: {  	s0 =	sshll.u32 s0, $0x7  }
0xcb: {  	s0 =	sand.u32 $0x1FFFFF80, s0  }
0xcc: {  	s0 =	sadd.s32 s2, s0  }
0xcd: {  	[tilespmem:s13], [sflag:$0x3] =	stream.strided.gather [hbm4b:s0+s9], $0x2000, s10, s9, $0x38;
	[tilespmem:$0x10100] =	vst v63  }
.LBB2_11:
0xce: {  	p0 =	slt.u32 s4, $0x4  }
0xcf: {  	_ =	swait.ge [sflag:s16], $0x2000;
	p1 =	sgt.u32 @!p0 s4, $0x7B  }
0xd0: {  	[sflag:s16] =	ssyncset.done $0x0;
	p1 =	por p0, !p1  }
.Ltmp19:
0xd1: {  	s0 =	simm.s32 @!p0 $0xE;
	[sflag:s16] =	ssyncadd.s32 $0xFFFFE000;
	(pc) =	sbr.rel @!p1 .LBB2_25-.Ltmp19, $4  }
0xd2: {  	[hbm4b:s6+s3] =	stream.linear.scatter [tilespmem:s12], [sflag:$0xA], $0x2000, $0x38;
	[tilespmem:$0x10100] =	vst v63  }
0xd3: {  	_ =	swait.ge @!p0 [sflag:s0], $0x2000  }
0xd4: {  	[sflag:s0] =	ssyncset.done @!p0 $0x0  }
0xd5: {  	[sflag:s0] =	ssyncadd.s32 @!p0 $0xFFFFE000  }
0xd6: {  	v0 =	vld [tilespmem:s1+$0x0];
	_ =	sdelay $0x4  }
0xd7: {  	(v2sf) =	vpush v0, $0x0;
	_ =	sdelay $0xe  }
0xd8: {  	s0 =	spop (v2sf)  }
0xd9: {  	s5 =	sand.u32 $0x7F, s0  }
0xda: {  	p1 =	slt.s32 s0, $0x1;
	p0 =	sne.s32 s5, $0x0;
	s5 =	sshra.s32 s0, $0x1F  }
0xdb: {  	s5 =	sshrl.u32 s5, $0x19;
	p0 =	por !p1, !p0  }
0xdc: {  	s0 =	sadd.s32 s5, s0;
	p0 =	por !p0, !p0;
	s5 =	simm.s32 $0x1  }
0xdd: {  	s0 =	sshrl.u32 s0, $0x7;
	s5 =	simm.s32 @!p0 $0x0  }
.Ltmp20:
0xde: {  	s0 =	ssub.s32 s0, s5;
	(pc) =	sbr.rel .LBB2_25-.Ltmp20, $4  }
0xdf: {  	s0 =	sshll.u32 s0, $0x7  }
0xe0: {  	s0 =	sand.u32 $0x1FFFFF80, s0  }
0xe1: {  	s0 =	sadd.s32 s2, s0  }
0xe2: {  	[tilespmem:s17], [sflag:$0x6] =	stream.strided.gather [hbm4b:s0+s9], $0x2000, s10, s9, $0x38;
	[tilespmem:$0x10100] =	vst v63  }
.LBB2_18:
0xe3: {  	p0 =	slt.u32 s4, $0x4  }
0xe4: {  	_ =	swait.ge [sflag:s28], $0x2000;
	p1 =	sgt.u32 @!p0 s4, $0x7B  }
0xe5: {  	[sflag:s28] =	ssyncset.done $0x0;
	p1 =	por p0, !p1  }
.Ltmp21:
0xe6: {  	s0 =	simm.s32 @!p0 $0xA;
	[sflag:s28] =	ssyncadd.s32 $0xFFFFE000;
	(pc) =	sbr.rel @!p1 .LBB2_25-.Ltmp21, $4  }
0xe7: {  	[hbm4b:s6+s3] =	stream.linear.scatter [tilespmem:s17], [sflag:$0xE], $0x2000, $0x38;
	[tilespmem:$0x10100] =	vst v63  }
0xe8: {  	_ =	swait.ge @!p0 [sflag:s0], $0x2000  }
0xe9: {  	[sflag:s0] =	ssyncset.done @!p0 $0x0  }
0xea: {  	[sflag:s0] =	ssyncadd.s32 @!p0 $0xFFFFE000  }
0xeb: {  	v0 =	vld [tilespmem:s1+$0x0];
	_ =	sdelay $0x4  }
0xec: {  	(v2sf) =	vpush v0, $0x0;
	_ =	sdelay $0xe  }
0xed: {  	s0 =	spop (v2sf)  }
0xee: {  	s5 =	sand.u32 $0x7F, s0  }
0xef: {  	p1 =	slt.s32 s0, $0x1;
	p0 =	sne.s32 s5, $0x0;
	s5 =	sshra.s32 s0, $0x1F  }
0xf0: {  	s5 =	sshrl.u32 s5, $0x19;
	p0 =	por !p1, !p0  }
0xf1: {  	s0 =	sadd.s32 s5, s0;
	p0 =	por !p0, !p0;
	s5 =	simm.s32 $0x1  }
0xf2: {  	s0 =	sshrl.u32 s0, $0x7;
	s5 =	simm.s32 @!p0 $0x0  }
.Ltmp22:
0xf3: {  	s0 =	ssub.s32 s0, s5;
	(pc) =	sbr.rel .LBB2_25-.Ltmp22, $4  }
0xf4: {  	s0 =	sshll.u32 s0, $0x7  }
0xf5: {  	s0 =	sand.u32 $0x1FFFFF80, s0  }
0xf6: {  	s0 =	sadd.s32 s2, s0  }
0xf7: {  	[tilespmem:s12], [sflag:$0x2] =	stream.strided.gather [hbm4b:s0+s9], $0x2000, s10, s9, $0x38;
	[tilespmem:$0x10100] =	vst v63  }
.LBB2_16:
0xf8: {  	p0 =	slt.u32 s4, $0x4  }
0xf9: {  	_ =	swait.ge [sflag:s20], $0x2000;
	p1 =	sgt.u32 @!p0 s4, $0x7B  }
0xfa: {  	[sflag:s20] =	ssyncset.done $0x0;
	p1 =	por p0, !p1  }
.Ltmp23:
0xfb: {  	s0 =	simm.s32 @!p0 $0x10;
	[sflag:s20] =	ssyncadd.s32 $0xFFFFE000;
	(pc) =	sbr.rel @!p1 .LBB2_25-.Ltmp23, $4  }
0xfc: {  	[hbm4b:s6+s3] =	stream.linear.scatter [tilespmem:s14], [sflag:$0xC], $0x2000, $0x38;
	[tilespmem:$0x10100] =	vst v63  }
0xfd: {  	_ =	swait.ge @!p0 [sflag:s0], $0x2000  }
0xfe: {  	[sflag:s0] =	ssyncset.done @!p0 $0x0  }
0xff: {  	[sflag:s0] =	ssyncadd.s32 @!p0 $0xFFFFE000  }
0x100: {  	v0 =	vld [tilespmem:s1+$0x0];
	_ =	sdelay $0x4  }
0x101: {  	(v2sf) =	vpush v0, $0x0;
	_ =	sdelay $0xe  }
0x102: {  	s0 =	spop (v2sf)  }
0x103: {  	s5 =	sand.u32 $0x7F, s0  }
0x104: {  	p1 =	slt.s32 s0, $0x1;
	p0 =	sne.s32 s5, $0x0;
	s5 =	sshra.s32 s0, $0x1F  }
0x105: {  	s5 =	sshrl.u32 s5, $0x19;
	p0 =	por !p1, !p0  }
0x106: {  	s0 =	sadd.s32 s5, s0;
	p0 =	por !p0, !p0;
	s5 =	simm.s32 $0x1  }
0x107: {  	s0 =	sshrl.u32 s0, $0x7;
	s5 =	simm.s32 @!p0 $0x0  }
.Ltmp24:
0x108: {  	s0 =	ssub.s32 s0, s5;
	(pc) =	sbr.rel .LBB2_25-.Ltmp24, $4  }
0x109: {  	s0 =	sshll.u32 s0, $0x7  }
0x10a: {  	s0 =	sand.u32 $0x1FFFFF80, s0  }
0x10b: {  	s0 =	sadd.s32 s2, s0  }
0x10c: {  	[tilespmem:s21], [sflag:$0x8] =	stream.strided.gather [hbm4b:s0+s9], $0x2000, s10, s9, $0x38;
	[tilespmem:$0x10100] =	vst v63  }
.LBB2_23:
0x10d: {  	_ =	swait.ge [sflag:s30], $0x2000  }
0x10e: {  	p1 =	por p0, !p1;
	[sflag:s30] =	ssyncset.done $0x0  }
.Ltmp25:
0x10f: {  	s0 =	simm.s32 @!p0 $0xC;
	[sflag:s30] =	ssyncadd.s32 $0xFFFFE000;
	(pc) =	sbr.rel @!p1 .LBB2_25-.Ltmp25, $4  }
0x110: {  	[hbm4b:s6+s3] =	stream.linear.scatter [tilespmem:s21], [sflag:$0x10], $0x2000, $0x38;
	[tilespmem:$0x10100] =	vst v63  }
0x111: {  	_ =	swait.ge @!p0 [sflag:s0], $0x2000  }
0x112: {  	[sflag:s0] =	ssyncset.done @!p0 $0x0  }
0x113: {  	[sflag:s0] =	ssyncadd.s32 @!p0 $0xFFFFE000  }
0x114: {  	v0 =	vld [tilespmem:s1+$0x0];
	_ =	sdelay $0x4  }
0x115: {  	(v2sf) =	vpush v0, $0x0;
	_ =	sdelay $0xe  }
0x116: {  	s0 =	spop (v2sf)  }
0x117: {  	s5 =	sand.u32 $0x7F, s0  }
0x118: {  	p1 =	slt.s32 s0, $0x1;
	p0 =	sne.s32 s5, $0x0;
	s5 =	sshra.s32 s0, $0x1F  }
0x119: {  	s5 =	sshrl.u32 s5, $0x19;
	p0 =	por !p1, !p0  }
0x11a: {  	s0 =	sadd.s32 s5, s0;
	p0 =	por !p0, !p0;
	s5 =	simm.s32 $0x1  }
0x11b: {  	s0 =	sshrl.u32 s0, $0x7;
	s5 =	simm.s32 @!p0 $0x0  }
.Ltmp26:
0x11c: {  	s0 =	ssub.s32 s0, s5;
	(pc) =	sbr.rel .LBB2_25-.Ltmp26, $4  }
0x11d: {  	s0 =	sshll.u32 s0, $0x7  }
0x11e: {  	s0 =	sand.u32 $0x1FFFFF80, s0  }
0x11f: {  	s0 =	sadd.s32 s2, s0  }
0x120: {  	[tilespmem:s14], [sflag:$0x4] =	stream.strided.gather [hbm4b:s0+s9], $0x2000, s10, s9, $0x38;
	[tilespmem:$0x10100] =	vst v63  }
.LBB2_27:
0x121: {  	_ =	sfence.sel $0x180000  }
0x122: {  	[bflag:$0x0] =	sbarrier.arrive $0xFFFF  }
0x123: {  	_ =	strace $0x90000047  }
0x124: {  	s0 =	stileid.u32;
	[bflag:$0x2] =	sbarrier.arrive $0xFFFF  }
0x125: {  	p0 =	sne.s32 s0, $0x0;
	s0 =	rddreg [dreg:$0x3]  }
0x126: {  	s0 =	sadd.s32 @!p0 $0x100000, s0  }
0x127: {  	[sflag:s0] =	ssyncadd.tile.s32 @!p0 $0x1;
	_ =	shalt  }
.Lfunc_end2:
_tile_overlayer_lowered:
.L_overlay_start_2:
0x128: {  	(tag) =	ssettag $0x2  }
0x129: {  	s0 =	rddreg [dreg:$0x0];
	s2 =	stileid.u32  }
0x12a: {  	s1 =	rddreg [dreg:$0x1];
	p0 =	sne.s32 s2, $0x0  }
0x12b: {  	s3 =	rddreg [dreg:$0x2];
	[bflag:$0x3] =	sbarrier.arrive $0xFFFF;
	s2 =	simm.s32 @!p0 $0x1C11  }
0x12c: {  	[timem:s3], [sflag:s2] =	dma.local @!p0 [hbm:s0], s1  }
0x12d: {  	s0 =	simm.s32 @!p0 $0x11  }
0x12e: {  	_ =	swait.ge @!p0 [sflag:s0], s1  }
0x12f: {  	s1 =	ssub.s32 @!p0 $0x0, s1;
	[sflag:s0] =	ssyncset.done @!p0 $0x0  }
0x130: {  	[sflag:s0] =	ssyncadd.s32 @!p0 s1  }
0x131: {  	[bflag:$0x3] =	sbarrier.arrive $0xFFFF  }
0x132: {  	_ =	shalt  }

// kernel: kernel.9.cloned.1.call-start
scs
__scs_entry_jumppad:
0x0: {  	(pc) =	sbr.rel $0x88, $3  }
0x1: {  	(tag) =	ssettag $0x0;
	lr =	simm.s32 $0x1  }
0x2: {  	[smem:$0x3F9B] =	sst lr;
	_ =	strace $0xD0000000  }
0x3: {  	_ = 	snop  }
0x4: {  	_ = 	snop  }
0x5: {  	_ = 	snop  }
0x6: {  	_ = 	snop  }
0x7: {  	_ = 	snop  }
__scs_overlays_trampoline_lowered:
0x8: {  	[smem:$0x3FAA] =	sst s0  }
0x9: {  	[smem:$0x3FAB] =	sst s1  }
0xa: {  	[smem:$0x3FAC] =	sst s2  }
0xb: {  	[smem:$0x3FAD] =	sst s3  }
0xc: {  	[smem:$0x3FAE] =	sst s4  }
0xd: {  	[smem:$0x3FAF] =	sst s5  }
0xe: {  	[smem:$0x3FB0] =	sst s6  }
0xf: {  	[smem:$0x3FB1] =	sst s7  }
0x10: {  	[smem:$0x3FB2] =	sst s8  }
0x11: {  	[smem:$0x3FB3] =	sst s9;
	s0 =	simm.s32 @!p0 $0x0  }
0x12: {  	s1 =	sld [smem:$0x3F99];
	s0 =	simm.s32 @p0 $0x1  }
0x13: {  	[smem:$0x3FB4] =	sst s0;
	s0 =	simm.s32 @!p1 $0x0  }
0x14: {  	s2 =	sld [smem:$0x3F98];
	s0 =	simm.s32 @p1 $0x1  }
0x15: {  	[smem:$0x3FB5] =	sst s0;
	s0 =	simm.s32 @!p2 $0x0  }
0x16: {  	s3 =	sld [smem:$0x3FDB];
	s0 =	simm.s32 @p2 $0x1  }
0x17: {  	s4 =	simm.s32 $0x1BF5;
	[smem:$0x3FB7] =	sst s0  }
0x18: {  	s0 =	sld [smem:$0x3F9A];
	_ =	swait.ge [sflag:s4], $0x0  }
0x19: {  	s7 =	sld [smem:$0x3F9B]  }
0x1a: {  	s8 =	sadd.s32 $0xFFFFE003, lr  }
0x1b: {  	s9 =	sadd.s32 $0xFFFFFEF7, lr;
	s5 =	simm.s32 $0xFFFFFFFF;
	p2 =	slt.u32 s8, $0xFFFFF086  }
0x1c: {  	p1 =	slt.u32 s9, $0xF7A;
	s5 =	simm.s32 @!p2 $0x0  }
0x1d: {  	s5 =	simm.s32 @p1 $0x1;
	p0 =	seq.s32 s7, s2  }
0x1e: {  	s7 =	smul.u32 @!p0 $0xF7A, s2;
	p2 =	seq.s32 @!p0 s5, $0x0  }
0x1f: {  	s9 =	smul.u32 $0xF7A, s1;
	s8 =	simm.s32 @!p0 $0x1BF5;
	p2 =	por !p2, p0  }
0x20: {  	[sflag:s8] =	ssyncset.s32 @!p0 $0xFFFFF086;
	s6 =	sadd.s32 @!p0 s3, s7;
	s7 =	simm.s32 @!p0 $0x108  }
0x21: {  	s3 =	sadd.s32 s3, s9;
	s6 =	sadd.s32 @!p0 $0x88, s6;
	s7 =	simm.s32 @p2 $0x1082  }
0x22: {  	[simem:s7], [sflag:s8] =	dma.local @!p0 [hbm:s6], $0xF7A  }
0x23: {  	s9 =	sor.u32 $0xD0000000, s2;
	s6 =	simm.s32 $0x108;
	_ =	swait.ge @!p0 [sflag:s8], $0x0  }
0x24: {  	s3 =	sadd.s32 $0x88, s3;
	s6 =	simm.s32 @!p1 $0x1082;
	[sflag:s4] =	ssyncset.s32 $0xFFFFF086  }
0x25: {  	[simem:s6], [sflag:s4] =	dma.local [hbm:s3], $0xF7A  }
0x26: {  	[smem:$0x3F9B] =	sst s1;
	(tag) =	ssettag s2;
	_ =	strace s9  }
0x27: {  	s1 =	sld [smem:$0x3FAB]  }
0x28: {  	s2 =	sld [smem:$0x3FAC]  }
0x29: {  	s4 =	sld [smem:$0x3FAE]  }
0x2a: {  	p0 =	seq.s32 s5, $0x0;
	s5 =	sld [smem:$0x3FAF]  }
0x2b: {  	s6 =	sld [smem:$0x3FB0]  }
0x2c: {  	s7 =	sld [smem:$0x3FB1]  }
0x2d: {  	s3 =	simm.s32 $0x108;
	s8 =	sld [smem:$0x3FB2]  }
0x2e: {  	s3 =	simm.s32 @!p0 $0x1082;
	s9 =	sld [smem:$0x3FB3]  }
0x2f: {  	lr =	sadd.s32 s0, s3;
	s0 =	sld [smem:$0x3FAA]  }
0x30: {  	s3 =	sld [smem:$0x3FAD]  }
0x31: {  	[smem:$0x3FB6] =	sst s10  }
0x32: {  	s10 =	sld [smem:$0x3FB4];
	_ =	sdelay $0x3  }
0x33: {  	p0 =	seq.s32 s10, $0x1;
	s10 =	sld [smem:$0x3FB6];
	_ =	sdelay $0x3  }
0x34: {  	[smem:$0x3FB6] =	sst s10  }
0x35: {  	s10 =	sld [smem:$0x3FB5];
	_ =	sdelay $0x3  }
0x36: {  	p1 =	seq.s32 s10, $0x1;
	s10 =	sld [smem:$0x3FB6];
	_ =	sdelay $0x3  }
0x37: {  	[smem:$0x3FB6] =	sst s10  }
0x38: {  	s10 =	sld [smem:$0x3FB7]  }
0x39: {  	_ = 	snop;
	(pc) =	sbr.ind lr, $3  }
0x3a: {  	_ = 	snop  }
0x3b: {  	_ = 	snop  }
0x3c: {  	p2 =	seq.s32 s10, $0x1;
	s10 =	sld [smem:$0x3FB6]  }
0x3d: {  	_ =	shalt  }
0x3e: {  	_ =	shalt  }
0x3f: {  	_ =	shalt  }
0x40: {  	_ =	shalt  }
0x41: {  	_ =	shalt  }
0x42: {  	_ =	shalt  }
0x43: {  	_ =	shalt  }
0x44: {  	_ =	shalt  }
0x45: {  	_ =	shalt  }
0x46: {  	_ =	shalt  }
0x47: {  	_ =	shalt  }
0x48: {  	_ =	shalt  }
0x49: {  	_ =	shalt  }
0x4a: {  	_ =	shalt  }
0x4b: {  	_ =	shalt  }
0x4c: {  	_ =	shalt  }
0x4d: {  	_ =	shalt  }
0x4e: {  	_ =	shalt  }
0x4f: {  	_ =	shalt  }
0x50: {  	_ =	shalt  }
0x51: {  	_ =	shalt  }
0x52: {  	_ =	shalt  }
0x53: {  	_ =	shalt  }
0x54: {  	_ =	shalt  }
0x55: {  	_ =	shalt  }
0x56: {  	_ =	shalt  }
0x57: {  	_ =	shalt  }
0x58: {  	_ =	shalt  }
0x59: {  	_ =	shalt  }
0x5a: {  	_ =	shalt  }
0x5b: {  	_ =	shalt  }
0x5c: {  	_ =	shalt  }
0x5d: {  	_ =	shalt  }
0x5e: {  	_ =	shalt  }
0x5f: {  	_ =	shalt  }
0x60: {  	_ =	shalt  }
0x61: {  	_ =	shalt  }
0x62: {  	_ =	shalt  }
0x63: {  	_ =	shalt  }
0x64: {  	_ =	shalt  }
0x65: {  	_ =	shalt  }
0x66: {  	_ =	shalt  }
0x67: {  	_ =	shalt  }
0x68: {  	_ =	shalt  }
0x69: {  	_ =	shalt  }
0x6a: {  	_ =	shalt  }
0x6b: {  	_ =	shalt  }
0x6c: {  	_ =	shalt  }
0x6d: {  	_ =	shalt  }
0x6e: {  	_ =	shalt  }
0x6f: {  	_ =	shalt  }
0x70: {  	_ =	shalt  }
0x71: {  	_ =	shalt  }
0x72: {  	_ =	shalt  }
0x73: {  	_ =	shalt  }
0x74: {  	_ =	shalt  }
0x75: {  	_ =	shalt  }
0x76: {  	_ =	shalt  }
0x77: {  	_ =	shalt  }
0x78: {  	_ =	shalt  }
0x79: {  	_ =	shalt  }
0x7a: {  	_ =	shalt  }
0x7b: {  	_ =	shalt  }
0x7c: {  	_ =	shalt  }
0x7d: {  	_ =	shalt  }
0x7e: {  	_ =	shalt  }
0x7f: {  	_ =	shalt  }
0x80: {  	_ =	shalt  }
0x81: {  	_ =	shalt  }
0x82: {  	_ =	shalt  }
0x83: {  	_ =	shalt  }
0x84: {  	_ =	shalt  }
0x85: {  	_ =	shalt  }
0x86: {  	_ =	shalt  }
0x87: {  	_ =	shalt  }
.Lfunc_end0:
.L_simem_size_0:
called_computation.2_lowered:
.L_overlay_start_0:
0x88: {  	s2 =	sld [smem:$0x3FD9]  }
0x89: {  	s3 =	sld [smem:$0x3FFE];
	_ =	sdelay $0x1  }
0x8a: {  	s1 =	srdreg.scid  }
0x8b: {  	s0 =	sand.u32 $0x1, s1  }
0x8c: {  	s17 =	sshll.u32 s0, $0xA;
	s2 =	sadd.s32 s3, s2  }
0x8d: {  	s2 =	sadd.s32 s2, s17  }
0x8e: {  	[smem:$0x3FC2] =	sst s2  }
0x8f: {  	_ = 	snop  }
0x90: {  	s2 =	sld [smem:$0x3FC9]  }
0x91: {  	s18 =	sld [smem:$0x3FD0];
	(tm) =	ssettm $0x1  }
0x92: {  	s4 =	sld [smem:$0x3FFB];
	_ =	sdelay $0x3  }
0x93: {  	_ =	strace s4  }
0x94: {  	s4 =	sld [smem:$0x3FFC];
	_ =	sdelay $0x3  }
0x95: {  	_ =	strace s4  }
0x96: {  	s4 =	sld [smem:$0x3FFD];
	_ =	sdelay $0x3  }
0x97: {  	_ =	strace s4  }
0x98: {  	_ =	strace $0x8FFFFFFF  }
0x99: {  	s19 =	sld [smem:$0x3FDB];
	_ =	sdelay $0x1  }
0x9a: {  	s5 =	simm.s32 $_scs_section_size  }
0x9b: {  	s6 =	simm.s32 $_size__tile_overlayer_lowered;
	s7 =	simm.s32 $_tile_overlayer_lowered  }
0x9c: {  	s22 =	simm.s32 $0x1BFF;
	s21 =	sshll.u32 s7, $0x1;
	s4 =	sadd.s32 s5, s19  }
0x9d: {  	s8 =	simm.s32 $0x0;
	s20 =	sshll.u32 s6, $0x1;
	s6 =	sadd.s32 s21, s4  }
0x9e: {  	[timem:s8], [sflag:s22] =	dma.local [hbm:s6], s20  }
0x9f: {  	_ =	swait.ge [sflag:s22], s20  }
0xa0: {  	s5 =	ssub.s32 $0x0, s20;
	[sflag:s22] =	ssyncset.done $0x0  }
0xa1: {  	[sflag:s22] =	ssyncadd.s32 s5;
	_ =	sdelay $0x1  }
0xa2: {  	s23 =	simm.s32 $0x1B8B  }
0xa3: {  	_ =	swait.ge [sflag:s23], $0x1  }
0xa4: {  	[sflag:s23] =	ssyncset.done $0x0  }
0xa5: {  	s25 =	simm.s32 $0x1B8E;
	s24 =	sld [smem:$0x3FFE];
	[sflag:s23] =	ssyncadd.s32 $0xFFFFFFFF  }
0xa6: {  	s26 =	simm.s32 $execute0_lowered;
	[smem:$0x3FD2] =	sst s25  }
0xa7: {  	s6 =	sshll.u32 s26, $0x1;
	_ =	strace $0x80000049;
	[dreg:$0x1] =	wrdreg $0xFFFFFFFF  }
0xa8: {  	s28 =	simm.s32 $_size_execute0_lowered;
	s4 =	sadd.s32 s4, s6;
	[dreg:$0x0] =	wrdreg $0x0  }
0xa9: {  	s6 =	sshll.u32 s28, $0x1;
	[dreg:$0x2] =	wrdreg s4  }
0xaa: {  	[dreg:$0x3] =	wrdreg s6  }
0xab: {  	[dreg:$0x4] =	wrdreg $0xC0  }
0xac: {  	_ =	task [dreg:s8], $0x5FFFF  }
0xad: {  	[dreg:$0x1] =	wrdreg $0xFFFFFFFF  }
0xae: {  	[dreg:$0x0] =	wrdreg $0x60  }
0xaf: {  	[dreg:$0x2] =	wrdreg s2  }
0xb0: {  	[dreg:$0x3] =	wrdreg s24  }
0xb1: {  	[dreg:$0x4] =	wrdreg s18  }
0xb2: {  	[dreg:$0x5] =	wrdreg $0x9  }
0xb3: {  	_ =	task.clear_ibuf [dreg:s8], $0x6FFFF;
	_ =	strace $0x90000049  }
0xb4: {  	s29 =	simm.s32 $0x9;
	_ =	strace $0x8000004B  }
0xb5: {  	_ =	swait.ge [sflag:s29], $0x1  }
0xb6: {  	[sflag:s29] =	ssyncadd.s32 $0xFFFFFFFF  }
0xb7: {  	_ =	strace $0x9000004B  }
0xb8: {  	_ =	sfence  }
0xb9: {  	s30 =	sld [smem:$0x0];
	_ =	sdelay $0x2  }
0xba: {  	s31 =	sshll.u32 s1, $0xD;
	s1 =	sshrl.u32 s1, $0x2  }
0xbb: {  	s3 =	sand.u32 $0x4000, s31;
	s1 =	sadd.s32 s1, s30  }
0xbc: {  	s0 =	sor.u32 s3, s0;
	s1 =	sshll.u32 s1, $0x11  }
0xbd: {  	s0 =	sor.u32 s1, s0  }
0xbe: {  	s0 =	sadd.s32 $0x8F2B, s0  }
0xbf: {  	[sflag:s0] =	ssyncadd.remote.s32 $0x1  }
0xc0: {  	_ =	sfence.sel $0xFFFF  }
0xc1: {  	[dreg:$0x0] =	wrdreg $0xFFFFFFFF;
	(pc) =	sbr.abs _section_cstart, $3  }
0xc2: {  	[dreg:$0x1] =	wrdreg $0xFFFFFFFF  }
0xc3: {  	_ =	task.clear_ibuf [dreg:s8], $0x2FFFF;
	_ =	strace $0x9FFFFFFF  }
0xc4: {  	(tm) =	ssettm $0x7FFFFFFF  }
0xc5: {  	_ =	shalt  }
tec
execute0_lowered:
.L_overlay_start_1:
0x0: {  	(tag) =	ssettag $0x1  }
0x1: {  	s0 =	rddreg [dreg:$0x0]  }
0x2: {  	s1 =	srdreg.scid;
	s7 =	rddreg [dreg:$0x1]  }
0x3: {  	s12 =	stileid.u32;
	s2 =	rddreg [dreg:$0x2]  }
0x4: {  	s3 =	simm.s32 $0x0;
	s15 =	simm.s32 $0x32;
	s16 =	simm.s32 $0x2  }
0x5: {  	s18 =	simm.s32 $0x3;
	s19 =	simm.s32 $0xE110;
	s20 =	simm.s32 $0x4  }
0x6: {  	s21 =	simm.s32 $0xED90;
	s28 =	simm.s32 $0x11310;
	s29 =	simm.s32 $0x8  }
0x7: {  	s30 =	simm.s32 $0x11F90;
	s13 =	simm.s32 $0x12C10;
	s14 =	simm.s32 $0xA  }
0x8: {  	s1 =	sand.u32 $0x1, s1;
	s4 =	sshll.u32 s12, $0x8;
	[smem:$0x7FF] =	sst s3  }
0x9: {  	s6 =	sadd.s32 $0x4CC000, s7;
	s23 =	sshll.u32 s12, $0x15;
	s5 =	sshll.u32 s1, $0x7  }
0xa: {  	_ =	strace $0x8000004A;
	s11 =	ssub.s32 $0x2, s1;
	s1 =	sshll.u32 s1, $0x14  }
0xb: {  	s4 =	sor.u32 s5, s4;
	s22 =	sshrl.u32 s11, $0x1;
	s25 =	sor.u32 s1, s23  }
0xc: {  	s1 =	simm.s32 $0x80;
	s23 =	simm.s32 $0xFA10;
	s5 =	smul.u32 $0x7, s4  }
0xd: {  	s8 =	sshrl.u32 s4, $0x3;
	[dreg:$0x4] =	wrdreg s25;
	s25 =	simm.s32 $0x10690  }
0xe: {  	s9 =	sadd.s32 s8, s7;
	s0 =	sadd.s32 s0, s8;
	s10 =	sadd.s32 s5, s7  }
0xf: {  	s5 =	sadd.s32 $0x1000, s7;
	s7 =	sadd.s32 $0x408000, s7;
	[dreg:$0x6] =	wrdreg s0  }
.Ltmp0:
0x10: {  	s24 =	sadd.s32 $0xC70000, s9;
	[dreg:$0x5] =	wrdreg s7;
	(pc) =	sbr.rel .LBB2_1-.Ltmp0, $4  }
0x11: {  	v0 =	vlaneseq.u32;
	s0 =	simm.s32 $0x9;
	s7 =	ssub.s32 s11, s22;
	[dreg:$0x7] =	wrdreg s24  }
0x12: {  	v0 =	vmul.u32 $0x80, v0;
	s26 =	sadd.s32 $0x401000, s10;
	s22 =	simm.s32 $0x5;
	s24 =	simm.s32 $0x6  }
0x13: {  	s10 =	simm.s32 $0x0;
	[dreg:$0x8] =	wrdreg s26;
	s31 =	smax.u32 s7, $0x1  }
0x14: {  	v1 =	vor.u32 $0x800, v0;
	v2 =	vor.u32 $0x1000, v0;
	v3 =	vor.u32 $0x1800, v0;
	s26 =	simm.s32 $0x7;
	s7 =	simm.s32 $0x13890;
	[dreg:$0x9] =	wrdreg s31  }
.LBB2_28:
0x15: {  	s8 =	simm.s32 $0xB  }
0x16: {  	_ =	swait.ge [sflag:s8], $0xC80  }
0x17: {  	[sflag:s8] =	ssyncset.done $0x0  }
0x18: {  	s31 =	simm.s32 $0xC;
	[sflag:s8] =	ssyncadd.s32 $0xFFFFF380  }
0x19: {  	_ =	swait.ge [sflag:s31], $0xC80  }
0x1a: {  	[sflag:s31] =	ssyncset.done $0x0  }
0x1b: {  	s9 =	simm.s32 $0xD;
	[sflag:s31] =	ssyncadd.s32 $0xFFFFF380  }
0x1c: {  	_ =	swait.ge [sflag:s9], $0xC80  }
0x1d: {  	[sflag:s9] =	ssyncset.done $0x0  }
0x1e: {  	s10 =	simm.s32 $0xE;
	[sflag:s9] =	ssyncadd.s32 $0xFFFFF380  }
0x1f: {  	_ =	swait.ge [sflag:s10], $0xC80  }
0x20: {  	[sflag:s10] =	ssyncset.done $0x0  }
0x21: {  	s11 =	simm.s32 $0xF;
	[sflag:s10] =	ssyncadd.s32 $0xFFFFF380  }
0x22: {  	_ =	swait.ge [sflag:s11], $0xC80  }
0x23: {  	[sflag:s11] =	ssyncset.done $0x0  }
0x24: {  	s12 =	simm.s32 $0x10;
	[sflag:s11] =	ssyncadd.s32 $0xFFFFF380  }
0x25: {  	_ =	swait.ge [sflag:s12], $0xC80  }
0x26: {  	[sflag:s12] =	ssyncset.done $0x0  }
0x27: {  	s17 =	simm.s32 $0x11;
	[sflag:s12] =	ssyncadd.s32 $0xFFFFF380  }
0x28: {  	_ =	swait.ge [sflag:s17], $0xC80  }
0x29: {  	[sflag:s17] =	ssyncset.done $0x0  }
0x2a: {  	s9 =	simm.s32 $0x12;
	[sflag:s17] =	ssyncadd.s32 $0xFFFFF380  }
0x2b: {  	_ =	swait.ge [sflag:s9], $0xC80  }
0x2c: {  	s10 =	rddreg [dreg:$0xa]  }
0x2d: {  	s31 =	rddreg [dreg:$0x9];
	s10 =	sadd.s32 $0x1, s10  }
0x2e: {  	p0 =	sne.s32 s10, s31  }
.Ltmp1:
0x2f: {  	_ = 	snop;
	(pc) =	sbr.rel @!p0 .LBB2_29-.Ltmp1, $3  }
0x30: {  	_ =	sdelay $0x1  }
0x31: {  	[sflag:s9] =	ssyncset.done $0x0  }
0x32: {  	[sflag:s9] =	ssyncadd.s32 $0xFFFFF380  }
.LBB2_1:
0x33: {  	[dreg:$0xa] =	wrdreg s10  }
0x34: {  	s8 =	rddreg [dreg:$0x6];
	s9 =	simm.s32 $0x13  }
0x35: {  	[tilespmem:s3], [sflag:$0x13] =	stream.linear.gather [hbm4b:s8+s3], $0x80, $0x38;
	[tilespmem:$0x14510] =	vst v63  }
0x36: {  	_ =	swait.ge [sflag:s9], $0x80  }
0x37: {  	[sflag:s9] =	ssyncset.done $0x0  }
0x38: {  	s10 =	simm.s32 $0x90;
	s17 =	rddreg [dreg:$0x7];
	[sflag:s9] =	ssyncadd.s32 $0xFFFFFF80  }
0x39: {  	[tilespmem:s10], [sflag:$0x13] =	stream.linear.gather [hbm4b:s17+s3], $0x80, $0x38;
	[tilespmem:$0x14510] =	vst v63  }
0x3a: {  	_ =	swait.ge [sflag:s9], $0x80  }
0x3b: {  	[sflag:s9] =	ssyncset.done $0x0  }
0x3c: {  	s11 =	simm.s32 $0x110;
	s31 =	rddreg [dreg:$0x8];
	[sflag:s9] =	ssyncadd.s32 $0xFFFFFF80  }
0x3d: {  	[tilespmem:s11], [sflag:$0x13] =	stream.linear.gather [hbm4b:s31+s3], $0x1C00, $0x38;
	[tilespmem:$0x14510] =	vst v63  }
0x3e: {  	_ =	swait.ge [sflag:s9], $0x1C00  }
0x3f: {  	[sflag:s9] =	ssyncset.done $0x0  }
0x40: {  	[sflag:s9] =	ssyncadd.s32 $0xFFFFE400;
	s9 =	simm.s32 $0x7D10  }
0x41: {  	[tilespmem:s9], [sflag:$0x3] =	stream.indirect.gather [hbm4b:s6+s15], $0x40, s11, s15, $0xb8;
	[tilespmem:$0x14510] =	vst v63  }
0x42: {  	s12 =	simm.s32 $0x8990;
	s11 =	simm.s32 $0x148  }
0x43: {  	[tilespmem:s12], [sflag:$0x4] =	stream.indirect.gather [hbm4b:s6+s15], $0x40, s11, s15, $0xb8;
	[tilespmem:$0x14510] =	vst v63  }
0x44: {  	s17 =	simm.s32 $0x180;
	s31 =	simm.s32 $0x9610  }
0x45: {  	[tilespmem:s31], [sflag:$0x5] =	stream.indirect.gather [hbm4b:s6+s15], $0x40, s17, s15, $0xb8;
	[tilespmem:$0x14510] =	vst v63  }
0x46: {  	s11 =	simm.s32 $0x1B8;
	s12 =	simm.s32 $0xA290  }
0x47: {  	[tilespmem:s12], [sflag:$0x6] =	stream.indirect.gather [hbm4b:s6+s15], $0x40, s11, s15, $0xb8;
	[tilespmem:$0x14510] =	vst v63  }
0x48: {  	s17 =	simm.s32 $0x1F0;
	s31 =	simm.s32 $0xAF10  }
0x49: {  	[tilespmem:s31], [sflag:$0x7] =	stream.indirect.gather [hbm4b:s6+s15], $0x40, s17, s15, $0xb8;
	[tilespmem:$0x14510] =	vst v63  }
0x4a: {  	s11 =	simm.s32 $0x228;
	s12 =	simm.s32 $0xBB90  }
0x4b: {  	[tilespmem:s12], [sflag:$0x8] =	stream.indirect.gather [hbm4b:s6+s15], $0x40, s11, s15, $0xb8;
	[tilespmem:$0x14510] =	vst v63  }
0x4c: {  	s17 =	simm.s32 $0x260;
	s31 =	simm.s32 $0xC810  }
0x4d: {  	[tilespmem:s31], [sflag:$0x9] =	stream.indirect.gather [hbm4b:s6+s15], $0x40, s17, s15, $0xb8;
	[tilespmem:$0x14510] =	vst v63  }
0x4e: {  	s9 =	simm.s32 $0x298;
	s11 =	simm.s32 $0xD490  }
0x4f: {  	[tilespmem:s11], [sflag:$0xA] =	stream.indirect.gather [hbm4b:s6+s15], $0x40, s9, s15, $0xb8;
	[tilespmem:$0x14510] =	vst v63  }
0x50: {  	s12 =	rddreg [dreg:$0x5];
	s17 =	simm.s32 $0x5D10  }
0x51: {  	[tilespmem:s17], [sflag:$0x1] =	stream.indirect.gather [hbm4b:s12+s1], $0x40, s10, s1, $0xb8;
	[tilespmem:$0x14510] =	vst v63  }
0x52: {  	s12 =	simm.s32 $0x1  }
0x53: {  	v4 =	vld [tilespmem:s12+$0xFFFFFFFF];
	_ =	sdelay $0x4  }
0x54: {  	(v2sf) =	vpush v4, $0x0;
	_ =	sdelay $0xe  }
0x55: {  	s31 =	spop (v2sf)  }
0x56: {  	s10 =	sshra.s32 s31, $0x1F  }
0x57: {  	s9 =	sshrl.u32 s10, $0x19  }
0x58: {  	s9 =	sadd.s32 s9, s31  }
0x59: {  	s9 =	sand.u32 $0xFFFFFF80, s9  }
0x5a: {  	s11 =	rddreg [dreg:$0x4];
	s8 =	ssub.s32 s31, s9  }
0x5b: {  	s10 =	sadd.s32 $0x0, s11;
	v4 =	vmov s8  }
0x5c: {  	v4 =	vadd.s32 s10, v4  }
0x5d: {  	v4 =	vbroadcast v4, $0x0;
	_ =	sdelay $0x1  }
0x5e: {  	s9 =	simm.s32 $0x1D50;
	v4 =	vadd.s32 v0, v4  }
0x5f: {  	[tilespmem:s9+$0xFFFFFFC0] =	vst v4  }
0x60: {  	v4 =	vld [tilespmem:s12+$0xFFFFFFFF];
	_ =	sdelay $0x4  }
0x61: {  	(v2sf) =	vpush v4, $0x0;
	_ =	sdelay $0xe  }
0x62: {  	s17 =	spop (v2sf)  }
0x63: {  	s31 =	sshra.s32 s17, $0x1F  }
0x64: {  	s11 =	sshrl.u32 s31, $0x19  }
0x65: {  	s11 =	sadd.s32 s11, s17  }
0x66: {  	s11 =	sand.u32 $0xFFFFFF80, s11  }
0x67: {  	s8 =	ssub.s32 s17, s11  }
0x68: {  	v4 =	vmov s8  }
0x69: {  	v4 =	vadd.s32 s10, v4  }
0x6a: {  	v4 =	vbroadcast v4, $0x0;
	_ =	sdelay $0x1  }
0x6b: {  	v4 =	vadd.s32 v1, v4  }
0x6c: {  	[tilespmem:s9+$0xFFFFFFD0] =	vst v4  }
0x6d: {  	v4 =	vld [tilespmem:s12+$0xFFFFFFFF];
	_ =	sdelay $0x4  }
0x6e: {  	(v2sf) =	vpush v4, $0x0;
	_ =	sdelay $0xe  }
0x6f: {  	s17 =	spop (v2sf)  }
0x70: {  	s31 =	sshra.s32 s17, $0x1F  }
0x71: {  	s11 =	sshrl.u32 s31, $0x19  }
0x72: {  	s11 =	sadd.s32 s11, s17  }
0x73: {  	s11 =	sand.u32 $0xFFFFFF80, s11  }
0x74: {  	s8 =	ssub.s32 s17, s11  }
0x75: {  	v4 =	vmov s8  }
0x76: {  	v4 =	vadd.s32 s10, v4  }
0x77: {  	v4 =	vbroadcast v4, $0x0;
	_ =	sdelay $0x1  }
0x78: {  	v4 =	vadd.s32 v2, v4  }
0x79: {  	[tilespmem:s9+$0xFFFFFFE0] =	vst v4  }
0x7a: {  	v4 =	vld [tilespmem:s12+$0xFFFFFFFF];
	_ =	sdelay $0x4  }
0x7b: {  	(v2sf) =	vpush v4, $0x0;
	_ =	sdelay $0xe  }
0x7c: {  	s17 =	spop (v2sf)  }
0x7d: {  	s31 =	sshra.s32 s17, $0x1F  }
0x7e: {  	s11 =	sshrl.u32 s31, $0x19  }
0x7f: {  	s11 =	sadd.s32 s11, s17  }
0x80: {  	s11 =	sand.u32 $0xFFFFFF80, s11  }
0x81: {  	s8 =	ssub.s32 s17, s11  }
0x82: {  	v4 =	vmov s8  }
0x83: {  	v4 =	vadd.s32 s10, v4  }
0x84: {  	v4 =	vbroadcast v4, $0x0;
	_ =	sdelay $0x1  }
0x85: {  	v4 =	vadd.s32 v3, v4  }
0x86: {  	[tilespmem:s9+$0xFFFFFFF0] =	vst v4  }
0x87: {  	v4 =	vld [tilespmem:s12+$0x0];
	_ =	sdelay $0x4  }
0x88: {  	(v2sf) =	vpush v4, $0x0;
	_ =	sdelay $0xe  }
0x89: {  	s17 =	spop (v2sf)  }
0x8a: {  	s31 =	sshra.s32 s17, $0x1F  }
0x8b: {  	s11 =	sshrl.u32 s31, $0x19  }
0x8c: {  	s11 =	sadd.s32 s11, s17  }
0x8d: {  	s11 =	sand.u32 $0xFFFFFF80, s11  }
0x8e: {  	s8 =	ssub.s32 s17, s11  }
0x8f: {  	s10 =	sadd.s32 $0x2000, s10;
	v4 =	vmov s8  }
0x90: {  	v4 =	vadd.s32 s10, v4  }
0x91: {  	v4 =	vbroadcast v4, $0x0;
	_ =	sdelay $0x1  }
0x92: {  	v4 =	vadd.s32 v0, v4  }
0x93: {  	[tilespmem:s9+$0x0] =	vst v4  }
0x94: {  	v4 =	vld [tilespmem:s12+$0x0];
	_ =	sdelay $0x4  }
0x95: {  	(v2sf) =	vpush v4, $0x0;
	_ =	sdelay $0xe  }
0x96: {  	s17 =	spop (v2sf)  }
0x97: {  	s31 =	sshra.s32 s17, $0x1F  }
0x98: {  	s11 =	sshrl.u32 s31, $0x19  }
0x99: {  	s11 =	sadd.s32 s11, s17  }
0x9a: {  	s11 =	sand.u32 $0xFFFFFF80, s11  }
0x9b: {  	s8 =	ssub.s32 s17, s11  }
0x9c: {  	v4 =	vmov s8  }
0x9d: {  	v4 =	vadd.s32 s10, v4  }
0x9e: {  	v4 =	vbroadcast v4, $0x0;
	_ =	sdelay $0x1  }
0x9f: {  	v4 =	vadd.s32 v1, v4  }
0xa0: {  	[tilespmem:s9+$0x10] =	vst v4  }
0xa1: {  	v4 =	vld [tilespmem:s12+$0x0];
	_ =	sdelay $0x4  }
0xa2: {  	(v2sf) =	vpush v4, $0x0;
	_ =	sdelay $0xe  }
0xa3: {  	s17 =	spop (v2sf)  }
0xa4: {  	s31 =	sshra.s32 s17, $0x1F  }
0xa5: {  	s11 =	sshrl.u32 s31, $0x19  }
0xa6: {  	s11 =	sadd.s32 s11, s17  }
0xa7: {  	s11 =	sand.u32 $0xFFFFFF80, s11  }
0xa8: {  	s8 =	ssub.s32 s17, s11  }
0xa9: {  	v4 =	vmov s8  }
0xaa: {  	v4 =	vadd.s32 s10, v4  }
0xab: {  	v4 =	vbroadcast v4, $0x0;
	_ =	sdelay $0x1  }
0xac: {  	v4 =	vadd.s32 v2, v4  }
0xad: {  	[tilespmem:s9+$0x20] =	vst v4  }
0xae: {  	v4 =	vld [tilespmem:s12+$0x0];
	_ =	sdelay $0x4  }
0xaf: {  	(v2sf) =	vpush v4, $0x0;
	_ =	sdelay $0xe  }
0xb0: {  	s17 =	spop (v2sf)  }
0xb1: {  	s31 =	sshra.s32 s17, $0x1F  }
0xb2: {  	s11 =	sshrl.u32 s31, $0x19  }
0xb3: {  	s11 =	sadd.s32 s11, s17  }
0xb4: {  	s11 =	sand.u32 $0xFFFFFF80, s11  }
0xb5: {  	s8 =	ssub.s32 s17, s11  }
0xb6: {  	v4 =	vmov s8  }
0xb7: {  	v4 =	vadd.s32 s10, v4  }
0xb8: {  	v4 =	vbroadcast v4, $0x0;
	_ =	sdelay $0x1  }
0xb9: {  	v4 =	vadd.s32 v3, v4  }
0xba: {  	s10 =	simm.s32 $0x3;
	[tilespmem:s9+$0x30] =	vst v4  }
0xbb: {  	s12 =	simm.s32 $0x8000;
	s11 =	simm.s32 $0x4000;
	v4 =	vld [tilespmem:s10+$0xFFFFFFFF]  }
.LBB2_2:
0xbc: {  	_ =	sdelay $0x3  }
0xbd: {  	(v2sf) =	vpush v4, $0x0;
	_ =	sdelay $0xe  }
0xbe: {  	s8 =	spop (v2sf)  }
0xbf: {  	s17 =	sshra.s32 s8, $0x1F  }
0xc0: {  	s17 =	sshrl.u32 s17, $0x19  }
0xc1: {  	s17 =	sadd.s32 s17, s8  }
0xc2: {  	s17 =	sand.u32 $0xFFFFFF80, s17  }
0xc3: {  	s31 =	rddreg [dreg:$0x4];
	s8 =	ssub.s32 s8, s17  }
0xc4: {  	s17 =	sadd.s32 s11, s31;
	v4 =	vmov s8  }
0xc5: {  	v4 =	vadd.s32 s17, v4  }
0xc6: {  	v4 =	vbroadcast v4, $0x0;
	_ =	sdelay $0x1  }
0xc7: {  	s9 =	sadd.s32 $0x80, s9;
	v4 =	vadd.s32 v0, v4  }
0xc8: {  	[tilespmem:s9+$0xFFFFFFC0] =	vst v4  }
0xc9: {  	v4 =	vld [tilespmem:s10+$0xFFFFFFFF];
	_ =	sdelay $0x4  }
0xca: {  	(v2sf) =	vpush v4, $0x0;
	_ =	sdelay $0xe  }
0xcb: {  	s8 =	spop (v2sf)  }
0xcc: {  	s31 =	sshra.s32 s8, $0x1F  }
0xcd: {  	s31 =	sshrl.u32 s31, $0x19  }
0xce: {  	s31 =	sadd.s32 s31, s8  }
0xcf: {  	s31 =	sand.u32 $0xFFFFFF80, s31  }
0xd0: {  	s8 =	ssub.s32 s8, s31  }
0xd1: {  	v4 =	vmov s8  }
0xd2: {  	v4 =	vadd.s32 s17, v4  }
0xd3: {  	v4 =	vbroadcast v4, $0x0;
	_ =	sdelay $0x1  }
0xd4: {  	v4 =	vadd.s32 v1, v4  }
0xd5: {  	[tilespmem:s9+$0xFFFFFFD0] =	vst v4  }
0xd6: {  	v4 =	vld [tilespmem:s10+$0xFFFFFFFF];
	_ =	sdelay $0x4  }
0xd7: {  	(v2sf) =	vpush v4, $0x0;
	_ =	sdelay $0xe  }
0xd8: {  	s8 =	spop (v2sf)  }
0xd9: {  	s31 =	sshra.s32 s8, $0x1F  }
0xda: {  	s31 =	sshrl.u32 s31, $0x19  }
0xdb: {  	s31 =	sadd.s32 s31, s8  }
0xdc: {  	s31 =	sand.u32 $0xFFFFFF80, s31  }
0xdd: {  	s8 =	ssub.s32 s8, s31  }
0xde: {  	v4 =	vmov s8  }
0xdf: {  	v4 =	vadd.s32 s17, v4  }
0xe0: {  	v4 =	vbroadcast v4, $0x0;
	_ =	sdelay $0x1  }
0xe1: {  	v4 =	vadd.s32 v2, v4  }
0xe2: {  	[tilespmem:s9+$0xFFFFFFE0] =	vst v4  }
0xe3: {  	v4 =	vld [tilespmem:s10+$0xFFFFFFFF];
	_ =	sdelay $0x4  }
0xe4: {  	(v2sf) =	vpush v4, $0x0;
	_ =	sdelay $0xe  }
0xe5: {  	s8 =	spop (v2sf)  }
0xe6: {  	s31 =	sshra.s32 s8, $0x1F  }
0xe7: {  	s31 =	sshrl.u32 s31, $0x19  }
0xe8: {  	s31 =	sadd.s32 s31, s8  }
0xe9: {  	s31 =	sand.u32 $0xFFFFFF80, s31  }
0xea: {  	s8 =	ssub.s32 s8, s31  }
0xeb: {  	v4 =	vmov s8  }
0xec: {  	v4 =	vadd.s32 s17, v4  }
0xed: {  	v4 =	vbroadcast v4, $0x0;
	_ =	sdelay $0x1  }
0xee: {  	v4 =	vadd.s32 v3, v4  }
0xef: {  	[tilespmem:s9+$0xFFFFFFF0] =	vst v4  }
0xf0: {  	v4 =	vld [tilespmem:s10+$0x0];
	_ =	sdelay $0x4  }
0xf1: {  	(v2sf) =	vpush v4, $0x0;
	_ =	sdelay $0xe  }
0xf2: {  	s8 =	spop (v2sf)  }
0xf3: {  	s31 =	sshra.s32 s8, $0x1F  }
0xf4: {  	s31 =	sshrl.u32 s31, $0x19  }
0xf5: {  	s31 =	sadd.s32 s31, s8  }
0xf6: {  	s31 =	sand.u32 $0xFFFFFF80, s31  }
0xf7: {  	s8 =	ssub.s32 s8, s31  }
0xf8: {  	s17 =	sadd.s32 $0x2000, s17;
	v4 =	vmov s8  }
0xf9: {  	v4 =	vadd.s32 s17, v4  }
0xfa: {  	v4 =	vbroadcast v4, $0x0;
	_ =	sdelay $0x1  }
0xfb: {  	v4 =	vadd.s32 v0, v4  }
0xfc: {  	[tilespmem:s9+$0x0] =	vst v4  }
0xfd: {  	v4 =	vld [tilespmem:s10+$0x0];
	_ =	sdelay $0x4  }
0xfe: {  	(v2sf) =	vpush v4, $0x0;
	_ =	sdelay $0xe  }
0xff: {  	s8 =	spop (v2sf)  }
0x100: {  	s31 =	sshra.s32 s8, $0x1F  }
0x101: {  	s31 =	sshrl.u32 s31, $0x19  }
0x102: {  	s31 =	sadd.s32 s31, s8  }
0x103: {  	s31 =	sand.u32 $0xFFFFFF80, s31  }
0x104: {  	s8 =	ssub.s32 s8, s31  }
0x105: {  	v4 =	vmov s8  }
0x106: {  	v4 =	vadd.s32 s17, v4  }
0x107: {  	v4 =	vbroadcast v4, $0x0;
	_ =	sdelay $0x1  }
0x108: {  	v4 =	vadd.s32 v1, v4  }
0x109: {  	[tilespmem:s9+$0x10] =	vst v4  }
0x10a: {  	v4 =	vld [tilespmem:s10+$0x0];
	_ =	sdelay $0x4  }
0x10b: {  	(v2sf) =	vpush v4, $0x0;
	_ =	sdelay $0xe  }
0x10c: {  	s8 =	spop (v2sf)  }
0x10d: {  	s31 =	sshra.s32 s8, $0x1F  }
0x10e: {  	s31 =	sshrl.u32 s31, $0x19  }
0x10f: {  	s31 =	sadd.s32 s31, s8  }
0x110: {  	s31 =	sand.u32 $0xFFFFFF80, s31  }
0x111: {  	s8 =	ssub.s32 s8, s31  }
0x112: {  	v4 =	vmov s8  }
0x113: {  	v4 =	vadd.s32 s17, v4  }
0x114: {  	v4 =	vbroadcast v4, $0x0;
	_ =	sdelay $0x1  }
0x115: {  	v4 =	vadd.s32 v2, v4  }
0x116: {  	[tilespmem:s9+$0x20] =	vst v4  }
0x117: {  	v4 =	vld [tilespmem:s10+$0x0];
	_ =	sdelay $0x4  }
0x118: {  	(v2sf) =	vpush v4, $0x0;
	_ =	sdelay $0xe  }
0x119: {  	s8 =	spop (v2sf)  }
0x11a: {  	s31 =	sshra.s32 s8, $0x1F  }
0x11b: {  	s31 =	sshrl.u32 s31, $0x19  }
0x11c: {  	s31 =	sadd.s32 s31, s8  }
0x11d: {  	s31 =	sand.u32 $0xFFFFFF80, s31  }
0x11e: {  	s8 =	ssub.s32 s8, s31  }
0x11f: {  	v4 =	vmov s8  }
0x120: {  	p0 =	sne.s32 s12, $0xFC000;
	v4 =	vadd.s32 s17, v4  }
.Ltmp2:
0x121: {  	v4 =	vbroadcast v4, $0x0;
	(pc) =	sbr.rel @p0 .LBB2_2-.Ltmp2, $4  }
0x122: {  	_ = 	snop  }
0x123: {  	v4 =	vadd.s32 v3, v4  }
0x124: {  	s10 =	sadd.s32 $0x2, s10;
	[tilespmem:s9+$0x30] =	vst v4  }
0x125: {  	s11 =	smov.u32 s12;
	s12 =	sadd.s32 $0x4000, s12;
	v4 =	vld [tilespmem:s10+$0xFFFFFFFF]  }
0x126: {  	_ =	sdelay $0x3  }
0x127: {  	(v2sf) =	vpush v4, $0x0;
	_ =	sdelay $0xe  }
0x128: {  	s8 =	spop (v2sf)  }
0x129: {  	s12 =	sshra.s32 s8, $0x1F  }
0x12a: {  	s12 =	sshrl.u32 s12, $0x19  }
0x12b: {  	s12 =	sadd.s32 s12, s8  }
0x12c: {  	s12 =	sand.u32 $0xFFFFFF80, s12  }
0x12d: {  	s17 =	rddreg [dreg:$0x4];
	s8 =	ssub.s32 s8, s12  }
0x12e: {  	s11 =	sadd.s32 s11, s17;
	v4 =	vmov s8  }
0x12f: {  	v4 =	vadd.s32 s11, v4  }
0x130: {  	v4 =	vbroadcast v4, $0x0;
	_ =	sdelay $0x1  }
0x131: {  	s9 =	sadd.s32 $0x80, s9;
	v4 =	vadd.s32 v0, v4  }
0x132: {  	[tilespmem:s9+$0xFFFFFFC0] =	vst v4  }
0x133: {  	v4 =	vld [tilespmem:s10+$0xFFFFFFFF];
	_ =	sdelay $0x4  }
0x134: {  	(v2sf) =	vpush v4, $0x0;
	_ =	sdelay $0xe  }
0x135: {  	s17 =	spop (v2sf)  }
0x136: {  	s31 =	sshra.s32 s17, $0x1F  }
0x137: {  	s12 =	sshrl.u32 s31, $0x19  }
0x138: {  	s12 =	sadd.s32 s12, s17  }
0x139: {  	s12 =	sand.u32 $0xFFFFFF80, s12  }
0x13a: {  	s8 =	ssub.s32 s17, s12  }
0x13b: {  	v4 =	vmov s8  }
0x13c: {  	v4 =	vadd.s32 s11, v4  }
0x13d: {  	v4 =	vbroadcast v4, $0x0;
	_ =	sdelay $0x1  }
0x13e: {  	v4 =	vadd.s32 v1, v4  }
0x13f: {  	[tilespmem:s9+$0xFFFFFFD0] =	vst v4  }
0x140: {  	v4 =	vld [tilespmem:s10+$0xFFFFFFFF];
	_ =	sdelay $0x4  }
0x141: {  	(v2sf) =	vpush v4, $0x0;
	_ =	sdelay $0xe  }
0x142: {  	s17 =	spop (v2sf)  }
0x143: {  	s31 =	sshra.s32 s17, $0x1F  }
0x144: {  	s12 =	sshrl.u32 s31, $0x19  }
0x145: {  	s12 =	sadd.s32 s12, s17  }
0x146: {  	s12 =	sand.u32 $0xFFFFFF80, s12  }
0x147: {  	s8 =	ssub.s32 s17, s12  }
0x148: {  	v4 =	vmov s8  }
0x149: {  	v4 =	vadd.s32 s11, v4  }
0x14a: {  	v4 =	vbroadcast v4, $0x0;
	_ =	sdelay $0x1  }
0x14b: {  	v4 =	vadd.s32 v2, v4  }
0x14c: {  	[tilespmem:s9+$0xFFFFFFE0] =	vst v4  }
0x14d: {  	v4 =	vld [tilespmem:s10+$0xFFFFFFFF];
	_ =	sdelay $0x4  }
0x14e: {  	(v2sf) =	vpush v4, $0x0;
	_ =	sdelay $0xe  }
0x14f: {  	s17 =	spop (v2sf)  }
0x150: {  	s31 =	sshra.s32 s17, $0x1F  }
0x151: {  	s12 =	sshrl.u32 s31, $0x19  }
0x152: {  	s12 =	sadd.s32 s12, s17  }
0x153: {  	s12 =	sand.u32 $0xFFFFFF80, s12  }
0x154: {  	s8 =	ssub.s32 s17, s12  }
0x155: {  	v4 =	vmov s8  }
0x156: {  	v4 =	vadd.s32 s11, v4  }
0x157: {  	v4 =	vbroadcast v4, $0x0;
	_ =	sdelay $0x1  }
0x158: {  	v4 =	vadd.s32 v3, v4  }
0x159: {  	[tilespmem:s9+$0xFFFFFFF0] =	vst v4  }
0x15a: {  	v4 =	vld [tilespmem:s10+$0x0];
	_ =	sdelay $0x4  }
0x15b: {  	(v2sf) =	vpush v4, $0x0;
	_ =	sdelay $0xe  }
0x15c: {  	s17 =	spop (v2sf)  }
0x15d: {  	s31 =	sshra.s32 s17, $0x1F  }
0x15e: {  	s12 =	sshrl.u32 s31, $0x19  }
0x15f: {  	s12 =	sadd.s32 s12, s17  }
0x160: {  	s12 =	sand.u32 $0xFFFFFF80, s12  }
0x161: {  	s8 =	ssub.s32 s17, s12  }
0x162: {  	s11 =	sadd.s32 $0x2000, s11;
	v4 =	vmov s8  }
0x163: {  	v4 =	vadd.s32 s11, v4  }
0x164: {  	v4 =	vbroadcast v4, $0x0;
	_ =	sdelay $0x1  }
0x165: {  	v4 =	vadd.s32 v0, v4  }
0x166: {  	[tilespmem:s9+$0x0] =	vst v4  }
0x167: {  	v4 =	vld [tilespmem:s10+$0x0];
	_ =	sdelay $0x4  }
0x168: {  	(v2sf) =	vpush v4, $0x0;
	_ =	sdelay $0xe  }
0x169: {  	s17 =	spop (v2sf)  }
0x16a: {  	s31 =	sshra.s32 s17, $0x1F  }
0x16b: {  	s12 =	sshrl.u32 s31, $0x19  }
0x16c: {  	s12 =	sadd.s32 s12, s17  }
0x16d: {  	s12 =	sand.u32 $0xFFFFFF80, s12  }
0x16e: {  	s8 =	ssub.s32 s17, s12  }
0x16f: {  	v4 =	vmov s8  }
0x170: {  	v4 =	vadd.s32 s11, v4  }
0x171: {  	v4 =	vbroadcast v4, $0x0;
	_ =	sdelay $0x1  }
0x172: {  	v4 =	vadd.s32 v1, v4  }
0x173: {  	[tilespmem:s9+$0x10] =	vst v4  }
0x174: {  	v4 =	vld [tilespmem:s10+$0x0];
	_ =	sdelay $0x4  }
0x175: {  	(v2sf) =	vpush v4, $0x0;
	_ =	sdelay $0xe  }
0x176: {  	s17 =	spop (v2sf)  }
0x177: {  	s31 =	sshra.s32 s17, $0x1F  }
0x178: {  	s12 =	sshrl.u32 s31, $0x19  }
0x179: {  	s12 =	sadd.s32 s12, s17  }
0x17a: {  	s12 =	sand.u32 $0xFFFFFF80, s12  }
0x17b: {  	s8 =	ssub.s32 s17, s12  }
0x17c: {  	v4 =	vmov s8  }
0x17d: {  	v4 =	vadd.s32 s11, v4  }
0x17e: {  	v4 =	vbroadcast v4, $0x0;
	_ =	sdelay $0x1  }
0x17f: {  	v4 =	vadd.s32 v2, v4  }
0x180: {  	[tilespmem:s9+$0x20] =	vst v4  }
0x181: {  	v4 =	vld [tilespmem:s10+$0x0];
	_ =	sdelay $0x4  }
0x182: {  	(v2sf) =	vpush v4, $0x0;
	_ =	sdelay $0xe  }
0x183: {  	s17 =	spop (v2sf)  }
0x184: {  	s31 =	sshra.s32 s17, $0x1F  }
0x185: {  	s10 =	sshrl.u32 s31, $0x19  }
0x186: {  	s10 =	sadd.s32 s10, s17  }
0x187: {  	s10 =	sand.u32 $0xFFFFFF80, s10  }
0x188: {  	s8 =	ssub.s32 s17, s10  }
0x189: {  	v4 =	vmov s8  }
0x18a: {  	v4 =	vadd.s32 s11, v4  }
0x18b: {  	v4 =	vbroadcast v4, $0x0;
	_ =	sdelay $0x1  }
0x18c: {  	v4 =	vadd.s32 v3, v4  }
0x18d: {  	s8 =	simm.s32 $0x0;
	[tilespmem:s9+$0x30] =	vst v4  }
.LBB2_4:
0x18e: {  	p0 =	sne.s32 s8, $0x7E00  }
.Ltmp3:
0x18f: {  	_ = 	snop;
	(pc) =	sbr.rel @p0 .LBB2_4-.Ltmp3, $4  }
0x190: {  	_ = 	snop  }
0x191: {  	s9 =	sshra.s32 s8, $0x2  }
0x192: {  	s8 =	sadd.s32 $0x200, s8;
	s10 =	sadd.s32 $0x3D10, s9;
	s9 =	sadd.s32 $0x1D10, s9  }
0x193: {  	[tilespmem:s10], [sflag:$0x2] =	stream.indirect.gather [hbm4b:s5+s1], $0x1, s9, s1, $0xb8;
	[tilespmem:$0x14510] =	vst v63  }
0x194: {  	_ =	swait.ge [sflag:s16], $0x80  }
0x195: {  	s8 =	simm.s32 $0x3F;
	[sflag:s16] =	ssyncset.done $0x0  }
.LBB2_6:
0x196: {  	p0 =	sne.s32 s8, $0x1;
	s8 =	sadd.s32 $0xFFFFFFFF, s8;
	[sflag:s16] =	ssyncadd.s32 $0xFFFFFF80  }
.Ltmp4:
0x197: {  	(pc) =	sbr.rel @p0 .LBB2_6-.Ltmp4, $3  }
0x198: {  	_ =	sdelay $0x1  }
0x199: {  	_ =	swait.ge [sflag:s16], $0x80  }
0x19a: {  	[sflag:s16] =	ssyncset.done $0x0  }
0x19b: {  	[sflag:s16] =	ssyncadd.s32 $0xFFFFFF80;
	s8 =	simm.s32 $0x1  }
0x19c: {  	_ =	swait.ge [sflag:s8], $0x2000  }
0x19d: {  	[sflag:s8] =	ssyncset.done $0x0  }
0x19e: {  	s10 =	simm.s32 $0x0;
	[sflag:s8] =	ssyncadd.s32 $0xFFFFE000  }
0x19f: {  	v9 =	vld [tilespmem:s10+$0x5D10]  }
0x1a0: {  	v10 =	vld [tilespmem:s10+$0x5D20]  }
0x1a1: {  	v5 =	vld [tilespmem:s10+$0x5D30]  }
0x1a2: {  	v4 =	vld [tilespmem:s10+$0x5D40]  }
0x1a3: {  	v6 =	vld [tilespmem:s10+$0x3D10]  }
0x1a4: {  	v7 =	vld [tilespmem:s10+$0x3D20]  }
0x1a5: {  	s9 =	simm.s32 $0x0;
	s11 =	simm.s32 $0x100;
	v8 =	vld [tilespmem:s10+$0x3D30]  }
.LBB2_8:
0x1a6: {  	s8 =	sshra.s32 s11, $0x2;
	p0 =	sne.s32 s11, $0x7F00;
	v11 =	vld [tilespmem:s10+$0x3D40];
	v12 =	vmov v5  }
0x1a7: {  	v13 =	vld [tilespmem:s8+$0x5D10];
	v14 =	vmov v4  }
0x1a8: {  	v15 =	vld [tilespmem:s8+$0x5D20];
	v6 =	vadd.f32 v9, v6  }
.Ltmp5:
0x1a9: {  	v5 =	vld [tilespmem:s8+$0x5D30];
	v7 =	vadd.f32 v10, v7;
	(pc) =	sbr.rel @p0 .LBB2_8-.Ltmp5, $4  }
0x1aa: {  	v4 =	vld [tilespmem:s8+$0x5D40];
	[tilespmem:s10+$0x3D10] =	vst v6;
	v8 =	vadd.f32 v12, v8  }
0x1ab: {  	v6 =	vld [tilespmem:s8+$0x3D10];
	[tilespmem:s10+$0x3D20] =	vst v7;
	v11 =	vadd.f32 v14, v11  }
0x1ac: {  	v7 =	vld [tilespmem:s8+$0x3D20];
	[tilespmem:s10+$0x3D30] =	vst v8;
	v9 =	vmov v13  }
0x1ad: {  	s11 =	sadd.s32 $0x100, s11;
	v8 =	vld [tilespmem:s8+$0x3D30];
	[tilespmem:s10+$0x3D40] =	vst v11;
	v10 =	vmov v15;
	s10 =	smov.u32 s8  }
0x1ae: {  	v11 =	vld [tilespmem:s10+$0x3D40];
	_ =	sdelay $0x1  }
0x1af: {  	v6 =	vadd.f32 v9, v6  }
0x1b0: {  	v7 =	vadd.f32 v10, v7  }
0x1b1: {  	[tilespmem:s10+$0x3D10] =	vst v6;
	v5 =	vadd.f32 v5, v8  }
0x1b2: {  	[tilespmem:s10+$0x3D20] =	vst v7;
	v4 =	vadd.f32 v4, v11  }
0x1b3: {  	[tilespmem:s10+$0x3D30] =	vst v5  }
0x1b4: {  	[tilespmem:s10+$0x3D40] =	vst v4  }
.LBB2_10:
0x1b5: {  	_ =	swait.ge [sflag:s18], $0xC80  }
0x1b6: {  	p0 =	seq.s32 s9, $0x0;
	[sflag:s18] =	ssyncset.done $0x0  }
0x1b7: {  	s8 =	simm.s32 @!p0 $0xB;
	[sflag:s18] =	ssyncadd.s32 $0xFFFFF380  }
0x1b8: {  	_ =	swait.ge @!p0 [sflag:s8], $0xC80  }
0x1b9: {  	s10 =	sshll.u32 s9, $0x9;
	[sflag:s8] =	ssyncset.done @!p0 $0x0  }
0x1ba: {  	s31 =	sand.u32 $0x3FFFFE00, s10;
	[sflag:s8] =	ssyncadd.s32 @!p0 $0xFFFFF380  }
0x1bb: {  	v5 =	vld [tilespmem:s31+$0x3D10]  }
0x1bc: {  	v6 =	vld [tilespmem:s31+$0x3D20]  }
0x1bd: {  	v4 =	vld [tilespmem:s31+$0x3D30]  }
0x1be: {  	s11 =	simm.s32 $0x0;
	v7 =	vld [tilespmem:s31+$0x3D40]  }
0x1bf: {  	v9 =	vld [tilespmem:s11+$0x7D40]  }
0x1c0: {  	v10 =	vld [tilespmem:s11+$0x7D10]  }
0x1c1: {  	v11 =	vld [tilespmem:s11+$0x7D20]  }
0x1c2: {  	v8 =	vld [tilespmem:s11+$0x7D30]  }
0x1c3: {  	s12 =	simm.s32 $0x100;
	s10 =	sshll.u32 s9, $0x3  }
.LBB2_11:
0x1c4: {  	s8 =	sshra.s32 s12, $0x2;
	p1 =	sne.s32 s12, $0x3100;
	s12 =	sadd.s32 $0x100, s12;
	v12 =	vadd.f32 v9, v7  }
.Ltmp6:
0x1c5: {  	v9 =	vld [tilespmem:s8+$0x7D40];
	v13 =	vadd.f32 v10, v5;
	(pc) =	sbr.rel @p1 .LBB2_11-.Ltmp6, $4  }
0x1c6: {  	v10 =	vld [tilespmem:s8+$0x7D10];
	v14 =	vadd.f32 v11, v6;
	[tilespmem:s11+$0xE140] =	vst v12  }
0x1c7: {  	v11 =	vld [tilespmem:s8+$0x7D20];
	[tilespmem:s11+$0xE110] =	vst v13;
	v12 =	vadd.f32 v8, v4  }
0x1c8: {  	v8 =	vld [tilespmem:s8+$0x7D30];
	[tilespmem:s11+$0xE120] =	vst v14  }
0x1c9: {  	[tilespmem:s11+$0xE130] =	vst v12;
	s11 =	smov.u32 s8  }
0x1ca: {  	v7 =	vadd.f32 v9, v7  }
0x1cb: {  	v5 =	vadd.f32 v10, v5  }
0x1cc: {  	s8 =	sadd.s32 s4, s10;
	v6 =	vadd.f32 v11, v6;
	[tilespmem:s11+$0xE140] =	vst v7  }
0x1cd: {  	s8 =	smul.u32 $0x190, s8;
	[tilespmem:s11+$0xE110] =	vst v5;
	v4 =	vadd.f32 v8, v4  }
0x1ce: {  	p1 =	seq.s32 s9, $0xF;
	[tilespmem:s11+$0xE120] =	vst v6  }
0x1cf: {  	s8 =	sadd.s32 s2, s8;
	[tilespmem:s11+$0xE130] =	vst v4;
	s11 =	smul.u32 @!p1 $0x700, s9  }
0x1d0: {  	[hbm4b:s8+s3] =	stream.linear.scatter [tilespmem:s19], [sflag:$0xB], $0xC80, $0x38;
	[tilespmem:$0x14510] =	vst v63  }
0x1d1: {  	s11 =	sshra.s32 @!p1 s11, $0x2  }
0x1d2: {  	s12 =	simm.s32 @!p1 $0x32;
	s17 =	simm.s32 @!p1 $0x7D10;
	s8 =	sadd.s32 @!p1 $0x2D0, s11  }
0x1d3: {  	[tilespmem:s17], [sflag:$0x3] =	stream.indirect.gather @!p1 [hbm4b:s6+s12], $0x40, s8, s12, $0xb8;
	[tilespmem:$0x14510] =	vst v63  }
0x1d4: {  	_ =	swait.ge [sflag:s20], $0xC80  }
0x1d5: {  	[sflag:s20] =	ssyncset.done $0x0  }
0x1d6: {  	s8 =	simm.s32 @!p0 $0xC;
	[sflag:s20] =	ssyncadd.s32 $0xFFFFF380  }
0x1d7: {  	s12 =	sor.u32 $0x1, s10;
	_ =	swait.ge @!p0 [sflag:s8], $0xC80  }
0x1d8: {  	s31 =	sshll.u32 s12, $0x6;
	[sflag:s8] =	ssyncset.done @!p0 $0x0  }
0x1d9: {  	s31 =	sand.u32 $0x3FFFFFC0, s31;
	[sflag:s8] =	ssyncadd.s32 @!p0 $0xFFFFF380  }
0x1da: {  	v5 =	vld [tilespmem:s31+$0x3D10]  }
0x1db: {  	v6 =	vld [tilespmem:s31+$0x3D20]  }
0x1dc: {  	v4 =	vld [tilespmem:s31+$0x3D30]  }
0x1dd: {  	s17 =	simm.s32 $0x0;
	v7 =	vld [tilespmem:s31+$0x3D40]  }
0x1de: {  	v9 =	vld [tilespmem:s17+$0x89C0]  }
0x1df: {  	v10 =	vld [tilespmem:s17+$0x8990]  }
0x1e0: {  	v11 =	vld [tilespmem:s17+$0x89A0]  }
0x1e1: {  	v8 =	vld [tilespmem:s17+$0x89B0]  }
0x1e2: {  	s8 =	simm.s32 $0x100  }
.LBB2_13:
0x1e3: {  	s31 =	sshra.s32 s8, $0x2;
	p2 =	sne.s32 s8, $0x3100;
	s8 =	sadd.s32 $0x100, s8;
	v12 =	vadd.f32 v9, v7  }
.Ltmp7:
0x1e4: {  	v9 =	vld [tilespmem:s31+$0x89C0];
	v13 =	vadd.f32 v10, v5;
	(pc) =	sbr.rel @p2 .LBB2_13-.Ltmp7, $4  }
0x1e5: {  	v10 =	vld [tilespmem:s31+$0x8990];
	v14 =	vadd.f32 v11, v6;
	[tilespmem:s17+$0xEDC0] =	vst v12  }
0x1e6: {  	v11 =	vld [tilespmem:s31+$0x89A0];
	[tilespmem:s17+$0xED90] =	vst v13;
	v12 =	vadd.f32 v8, v4  }
0x1e7: {  	v8 =	vld [tilespmem:s31+$0x89B0];
	[tilespmem:s17+$0xEDA0] =	vst v14  }
0x1e8: {  	[tilespmem:s17+$0xEDB0] =	vst v12;
	s17 =	smov.u32 s31  }
0x1e9: {  	v7 =	vadd.f32 v9, v7  }
0x1ea: {  	v5 =	vadd.f32 v10, v5  }
0x1eb: {  	s8 =	sadd.s32 s4, s12;
	v6 =	vadd.f32 v11, v6;
	[tilespmem:s17+$0xEDC0] =	vst v7  }
0x1ec: {  	s8 =	smul.u32 $0x190, s8;
	[tilespmem:s17+$0xED90] =	vst v5;
	v4 =	vadd.f32 v8, v4  }
0x1ed: {  	[tilespmem:s17+$0xEDA0] =	vst v6  }
0x1ee: {  	s8 =	sadd.s32 s2, s8;
	[tilespmem:s17+$0xEDB0] =	vst v4  }
0x1ef: {  	[hbm4b:s8+s3] =	stream.linear.scatter [tilespmem:s21], [sflag:$0xC], $0xC80, $0x38;
	[tilespmem:$0x14510] =	vst v63  }
0x1f0: {  	s12 =	simm.s32 @!p1 $0x32;
	s17 =	simm.s32 @!p1 $0x8990;
	s8 =	sadd.s32 @!p1 $0x308, s11  }
0x1f1: {  	[tilespmem:s17], [sflag:$0x4] =	stream.indirect.gather @!p1 [hbm4b:s6+s12], $0x40, s8, s12, $0xb8;
	[tilespmem:$0x14510] =	vst v63  }
0x1f2: {  	_ =	swait.ge [sflag:s22], $0xC80  }
0x1f3: {  	[sflag:s22] =	ssyncset.done $0x0  }
0x1f4: {  	s8 =	simm.s32 @!p0 $0xD;
	[sflag:s22] =	ssyncadd.s32 $0xFFFFF380  }
0x1f5: {  	s12 =	sor.u32 $0x2, s10;
	_ =	swait.ge @!p0 [sflag:s8], $0xC80  }
0x1f6: {  	s31 =	sshll.u32 s12, $0x6;
	[sflag:s8] =	ssyncset.done @!p0 $0x0  }
0x1f7: {  	s31 =	sand.u32 $0x3FFFFFC0, s31;
	[sflag:s8] =	ssyncadd.s32 @!p0 $0xFFFFF380  }
0x1f8: {  	v5 =	vld [tilespmem:s31+$0x3D10]  }
0x1f9: {  	v6 =	vld [tilespmem:s31+$0x3D20]  }
0x1fa: {  	v4 =	vld [tilespmem:s31+$0x3D30]  }
0x1fb: {  	s17 =	simm.s32 $0x0;
	v7 =	vld [tilespmem:s31+$0x3D40]  }
0x1fc: {  	v9 =	vld [tilespmem:s17+$0x9640]  }
0x1fd: {  	v10 =	vld [tilespmem:s17+$0x9610]  }
0x1fe: {  	v11 =	vld [tilespmem:s17+$0x9620]  }
0x1ff: {  	v8 =	vld [tilespmem:s17+$0x9630]  }
0x200: {  	s8 =	simm.s32 $0x100  }
.LBB2_15:
0x201: {  	s31 =	sshra.s32 s8, $0x2;
	p2 =	sne.s32 s8, $0x3100;
	s8 =	sadd.s32 $0x100, s8;
	v12 =	vadd.f32 v9, v7  }
.Ltmp8:
0x202: {  	v9 =	vld [tilespmem:s31+$0x9640];
	v13 =	vadd.f32 v10, v5;
	(pc) =	sbr.rel @p2 .LBB2_15-.Ltmp8, $4  }
0x203: {  	v10 =	vld [tilespmem:s31+$0x9610];
	v14 =	vadd.f32 v11, v6;
	[tilespmem:s17+$0xFA40] =	vst v12  }
0x204: {  	v11 =	vld [tilespmem:s31+$0x9620];
	[tilespmem:s17+$0xFA10] =	vst v13;
	v12 =	vadd.f32 v8, v4  }
0x205: {  	v8 =	vld [tilespmem:s31+$0x9630];
	[tilespmem:s17+$0xFA20] =	vst v14  }
0x206: {  	[tilespmem:s17+$0xFA30] =	vst v12;
	s17 =	smov.u32 s31  }
0x207: {  	v7 =	vadd.f32 v9, v7  }
0x208: {  	v5 =	vadd.f32 v10, v5  }
0x209: {  	s8 =	sadd.s32 s4, s12;
	v6 =	vadd.f32 v11, v6;
	[tilespmem:s17+$0xFA40] =	vst v7  }
0x20a: {  	s8 =	smul.u32 $0x190, s8;
	[tilespmem:s17+$0xFA10] =	vst v5;
	v4 =	vadd.f32 v8, v4  }
0x20b: {  	[tilespmem:s17+$0xFA20] =	vst v6  }
0x20c: {  	s8 =	sadd.s32 s2, s8;
	[tilespmem:s17+$0xFA30] =	vst v4  }
0x20d: {  	[hbm4b:s8+s3] =	stream.linear.scatter [tilespmem:s23], [sflag:$0xD], $0xC80, $0x38;
	[tilespmem:$0x14510] =	vst v63  }
0x20e: {  	s12 =	simm.s32 @!p1 $0x32;
	s17 =	simm.s32 @!p1 $0x9610;
	s8 =	sadd.s32 @!p1 $0x340, s11  }
0x20f: {  	[tilespmem:s17], [sflag:$0x5] =	stream.indirect.gather @!p1 [hbm4b:s6+s12], $0x40, s8, s12, $0xb8;
	[tilespmem:$0x14510] =	vst v63  }
0x210: {  	_ =	swait.ge [sflag:s24], $0xC80  }
0x211: {  	[sflag:s24] =	ssyncset.done $0x0  }
0x212: {  	s8 =	simm.s32 @!p0 $0xE;
	[sflag:s24] =	ssyncadd.s32 $0xFFFFF380  }
0x213: {  	s12 =	sor.u32 $0x3, s10;
	_ =	swait.ge @!p0 [sflag:s8], $0xC80  }
0x214: {  	s31 =	sshll.u32 s12, $0x6;
	[sflag:s8] =	ssyncset.done @!p0 $0x0  }
0x215: {  	s31 =	sand.u32 $0x3FFFFFC0, s31;
	[sflag:s8] =	ssyncadd.s32 @!p0 $0xFFFFF380  }
0x216: {  	v5 =	vld [tilespmem:s31+$0x3D10]  }
0x217: {  	v6 =	vld [tilespmem:s31+$0x3D20]  }
0x218: {  	v4 =	vld [tilespmem:s31+$0x3D30]  }
0x219: {  	s17 =	simm.s32 $0x0;
	v7 =	vld [tilespmem:s31+$0x3D40]  }
0x21a: {  	v9 =	vld [tilespmem:s17+$0xA2C0]  }
0x21b: {  	v10 =	vld [tilespmem:s17+$0xA290]  }
0x21c: {  	v11 =	vld [tilespmem:s17+$0xA2A0]  }
0x21d: {  	v8 =	vld [tilespmem:s17+$0xA2B0]  }
0x21e: {  	s8 =	simm.s32 $0x100  }
.LBB2_17:
0x21f: {  	s31 =	sshra.s32 s8, $0x2;
	p2 =	sne.s32 s8, $0x3100;
	s8 =	sadd.s32 $0x100, s8;
	v12 =	vadd.f32 v9, v7  }
.Ltmp9:
0x220: {  	v9 =	vld [tilespmem:s31+$0xA2C0];
	v13 =	vadd.f32 v10, v5;
	(pc) =	sbr.rel @p2 .LBB2_17-.Ltmp9, $4  }
0x221: {  	v10 =	vld [tilespmem:s31+$0xA290];
	v14 =	vadd.f32 v11, v6;
	[tilespmem:s17+$0x106C0] =	vst v12  }
0x222: {  	v11 =	vld [tilespmem:s31+$0xA2A0];
	[tilespmem:s17+$0x10690] =	vst v13;
	v12 =	vadd.f32 v8, v4  }
0x223: {  	v8 =	vld [tilespmem:s31+$0xA2B0];
	[tilespmem:s17+$0x106A0] =	vst v14  }
0x224: {  	[tilespmem:s17+$0x106B0] =	vst v12;
	s17 =	smov.u32 s31  }
0x225: {  	v7 =	vadd.f32 v9, v7  }
0x226: {  	v5 =	vadd.f32 v10, v5  }
0x227: {  	s8 =	sadd.s32 s4, s12;
	v6 =	vadd.f32 v11, v6;
	[tilespmem:s17+$0x106C0] =	vst v7  }
0x228: {  	s8 =	smul.u32 $0x190, s8;
	[tilespmem:s17+$0x10690] =	vst v5;
	v4 =	vadd.f32 v8, v4  }
0x229: {  	[tilespmem:s17+$0x106A0] =	vst v6  }
0x22a: {  	s8 =	sadd.s32 s2, s8;
	[tilespmem:s17+$0x106B0] =	vst v4  }
0x22b: {  	[hbm4b:s8+s3] =	stream.linear.scatter [tilespmem:s25], [sflag:$0xE], $0xC80, $0x38;
	[tilespmem:$0x14510] =	vst v63  }
0x22c: {  	s12 =	simm.s32 @!p1 $0x32;
	s17 =	simm.s32 @!p1 $0xA290;
	s8 =	sadd.s32 @!p1 $0x378, s11  }
0x22d: {  	[tilespmem:s17], [sflag:$0x6] =	stream.indirect.gather @!p1 [hbm4b:s6+s12], $0x40, s8, s12, $0xb8;
	[tilespmem:$0x14510] =	vst v63  }
0x22e: {  	_ =	swait.ge [sflag:s26], $0xC80  }
0x22f: {  	[sflag:s26] =	ssyncset.done $0x0  }
0x230: {  	s8 =	simm.s32 @!p0 $0xF;
	[sflag:s26] =	ssyncadd.s32 $0xFFFFF380  }
0x231: {  	s12 =	sor.u32 $0x4, s10;
	_ =	swait.ge @!p0 [sflag:s8], $0xC80  }
0x232: {  	s31 =	sshll.u32 s12, $0x6;
	[sflag:s8] =	ssyncset.done @!p0 $0x0  }
0x233: {  	s31 =	sand.u32 $0x3FFFFFC0, s31;
	[sflag:s8] =	ssyncadd.s32 @!p0 $0xFFFFF380  }
0x234: {  	v5 =	vld [tilespmem:s31+$0x3D10]  }
0x235: {  	v6 =	vld [tilespmem:s31+$0x3D20]  }
0x236: {  	v4 =	vld [tilespmem:s31+$0x3D30]  }
0x237: {  	s17 =	simm.s32 $0x0;
	v7 =	vld [tilespmem:s31+$0x3D40]  }
0x238: {  	v9 =	vld [tilespmem:s17+$0xAF40]  }
0x239: {  	v10 =	vld [tilespmem:s17+$0xAF10]  }
0x23a: {  	v11 =	vld [tilespmem:s17+$0xAF20]  }
0x23b: {  	v8 =	vld [tilespmem:s17+$0xAF30]  }
0x23c: {  	s8 =	simm.s32 $0x100  }
.LBB2_19:
0x23d: {  	s31 =	sshra.s32 s8, $0x2;
	p2 =	sne.s32 s8, $0x3100;
	s8 =	sadd.s32 $0x100, s8;
	v12 =	vadd.f32 v9, v7  }
.Ltmp10:
0x23e: {  	v9 =	vld [tilespmem:s31+$0xAF40];
	v13 =	vadd.f32 v10, v5;
	(pc) =	sbr.rel @p2 .LBB2_19-.Ltmp10, $4  }
0x23f: {  	v10 =	vld [tilespmem:s31+$0xAF10];
	v14 =	vadd.f32 v11, v6;
	[tilespmem:s17+$0x11340] =	vst v12  }
0x240: {  	v11 =	vld [tilespmem:s31+$0xAF20];
	[tilespmem:s17+$0x11310] =	vst v13;
	v12 =	vadd.f32 v8, v4  }
0x241: {  	v8 =	vld [tilespmem:s31+$0xAF30];
	[tilespmem:s17+$0x11320] =	vst v14  }
0x242: {  	[tilespmem:s17+$0x11330] =	vst v12;
	s17 =	smov.u32 s31  }
0x243: {  	v7 =	vadd.f32 v9, v7  }
0x244: {  	v5 =	vadd.f32 v10, v5  }
0x245: {  	s8 =	sadd.s32 s4, s12;
	v6 =	vadd.f32 v11, v6;
	[tilespmem:s17+$0x11340] =	vst v7  }
0x246: {  	s8 =	smul.u32 $0x190, s8;
	[tilespmem:s17+$0x11310] =	vst v5;
	v4 =	vadd.f32 v8, v4  }
0x247: {  	[tilespmem:s17+$0x11320] =	vst v6  }
0x248: {  	s8 =	sadd.s32 s2, s8;
	[tilespmem:s17+$0x11330] =	vst v4  }
0x249: {  	[hbm4b:s8+s3] =	stream.linear.scatter [tilespmem:s28], [sflag:$0xF], $0xC80, $0x38;
	[tilespmem:$0x14510] =	vst v63  }
0x24a: {  	s12 =	simm.s32 @!p1 $0x32;
	s17 =	simm.s32 @!p1 $0xAF10;
	s8 =	sadd.s32 @!p1 $0x3B0, s11  }
0x24b: {  	[tilespmem:s17], [sflag:$0x7] =	stream.indirect.gather @!p1 [hbm4b:s6+s12], $0x40, s8, s12, $0xb8;
	[tilespmem:$0x14510] =	vst v63  }
0x24c: {  	_ =	swait.ge [sflag:s29], $0xC80  }
0x24d: {  	[sflag:s29] =	ssyncset.done $0x0  }
0x24e: {  	s8 =	simm.s32 @!p0 $0x10;
	[sflag:s29] =	ssyncadd.s32 $0xFFFFF380  }
0x24f: {  	s12 =	sor.u32 $0x5, s10;
	_ =	swait.ge @!p0 [sflag:s8], $0xC80  }
0x250: {  	s31 =	sshll.u32 s12, $0x6;
	[sflag:s8] =	ssyncset.done @!p0 $0x0  }
0x251: {  	s31 =	sand.u32 $0x3FFFFFC0, s31;
	[sflag:s8] =	ssyncadd.s32 @!p0 $0xFFFFF380  }
0x252: {  	v5 =	vld [tilespmem:s31+$0x3D10]  }
0x253: {  	v6 =	vld [tilespmem:s31+$0x3D20]  }
0x254: {  	v4 =	vld [tilespmem:s31+$0x3D30]  }
0x255: {  	s17 =	simm.s32 $0x0;
	v7 =	vld [tilespmem:s31+$0x3D40]  }
0x256: {  	v9 =	vld [tilespmem:s17+$0xBBC0]  }
0x257: {  	v10 =	vld [tilespmem:s17+$0xBB90]  }
0x258: {  	v11 =	vld [tilespmem:s17+$0xBBA0]  }
0x259: {  	v8 =	vld [tilespmem:s17+$0xBBB0]  }
0x25a: {  	s8 =	simm.s32 $0x100  }
.LBB2_21:
0x25b: {  	s31 =	sshra.s32 s8, $0x2;
	p2 =	sne.s32 s8, $0x3100;
	s8 =	sadd.s32 $0x100, s8;
	v12 =	vadd.f32 v9, v7  }
.Ltmp11:
0x25c: {  	v9 =	vld [tilespmem:s31+$0xBBC0];
	v13 =	vadd.f32 v10, v5;
	(pc) =	sbr.rel @p2 .LBB2_21-.Ltmp11, $4  }
0x25d: {  	v10 =	vld [tilespmem:s31+$0xBB90];
	v14 =	vadd.f32 v11, v6;
	[tilespmem:s17+$0x11FC0] =	vst v12  }
0x25e: {  	v11 =	vld [tilespmem:s31+$0xBBA0];
	[tilespmem:s17+$0x11F90] =	vst v13;
	v12 =	vadd.f32 v8, v4  }
0x25f: {  	v8 =	vld [tilespmem:s31+$0xBBB0];
	[tilespmem:s17+$0x11FA0] =	vst v14  }
0x260: {  	[tilespmem:s17+$0x11FB0] =	vst v12;
	s17 =	smov.u32 s31  }
0x261: {  	v7 =	vadd.f32 v9, v7  }
0x262: {  	v5 =	vadd.f32 v10, v5  }
0x263: {  	s8 =	sadd.s32 s4, s12;
	v6 =	vadd.f32 v11, v6;
	[tilespmem:s17+$0x11FC0] =	vst v7  }
0x264: {  	s8 =	smul.u32 $0x190, s8;
	[tilespmem:s17+$0x11F90] =	vst v5;
	v4 =	vadd.f32 v8, v4  }
0x265: {  	[tilespmem:s17+$0x11FA0] =	vst v6  }
0x266: {  	s8 =	sadd.s32 s2, s8;
	[tilespmem:s17+$0x11FB0] =	vst v4  }
0x267: {  	[hbm4b:s8+s3] =	stream.linear.scatter [tilespmem:s30], [sflag:$0x10], $0xC80, $0x38;
	[tilespmem:$0x14510] =	vst v63  }
0x268: {  	s12 =	simm.s32 @!p1 $0x32;
	s17 =	simm.s32 @!p1 $0xBB90;
	s8 =	sadd.s32 @!p1 $0x3E8, s11  }
0x269: {  	[tilespmem:s17], [sflag:$0x8] =	stream.indirect.gather @!p1 [hbm4b:s6+s12], $0x40, s8, s12, $0xb8;
	[tilespmem:$0x14510] =	vst v63  }
0x26a: {  	_ =	swait.ge [sflag:s0], $0xC80  }
0x26b: {  	[sflag:s0] =	ssyncset.done $0x0  }
0x26c: {  	s8 =	simm.s32 @!p0 $0x11;
	[sflag:s0] =	ssyncadd.s32 $0xFFFFF380  }
0x26d: {  	s12 =	sor.u32 $0x6, s10;
	_ =	swait.ge @!p0 [sflag:s8], $0xC80  }
0x26e: {  	s31 =	sshll.u32 s12, $0x6;
	[sflag:s8] =	ssyncset.done @!p0 $0x0  }
0x26f: {  	s31 =	sand.u32 $0x3FFFFFC0, s31;
	[sflag:s8] =	ssyncadd.s32 @!p0 $0xFFFFF380  }
0x270: {  	v5 =	vld [tilespmem:s31+$0x3D10]  }
0x271: {  	v6 =	vld [tilespmem:s31+$0x3D20]  }
0x272: {  	v4 =	vld [tilespmem:s31+$0x3D30]  }
0x273: {  	s17 =	simm.s32 $0x0;
	v7 =	vld [tilespmem:s31+$0x3D40]  }
0x274: {  	v9 =	vld [tilespmem:s17+$0xC840]  }
0x275: {  	v10 =	vld [tilespmem:s17+$0xC810]  }
0x276: {  	v11 =	vld [tilespmem:s17+$0xC820]  }
0x277: {  	v8 =	vld [tilespmem:s17+$0xC830]  }
0x278: {  	s8 =	simm.s32 $0x100  }
.LBB2_23:
0x279: {  	s31 =	sshra.s32 s8, $0x2;
	p2 =	sne.s32 s8, $0x3100;
	s8 =	sadd.s32 $0x100, s8;
	v12 =	vadd.f32 v9, v7  }
.Ltmp12:
0x27a: {  	v9 =	vld [tilespmem:s31+$0xC840];
	v13 =	vadd.f32 v10, v5;
	(pc) =	sbr.rel @p2 .LBB2_23-.Ltmp12, $4  }
0x27b: {  	v10 =	vld [tilespmem:s31+$0xC810];
	v14 =	vadd.f32 v11, v6;
	[tilespmem:s17+$0x12C40] =	vst v12  }
0x27c: {  	v11 =	vld [tilespmem:s31+$0xC820];
	[tilespmem:s17+$0x12C10] =	vst v13;
	v12 =	vadd.f32 v8, v4  }
0x27d: {  	v8 =	vld [tilespmem:s31+$0xC830];
	[tilespmem:s17+$0x12C20] =	vst v14  }
0x27e: {  	[tilespmem:s17+$0x12C30] =	vst v12;
	s17 =	smov.u32 s31  }
0x27f: {  	v7 =	vadd.f32 v9, v7  }
0x280: {  	v5 =	vadd.f32 v10, v5  }
0x281: {  	s8 =	sadd.s32 s4, s12;
	v6 =	vadd.f32 v11, v6;
	[tilespmem:s17+$0x12C40] =	vst v7  }
0x282: {  	s8 =	smul.u32 $0x190, s8;
	[tilespmem:s17+$0x12C10] =	vst v5;
	v4 =	vadd.f32 v8, v4  }
0x283: {  	[tilespmem:s17+$0x12C20] =	vst v6  }
0x284: {  	s8 =	sadd.s32 s2, s8;
	[tilespmem:s17+$0x12C30] =	vst v4  }
0x285: {  	[hbm4b:s8+s3] =	stream.linear.scatter [tilespmem:s13], [sflag:$0x11], $0xC80, $0x38;
	[tilespmem:$0x14510] =	vst v63  }
0x286: {  	s12 =	simm.s32 @!p1 $0xC810;
	s8 =	sadd.s32 @!p1 $0x420, s11;
	s11 =	simm.s32 @!p1 $0x32  }
0x287: {  	[tilespmem:s12], [sflag:$0x9] =	stream.indirect.gather @!p1 [hbm4b:s6+s11], $0x40, s8, s11, $0xb8;
	[tilespmem:$0x14510] =	vst v63  }
0x288: {  	_ =	swait.ge [sflag:s14], $0xC80  }
0x289: {  	[sflag:s14] =	ssyncset.done $0x0  }
0x28a: {  	s8 =	simm.s32 @!p0 $0x12;
	[sflag:s14] =	ssyncadd.s32 $0xFFFFF380  }
0x28b: {  	s10 =	sor.u32 $0x7, s10;
	_ =	swait.ge @!p0 [sflag:s8], $0xC80  }
0x28c: {  	s17 =	sshll.u32 s10, $0x6;
	[sflag:s8] =	ssyncset.done @!p0 $0x0  }
0x28d: {  	s31 =	sand.u32 $0x3FFFFFC0, s17;
	[sflag:s8] =	ssyncadd.s32 @!p0 $0xFFFFF380  }
0x28e: {  	v5 =	vld [tilespmem:s31+$0x3D10]  }
0x28f: {  	v6 =	vld [tilespmem:s31+$0x3D20]  }
0x290: {  	v4 =	vld [tilespmem:s31+$0x3D30]  }
0x291: {  	s11 =	simm.s32 $0x0;
	v7 =	vld [tilespmem:s31+$0x3D40]  }
0x292: {  	v9 =	vld [tilespmem:s11+$0xD4C0]  }
0x293: {  	v10 =	vld [tilespmem:s11+$0xD490]  }
0x294: {  	v11 =	vld [tilespmem:s11+$0xD4A0]  }
0x295: {  	v8 =	vld [tilespmem:s11+$0xD4B0]  }
0x296: {  	s8 =	simm.s32 $0x100  }
.LBB2_25:
0x297: {  	s12 =	sshra.s32 s8, $0x2;
	p0 =	sne.s32 s8, $0x3100;
	s8 =	sadd.s32 $0x100, s8;
	v12 =	vadd.f32 v9, v7  }
.Ltmp13:
0x298: {  	v9 =	vld [tilespmem:s12+$0xD4C0];
	v13 =	vadd.f32 v10, v5;
	(pc) =	sbr.rel @p0 .LBB2_25-.Ltmp13, $4  }
0x299: {  	v10 =	vld [tilespmem:s12+$0xD490];
	v14 =	vadd.f32 v11, v6;
	[tilespmem:s11+$0x138C0] =	vst v12  }
0x29a: {  	v11 =	vld [tilespmem:s12+$0xD4A0];
	[tilespmem:s11+$0x13890] =	vst v13;
	v12 =	vadd.f32 v8, v4  }
0x29b: {  	v8 =	vld [tilespmem:s12+$0xD4B0];
	[tilespmem:s11+$0x138A0] =	vst v14  }
0x29c: {  	[tilespmem:s11+$0x138B0] =	vst v12;
	s11 =	smov.u32 s12  }
0x29d: {  	v7 =	vadd.f32 v9, v7  }
0x29e: {  	v5 =	vadd.f32 v10, v5  }
.Ltmp14:
0x29f: {  	s8 =	sadd.s32 s4, s10;
	v6 =	vadd.f32 v11, v6;
	[tilespmem:s11+$0x138C0] =	vst v7;
	(pc) =	sbr.rel @p1 .LBB2_28-.Ltmp14, $4  }
0x2a0: {  	s8 =	smul.u32 $0x190, s8;
	[tilespmem:s11+$0x13890] =	vst v5;
	v4 =	vadd.f32 v8, v4  }
0x2a1: {  	[tilespmem:s11+$0x138A0] =	vst v6  }
0x2a2: {  	s8 =	sadd.s32 s2, s8;
	[tilespmem:s11+$0x138B0] =	vst v4  }
0x2a3: {  	[hbm4b:s8+s3] =	stream.linear.scatter [tilespmem:s7], [sflag:$0x12], $0xC80, $0x38;
	[tilespmem:$0x14510] =	vst v63  }
0x2a4: {  	s8 =	smul.u32 $0x700, s9  }
.Ltmp15:
0x2a5: {  	_ = 	snop;
	(pc) =	sbr.rel .LBB2_10-.Ltmp15, $4  }
0x2a6: {  	_ = 	snop  }
0x2a7: {  	s8 =	sshra.s32 s8, $0x2  }
0x2a8: {  	s10 =	simm.s32 $0xD490;
	s9 =	sadd.s32 $0x1, s9;
	s8 =	sadd.s32 $0x458, s8  }
0x2a9: {  	[tilespmem:s10], [sflag:$0xA] =	stream.indirect.gather [hbm4b:s6+s15], $0x40, s8, s15, $0xb8;
	[tilespmem:$0x14510] =	vst v63  }
.LBB2_29:
0x2aa: {  	_ =	sfence.sel $0x180000  }
0x2ab: {  	[bflag:$0x0] =	sbarrier.arrive $0xFFFF  }
0x2ac: {  	_ =	strace $0x9000004A  }
0x2ad: {  	s0 =	stileid.u32;
	[bflag:$0x2] =	sbarrier.arrive $0xFFFF  }
0x2ae: {  	p0 =	sne.s32 s0, $0x0;
	s0 =	rddreg [dreg:$0x3]  }
0x2af: {  	s0 =	sadd.s32 @!p0 $0x100000, s0  }
0x2b0: {  	[sflag:s0] =	ssyncadd.tile.s32 @!p0 $0x1;
	_ =	shalt  }
.Lfunc_end2:
_tile_overlayer_lowered:
.L_overlay_start_2:
0x2b1: {  	(tag) =	ssettag $0x2  }
0x2b2: {  	s0 =	rddreg [dreg:$0x0];
	s2 =	stileid.u32  }
0x2b3: {  	s1 =	rddreg [dreg:$0x1];
	p0 =	sne.s32 s2, $0x0  }
0x2b4: {  	s3 =	rddreg [dreg:$0x2];
	[bflag:$0x3] =	sbarrier.arrive $0xFFFF;
	s2 =	simm.s32 @!p0 $0x1C13  }
0x2b5: {  	[timem:s3], [sflag:s2] =	dma.local @!p0 [hbm:s0], s1  }
0x2b6: {  	s0 =	simm.s32 @!p0 $0x13  }
0x2b7: {  	_ =	swait.ge @!p0 [sflag:s0], s1  }
0x2b8: {  	s1 =	ssub.s32 @!p0 $0x0, s1;
	[sflag:s0] =	ssyncset.done @!p0 $0x0  }
0x2b9: {  	[sflag:s0] =	ssyncadd.s32 @!p0 s1  }
0x2ba: {  	[bflag:$0x3] =	sbarrier.arrive $0xFFFF  }
0x2bb: {  	_ =	shalt  }

// kernel: sparse-core-data-format-call.cloned.1.call-start
scs
called_computation_lowered:
.L_overlay_start_0:
0x0: {  	s2 =	sld [smem:$0x3FD9]  }
0x1: {  	s3 =	sld [smem:$0x3FFE];
	_ =	sdelay $0x1  }
0x2: {  	s1 =	srdreg.scid  }
0x3: {  	s0 =	sand.u32 $0x1, s1  }
0x4: {  	s18 =	sshll.u32 s0, $0xA;
	s2 =	sadd.s32 s3, s2  }
0x5: {  	s2 =	sadd.s32 s2, s18  }
0x6: {  	[smem:$0x3FC2] =	sst s2  }
0x7: {  	_ = 	snop  }
0x8: {  	s2 =	sld [smem:$0x3FD0];
	(tm) =	ssettm $0x1  }
0x9: {  	s19 =	sld [smem:$0x3FFB];
	_ =	sdelay $0x3  }
0xa: {  	_ =	strace s19  }
0xb: {  	s3 =	sld [smem:$0x3FFC];
	_ =	sdelay $0x3  }
0xc: {  	_ =	strace s3  }
0xd: {  	s3 =	sld [smem:$0x3FFD];
	_ =	sdelay $0x3  }
0xe: {  	_ =	strace s3  }
0xf: {  	_ =	strace $0x8FFFFFFF  }
0x10: {  	s20 =	sld [smem:$0x3FDB];
	_ =	sdelay $0x1  }
0x11: {  	s4 =	simm.s32 $_scs_section_size  }
0x12: {  	s5 =	simm.s32 $_size__tile_overlayer_lowered;
	s6 =	simm.s32 $_tile_overlayer_lowered  }
0x13: {  	s23 =	simm.s32 $0x1BFF;
	s22 =	sshll.u32 s6, $0x1;
	s3 =	sadd.s32 s4, s20  }
0x14: {  	s7 =	simm.s32 $0x0;
	s21 =	sshll.u32 s5, $0x1;
	s5 =	sadd.s32 s22, s3  }
0x15: {  	[timem:s7], [sflag:s23] =	dma.local [hbm:s5], s21  }
0x16: {  	_ =	swait.ge [sflag:s23], s21  }
0x17: {  	s4 =	ssub.s32 $0x0, s21;
	[sflag:s23] =	ssyncset.done $0x0  }
0x18: {  	[sflag:s23] =	ssyncadd.s32 s4;
	_ =	sdelay $0x1  }
0x19: {  	s24 =	simm.s32 $0x1B8B  }
0x1a: {  	_ =	swait.ge [sflag:s24], $0x1  }
0x1b: {  	[sflag:s24] =	ssyncset.done $0x0  }
0x1c: {  	s26 =	simm.s32 $0x1B8E;
	s25 =	sld [smem:$0x3FFE];
	[sflag:s24] =	ssyncadd.s32 $0xFFFFFFFF  }
0x1d: {  	s27 =	simm.s32 $execute0_lowered;
	[smem:$0x3FD2] =	sst s26  }
0x1e: {  	s5 =	sshll.u32 s27, $0x1;
	_ =	strace $0x8000004C;
	[dreg:$0x1] =	wrdreg $0xFFFFFFFF  }
0x1f: {  	s28 =	simm.s32 $_size_execute0_lowered;
	s3 =	sadd.s32 s3, s5;
	[dreg:$0x0] =	wrdreg $0x0  }
0x20: {  	s5 =	sshll.u32 s28, $0x1;
	[dreg:$0x2] =	wrdreg s3  }
0x21: {  	[dreg:$0x3] =	wrdreg s5  }
0x22: {  	[dreg:$0x4] =	wrdreg $0xC0  }
0x23: {  	_ =	task [dreg:s7], $0x5FFFF  }
0x24: {  	[dreg:$0x1] =	wrdreg $0xFFFFFFFF  }
0x25: {  	[dreg:$0x0] =	wrdreg $0x60  }
0x26: {  	[dreg:$0x2] =	wrdreg s25  }
0x27: {  	[dreg:$0x3] =	wrdreg s2  }
0x28: {  	[dreg:$0x4] =	wrdreg $0x9  }
0x29: {  	_ =	task.clear_ibuf [dreg:s7], $0x5FFFF;
	_ =	strace $0x9000004C  }
0x2a: {  	s29 =	simm.s32 $0x9;
	_ =	strace $0x8000004E  }
0x2b: {  	_ =	swait.ge [sflag:s29], $0x1  }
0x2c: {  	[sflag:s29] =	ssyncadd.s32 $0xFFFFFFFF  }
0x2d: {  	_ =	strace $0x9000004E  }
0x2e: {  	_ =	sfence  }
0x2f: {  	s30 =	sld [smem:$0x0];
	_ =	sdelay $0x2  }
0x30: {  	s31 =	sshll.u32 s1, $0xD;
	s1 =	sshrl.u32 s1, $0x2  }
0x31: {  	s3 =	sand.u32 $0x4000, s31;
	s1 =	sadd.s32 s1, s30  }
0x32: {  	s0 =	sor.u32 s3, s0;
	s1 =	sshll.u32 s1, $0x11  }
0x33: {  	s0 =	sor.u32 s1, s0  }
0x34: {  	s0 =	sadd.s32 $0x8F2B, s0  }
0x35: {  	[sflag:s0] =	ssyncadd.remote.s32 $0x1  }
0x36: {  	_ =	sfence.sel $0xFFFF  }
0x37: {  	[dreg:$0x0] =	wrdreg $0xFFFFFFFF;
	(pc) =	sbr.abs _section_cstart, $3  }
0x38: {  	[dreg:$0x1] =	wrdreg $0xFFFFFFFF  }
0x39: {  	_ =	task.clear_ibuf [dreg:s7], $0x2FFFF;
	_ =	strace $0x9FFFFFFF  }
0x3a: {  	(tm) =	ssettm $0x7FFFFFFF  }
0x3b: {  	_ =	shalt  }
tec
execute0_lowered:
.L_overlay_start_1:
0x0: {  	(tag) =	ssettag $0x1  }
0x1: {  	s0 =	srdreg.scid  }
0x2: {  	s1 =	sshll.u32 s0, $0x4  }
0x3: {  	s0 =	stileid.u32;
	s1 =	sand.u32 $0x10, s1  }
0x4: {  	s1 =	sor.u32 s0, s1  }
0x5: {  	s6 =	rddreg [dreg:$0x0];
	s4 =	simm.s32 $0x1;
	s2 =	sshll.u32 s1, $0x7  }
0x6: {  	s7 =	simm.s32 $0x2;
	s12 =	simm.s32 $0x0;
	s1 =	ssub.s32 $0x1000, s2  }
0x7: {  	s8 =	simm.s32 $0x8000;
	s13 =	simm.s32 $0x0;
	s3 =	sand.u32 $0xF80, s1  }
0x8: {  	s9 =	simm.s32 $0x0;
	s5 =	sshrl.u32 s1, $0xC;
	p0 =	sne.s32 s3, $0x0  }
.Ltmp0:
0x9: {  	s1 =	rddreg [dreg:$0x2];
	s4 =	simm.s32 @!p0 $0x0;
	(pc) =	sbr.rel .LBB1_1-.Ltmp0, $4  }
0xa: {  	s11 =	simm.s32 $0x0;
	s3 =	rddreg [dreg:$0x1];
	s5 =	sadd.s32 s4, s5  }
0xb: {  	_ =	strace $0x8000004D;
	s4 =	simm.s32 $0x1;
	s5 =	smul.u32 $0x32, s5  }
0xc: {  	s6 =	sadd.s32 $0x1000, s6;
	s10 =	smov.u32 s2;
	[sflag:s4] =	ssyncpa.u1 $0x0  }
0xd: {  	p0 =	por $0x0, $0x0;
	[sflag:s7] =	ssyncpa.u1 $0x0;
	s7 =	sor.u32 $0x1, s5  }
.LBB1_4:
0xe: {  	s16 =	sshll.u32 s13, $0x3;
	s17 =	sand.u32 $0x78, s13  }
0xf: {  	s30 =	sand.u32 $0x7E00, s13;
	s12 =	sshll.u32 s12, $0xF;
	s16 =	sand.u32 $0xC00, s16  }
0x10: {  	[tilespmem:s15+$0x810 ss:$0x81] =	vst.msk $0xffff, v2;
	s31 =	sand.u32 $0x7, s13;
	s16 =	sor.u32 s17, s16;
	s17 =	sadd.s32 s3, s30  }
0x11: {  	[tilespmem:s15+$0x1020 ss:$0x81] =	vst.msk $0xffff, v0;
	s13 =	sshll.u32 s31, $0x12;
	s12 =	sadd.s32 s12, s17;
	s16 =	sshrl.u32 s16, $0x3  }
0x12: {  	[tilespmem:s15+$0x0 ss:$0x81] =	vst.msk $0xffff, v1;
	s13 =	sor.u32 $0x400, s13;
	s12 =	sadd.s32 s16, s12  }
0x13: {  	[hbm4b:s12+s13] =	stream.strided.scatter [tilespmem:s14], [sflag:$0x2], $0x2000, s8, s13, $0x20;
	[tilespmem:$0x8080] =	vst v63  }
.LBB1_5:
0x14: {  	s14 =	sadd.s32 $0x1, s9  }
0x15: {  	s12 =	sadd.s32 $0x1000, s10;
	s16 =	smov.u32 s10;
	p2 =	sgt.s32 s14, $0x31  }
0x16: {  	s16 =	smov.u32 @p2 s12  }
0x17: {  	s14 =	simm.s32 @p2 $0x0;
	p2 =	sgt.s32 s16, $0xFFF  }
0x18: {  	s16 =	smov.u32 @p2 s2;
	p2 =	sne.s32 s11, s7  }
.Ltmp1:
0x19: {  	p1 =	slt.u32 s11, $0x2;
	(pc) =	sbr.rel @!p2 .LBB1_6-.Ltmp1, $4  }
0x1a: {  	s15 =	simm.s32 @!p1 $0x2  }
0x1b: {  	s13 =	smov.u32 s10;
	p0 =	por !p0, !p0;
	_ =	swait.ge @!p1 [sflag:s15], $0x2000  }
0x1c: {  	s12 =	smov.u32 s9;
	[sflag:s15] =	ssyncset.done @!p1 $0x0;
	s9 =	smov.u32 s14  }
0x1d: {  	s11 =	sadd.s32 $0x1, s11;
	[sflag:s15] =	ssyncadd.s32 @!p1 $0xFFFFE000;
	s10 =	smov.u32 s16  }
.LBB1_1:
0x1e: {  	p1 =	sge.u32 s11, s5  }
0x1f: {  	s14 =	sand.u32 @!p1 $0x1FFFFFF, s9  }
0x20: {  	s15 =	smulhi.u32 @!p1 $0x4924925, s14;
	_ =	sdelay $0x1  }
0x21: {  	s15 =	smul.u32 @!p1 $0x38, s15  }
0x22: {  	s16 =	sxor.u32 @!p1 $0xFFFFFFFF, s11;
	s17 =	smul.u32 @!p1 $0x380, s10  }
0x23: {  	s31 =	sadd.s32 $0xFFFFFFFF, s11;
	s16 =	sshll.u32 @!p1 s16, $0xD;
	s14 =	ssub.s32 @!p1 s14, s15  }
0x24: {  	s15 =	sand.u32 @!p1 $0x2000, s16;
	s16 =	sadd.s32 @!p1 s6, s17;
	s14 =	sshll.u32 @!p1 s14, $0x4  }
0x25: {  	s17 =	simm.s32 @!p1 $0x1C00;
	s14 =	sadd.s32 @!p1 s14, s16;
	s16 =	simm.s32 @!p1 $0x40  }
0x26: {  	[tilespmem:s15], [sflag:$0x1] =	stream.strided.gather @!p1 [hbm4b:s14+s16], $0x2000, s17, s16, $0x38;
	[tilespmem:$0x8080] =	vst v63  }
0x27: {  	p1 =	sge.u32 s31, s5  }
.Ltmp2:
0x28: {  	_ = 	snop;
	(pc) =	sbr.rel @p1 .LBB1_5-.Ltmp2, $1  }
0x29: {  	_ =	sdelay $0x3  }
0x2a: {  	s14 =	simm.s32 $0x1  }
0x2b: {  	_ =	swait.ge [sflag:s4], $0x2000;
	s14 =	simm.s32 @!p0 $0x0  }
0x2c: {  	[sflag:s4] =	ssyncset.done $0x0;
	s15 =	sshll.u32 s14, $0xD  }
0x2d: {  	[sflag:s4] =	ssyncadd.s32 $0xFFFFE000;
	s18 =	sor.u32 $0x20, s15  }
0x2e: {  	s14 =	smul.u32 $0x8100, s14;
	v3 =	vld [tilespmem:s18+$0x10]  }
0x2f: {  	s30 =	sand.u32 $0x1, s11;
	v2 =	vld [tilespmem:s18+$0xFFFFFFF0]  }
0x30: {  	s15 =	smul.u32 $0x8100, s30;
	s14 =	sshrl.u32 s14, $0x2;
	v0 =	vld [tilespmem:s18+$0x0]  }
0x31: {  	v1 =	vld [tilespmem:s18+$0xFFFFFFE0];
	s16 =	sor.u32 $0x4000, s14  }
0x32: {  	s31 =	sshrl.u32 s15, $0x2;
	s15 =	sadd.s32 $0x0, s16  }
0x33: {  	s17 =	simm.s32 $0x4;
	s18 =	sadd.s32 $0x40, s18;
	s14 =	sor.u32 $0x4000, s31;
	[tilespmem:s15+$0x1830 ss:$0x81] =	vst.msk $0xffff, v3  }
.LBB1_3:
0x34: {  	v3 =	vld [tilespmem:s18+$0x10];
	p1 =	sne.s32 s17, $0x1FC;
	[tilespmem:s15+$0x810 ss:$0x81] =	vst.msk $0xffff, v2;
	s19 =	smov.u32 s17;
	s17 =	sadd.s32 $0x4, s17  }
.Ltmp3:
0x35: {  	v2 =	vld [tilespmem:s18+$0xFFFFFFF0];
	[tilespmem:s15+$0x1020 ss:$0x81] =	vst.msk $0xffff, v0;
	(pc) =	sbr.rel @p1 .LBB1_3-.Ltmp3, $4  }
0x36: {  	v0 =	vld [tilespmem:s18+$0x0];
	[tilespmem:s15+$0x0 ss:$0x81] =	vst.msk $0xffff, v1  }
0x37: {  	s15 =	sshra.s32 s19, $0x2;
	v1 =	vld [tilespmem:s18+$0xFFFFFFE0]  }
0x38: {  	s15 =	sadd.s32 s15, s16  }
0x39: {  	s18 =	sadd.s32 $0x40, s18;
	[tilespmem:s15+$0x1830 ss:$0x81] =	vst.msk $0xffff, v3  }
.Ltmp4:
0x3a: {  	_ = 	snop;
	(pc) =	sbr.rel .LBB1_4-.Ltmp4, $1  }
0x3b: {  	_ =	sdelay $0x3  }
.LBB1_6:
0x3c: {  	_ =	sfence.sel $0x180000  }
0x3d: {  	s2 =	simm.s32 $0x1;
	[bflag:$0x0] =	sbarrier.arrive $0xFFFF  }
0x3e: {  	s31 =	simm.s32 $0x2;
	[sflag:s2] =	ssyncpa.u1 $0x1  }
0x3f: {  	[sflag:s31] =	ssyncpa.u1 $0x1  }
0x40: {  	p0 =	sne.s32 s0, $0x0;
	_ =	strace $0x9000004D  }
0x41: {  	s0 =	sadd.s32 @!p0 $0x100000, s1;
	[bflag:$0x2] =	sbarrier.arrive $0xFFFF  }
0x42: {  	[sflag:s0] =	ssyncadd.tile.s32 @!p0 $0x1;
	_ =	shalt  }
.Lfunc_end1:
_tile_overlayer_lowered:
.L_overlay_start_2:
0x43: {  	(tag) =	ssettag $0x2  }
0x44: {  	s0 =	rddreg [dreg:$0x0];
	s2 =	stileid.u32  }
0x45: {  	s1 =	rddreg [dreg:$0x1];
	p0 =	sne.s32 s2, $0x0  }
0x46: {  	s3 =	rddreg [dreg:$0x2];
	[bflag:$0x3] =	sbarrier.arrive $0xFFFF;
	s2 =	simm.s32 @!p0 $0x1C01  }
0x47: {  	[timem:s3], [sflag:s2] =	dma.local @!p0 [hbm:s0], s1  }
0x48: {  	s0 =	simm.s32 @!p0 $0x1  }
0x49: {  	_ =	swait.ge @!p0 [sflag:s0], s1  }
0x4a: {  	s1 =	ssub.s32 @!p0 $0x0, s1;
	[sflag:s0] =	ssyncset.done @!p0 $0x0  }
0x4b: {  	[sflag:s0] =	ssyncadd.s32 @!p0 s1  }
0x4c: {  	[bflag:$0x3] =	sbarrier.arrive $0xFFFF  }
0x4d: {  	_ =	shalt  }

</sc_bundles>
